<compile_context>
chip_gen: v7x
topology: tpu7x:2x2x1
jax: 0.10.2.dev20260603
libtpu: 0.0.44.dev20260713+nightly
codegen_flags: <defaults>
</compile_context>

<pallas_src>
import functools

import jax
import jax.numpy as jnp
from jax import lax
from jax.experimental import pallas as pl
from jax.experimental.pallas import tpu as pltpu
from jax.experimental.pallas import tpu_sc as plsc

V = 1000
V_PAD = 1024
BT = 20480
NC, NS, L = 2, 16, 16
NW = NC * NS
B_PER_W = BT // NW
VT = V // 8
PT = BT // 128
NT = 4


def _prep_body(table_ref, lse_ref, tt_ref):
    x = table_ref[...]
    m = jnp.max(x, axis=1)
    s = jnp.sum(jnp.exp(x - m[:, None]), axis=1)
    lse_ref[pl.ds(0, V)] = m + jnp.log(s)
    lse_ref[pl.ds(V, V_PAD - V)] = jnp.zeros((V_PAD - V,), jnp.float32)
    tt_ref[...] = x.T


def _prep(table):
    return pl.pallas_call(
        _prep_body,
        out_shape=[
            jax.ShapeDtypeStruct((V_PAD,), jnp.float32),
            jax.ShapeDtypeStruct((V, V), jnp.float32),
        ],
    )(table)


_MESH = plsc.VectorSubcoreMesh(core_axis_name="c", subcore_axis_name="s")


@functools.partial(
    pl.kernel,
    mesh=_MESH,
    compiler_params=pltpu.CompilerParams(
        use_tc_tiling_on_sc=False, needs_layout_passes=False
    ),
    out_type=[
        jax.ShapeDtypeStruct((VT, PT, 8, 128), jnp.float32),
        jax.ShapeDtypeStruct((NW, L), jnp.float32),
    ],
    scratch_types=[
        pltpu.VMEM((BT,), jnp.int32),
        pltpu.VMEM((BT,), jnp.int32),
        pltpu.VMEM((V_PAD,), jnp.float32),
        pltpu.VMEM((NT * 8, V), jnp.float32),
        pltpu.VMEM((NT, 8, 128), jnp.float32),
        pltpu.VMEM((NT, 8, 128), jnp.float32),
        pltpu.VMEM((L,), jnp.float32),
        pltpu.SemaphoreType.DMA,
        pltpu.SemaphoreType.DMA,
    ],
)
def _sc_fill(tt_hbm, idx_hbm, tgt_hbm, lse_hbm, out_hbm, loss_hbm,
             idx_v, tgt_v, lse_v, slab_v, ob0_v, ob1_v, acc_v, semw0, semw1):
    wid = lax.axis_index("s") * NC + lax.axis_index("c")
    start = (wid * (VT - NT)) // (NW - 1)
    vbase = start * 8
    pltpu.sync_copy(tt_hbm.at[pl.ds(vbase, NT * 8)], slab_v)
    pltpu.sync_copy(idx_hbm, idx_v)
    pltpu.sync_copy(tgt_hbm, tgt_v)
    pltpu.sync_copy(lse_hbm, lse_v)

    def _fill(jtile, ob):
        idxk = [idx_v[pl.ds(jtile * 128 + k * L, L)] for k in range(8)]

        @plsc.parallel_loop(0, NT, 1, unroll=4)
        def _tile(ti):
            for s in range(8):
                rvec = jnp.zeros((L,), jnp.int32) + (ti * 8 + s)
                for k in range(8):
                    vals = plsc.load_gather(slab_v, [rvec, idxk[k]])
                    ob[ti, s, pl.ds(k * L, L)] = vals

    def _write(jtile, ob, sem):
        return pltpu.async_copy(ob, out_hbm.at[pl.ds(start, NT), jtile], sem)

    _fill(0, ob0_v)
    w0 = _write(0, ob0_v, semw0)
    _fill(1, ob1_v)
    w1 = _write(1, ob1_v, semw1)

    def _step(jj, _):
        pltpu.make_async_copy(ob0_v, out_hbm.at[pl.ds(start, NT), 0], semw0).wait()
        _fill(2 * jj, ob0_v)
        pltpu.async_copy(ob0_v, out_hbm.at[pl.ds(start, NT), 2 * jj], semw0)
        pltpu.make_async_copy(ob1_v, out_hbm.at[pl.ds(start, NT), 0], semw1).wait()
        _fill(2 * jj + 1, ob1_v)
        pltpu.async_copy(ob1_v, out_hbm.at[pl.ds(start, NT), 2 * jj + 1], semw1)
        return 0

    lax.fori_loop(1, PT // 2, _step, 0, unroll=False)

    lane = lax.iota(jnp.int32, L)
    acc = jnp.zeros((L,), jnp.float32)
    pbase = wid * B_PER_W
    def _lse_part(j, acc):
        ids = idx_v[pl.ds(pbase + j * L, L)]
        return acc + plsc.load_gather(lse_v, [ids])
    acc = lax.fori_loop(0, B_PER_W // L, _lse_part, acc, unroll=False)

    nxt = jnp.where(wid < NW - 1, ((wid + 1) * (VT - NT)) // (NW - 1), VT)
    vlo = vbase
    vhi = nxt * 8
    def _tgt_part(j, acc):
        ids = idx_v[pl.ds(j * L, L)]
        tgs = tgt_v[pl.ds(j * L, L)]
        m = (tgs >= vlo) & (tgs < vhi)
        vloc = jnp.clip(tgs - vlo, 0, NT * 8 - 1)
        vals = plsc.load_gather(slab_v, [vloc, ids])
        return acc - jnp.where(m, vals, jnp.zeros((L,), jnp.float32))
    acc = lax.fori_loop(0, BT // L, _tgt_part, acc, unroll=False)

    pltpu.make_async_copy(ob0_v, out_hbm.at[pl.ds(start, NT), 0], semw0).wait()
    pltpu.make_async_copy(ob1_v, out_hbm.at[pl.ds(start, NT), 0], semw1).wait()
    acc_v[...] = acc * (1.0 / BT)
    pltpu.sync_copy(acc_v, loss_hbm.at[wid])
    del w0, w1


def kernel(idx, targets, table):
    idx_f = idx.reshape(-1).astype(jnp.int32)
    tgt_f = targets.reshape(-1).astype(jnp.int32)
    lse, tt = _prep(table)
    out4, loss_part = _sc_fill(tt, idx_f, tgt_f, lse)
    logits2 = out4.transpose(1, 3, 0, 2).reshape(BT, V)
    loss = jnp.sum(loss_part)
    return (logits2, loss)

# --- scband reference (transcript-rebuilt; emitter-appended) ---
"""Pipeline reference for scband-bpe-31756988187300 (READ-ONLY COPY).

The authoritative reference and input builder live on the scoring server;
editing this copy changes nothing except your own understanding.
"""

import jax, jax.numpy as jnp
import numpy as np

VOCAB = 1000
B = 1024
T = 20

def setup_inputs(seed: int = 0) -> dict:
    key = jax.random.key(seed)
    k1, k2, k3 = jax.random.split(key, 3)
    idx = jax.random.randint(k1, (B, T), 0, VOCAB)
    targets = jax.random.randint(k2, (B, T), 0, VOCAB)
    # learned parameter: nn.Embedding(vocab_size, vocab_size) weight
    table = jax.random.normal(k3, (VOCAB, VOCAB), dtype=jnp.float32) * 0.02
    return {"idx": idx, "targets": targets, "table": table}

def reference(idx, targets, table):
    # logits = self.token_embedding(idx)
    logits = jnp.take(table, idx, axis=0)  # [B, T, C]
    Bs, Ts, C = logits.shape
    logits2 = logits.reshape(Bs * Ts, C)
    tgt = targets.reshape(Bs * Ts)
    # F.cross_entropy with mean reduction
    logp = jax.nn.log_softmax(logits2, axis=-1)
    nll = -jnp.take_along_axis(logp, tgt[:, None], axis=1)[:, 0]
    loss = jnp.mean(nll)
    return (logits2, loss)

if __name__ == "__main__":
    import jax
    _d = setup_inputs()
    print(jax.jit(kernel)(*tuple(_d.values())))

</pallas_src>

<mosaic_0001>
#map = affine_map<(d0, d1) -> (0, 0)>
#map1 = affine_map<(d0, d1) -> (0)>
#map2 = affine_map<(d0, d1) -> (0, 0, 0, 0)>
module attributes {stable_mosaic.version = 14 : i64} {
  func.func @_sc_fill(%arg0: i32, %arg1: i32, %arg2: memref<1000x1000xf32, #tpu.memory_space<hbm>>, %arg3: memref<20480xi32, #tpu.memory_space<hbm>>, %arg4: memref<20480xi32, #tpu.memory_space<hbm>>, %arg5: memref<1024xf32, #tpu.memory_space<hbm>>, %arg6: memref<125x160x8x128xf32, #tpu.memory_space<hbm>>, %arg7: memref<32x16xf32, #tpu.memory_space<hbm>>, %arg8: memref<20480xi32, #tpu.memory_space<vmem>>, %arg9: memref<20480xi32, #tpu.memory_space<vmem>>, %arg10: memref<1024xf32, #tpu.memory_space<vmem>>, %arg11: memref<32x1000xf32, #tpu.memory_space<vmem>>, %arg12: memref<4x8x128xf32, #tpu.memory_space<vmem>>, %arg13: memref<4x8x128xf32, #tpu.memory_space<vmem>>, %arg14: memref<16xf32, #tpu.memory_space<vmem>>, %arg15: memref<!tpu.dma_semaphore, #tpu.memory_space<semaphore_mem>>, %arg16: memref<!tpu.dma_semaphore, #tpu.memory_space<semaphore_mem>>) attributes {dimension_semantics = [#tpu.dimension_semantics<core_parallel>, #tpu.dimension_semantics<subcore_parallel>], iteration_bounds = array<i64: 2, 16>, scalar_prefetch = 0 : i64, scratch_operands = 9 : i64, tpu.core_type = #tpu.core_type<sc_vector_subcore>, window_params = [{transform_indices = #map}, {transform_indices = #map1}, {transform_indices = #map1}, {transform_indices = #map1}, {transform_indices = #map2}, {transform_indices = #map}]} {
    %mul3A = arith.constant 2 : i32
    %mul3A_0 = arith.muli %arg1, %mul3A : i32
    %add3A = arith.addi %mul3A_0, %arg0 : i32
    %mul3A_1 = arith.constant 121 : i32
    %mul3A_2 = arith.muli %add3A, %mul3A_1 : i32
    %jit3A = arith.constant 31 : i32
    %div3A = arith.divsi %mul3A_2, %jit3A : i32
    %sign3A = arith.constant 0 : i32
    %sign3A_3 = arith.cmpi sgt, %mul3A_2, %sign3A : i32
    %sign3A_4 = arith.extui %sign3A_3 : i1 to i32
    %sign3A_5 = arith.constant 0 : i32
    %sign3A_6 = arith.cmpi slt, %mul3A_2, %sign3A_5 : i32
    %sign3A_7 = arith.extui %sign3A_6 : i1 to i32
    %sign3A_8 = arith.subi %sign3A_4, %sign3A_7 : i32
    %sign3A_9 = arith.constant 0 : i32
    %sign3A_10 = arith.cmpi sgt, %jit3A, %sign3A_9 : i32
    %sign3A_11 = arith.extui %sign3A_10 : i1 to i32
    %sign3A_12 = arith.constant 0 : i32
    %sign3A_13 = arith.cmpi slt, %jit3A, %sign3A_12 : i32
    %sign3A_14 = arith.extui %sign3A_13 : i1 to i32
    %sign3A_15 = arith.subi %sign3A_11, %sign3A_14 : i32
    %ne3A = arith.cmpi ne, %sign3A_8, %sign3A_15 : i32
    %rem3A = arith.remsi %mul3A_2, %jit3A : i32
    %ne3A_16 = arith.constant 0 : i32
    %ne3A_17 = arith.cmpi ne, %rem3A, %ne3A_16 : i32
    %and3A = arith.andi %ne3A, %ne3A_17 : i1
    %sub3A = arith.constant 1 : i32
    %sub3A_18 = arith.subi %div3A, %sub3A : i32
    %select_n3A = arith.select %and3A, %sub3A_18, %div3A : i32
    %mul3A_19 = arith.constant 8 : i32
    %mul3A_20 = arith.muli %select_n3A, %mul3A_19 : i32
    "tpu.region"() ({
      %run_scoped3A = tpu.sem_alloc : memref<!tpu.dma_semaphore, #tpu.memory_space<semaphore_mem>>
      %dma_start3A_149 = arith.constant 0 : i32
      %dma_start3A_150 = tpu.memref_slice %arg2[%mul3A_20, %dma_start3A_149] : memref<1000x1000xf32, #tpu.memory_space<hbm>> -> memref<32x1000xf32, #tpu.memory_space<hbm>>
      %dma_start3A_151 = arith.constant 0 : i32
      %dma_start3A_152 = tpu.memref_slice %arg2[%mul3A_20, %dma_start3A_151] : memref<1000x1000xf32, #tpu.memory_space<hbm>> -> memref<32x1000xf32, #tpu.memory_space<hbm>>
      tpu.enqueue_dma source(%dma_start3A_152 : memref<32x1000xf32, #tpu.memory_space<hbm>>) target(%arg11 : memref<32x1000xf32, #tpu.memory_space<vmem>>) target_semaphore(%run_scoped3A : memref<!tpu.dma_semaphore, #tpu.memory_space<semaphore_mem>>)
      %dma_wait3A_153 = arith.constant 0 : i32
      %dma_wait3A_154 = tpu.memref_slice %arg2[%mul3A_20, %dma_wait3A_153] : memref<1000x1000xf32, #tpu.memory_space<hbm>> -> memref<32x1000xf32, #tpu.memory_space<hbm>>
      %dma_wait3A_155 = arith.constant 0 : i32
      %dma_wait3A_156 = tpu.memref_slice %arg2[%mul3A_20, %dma_wait3A_155] : memref<1000x1000xf32, #tpu.memory_space<hbm>> -> memref<32x1000xf32, #tpu.memory_space<hbm>>
      tpu.wait_dma2 semaphore(%run_scoped3A : memref<!tpu.dma_semaphore, #tpu.memory_space<semaphore_mem>>) src(%dma_wait3A_156 : memref<32x1000xf32, #tpu.memory_space<hbm>>) dst(%arg11 : memref<32x1000xf32, #tpu.memory_space<vmem>>)
      tpu.yield
    }) : () -> ()
    "tpu.region"() ({
      %run_scoped3A = tpu.sem_alloc : memref<!tpu.dma_semaphore, #tpu.memory_space<semaphore_mem>>
      tpu.enqueue_dma source(%arg3 : memref<20480xi32, #tpu.memory_space<hbm>>) target(%arg8 : memref<20480xi32, #tpu.memory_space<vmem>>) target_semaphore(%run_scoped3A : memref<!tpu.dma_semaphore, #tpu.memory_space<semaphore_mem>>)
      tpu.wait_dma2 semaphore(%run_scoped3A : memref<!tpu.dma_semaphore, #tpu.memory_space<semaphore_mem>>) src(%arg3 : memref<20480xi32, #tpu.memory_space<hbm>>) dst(%arg8 : memref<20480xi32, #tpu.memory_space<vmem>>)
      tpu.yield
    }) : () -> ()
    "tpu.region"() ({
      %run_scoped3A = tpu.sem_alloc : memref<!tpu.dma_semaphore, #tpu.memory_space<semaphore_mem>>
      tpu.enqueue_dma source(%arg4 : memref<20480xi32, #tpu.memory_space<hbm>>) target(%arg9 : memref<20480xi32, #tpu.memory_space<vmem>>) target_semaphore(%run_scoped3A : memref<!tpu.dma_semaphore, #tpu.memory_space<semaphore_mem>>)
      tpu.wait_dma2 semaphore(%run_scoped3A : memref<!tpu.dma_semaphore, #tpu.memory_space<semaphore_mem>>) src(%arg4 : memref<20480xi32, #tpu.memory_space<hbm>>) dst(%arg9 : memref<20480xi32, #tpu.memory_space<vmem>>)
      tpu.yield
    }) : () -> ()
    "tpu.region"() ({
      %run_scoped3A = tpu.sem_alloc : memref<!tpu.dma_semaphore, #tpu.memory_space<semaphore_mem>>
      tpu.enqueue_dma source(%arg5 : memref<1024xf32, #tpu.memory_space<hbm>>) target(%arg10 : memref<1024xf32, #tpu.memory_space<vmem>>) target_semaphore(%run_scoped3A : memref<!tpu.dma_semaphore, #tpu.memory_space<semaphore_mem>>)
      tpu.wait_dma2 semaphore(%run_scoped3A : memref<!tpu.dma_semaphore, #tpu.memory_space<semaphore_mem>>) src(%arg5 : memref<1024xf32, #tpu.memory_space<hbm>>) dst(%arg10 : memref<1024xf32, #tpu.memory_space<vmem>>)
      tpu.yield
    }) : () -> ()
    %get3A = arith.constant 0 : index
    %get3A_21 = tpu.vector_load %arg8[%get3A] {strides = array<i32>} : memref<20480xi32, #tpu.memory_space<vmem>>, vector<16xi32>,
    %get3A_22 = arith.constant 16 : index
    %get3A_23 = tpu.vector_load %arg8[%get3A_22] {strides = array<i32>} : memref<20480xi32, #tpu.memory_space<vmem>>, vector<16xi32>,
    %get3A_24 = arith.constant 32 : index
    %get3A_25 = tpu.vector_load %arg8[%get3A_24] {strides = array<i32>} : memref<20480xi32, #tpu.memory_space<vmem>>, vector<16xi32>,
    %get3A_26 = arith.constant 48 : index
    %get3A_27 = tpu.vector_load %arg8[%get3A_26] {strides = array<i32>} : memref<20480xi32, #tpu.memory_space<vmem>>, vector<16xi32>,
    %get3A_28 = arith.constant 64 : index
    %get3A_29 = tpu.vector_load %arg8[%get3A_28] {strides = array<i32>} : memref<20480xi32, #tpu.memory_space<vmem>>, vector<16xi32>,
    %get3A_30 = arith.constant 80 : index
    %get3A_31 = tpu.vector_load %arg8[%get3A_30] {strides = array<i32>} : memref<20480xi32, #tpu.memory_space<vmem>>, vector<16xi32>,
    %get3A_32 = arith.constant 96 : index
    %get3A_33 = tpu.vector_load %arg8[%get3A_32] {strides = array<i32>} : memref<20480xi32, #tpu.memory_space<vmem>>, vector<16xi32>,
    %get3A_34 = arith.constant 112 : index
    %get3A_35 = tpu.vector_load %arg8[%get3A_34] {strides = array<i32>} : memref<20480xi32, #tpu.memory_space<vmem>>, vector<16xi32>,
    %parallel_loop3A = arith.constant 0 : i32
    %parallel_loop3A_36 = arith.constant 4 : i32
    %parallel_loop3A_37 = arith.constant 1 : i32
    scf.for %parallel_loop3A_149 = %parallel_loop3A to %parallel_loop3A_36 step %parallel_loop3A_37  : i32 {
      %parallel_loop3A_150 = arith.constant 0 : i32
      %parallel_loop3A_151 = vector.broadcast %parallel_loop3A_150 : i32 to vector<16xi32>
      %parallel_loop3A_152 = arith.constant 8 : i32
      %parallel_loop3A_153 = arith.muli %parallel_loop3A_149, %parallel_loop3A_152 : i32
      %parallel_loop3A_154 = arith.constant 0 : i32
      %parallel_loop3A_155 = arith.addi %parallel_loop3A_153, %parallel_loop3A_154 : i32
      %parallel_loop3A_156 = vector.broadcast %parallel_loop3A_155 : i32 to vector<16xi32>
      %parallel_loop3A_157 = arith.addi %parallel_loop3A_151, %parallel_loop3A_156 : vector<16xi32>
      %parallel_loop3A_158 = tpu.vector_load_idx %arg11[%parallel_loop3A_157, %get3A_21] : memref<32x1000xf32, #tpu.memory_space<vmem>>[vector<16xi32>, vector<16xi32>], vector<16xf32>,
      %parallel_loop3A_159 = arith.constant 0 : i32
      %parallel_loop3A_160 = arith.index_cast %parallel_loop3A_149 : i32 to index
      %parallel_loop3A_161 = arith.index_cast %parallel_loop3A_159 : i32 to index
      %parallel_loop3A_162 = arith.constant 0 : index
      %parallel_loop3A_163 = tpu.vector_load %arg12[%parallel_loop3A_160, %parallel_loop3A_161, %parallel_loop3A_162] {strides = array<i32>} : memref<4x8x128xf32, #tpu.memory_space<vmem>>, vector<16xf32>,
      tpu.vector_store %arg12[%parallel_loop3A_160, %parallel_loop3A_161, %parallel_loop3A_162], %parallel_loop3A_158 {strides = array<i32>} : memref<4x8x128xf32, #tpu.memory_space<vmem>>, vector<16xf32>,
      %parallel_loop3A_164 = tpu.vector_load_idx %arg11[%parallel_loop3A_157, %get3A_23] : memref<32x1000xf32, #tpu.memory_space<vmem>>[vector<16xi32>, vector<16xi32>], vector<16xf32>,
      %parallel_loop3A_165 = arith.constant 0 : i32
      %parallel_loop3A_166 = arith.index_cast %parallel_loop3A_149 : i32 to index
      %parallel_loop3A_167 = arith.index_cast %parallel_loop3A_165 : i32 to index
      %parallel_loop3A_168 = arith.constant 16 : index
      %parallel_loop3A_169 = tpu.vector_load %arg12[%parallel_loop3A_166, %parallel_loop3A_167, %parallel_loop3A_168] {strides = array<i32>} : memref<4x8x128xf32, #tpu.memory_space<vmem>>, vector<16xf32>,
      tpu.vector_store %arg12[%parallel_loop3A_166, %parallel_loop3A_167, %parallel_loop3A_168], %parallel_loop3A_164 {strides = array<i32>} : memref<4x8x128xf32, #tpu.memory_space<vmem>>, vector<16xf32>,
      %parallel_loop3A_170 = tpu.vector_load_idx %arg11[%parallel_loop3A_157, %get3A_25] : memref<32x1000xf32, #tpu.memory_space<vmem>>[vector<16xi32>, vector<16xi32>], vector<16xf32>,
      %parallel_loop3A_171 = arith.constant 0 : i32
      %parallel_loop3A_172 = arith.index_cast %parallel_loop3A_149 : i32 to index
      %parallel_loop3A_173 = arith.index_cast %parallel_loop3A_171 : i32 to index
      %parallel_loop3A_174 = arith.constant 32 : index
      %parallel_loop3A_175 = tpu.vector_load %arg12[%parallel_loop3A_172, %parallel_loop3A_173, %parallel_loop3A_174] {strides = array<i32>} : memref<4x8x128xf32, #tpu.memory_space<vmem>>, vector<16xf32>,
      tpu.vector_store %arg12[%parallel_loop3A_172, %parallel_loop3A_173, %parallel_loop3A_174], %parallel_loop3A_170 {strides = array<i32>} : memref<4x8x128xf32, #tpu.memory_space<vmem>>, vector<16xf32>,
      %parallel_loop3A_176 = tpu.vector_load_idx %arg11[%parallel_loop3A_157, %get3A_27] : memref<32x1000xf32, #tpu.memory_space<vmem>>[vector<16xi32>, vector<16xi32>], vector<16xf32>,
      %parallel_loop3A_177 = arith.constant 0 : i32
      %parallel_loop3A_178 = arith.index_cast %parallel_loop3A_149 : i32 to index
      %parallel_loop3A_179 = arith.index_cast %parallel_loop3A_177 : i32 to index
      %parallel_loop3A_180 = arith.constant 48 : index
      %parallel_loop3A_181 = tpu.vector_load %arg12[%parallel_loop3A_178, %parallel_loop3A_179, %parallel_loop3A_180] {strides = array<i32>} : memref<4x8x128xf32, #tpu.memory_space<vmem>>, vector<16xf32>,
      tpu.vector_store %arg12[%parallel_loop3A_178, %parallel_loop3A_179, %parallel_loop3A_180], %parallel_loop3A_176 {strides = array<i32>} : memref<4x8x128xf32, #tpu.memory_space<vmem>>, vector<16xf32>,
      %parallel_loop3A_182 = tpu.vector_load_idx %arg11[%parallel_loop3A_157, %get3A_29] : memref<32x1000xf32, #tpu.memory_space<vmem>>[vector<16xi32>, vector<16xi32>], vector<16xf32>,
      %parallel_loop3A_183 = arith.constant 0 : i32
      %parallel_loop3A_184 = arith.index_cast %parallel_loop3A_149 : i32 to index
      %parallel_loop3A_185 = arith.index_cast %parallel_loop3A_183 : i32 to index
      %parallel_loop3A_186 = arith.constant 64 : index
      %parallel_loop3A_187 = tpu.vector_load %arg12[%parallel_loop3A_184, %parallel_loop3A_185, %parallel_loop3A_186] {strides = array<i32>} : memref<4x8x128xf32, #tpu.memory_space<vmem>>, vector<16xf32>,
      tpu.vector_store %arg12[%parallel_loop3A_184, %parallel_loop3A_185, %parallel_loop3A_186], %parallel_loop3A_182 {strides = array<i32>} : memref<4x8x128xf32, #tpu.memory_space<vmem>>, vector<16xf32>,
      %parallel_loop3A_188 = tpu.vector_load_idx %arg11[%parallel_loop3A_157, %get3A_31] : memref<32x1000xf32, #tpu.memory_space<vmem>>[vector<16xi32>, vector<16xi32>], vector<16xf32>,
      %parallel_loop3A_189 = arith.constant 0 : i32
      %parallel_loop3A_190 = arith.index_cast %parallel_loop3A_149 : i32 to index
      %parallel_loop3A_191 = arith.index_cast %parallel_loop3A_189 : i32 to index
      %parallel_loop3A_192 = arith.constant 80 : index
      %parallel_loop3A_193 = tpu.vector_load %arg12[%parallel_loop3A_190, %parallel_loop3A_191, %parallel_loop3A_192] {strides = array<i32>} : memref<4x8x128xf32, #tpu.memory_space<vmem>>, vector<16xf32>,
      tpu.vector_store %arg12[%parallel_loop3A_190, %parallel_loop3A_191, %parallel_loop3A_192], %parallel_loop3A_188 {strides = array<i32>} : memref<4x8x128xf32, #tpu.memory_space<vmem>>, vector<16xf32>,
      %parallel_loop3A_194 = tpu.vector_load_idx %arg11[%parallel_loop3A_157, %get3A_33] : memref<32x1000xf32, #tpu.memory_space<vmem>>[vector<16xi32>, vector<16xi32>], vector<16xf32>,
      %parallel_loop3A_195 = arith.constant 0 : i32
      %parallel_loop3A_196 = arith.index_cast %parallel_loop3A_149 : i32 to index
      %parallel_loop3A_197 = arith.index_cast %parallel_loop3A_195 : i32 to index
      %parallel_loop3A_198 = arith.constant 96 : index
      %parallel_loop3A_199 = tpu.vector_load %arg12[%parallel_loop3A_196, %parallel_loop3A_197, %parallel_loop3A_198] {strides = array<i32>} : memref<4x8x128xf32, #tpu.memory_space<vmem>>, vector<16xf32>,
      tpu.vector_store %arg12[%parallel_loop3A_196, %parallel_loop3A_197, %parallel_loop3A_198], %parallel_loop3A_194 {strides = array<i32>} : memref<4x8x128xf32, #tpu.memory_space<vmem>>, vector<16xf32>,
      %parallel_loop3A_200 = tpu.vector_load_idx %arg11[%parallel_loop3A_157, %get3A_35] : memref<32x1000xf32, #tpu.memory_space<vmem>>[vector<16xi32>, vector<16xi32>], vector<16xf32>,
      %parallel_loop3A_201 = arith.constant 0 : i32
      %parallel_loop3A_202 = arith.index_cast %parallel_loop3A_149 : i32 to index
      %parallel_loop3A_203 = arith.index_cast %parallel_loop3A_201 : i32 to index
      %parallel_loop3A_204 = arith.constant 112 : index
      %parallel_loop3A_205 = tpu.vector_load %arg12[%parallel_loop3A_202, %parallel_loop3A_203, %parallel_loop3A_204] {strides = array<i32>} : memref<4x8x128xf32, #tpu.memory_space<vmem>>, vector<16xf32>,
      tpu.vector_store %arg12[%parallel_loop3A_202, %parallel_loop3A_203, %parallel_loop3A_204], %parallel_loop3A_200 {strides = array<i32>} : memref<4x8x128xf32, #tpu.memory_space<vmem>>, vector<16xf32>,
      %parallel_loop3A_206 = arith.constant 0 : i32
      %parallel_loop3A_207 = vector.broadcast %parallel_loop3A_206 : i32 to vector<16xi32>
      %parallel_loop3A_208 = arith.constant 8 : i32
      %parallel_loop3A_209 = arith.muli %parallel_loop3A_149, %parallel_loop3A_208 : i32
      %parallel_loop3A_210 = arith.constant 1 : i32
      %parallel_loop3A_211 = arith.addi %parallel_loop3A_209, %parallel_loop3A_210 : i32
      %parallel_loop3A_212 = vector.broadcast %parallel_loop3A_211 : i32 to vector<16xi32>
      %parallel_loop3A_213 = arith.addi %parallel_loop3A_207, %parallel_loop3A_212 : vector<16xi32>
      %parallel_loop3A_214 = tpu.vector_load_idx %arg11[%parallel_loop3A_213, %get3A_21] : memref<32x1000xf32, #tpu.memory_space<vmem>>[vector<16xi32>, vector<16xi32>], vector<16xf32>,
      %parallel_loop3A_215 = arith.constant 1 : i32
      %parallel_loop3A_216 = arith.index_cast %parallel_loop3A_149 : i32 to index
      %parallel_loop3A_217 = arith.index_cast %parallel_loop3A_215 : i32 to index
      %parallel_loop3A_218 = arith.constant 0 : index
      %parallel_loop3A_219 = tpu.vector_load %arg12[%parallel_loop3A_216, %parallel_loop3A_217, %parallel_loop3A_218] {strides = array<i32>} : memref<4x8x128xf32, #tpu.memory_space<vmem>>, vector<16xf32>,
      tpu.vector_store %arg12[%parallel_loop3A_216, %parallel_loop3A_217, %parallel_loop3A_218], %parallel_loop3A_214 {strides = array<i32>} : memref<4x8x128xf32, #tpu.memory_space<vmem>>, vector<16xf32>,
      %parallel_loop3A_220 = tpu.vector_load_idx %arg11[%parallel_loop3A_213, %get3A_23] : memref<32x1000xf32, #tpu.memory_space<vmem>>[vector<16xi32>, vector<16xi32>], vector<16xf32>,
      %parallel_loop3A_221 = arith.constant 1 : i32
      %parallel_loop3A_222 = arith.index_cast %parallel_loop3A_149 : i32 to index
      %parallel_loop3A_223 = arith.index_cast %parallel_loop3A_221 : i32 to index
      %parallel_loop3A_224 = arith.constant 16 : index
      %parallel_loop3A_225 = tpu.vector_load %arg12[%parallel_loop3A_222, %parallel_loop3A_223, %parallel_loop3A_224] {strides = array<i32>} : memref<4x8x128xf32, #tpu.memory_space<vmem>>, vector<16xf32>,
      tpu.vector_store %arg12[%parallel_loop3A_222, %parallel_loop3A_223, %parallel_loop3A_224], %parallel_loop3A_220 {strides = array<i32>} : memref<4x8x128xf32, #tpu.memory_space<vmem>>, vector<16xf32>,
      %parallel_loop3A_226 = tpu.vector_load_idx %arg11[%parallel_loop3A_213, %get3A_25] : memref<32x1000xf32, #tpu.memory_space<vmem>>[vector<16xi32>, vector<16xi32>], vector<16xf32>,
      %parallel_loop3A_227 = arith.constant 1 : i32
      %parallel_loop3A_228 = arith.index_cast %parallel_loop3A_149 : i32 to index
      %parallel_loop3A_229 = arith.index_cast %parallel_loop3A_227 : i32 to index
      %parallel_loop3A_230 = arith.constant 32 : index
      %parallel_loop3A_231 = tpu.vector_load %arg12[%parallel_loop3A_228, %parallel_loop3A_229, %parallel_loop3A_230] {strides = array<i32>} : memref<4x8x128xf32, #tpu.memory_space<vmem>>, vector<16xf32>,
      tpu.vector_store %arg12[%parallel_loop3A_228, %parallel_loop3A_229, %parallel_loop3A_230], %parallel_loop3A_226 {strides = array<i32>} : memref<4x8x128xf32, #tpu.memory_space<vmem>>, vector<16xf32>,
      %parallel_loop3A_232 = tpu.vector_load_idx %arg11[%parallel_loop3A_213, %get3A_27] : memref<32x1000xf32, #tpu.memory_space<vmem>>[vector<16xi32>, vector<16xi32>], vector<16xf32>,
      %parallel_loop3A_233 = arith.constant 1 : i32
      %parallel_loop3A_234 = arith.index_cast %parallel_loop3A_149 : i32 to index
      %parallel_loop3A_235 = arith.index_cast %parallel_loop3A_233 : i32 to index
      %parallel_loop3A_236 = arith.constant 48 : index
      %parallel_loop3A_237 = tpu.vector_load %arg12[%parallel_loop3A_234, %parallel_loop3A_235, %parallel_loop3A_236] {strides = array<i32>} : memref<4x8x128xf32, #tpu.memory_space<vmem>>, vector<16xf32>,
      tpu.vector_store %arg12[%parallel_loop3A_234, %parallel_loop3A_235, %parallel_loop3A_236], %parallel_loop3A_232 {strides = array<i32>} : memref<4x8x128xf32, #tpu.memory_space<vmem>>, vector<16xf32>,
      %parallel_loop3A_238 = tpu.vector_load_idx %arg11[%parallel_loop3A_213, %get3A_29] : memref<32x1000xf32, #tpu.memory_space<vmem>>[vector<16xi32>, vector<16xi32>], vector<16xf32>,
      %parallel_loop3A_239 = arith.constant 1 : i32
      %parallel_loop3A_240 = arith.index_cast %parallel_loop3A_149 : i32 to index
      %parallel_loop3A_241 = arith.index_cast %parallel_loop3A_239 : i32 to index
      %parallel_loop3A_242 = arith.constant 64 : index
      %parallel_loop3A_243 = tpu.vector_load %arg12[%parallel_loop3A_240, %parallel_loop3A_241, %parallel_loop3A_242] {strides = array<i32>} : memref<4x8x128xf32, #tpu.memory_space<vmem>>, vector<16xf32>,
      tpu.vector_store %arg12[%parallel_loop3A_240, %parallel_loop3A_241, %parallel_loop3A_242], %parallel_loop3A_238 {strides = array<i32>} : memref<4x8x128xf32, #tpu.memory_space<vmem>>, vector<16xf32>,
      %parallel_loop3A_244 = tpu.vector_load_idx %arg11[%parallel_loop3A_213, %get3A_31] : memref<32x1000xf32, #tpu.memory_space<vmem>>[vector<16xi32>, vector<16xi32>], vector<16xf32>,
      %parallel_loop3A_245 = arith.constant 1 : i32
      %parallel_loop3A_246 = arith.index_cast %parallel_loop3A_149 : i32 to index
      %parallel_loop3A_247 = arith.index_cast %parallel_loop3A_245 : i32 to index
      %parallel_loop3A_248 = arith.constant 80 : index
      %parallel_loop3A_249 = tpu.vector_load %arg12[%parallel_loop3A_246, %parallel_loop3A_247, %parallel_loop3A_248] {strides = array<i32>} : memref<4x8x128xf32, #tpu.memory_space<vmem>>, vector<16xf32>,
      tpu.vector_store %arg12[%parallel_loop3A_246, %parallel_loop3A_247, %parallel_loop3A_248], %parallel_loop3A_244 {strides = array<i32>} : memref<4x8x128xf32, #tpu.memory_space<vmem>>, vector<16xf32>,
      %parallel_loop3A_250 = tpu.vector_load_idx %arg11[%parallel_loop3A_213, %get3A_33] : memref<32x1000xf32, #tpu.memory_space<vmem>>[vector<16xi32>, vector<16xi32>], vector<16xf32>,
      %parallel_loop3A_251 = arith.constant 1 : i32
      %parallel_loop3A_252 = arith.index_cast %parallel_loop3A_149 : i32 to index
      %parallel_loop3A_253 = arith.index_cast %parallel_loop3A_251 : i32 to index
      %parallel_loop3A_254 = arith.constant 96 : index
      %parallel_loop3A_255 = tpu.vector_load %arg12[%parallel_loop3A_252, %parallel_loop3A_253, %parallel_loop3A_254] {strides = array<i32>} : memref<4x8x128xf32, #tpu.memory_space<vmem>>, vector<16xf32>,
      tpu.vector_store %arg12[%parallel_loop3A_252, %parallel_loop3A_253, %parallel_loop3A_254], %parallel_loop3A_250 {strides = array<i32>} : memref<4x8x128xf32, #tpu.memory_space<vmem>>, vector<16xf32>,
      %parallel_loop3A_256 = tpu.vector_load_idx %arg11[%parallel_loop3A_213, %get3A_35] : memref<32x1000xf32, #tpu.memory_space<vmem>>[vector<16xi32>, vector<16xi32>], vector<16xf32>,
      %parallel_loop3A_257 = arith.constant 1 : i32
      %parallel_loop3A_258 = arith.index_cast %parallel_loop3A_149 : i32 to index
      %parallel_loop3A_259 = arith.index_cast %parallel_loop3A_257 : i32 to index
      %parallel_loop3A_260 = arith.constant 112 : index
      %parallel_loop3A_261 = tpu.vector_load %arg12[%parallel_loop3A_258, %parallel_loop3A_259, %parallel_loop3A_260] {strides = array<i32>} : memref<4x8x128xf32, #tpu.memory_space<vmem>>, vector<16xf32>,
      tpu.vector_store %arg12[%parallel_loop3A_258, %parallel_loop3A_259, %parallel_loop3A_260], %parallel_loop3A_256 {strides = array<i32>} : memref<4x8x128xf32, #tpu.memory_space<vmem>>, vector<16xf32>,
      %parallel_loop3A_262 = arith.constant 0 : i32
      %parallel_loop3A_263 = vector.broadcast %parallel_loop3A_262 : i32 to vector<16xi32>
      %parallel_loop3A_264 = arith.constant 8 : i32
      %parallel_loop3A_265 = arith.muli %parallel_loop3A_149, %parallel_loop3A_264 : i32
      %parallel_loop3A_266 = arith.constant 2 : i32
      %parallel_loop3A_267 = arith.addi %parallel_loop3A_265, %parallel_loop3A_266 : i32
      %parallel_loop3A_268 = vector.broadcast %parallel_loop3A_267 : i32 to vector<16xi32>
      %parallel_loop3A_269 = arith.addi %parallel_loop3A_263, %parallel_loop3A_268 : vector<16xi32>
      %parallel_loop3A_270 = tpu.vector_load_idx %arg11[%parallel_loop3A_269, %get3A_21] : memref<32x1000xf32, #tpu.memory_space<vmem>>[vector<16xi32>, vector<16xi32>], vector<16xf32>,
      %parallel_loop3A_271 = arith.constant 2 : i32
      %parallel_loop3A_272 = arith.index_cast %parallel_loop3A_149 : i32 to index
      %parallel_loop3A_273 = arith.index_cast %parallel_loop3A_271 : i32 to index
      %parallel_loop3A_274 = arith.constant 0 : index
      %parallel_loop3A_275 = tpu.vector_load %arg12[%parallel_loop3A_272, %parallel_loop3A_273, %parallel_loop3A_274] {strides = array<i32>} : memref<4x8x128xf32, #tpu.memory_space<vmem>>, vector<16xf32>,
      tpu.vector_store %arg12[%parallel_loop3A_272, %parallel_loop3A_273, %parallel_loop3A_274], %parallel_loop3A_270 {strides = array<i32>} : memref<4x8x128xf32, #tpu.memory_space<vmem>>, vector<16xf32>,
      %parallel_loop3A_276 = tpu.vector_load_idx %arg11[%parallel_loop3A_269, %get3A_23] : memref<32x1000xf32, #tpu.memory_space<vmem>>[vector<16xi32>, vector<16xi32>], vector<16xf32>,
      %parallel_loop3A_277 = arith.constant 2 : i32
      %parallel_loop3A_278 = arith.index_cast %parallel_loop3A_149 : i32 to index
      %parallel_loop3A_279 = arith.index_cast %parallel_loop3A_277 : i32 to index
      %parallel_loop3A_280 = arith.constant 16 : index
      %parallel_loop3A_281 = tpu.vector_load %arg12[%parallel_loop3A_278, %parallel_loop3A_279, %parallel_loop3A_280] {strides = array<i32>} : memref<4x8x128xf32, #tpu.memory_space<vmem>>, vector<16xf32>,
      tpu.vector_store %arg12[%parallel_loop3A_278, %parallel_loop3A_279, %parallel_loop3A_280], %parallel_loop3A_276 {strides = array<i32>} : memref<4x8x128xf32, #tpu.memory_space<vmem>>, vector<16xf32>,
      %parallel_loop3A_282 = tpu.vector_load_idx %arg11[%parallel_loop3A_269, %get3A_25] : memref<32x1000xf32, #tpu.memory_space<vmem>>[vector<16xi32>, vector<16xi32>], vector<16xf32>,
      %parallel_loop3A_283 = arith.constant 2 : i32
      %parallel_loop3A_284 = arith.index_cast %parallel_loop3A_149 : i32 to index
      %parallel_loop3A_285 = arith.index_cast %parallel_loop3A_283 : i32 to index
      %parallel_loop3A_286 = arith.constant 32 : index
      %parallel_loop3A_287 = tpu.vector_load %arg12[%parallel_loop3A_284, %parallel_loop3A_285, %parallel_loop3A_286] {strides = array<i32>} : memref<4x8x128xf32, #tpu.memory_space<vmem>>, vector<16xf32>,
      tpu.vector_store %arg12[%parallel_loop3A_284, %parallel_loop3A_285, %parallel_loop3A_286], %parallel_loop3A_282 {strides = array<i32>} : memref<4x8x128xf32, #tpu.memory_space<vmem>>, vector<16xf32>,
      %parallel_loop3A_288 = tpu.vector_load_idx %arg11[%parallel_loop3A_269, %get3A_27] : memref<32x1000xf32, #tpu.memory_space<vmem>>[vector<16xi32>, vector<16xi32>], vector<16xf32>,
      %parallel_loop3A_289 = arith.constant 2 : i32
      %parallel_loop3A_290 = arith.index_cast %parallel_loop3A_149 : i32 to index
      %parallel_loop3A_291 = arith.index_cast %parallel_loop3A_289 : i32 to index
      %parallel_loop3A_292 = arith.constant 48 : index
      %parallel_loop3A_293 = tpu.vector_load %arg12[%parallel_loop3A_290, %parallel_loop3A_291, %parallel_loop3A_292] {strides = array<i32>} : memref<4x8x128xf32, #tpu.memory_space<vmem>>, vector<16xf32>,
      tpu.vector_store %arg12[%parallel_loop3A_290, %parallel_loop3A_291, %parallel_loop3A_292], %parallel_loop3A_288 {strides = array<i32>} : memref<4x8x128xf32, #tpu.memory_space<vmem>>, vector<16xf32>,
      %parallel_loop3A_294 = tpu.vector_load_idx %arg11[%parallel_loop3A_269, %get3A_29] : memref<32x1000xf32, #tpu.memory_space<vmem>>[vector<16xi32>, vector<16xi32>], vector<16xf32>,
      %parallel_loop3A_295 = arith.constant 2 : i32
      %parallel_loop3A_296 = arith.index_cast %parallel_loop3A_149 : i32 to index
      %parallel_loop3A_297 = arith.index_cast %parallel_loop3A_295 : i32 to index
      %parallel_loop3A_298 = arith.constant 64 : index
      %parallel_loop3A_299 = tpu.vector_load %arg12[%parallel_loop3A_296, %parallel_loop3A_297, %parallel_loop3A_298] {strides = array<i32>} : memref<4x8x128xf32, #tpu.memory_space<vmem>>, vector<16xf32>,
      tpu.vector_store %arg12[%parallel_loop3A_296, %parallel_loop3A_297, %parallel_loop3A_298], %parallel_loop3A_294 {strides = array<i32>} : memref<4x8x128xf32, #tpu.memory_space<vmem>>, vector<16xf32>,
      %parallel_loop3A_300 = tpu.vector_load_idx %arg11[%parallel_loop3A_269, %get3A_31] : memref<32x1000xf32, #tpu.memory_space<vmem>>[vector<16xi32>, vector<16xi32>], vector<16xf32>,
      %parallel_loop3A_301 = arith.constant 2 : i32
      %parallel_loop3A_302 = arith.index_cast %parallel_loop3A_149 : i32 to index
      %parallel_loop3A_303 = arith.index_cast %parallel_loop3A_301 : i32 to index
      %parallel_loop3A_304 = arith.constant 80 : index
      %parallel_loop3A_305 = tpu.vector_load %arg12[%parallel_loop3A_302, %parallel_loop3A_303, %parallel_loop3A_304] {strides = array<i32>} : memref<4x8x128xf32, #tpu.memory_space<vmem>>, vector<16xf32>,
      tpu.vector_store %arg12[%parallel_loop3A_302, %parallel_loop3A_303, %parallel_loop3A_304], %parallel_loop3A_300 {strides = array<i32>} : memref<4x8x128xf32, #tpu.memory_space<vmem>>, vector<16xf32>,
      %parallel_loop3A_306 = tpu.vector_load_idx %arg11[%parallel_loop3A_269, %get3A_33] : memref<32x1000xf32, #tpu.memory_space<vmem>>[vector<16xi32>, vector<16xi32>], vector<16xf32>,
      %parallel_loop3A_307 = arith.constant 2 : i32
      %parallel_loop3A_308 = arith.index_cast %parallel_loop3A_149 : i32 to index
      %parallel_loop3A_309 = arith.index_cast %parallel_loop3A_307 : i32 to index
      %parallel_loop3A_310 = arith.constant 96 : index
      %parallel_loop3A_311 = tpu.vector_load %arg12[%parallel_loop3A_308, %parallel_loop3A_309, %parallel_loop3A_310] {strides = array<i32>} : memref<4x8x128xf32, #tpu.memory_space<vmem>>, vector<16xf32>,
      tpu.vector_store %arg12[%parallel_loop3A_308, %parallel_loop3A_309, %parallel_loop3A_310], %parallel_loop3A_306 {strides = array<i32>} : memref<4x8x128xf32, #tpu.memory_space<vmem>>, vector<16xf32>,
      %parallel_loop3A_312 = tpu.vector_load_idx %arg11[%parallel_loop3A_269, %get3A_35] : memref<32x1000xf32, #tpu.memory_space<vmem>>[vector<16xi32>, vector<16xi32>], vector<16xf32>,
      %parallel_loop3A_313 = arith.constant 2 : i32
      %parallel_loop3A_314 = arith.index_cast %parallel_loop3A_149 : i32 to index
      %parallel_loop3A_315 = arith.index_cast %parallel_loop3A_313 : i32 to index
      %parallel_loop3A_316 = arith.constant 112 : index
      %parallel_loop3A_317 = tpu.vector_load %arg12[%parallel_loop3A_314, %parallel_loop3A_315, %parallel_loop3A_316] {strides = array<i32>} : memref<4x8x128xf32, #tpu.memory_space<vmem>>, vector<16xf32>,
      tpu.vector_store %arg12[%parallel_loop3A_314, %parallel_loop3A_315, %parallel_loop3A_316], %parallel_loop3A_312 {strides = array<i32>} : memref<4x8x128xf32, #tpu.memory_space<vmem>>, vector<16xf32>,
      %parallel_loop3A_318 = arith.constant 0 : i32
      %parallel_loop3A_319 = vector.broadcast %parallel_loop3A_318 : i32 to vector<16xi32>
      %parallel_loop3A_320 = arith.constant 8 : i32
      %parallel_loop3A_321 = arith.muli %parallel_loop3A_149, %parallel_loop3A_320 : i32
      %parallel_loop3A_322 = arith.constant 3 : i32
      %parallel_loop3A_323 = arith.addi %parallel_loop3A_321, %parallel_loop3A_322 : i32
      %parallel_loop3A_324 = vector.broadcast %parallel_loop3A_323 : i32 to vector<16xi32>
      %parallel_loop3A_325 = arith.addi %parallel_loop3A_319, %parallel_loop3A_324 : vector<16xi32>
      %parallel_loop3A_326 = tpu.vector_load_idx %arg11[%parallel_loop3A_325, %get3A_21] : memref<32x1000xf32, #tpu.memory_space<vmem>>[vector<16xi32>, vector<16xi32>], vector<16xf32>,
      %parallel_loop3A_327 = arith.constant 3 : i32
      %parallel_loop3A_328 = arith.index_cast %parallel_loop3A_149 : i32 to index
      %parallel_loop3A_329 = arith.index_cast %parallel_loop3A_327 : i32 to index
      %parallel_loop3A_330 = arith.constant 0 : index
      %parallel_loop3A_331 = tpu.vector_load %arg12[%parallel_loop3A_328, %parallel_loop3A_329, %parallel_loop3A_330] {strides = array<i32>} : memref<4x8x128xf32, #tpu.memory_space<vmem>>, vector<16xf32>,
      tpu.vector_store %arg12[%parallel_loop3A_328, %parallel_loop3A_329, %parallel_loop3A_330], %parallel_loop3A_326 {strides = array<i32>} : memref<4x8x128xf32, #tpu.memory_space<vmem>>, vector<16xf32>,
      %parallel_loop3A_332 = tpu.vector_load_idx %arg11[%parallel_loop3A_325, %get3A_23] : memref<32x1000xf32, #tpu.memory_space<vmem>>[vector<16xi32>, vector<16xi32>], vector<16xf32>,
      %parallel_loop3A_333 = arith.constant 3 : i32
      %parallel_loop3A_334 = arith.index_cast %parallel_loop3A_149 : i32 to index
      %parallel_loop3A_335 = arith.index_cast %parallel_loop3A_333 : i32 to index
      %parallel_loop3A_336 = arith.constant 16 : index
      %parallel_loop3A_337 = tpu.vector_load %arg12[%parallel_loop3A_334, %parallel_loop3A_335, %parallel_loop3A_336] {strides = array<i32>} : memref<4x8x128xf32, #tpu.memory_space<vmem>>, vector<16xf32>,
      tpu.vector_store %arg12[%parallel_loop3A_334, %parallel_loop3A_335, %parallel_loop3A_336], %parallel_loop3A_332 {strides = array<i32>} : memref<4x8x128xf32, #tpu.memory_space<vmem>>, vector<16xf32>,
      %parallel_loop3A_338 = tpu.vector_load_idx %arg11[%parallel_loop3A_325, %get3A_25] : memref<32x1000xf32, #tpu.memory_space<vmem>>[vector<16xi32>, vector<16xi32>], vector<16xf32>,
      %parallel_loop3A_339 = arith.constant 3 : i32
      %parallel_loop3A_340 = arith.index_cast %parallel_loop3A_149 : i32 to index
      %parallel_loop3A_341 = arith.index_cast %parallel_loop3A_339 : i32 to index
      %parallel_loop3A_342 = arith.constant 32 : index
      %parallel_loop3A_343 = tpu.vector_load %arg12[%parallel_loop3A_340, %parallel_loop3A_341, %parallel_loop3A_342] {strides = array<i32>} : memref<4x8x128xf32, #tpu.memory_space<vmem>>, vector<16xf32>,
      tpu.vector_store %arg12[%parallel_loop3A_340, %parallel_loop3A_341, %parallel_loop3A_342], %parallel_loop3A_338 {strides = array<i32>} : memref<4x8x128xf32, #tpu.memory_space<vmem>>, vector<16xf32>,
      %parallel_loop3A_344 = tpu.vector_load_idx %arg11[%parallel_loop3A_325, %get3A_27] : memref<32x1000xf32, #tpu.memory_space<vmem>>[vector<16xi32>, vector<16xi32>], vector<16xf32>,
      %parallel_loop3A_345 = arith.constant 3 : i32
      %parallel_loop3A_346 = arith.index_cast %parallel_loop3A_149 : i32 to index
      %parallel_loop3A_347 = arith.index_cast %parallel_loop3A_345 : i32 to index
      %parallel_loop3A_348 = arith.constant 48 : index
      %parallel_loop3A_349 = tpu.vector_load %arg12[%parallel_loop3A_346, %parallel_loop3A_347, %parallel_loop3A_348] {strides = array<i32>} : memref<4x8x128xf32, #tpu.memory_space<vmem>>, vector<16xf32>,
      tpu.vector_store %arg12[%parallel_loop3A_346, %parallel_loop3A_347, %parallel_loop3A_348], %parallel_loop3A_344 {strides = array<i32>} : memref<4x8x128xf32, #tpu.memory_space<vmem>>, vector<16xf32>,
      %parallel_loop3A_350 = tpu.vector_load_idx %arg11[%parallel_loop3A_325, %get3A_29] : memref<32x1000xf32, #tpu.memory_space<vmem>>[vector<16xi32>, vector<16xi32>], vector<16xf32>,
      %parallel_loop3A_351 = arith.constant 3 : i32
      %parallel_loop3A_352 = arith.index_cast %parallel_loop3A_149 : i32 to index
      %parallel_loop3A_353 = arith.index_cast %parallel_loop3A_351 : i32 to index
      %parallel_loop3A_354 = arith.constant 64 : index
      %parallel_loop3A_355 = tpu.vector_load %arg12[%parallel_loop3A_352, %parallel_loop3A_353, %parallel_loop3A_354] {strides = array<i32>} : memref<4x8x128xf32, #tpu.memory_space<vmem>>, vector<16xf32>,
      tpu.vector_store %arg12[%parallel_loop3A_352, %parallel_loop3A_353, %parallel_loop3A_354], %parallel_loop3A_350 {strides = array<i32>} : memref<4x8x128xf32, #tpu.memory_space<vmem>>, vector<16xf32>,
      %parallel_loop3A_356 = tpu.vector_load_idx %arg11[%parallel_loop3A_325, %get3A_31] : memref<32x1000xf32, #tpu.memory_space<vmem>>[vector<16xi32>, vector<16xi32>], vector<16xf32>,
      %parallel_loop3A_357 = arith.constant 3 : i32
      %parallel_loop3A_358 = arith.index_cast %parallel_loop3A_149 : i32 to index
      %parallel_loop3A_359 = arith.index_cast %parallel_loop3A_357 : i32 to index
      %parallel_loop3A_360 = arith.constant 80 : index
      %parallel_loop3A_361 = tpu.vector_load %arg12[%parallel_loop3A_358, %parallel_loop3A_359, %parallel_loop3A_360] {strides = array<i32>} : memref<4x8x128xf32, #tpu.memory_space<vmem>>, vector<16xf32>,
      tpu.vector_store %arg12[%parallel_loop3A_358, %parallel_loop3A_359, %parallel_loop3A_360], %parallel_loop3A_356 {strides = array<i32>} : memref<4x8x128xf32, #tpu.memory_space<vmem>>, vector<16xf32>,
      %parallel_loop3A_362 = tpu.vector_load_idx %arg11[%parallel_loop3A_325, %get3A_33] : memref<32x1000xf32, #tpu.memory_space<vmem>>[vector<16xi32>, vector<16xi32>], vector<16xf32>,
      %parallel_loop3A_363 = arith.constant 3 : i32
      %parallel_loop3A_364 = arith.index_cast %parallel_loop3A_149 : i32 to index
      %parallel_loop3A_365 = arith.index_cast %parallel_loop3A_363 : i32 to index
      %parallel_loop3A_366 = arith.constant 96 : index
      %parallel_loop3A_367 = tpu.vector_load %arg12[%parallel_loop3A_364, %parallel_loop3A_365, %parallel_loop3A_366] {strides = array<i32>} : memref<4x8x128xf32, #tpu.memory_space<vmem>>, vector<16xf32>,
      tpu.vector_store %arg12[%parallel_loop3A_364, %parallel_loop3A_365, %parallel_loop3A_366], %parallel_loop3A_362 {strides = array<i32>} : memref<4x8x128xf32, #tpu.memory_space<vmem>>, vector<16xf32>,
      %parallel_loop3A_368 = tpu.vector_load_idx %arg11[%parallel_loop3A_325, %get3A_35] : memref<32x1000xf32, #tpu.memory_space<vmem>>[vector<16xi32>, vector<16xi32>], vector<16xf32>,
      %parallel_loop3A_369 = arith.constant 3 : i32
      %parallel_loop3A_370 = arith.index_cast %parallel_loop3A_149 : i32 to index
      %parallel_loop3A_371 = arith.index_cast %parallel_loop3A_369 : i32 to index
      %parallel_loop3A_372 = arith.constant 112 : index
      %parallel_loop3A_373 = tpu.vector_load %arg12[%parallel_loop3A_370, %parallel_loop3A_371, %parallel_loop3A_372] {strides = array<i32>} : memref<4x8x128xf32, #tpu.memory_space<vmem>>, vector<16xf32>,
      tpu.vector_store %arg12[%parallel_loop3A_370, %parallel_loop3A_371, %parallel_loop3A_372], %parallel_loop3A_368 {strides = array<i32>} : memref<4x8x128xf32, #tpu.memory_space<vmem>>, vector<16xf32>,
      %parallel_loop3A_374 = arith.constant 0 : i32
      %parallel_loop3A_375 = vector.broadcast %parallel_loop3A_374 : i32 to vector<16xi32>
      %parallel_loop3A_376 = arith.constant 8 : i32
      %parallel_loop3A_377 = arith.muli %parallel_loop3A_149, %parallel_loop3A_376 : i32
      %parallel_loop3A_378 = arith.constant 4 : i32
      %parallel_loop3A_379 = arith.addi %parallel_loop3A_377, %parallel_loop3A_378 : i32
      %parallel_loop3A_380 = vector.broadcast %parallel_loop3A_379 : i32 to vector<16xi32>
      %parallel_loop3A_381 = arith.addi %parallel_loop3A_375, %parallel_loop3A_380 : vector<16xi32>
      %parallel_loop3A_382 = tpu.vector_load_idx %arg11[%parallel_loop3A_381, %get3A_21] : memref<32x1000xf32, #tpu.memory_space<vmem>>[vector<16xi32>, vector<16xi32>], vector<16xf32>,
      %parallel_loop3A_383 = arith.constant 4 : i32
      %parallel_loop3A_384 = arith.index_cast %parallel_loop3A_149 : i32 to index
      %parallel_loop3A_385 = arith.index_cast %parallel_loop3A_383 : i32 to index
      %parallel_loop3A_386 = arith.constant 0 : index
      %parallel_loop3A_387 = tpu.vector_load %arg12[%parallel_loop3A_384, %parallel_loop3A_385, %parallel_loop3A_386] {strides = array<i32>} : memref<4x8x128xf32, #tpu.memory_space<vmem>>, vector<16xf32>,
      tpu.vector_store %arg12[%parallel_loop3A_384, %parallel_loop3A_385, %parallel_loop3A_386], %parallel_loop3A_382 {strides = array<i32>} : memref<4x8x128xf32, #tpu.memory_space<vmem>>, vector<16xf32>,
      %parallel_loop3A_388 = tpu.vector_load_idx %arg11[%parallel_loop3A_381, %get3A_23] : memref<32x1000xf32, #tpu.memory_space<vmem>>[vector<16xi32>, vector<16xi32>], vector<16xf32>,
      %parallel_loop3A_389 = arith.constant 4 : i32
      %parallel_loop3A_390 = arith.index_cast %parallel_loop3A_149 : i32 to index
      %parallel_loop3A_391 = arith.index_cast %parallel_loop3A_389 : i32 to index
      %parallel_loop3A_392 = arith.constant 16 : index
      %parallel_loop3A_393 = tpu.vector_load %arg12[%parallel_loop3A_390, %parallel_loop3A_391, %parallel_loop3A_392] {strides = array<i32>} : memref<4x8x128xf32, #tpu.memory_space<vmem>>, vector<16xf32>,
      tpu.vector_store %arg12[%parallel_loop3A_390, %parallel_loop3A_391, %parallel_loop3A_392], %parallel_loop3A_388 {strides = array<i32>} : memref<4x8x128xf32, #tpu.memory_space<vmem>>, vector<16xf32>,
      %parallel_loop3A_394 = tpu.vector_load_idx %arg11[%parallel_loop3A_381, %get3A_25] : memref<32x1000xf32, #tpu.memory_space<vmem>>[vector<16xi32>, vector<16xi32>], vector<16xf32>,
      %parallel_loop3A_395 = arith.constant 4 : i32
      %parallel_loop3A_396 = arith.index_cast %parallel_loop3A_149 : i32 to index
      %parallel_loop3A_397 = arith.index_cast %parallel_loop3A_395 : i32 to index
      %parallel_loop3A_398 = arith.constant 32 : index
      %parallel_loop3A_399 = tpu.vector_load %arg12[%parallel_loop3A_396, %parallel_loop3A_397, %parallel_loop3A_398] {strides = array<i32>} : memref<4x8x128xf32, #tpu.memory_space<vmem>>, vector<16xf32>,
      tpu.vector_store %arg12[%parallel_loop3A_396, %parallel_loop3A_397, %parallel_loop3A_398], %parallel_loop3A_394 {strides = array<i32>} : memref<4x8x128xf32, #tpu.memory_space<vmem>>, vector<16xf32>,
      %parallel_loop3A_400 = tpu.vector_load_idx %arg11[%parallel_loop3A_381, %get3A_27] : memref<32x1000xf32, #tpu.memory_space<vmem>>[vector<16xi32>, vector<16xi32>], vector<16xf32>,
      %parallel_loop3A_401 = arith.constant 4 : i32
      %parallel_loop3A_402 = arith.index_cast %parallel_loop3A_149 : i32 to index
      %parallel_loop3A_403 = arith.index_cast %parallel_loop3A_401 : i32 to index
      %parallel_loop3A_404 = arith.constant 48 : index
      %parallel_loop3A_405 = tpu.vector_load %arg12[%parallel_loop3A_402, %parallel_loop3A_403, %parallel_loop3A_404] {strides = array<i32>} : memref<4x8x128xf32, #tpu.memory_space<vmem>>, vector<16xf32>,
      tpu.vector_store %arg12[%parallel_loop3A_402, %parallel_loop3A_403, %parallel_loop3A_404], %parallel_loop3A_400 {strides = array<i32>} : memref<4x8x128xf32, #tpu.memory_space<vmem>>, vector<16xf32>,
      %parallel_loop3A_406 = tpu.vector_load_idx %arg11[%parallel_loop3A_381, %get3A_29] : memref<32x1000xf32, #tpu.memory_space<vmem>>[vector<16xi32>, vector<16xi32>], vector<16xf32>,
      %parallel_loop3A_407 = arith.constant 4 : i32
      %parallel_loop3A_408 = arith.index_cast %parallel_loop3A_149 : i32 to index
      %parallel_loop3A_409 = arith.index_cast %parallel_loop3A_407 : i32 to index
      %parallel_loop3A_410 = arith.constant 64 : index
      %parallel_loop3A_411 = tpu.vector_load %arg12[%parallel_loop3A_408, %parallel_loop3A_409, %parallel_loop3A_410] {strides = array<i32>} : memref<4x8x128xf32, #tpu.memory_space<vmem>>, vector<16xf32>,
      tpu.vector_store %arg12[%parallel_loop3A_408, %parallel_loop3A_409, %parallel_loop3A_410], %parallel_loop3A_406 {strides = array<i32>} : memref<4x8x128xf32, #tpu.memory_space<vmem>>, vector<16xf32>,
      %parallel_loop3A_412 = tpu.vector_load_idx %arg11[%parallel_loop3A_381, %get3A_31] : memref<32x1000xf32, #tpu.memory_space<vmem>>[vector<16xi32>, vector<16xi32>], vector<16xf32>,
      %parallel_loop3A_413 = arith.constant 4 : i32
      %parallel_loop3A_414 = arith.index_cast %parallel_loop3A_149 : i32 to index
      %parallel_loop3A_415 = arith.index_cast %parallel_loop3A_413 : i32 to index
      %parallel_loop3A_416 = arith.constant 80 : index
      %parallel_loop3A_417 = tpu.vector_load %arg12[%parallel_loop3A_414, %parallel_loop3A_415, %parallel_loop3A_416] {strides = array<i32>} : memref<4x8x128xf32, #tpu.memory_space<vmem>>, vector<16xf32>,
      tpu.vector_store %arg12[%parallel_loop3A_414, %parallel_loop3A_415, %parallel_loop3A_416], %parallel_loop3A_412 {strides = array<i32>} : memref<4x8x128xf32, #tpu.memory_space<vmem>>, vector<16xf32>,
      %parallel_loop3A_418 = tpu.vector_load_idx %arg11[%parallel_loop3A_381, %get3A_33] : memref<32x1000xf32, #tpu.memory_space<vmem>>[vector<16xi32>, vector<16xi32>], vector<16xf32>,
      %parallel_loop3A_419 = arith.constant 4 : i32
      %parallel_loop3A_420 = arith.index_cast %parallel_loop3A_149 : i32 to index
      %parallel_loop3A_421 = arith.index_cast %parallel_loop3A_419 : i32 to index
      %parallel_loop3A_422 = arith.constant 96 : index
      %parallel_loop3A_423 = tpu.vector_load %arg12[%parallel_loop3A_420, %parallel_loop3A_421, %parallel_loop3A_422] {strides = array<i32>} : memref<4x8x128xf32, #tpu.memory_space<vmem>>, vector<16xf32>,
      tpu.vector_store %arg12[%parallel_loop3A_420, %parallel_loop3A_421, %parallel_loop3A_422], %parallel_loop3A_418 {strides = array<i32>} : memref<4x8x128xf32, #tpu.memory_space<vmem>>, vector<16xf32>,
      %parallel_loop3A_424 = tpu.vector_load_idx %arg11[%parallel_loop3A_381, %get3A_35] : memref<32x1000xf32, #tpu.memory_space<vmem>>[vector<16xi32>, vector<16xi32>], vector<16xf32>,
      %parallel_loop3A_425 = arith.constant 4 : i32
      %parallel_loop3A_426 = arith.index_cast %parallel_loop3A_149 : i32 to index
      %parallel_loop3A_427 = arith.index_cast %parallel_loop3A_425 : i32 to index
      %parallel_loop3A_428 = arith.constant 112 : index
      %parallel_loop3A_429 = tpu.vector_load %arg12[%parallel_loop3A_426, %parallel_loop3A_427, %parallel_loop3A_428] {strides = array<i32>} : memref<4x8x128xf32, #tpu.memory_space<vmem>>, vector<16xf32>,
      tpu.vector_store %arg12[%parallel_loop3A_426, %parallel_loop3A_427, %parallel_loop3A_428], %parallel_loop3A_424 {strides = array<i32>} : memref<4x8x128xf32, #tpu.memory_space<vmem>>, vector<16xf32>,
      %parallel_loop3A_430 = arith.constant 0 : i32
      %parallel_loop3A_431 = vector.broadcast %parallel_loop3A_430 : i32 to vector<16xi32>
      %parallel_loop3A_432 = arith.constant 8 : i32
      %parallel_loop3A_433 = arith.muli %parallel_loop3A_149, %parallel_loop3A_432 : i32
      %parallel_loop3A_434 = arith.constant 5 : i32
      %parallel_loop3A_435 = arith.addi %parallel_loop3A_433, %parallel_loop3A_434 : i32
      %parallel_loop3A_436 = vector.broadcast %parallel_loop3A_435 : i32 to vector<16xi32>
      %parallel_loop3A_437 = arith.addi %parallel_loop3A_431, %parallel_loop3A_436 : vector<16xi32>
      %parallel_loop3A_438 = tpu.vector_load_idx %arg11[%parallel_loop3A_437, %get3A_21] : memref<32x1000xf32, #tpu.memory_space<vmem>>[vector<16xi32>, vector<16xi32>], vector<16xf32>,
      %parallel_loop3A_439 = arith.constant 5 : i32
      %parallel_loop3A_440 = arith.index_cast %parallel_loop3A_149 : i32 to index
      %parallel_loop3A_441 = arith.index_cast %parallel_loop3A_439 : i32 to index
      %parallel_loop3A_442 = arith.constant 0 : index
      %parallel_loop3A_443 = tpu.vector_load %arg12[%parallel_loop3A_440, %parallel_loop3A_441, %parallel_loop3A_442] {strides = array<i32>} : memref<4x8x128xf32, #tpu.memory_space<vmem>>, vector<16xf32>,
      tpu.vector_store %arg12[%parallel_loop3A_440, %parallel_loop3A_441, %parallel_loop3A_442], %parallel_loop3A_438 {strides = array<i32>} : memref<4x8x128xf32, #tpu.memory_space<vmem>>, vector<16xf32>,
      %parallel_loop3A_444 = tpu.vector_load_idx %arg11[%parallel_loop3A_437, %get3A_23] : memref<32x1000xf32, #tpu.memory_space<vmem>>[vector<16xi32>, vector<16xi32>], vector<16xf32>,
      %parallel_loop3A_445 = arith.constant 5 : i32
      %parallel_loop3A_446 = arith.index_cast %parallel_loop3A_149 : i32 to index
      %parallel_loop3A_447 = arith.index_cast %parallel_loop3A_445 : i32 to index
      %parallel_loop3A_448 = arith.constant 16 : index
      %parallel_loop3A_449 = tpu.vector_load %arg12[%parallel_loop3A_446, %parallel_loop3A_447, %parallel_loop3A_448] {strides = array<i32>} : memref<4x8x128xf32, #tpu.memory_space<vmem>>, vector<16xf32>,
      tpu.vector_store %arg12[%parallel_loop3A_446, %parallel_loop3A_447, %parallel_loop3A_448], %parallel_loop3A_444 {strides = array<i32>} : memref<4x8x128xf32, #tpu.memory_space<vmem>>, vector<16xf32>,
      %parallel_loop3A_450 = tpu.vector_load_idx %arg11[%parallel_loop3A_437, %get3A_25] : memref<32x1000xf32, #tpu.memory_space<vmem>>[vector<16xi32>, vector<16xi32>], vector<16xf32>,
      %parallel_loop3A_451 = arith.constant 5 : i32
      %parallel_loop3A_452 = arith.index_cast %parallel_loop3A_149 : i32 to index
      %parallel_loop3A_453 = arith.index_cast %parallel_loop3A_451 : i32 to index
      %parallel_loop3A_454 = arith.constant 32 : index
      %parallel_loop3A_455 = tpu.vector_load %arg12[%parallel_loop3A_452, %parallel_loop3A_453, %parallel_loop3A_454] {strides = array<i32>} : memref<4x8x128xf32, #tpu.memory_space<vmem>>, vector<16xf32>,
      tpu.vector_store %arg12[%parallel_loop3A_452, %parallel_loop3A_453, %parallel_loop3A_454], %parallel_loop3A_450 {strides = array<i32>} : memref<4x8x128xf32, #tpu.memory_space<vmem>>, vector<16xf32>,
      %parallel_loop3A_456 = tpu.vector_load_idx %arg11[%parallel_loop3A_437, %get3A_27] : memref<32x1000xf32, #tpu.memory_space<vmem>>[vector<16xi32>, vector<16xi32>], vector<16xf32>,
      %parallel_loop3A_457 = arith.constant 5 : i32
      %parallel_loop3A_458 = arith.index_cast %parallel_loop3A_149 : i32 to index
      %parallel_loop3A_459 = arith.index_cast %parallel_loop3A_457 : i32 to index
      %parallel_loop3A_460 = arith.constant 48 : index
      %parallel_loop3A_461 = tpu.vector_load %arg12[%parallel_loop3A_458, %parallel_loop3A_459, %parallel_loop3A_460] {strides = array<i32>} : memref<4x8x128xf32, #tpu.memory_space<vmem>>, vector<16xf32>,
      tpu.vector_store %arg12[%parallel_loop3A_458, %parallel_loop3A_459, %parallel_loop3A_460], %parallel_loop3A_456 {strides = array<i32>} : memref<4x8x128xf32, #tpu.memory_space<vmem>>, vector<16xf32>,
      %parallel_loop3A_462 = tpu.vector_load_idx %arg11[%parallel_loop3A_437, %get3A_29] : memref<32x1000xf32, #tpu.memory_space<vmem>>[vector<16xi32>, vector<16xi32>], vector<16xf32>,
      %parallel_loop3A_463 = arith.constant 5 : i32
      %parallel_loop3A_464 = arith.index_cast %parallel_loop3A_149 : i32 to index
      %parallel_loop3A_465 = arith.index_cast %parallel_loop3A_463 : i32 to index
      %parallel_loop3A_466 = arith.constant 64 : index
      %parallel_loop3A_467 = tpu.vector_load %arg12[%parallel_loop3A_464, %parallel_loop3A_465, %parallel_loop3A_466] {strides = array<i32>} : memref<4x8x128xf32, #tpu.memory_space<vmem>>, vector<16xf32>,
      tpu.vector_store %arg12[%parallel_loop3A_464, %parallel_loop3A_465, %parallel_loop3A_466], %parallel_loop3A_462 {strides = array<i32>} : memref<4x8x128xf32, #tpu.memory_space<vmem>>, vector<16xf32>,
      %parallel_loop3A_468 = tpu.vector_load_idx %arg11[%parallel_loop3A_437, %get3A_31] : memref<32x1000xf32, #tpu.memory_space<vmem>>[vector<16xi32>, vector<16xi32>], vector<16xf32>,
      %parallel_loop3A_469 = arith.constant 5 : i32
      %parallel_loop3A_470 = arith.index_cast %parallel_loop3A_149 : i32 to index
      %parallel_loop3A_471 = arith.index_cast %parallel_loop3A_469 : i32 to index
      %parallel_loop3A_472 = arith.constant 80 : index
      %parallel_loop3A_473 = tpu.vector_load %arg12[%parallel_loop3A_470, %parallel_loop3A_471, %parallel_loop3A_472] {strides = array<i32>} : memref<4x8x128xf32, #tpu.memory_space<vmem>>, vector<16xf32>,
      tpu.vector_store %arg12[%parallel_loop3A_470, %parallel_loop3A_471, %parallel_loop3A_472], %parallel_loop3A_468 {strides = array<i32>} : memref<4x8x128xf32, #tpu.memory_space<vmem>>, vector<16xf32>,
      %parallel_loop3A_474 = tpu.vector_load_idx %arg11[%parallel_loop3A_437, %get3A_33] : memref<32x1000xf32, #tpu.memory_space<vmem>>[vector<16xi32>, vector<16xi32>], vector<16xf32>,
      %parallel_loop3A_475 = arith.constant 5 : i32
      %parallel_loop3A_476 = arith.index_cast %parallel_loop3A_149 : i32 to index
      %parallel_loop3A_477 = arith.index_cast %parallel_loop3A_475 : i32 to index
      %parallel_loop3A_478 = arith.constant 96 : index
      %parallel_loop3A_479 = tpu.vector_load %arg12[%parallel_loop3A_476, %parallel_loop3A_477, %parallel_loop3A_478] {strides = array<i32>} : memref<4x8x128xf32, #tpu.memory_space<vmem>>, vector<16xf32>,
      tpu.vector_store %arg12[%parallel_loop3A_476, %parallel_loop3A_477, %parallel_loop3A_478], %parallel_loop3A_474 {strides = array<i32>} : memref<4x8x128xf32, #tpu.memory_space<vmem>>, vector<16xf32>,
      %parallel_loop3A_480 = tpu.vector_load_idx %arg11[%parallel_loop3A_437, %get3A_35] : memref<32x1000xf32, #tpu.memory_space<vmem>>[vector<16xi32>, vector<16xi32>], vector<16xf32>,
      %parallel_loop3A_481 = arith.constant 5 : i32
      %parallel_loop3A_482 = arith.index_cast %parallel_loop3A_149 : i32 to index
      %parallel_loop3A_483 = arith.index_cast %parallel_loop3A_481 : i32 to index
      %parallel_loop3A_484 = arith.constant 112 : index
      %parallel_loop3A_485 = tpu.vector_load %arg12[%parallel_loop3A_482, %parallel_loop3A_483, %parallel_loop3A_484] {strides = array<i32>} : memref<4x8x128xf32, #tpu.memory_space<vmem>>, vector<16xf32>,
      tpu.vector_store %arg12[%parallel_loop3A_482, %parallel_loop3A_483, %parallel_loop3A_484], %parallel_loop3A_480 {strides = array<i32>} : memref<4x8x128xf32, #tpu.memory_space<vmem>>, vector<16xf32>,
      %parallel_loop3A_486 = arith.constant 0 : i32
      %parallel_loop3A_487 = vector.broadcast %parallel_loop3A_486 : i32 to vector<16xi32>
      %parallel_loop3A_488 = arith.constant 8 : i32
      %parallel_loop3A_489 = arith.muli %parallel_loop3A_149, %parallel_loop3A_488 : i32
      %parallel_loop3A_490 = arith.constant 6 : i32
      %parallel_loop3A_491 = arith.addi %parallel_loop3A_489, %parallel_loop3A_490 : i32
      %parallel_loop3A_492 = vector.broadcast %parallel_loop3A_491 : i32 to vector<16xi32>
      %parallel_loop3A_493 = arith.addi %parallel_loop3A_487, %parallel_loop3A_492 : vector<16xi32>
      %parallel_loop3A_494 = tpu.vector_load_idx %arg11[%parallel_loop3A_493, %get3A_21] : memref<32x1000xf32, #tpu.memory_space<vmem>>[vector<16xi32>, vector<16xi32>], vector<16xf32>,
      %parallel_loop3A_495 = arith.constant 6 : i32
      %parallel_loop3A_496 = arith.index_cast %parallel_loop3A_149 : i32 to index
      %parallel_loop3A_497 = arith.index_cast %parallel_loop3A_495 : i32 to index
      %parallel_loop3A_498 = arith.constant 0 : index
      %parallel_loop3A_499 = tpu.vector_load %arg12[%parallel_loop3A_496, %parallel_loop3A_497, %parallel_loop3A_498] {strides = array<i32>} : memref<4x8x128xf32, #tpu.memory_space<vmem>>, vector<16xf32>,
      tpu.vector_store %arg12[%parallel_loop3A_496, %parallel_loop3A_497, %parallel_loop3A_498], %parallel_loop3A_494 {strides = array<i32>} : memref<4x8x128xf32, #tpu.memory_space<vmem>>, vector<16xf32>,
      %parallel_loop3A_500 = tpu.vector_load_idx %arg11[%parallel_loop3A_493, %get3A_23] : memref<32x1000xf32, #tpu.memory_space<vmem>>[vector<16xi32>, vector<16xi32>], vector<16xf32>,
      %parallel_loop3A_501 = arith.constant 6 : i32
      %parallel_loop3A_502 = arith.index_cast %parallel_loop3A_149 : i32 to index
      %parallel_loop3A_503 = arith.index_cast %parallel_loop3A_501 : i32 to index
      %parallel_loop3A_504 = arith.constant 16 : index
      %parallel_loop3A_505 = tpu.vector_load %arg12[%parallel_loop3A_502, %parallel_loop3A_503, %parallel_loop3A_504] {strides = array<i32>} : memref<4x8x128xf32, #tpu.memory_space<vmem>>, vector<16xf32>,
      tpu.vector_store %arg12[%parallel_loop3A_502, %parallel_loop3A_503, %parallel_loop3A_504], %parallel_loop3A_500 {strides = array<i32>} : memref<4x8x128xf32, #tpu.memory_space<vmem>>, vector<16xf32>,
      %parallel_loop3A_506 = tpu.vector_load_idx %arg11[%parallel_loop3A_493, %get3A_25] : memref<32x1000xf32, #tpu.memory_space<vmem>>[vector<16xi32>, vector<16xi32>], vector<16xf32>,
      %parallel_loop3A_507 = arith.constant 6 : i32
      %parallel_loop3A_508 = arith.index_cast %parallel_loop3A_149 : i32 to index
      %parallel_loop3A_509 = arith.index_cast %parallel_loop3A_507 : i32 to index
      %parallel_loop3A_510 = arith.constant 32 : index
      %parallel_loop3A_511 = tpu.vector_load %arg12[%parallel_loop3A_508, %parallel_loop3A_509, %parallel_loop3A_510] {strides = array<i32>} : memref<4x8x128xf32, #tpu.memory_space<vmem>>, vector<16xf32>,
      tpu.vector_store %arg12[%parallel_loop3A_508, %parallel_loop3A_509, %parallel_loop3A_510], %parallel_loop3A_506 {strides = array<i32>} : memref<4x8x128xf32, #tpu.memory_space<vmem>>, vector<16xf32>,
      %parallel_loop3A_512 = tpu.vector_load_idx %arg11[%parallel_loop3A_493, %get3A_27] : memref<32x1000xf32, #tpu.memory_space<vmem>>[vector<16xi32>, vector<16xi32>], vector<16xf32>,
      %parallel_loop3A_513 = arith.constant 6 : i32
      %parallel_loop3A_514 = arith.index_cast %parallel_loop3A_149 : i32 to index
      %parallel_loop3A_515 = arith.index_cast %parallel_loop3A_513 : i32 to index
      %parallel_loop3A_516 = arith.constant 48 : index
      %parallel_loop3A_517 = tpu.vector_load %arg12[%parallel_loop3A_514, %parallel_loop3A_515, %parallel_loop3A_516] {strides = array<i32>} : memref<4x8x128xf32, #tpu.memory_space<vmem>>, vector<16xf32>,
      tpu.vector_store %arg12[%parallel_loop3A_514, %parallel_loop3A_515, %parallel_loop3A_516], %parallel_loop3A_512 {strides = array<i32>} : memref<4x8x128xf32, #tpu.memory_space<vmem>>, vector<16xf32>,
      %parallel_loop3A_518 = tpu.vector_load_idx %arg11[%parallel_loop3A_493, %get3A_29] : memref<32x1000xf32, #tpu.memory_space<vmem>>[vector<16xi32>, vector<16xi32>], vector<16xf32>,
      %parallel_loop3A_519 = arith.constant 6 : i32
      %parallel_loop3A_520 = arith.index_cast %parallel_loop3A_149 : i32 to index
      %parallel_loop3A_521 = arith.index_cast %parallel_loop3A_519 : i32 to index
      %parallel_loop3A_522 = arith.constant 64 : index
      %parallel_loop3A_523 = tpu.vector_load %arg12[%parallel_loop3A_520, %parallel_loop3A_521, %parallel_loop3A_522] {strides = array<i32>} : memref<4x8x128xf32, #tpu.memory_space<vmem>>, vector<16xf32>,
      tpu.vector_store %arg12[%parallel_loop3A_520, %parallel_loop3A_521, %parallel_loop3A_522], %parallel_loop3A_518 {strides = array<i32>} : memref<4x8x128xf32, #tpu.memory_space<vmem>>, vector<16xf32>,
      %parallel_loop3A_524 = tpu.vector_load_idx %arg11[%parallel_loop3A_493, %get3A_31] : memref<32x1000xf32, #tpu.memory_space<vmem>>[vector<16xi32>, vector<16xi32>], vector<16xf32>,
      %parallel_loop3A_525 = arith.constant 6 : i32
      %parallel_loop3A_526 = arith.index_cast %parallel_loop3A_149 : i32 to index
      %parallel_loop3A_527 = arith.index_cast %parallel_loop3A_525 : i32 to index
      %parallel_loop3A_528 = arith.constant 80 : index
      %parallel_loop3A_529 = tpu.vector_load %arg12[%parallel_loop3A_526, %parallel_loop3A_527, %parallel_loop3A_528] {strides = array<i32>} : memref<4x8x128xf32, #tpu.memory_space<vmem>>, vector<16xf32>,
      tpu.vector_store %arg12[%parallel_loop3A_526, %parallel_loop3A_527, %parallel_loop3A_528], %parallel_loop3A_524 {strides = array<i32>} : memref<4x8x128xf32, #tpu.memory_space<vmem>>, vector<16xf32>,
      %parallel_loop3A_530 = tpu.vector_load_idx %arg11[%parallel_loop3A_493, %get3A_33] : memref<32x1000xf32, #tpu.memory_space<vmem>>[vector<16xi32>, vector<16xi32>], vector<16xf32>,
      %parallel_loop3A_531 = arith.constant 6 : i32
      %parallel_loop3A_532 = arith.index_cast %parallel_loop3A_149 : i32 to index
      %parallel_loop3A_533 = arith.index_cast %parallel_loop3A_531 : i32 to index
      %parallel_loop3A_534 = arith.constant 96 : index
      %parallel_loop3A_535 = tpu.vector_load %arg12[%parallel_loop3A_532, %parallel_loop3A_533, %parallel_loop3A_534] {strides = array<i32>} : memref<4x8x128xf32, #tpu.memory_space<vmem>>, vector<16xf32>,
      tpu.vector_store %arg12[%parallel_loop3A_532, %parallel_loop3A_533, %parallel_loop3A_534], %parallel_loop3A_530 {strides = array<i32>} : memref<4x8x128xf32, #tpu.memory_space<vmem>>, vector<16xf32>,
      %parallel_loop3A_536 = tpu.vector_load_idx %arg11[%parallel_loop3A_493, %get3A_35] : memref<32x1000xf32, #tpu.memory_space<vmem>>[vector<16xi32>, vector<16xi32>], vector<16xf32>,
      %parallel_loop3A_537 = arith.constant 6 : i32
      %parallel_loop3A_538 = arith.index_cast %parallel_loop3A_149 : i32 to index
      %parallel_loop3A_539 = arith.index_cast %parallel_loop3A_537 : i32 to index
      %parallel_loop3A_540 = arith.constant 112 : index
      %parallel_loop3A_541 = tpu.vector_load %arg12[%parallel_loop3A_538, %parallel_loop3A_539, %parallel_loop3A_540] {strides = array<i32>} : memref<4x8x128xf32, #tpu.memory_space<vmem>>, vector<16xf32>,
      tpu.vector_store %arg12[%parallel_loop3A_538, %parallel_loop3A_539, %parallel_loop3A_540], %parallel_loop3A_536 {strides = array<i32>} : memref<4x8x128xf32, #tpu.memory_space<vmem>>, vector<16xf32>,
      %parallel_loop3A_542 = arith.constant 0 : i32
      %parallel_loop3A_543 = vector.broadcast %parallel_loop3A_542 : i32 to vector<16xi32>
      %parallel_loop3A_544 = arith.constant 8 : i32
      %parallel_loop3A_545 = arith.muli %parallel_loop3A_149, %parallel_loop3A_544 : i32
      %parallel_loop3A_546 = arith.constant 7 : i32
      %parallel_loop3A_547 = arith.addi %parallel_loop3A_545, %parallel_loop3A_546 : i32
      %parallel_loop3A_548 = vector.broadcast %parallel_loop3A_547 : i32 to vector<16xi32>
      %parallel_loop3A_549 = arith.addi %parallel_loop3A_543, %parallel_loop3A_548 : vector<16xi32>
      %parallel_loop3A_550 = tpu.vector_load_idx %arg11[%parallel_loop3A_549, %get3A_21] : memref<32x1000xf32, #tpu.memory_space<vmem>>[vector<16xi32>, vector<16xi32>], vector<16xf32>,
      %parallel_loop3A_551 = arith.constant 7 : i32
      %parallel_loop3A_552 = arith.index_cast %parallel_loop3A_149 : i32 to index
      %parallel_loop3A_553 = arith.index_cast %parallel_loop3A_551 : i32 to index
      %parallel_loop3A_554 = arith.constant 0 : index
      %parallel_loop3A_555 = tpu.vector_load %arg12[%parallel_loop3A_552, %parallel_loop3A_553, %parallel_loop3A_554] {strides = array<i32>} : memref<4x8x128xf32, #tpu.memory_space<vmem>>, vector<16xf32>,
      tpu.vector_store %arg12[%parallel_loop3A_552, %parallel_loop3A_553, %parallel_loop3A_554], %parallel_loop3A_550 {strides = array<i32>} : memref<4x8x128xf32, #tpu.memory_space<vmem>>, vector<16xf32>,
      %parallel_loop3A_556 = tpu.vector_load_idx %arg11[%parallel_loop3A_549, %get3A_23] : memref<32x1000xf32, #tpu.memory_space<vmem>>[vector<16xi32>, vector<16xi32>], vector<16xf32>,
      %parallel_loop3A_557 = arith.constant 7 : i32
      %parallel_loop3A_558 = arith.index_cast %parallel_loop3A_149 : i32 to index
      %parallel_loop3A_559 = arith.index_cast %parallel_loop3A_557 : i32 to index
      %parallel_loop3A_560 = arith.constant 16 : index
      %parallel_loop3A_561 = tpu.vector_load %arg12[%parallel_loop3A_558, %parallel_loop3A_559, %parallel_loop3A_560] {strides = array<i32>} : memref<4x8x128xf32, #tpu.memory_space<vmem>>, vector<16xf32>,
      tpu.vector_store %arg12[%parallel_loop3A_558, %parallel_loop3A_559, %parallel_loop3A_560], %parallel_loop3A_556 {strides = array<i32>} : memref<4x8x128xf32, #tpu.memory_space<vmem>>, vector<16xf32>,
      %parallel_loop3A_562 = tpu.vector_load_idx %arg11[%parallel_loop3A_549, %get3A_25] : memref<32x1000xf32, #tpu.memory_space<vmem>>[vector<16xi32>, vector<16xi32>], vector<16xf32>,
      %parallel_loop3A_563 = arith.constant 7 : i32
      %parallel_loop3A_564 = arith.index_cast %parallel_loop3A_149 : i32 to index
      %parallel_loop3A_565 = arith.index_cast %parallel_loop3A_563 : i32 to index
      %parallel_loop3A_566 = arith.constant 32 : index
      %parallel_loop3A_567 = tpu.vector_load %arg12[%parallel_loop3A_564, %parallel_loop3A_565, %parallel_loop3A_566] {strides = array<i32>} : memref<4x8x128xf32, #tpu.memory_space<vmem>>, vector<16xf32>,
      tpu.vector_store %arg12[%parallel_loop3A_564, %parallel_loop3A_565, %parallel_loop3A_566], %parallel_loop3A_562 {strides = array<i32>} : memref<4x8x128xf32, #tpu.memory_space<vmem>>, vector<16xf32>,
      %parallel_loop3A_568 = tpu.vector_load_idx %arg11[%parallel_loop3A_549, %get3A_27] : memref<32x1000xf32, #tpu.memory_space<vmem>>[vector<16xi32>, vector<16xi32>], vector<16xf32>,
      %parallel_loop3A_569 = arith.constant 7 : i32
      %parallel_loop3A_570 = arith.index_cast %parallel_loop3A_149 : i32 to index
      %parallel_loop3A_571 = arith.index_cast %parallel_loop3A_569 : i32 to index
      %parallel_loop3A_572 = arith.constant 48 : index
      %parallel_loop3A_573 = tpu.vector_load %arg12[%parallel_loop3A_570, %parallel_loop3A_571, %parallel_loop3A_572] {strides = array<i32>} : memref<4x8x128xf32, #tpu.memory_space<vmem>>, vector<16xf32>,
      tpu.vector_store %arg12[%parallel_loop3A_570, %parallel_loop3A_571, %parallel_loop3A_572], %parallel_loop3A_568 {strides = array<i32>} : memref<4x8x128xf32, #tpu.memory_space<vmem>>, vector<16xf32>,
      %parallel_loop3A_574 = tpu.vector_load_idx %arg11[%parallel_loop3A_549, %get3A_29] : memref<32x1000xf32, #tpu.memory_space<vmem>>[vector<16xi32>, vector<16xi32>], vector<16xf32>,
      %parallel_loop3A_575 = arith.constant 7 : i32
      %parallel_loop3A_576 = arith.index_cast %parallel_loop3A_149 : i32 to index
      %parallel_loop3A_577 = arith.index_cast %parallel_loop3A_575 : i32 to index
      %parallel_loop3A_578 = arith.constant 64 : index
      %parallel_loop3A_579 = tpu.vector_load %arg12[%parallel_loop3A_576, %parallel_loop3A_577, %parallel_loop3A_578] {strides = array<i32>} : memref<4x8x128xf32, #tpu.memory_space<vmem>>, vector<16xf32>,
      tpu.vector_store %arg12[%parallel_loop3A_576, %parallel_loop3A_577, %parallel_loop3A_578], %parallel_loop3A_574 {strides = array<i32>} : memref<4x8x128xf32, #tpu.memory_space<vmem>>, vector<16xf32>,
      %parallel_loop3A_580 = tpu.vector_load_idx %arg11[%parallel_loop3A_549, %get3A_31] : memref<32x1000xf32, #tpu.memory_space<vmem>>[vector<16xi32>, vector<16xi32>], vector<16xf32>,
      %parallel_loop3A_581 = arith.constant 7 : i32
      %parallel_loop3A_582 = arith.index_cast %parallel_loop3A_149 : i32 to index
      %parallel_loop3A_583 = arith.index_cast %parallel_loop3A_581 : i32 to index
      %parallel_loop3A_584 = arith.constant 80 : index
      %parallel_loop3A_585 = tpu.vector_load %arg12[%parallel_loop3A_582, %parallel_loop3A_583, %parallel_loop3A_584] {strides = array<i32>} : memref<4x8x128xf32, #tpu.memory_space<vmem>>, vector<16xf32>,
      tpu.vector_store %arg12[%parallel_loop3A_582, %parallel_loop3A_583, %parallel_loop3A_584], %parallel_loop3A_580 {strides = array<i32>} : memref<4x8x128xf32, #tpu.memory_space<vmem>>, vector<16xf32>,
      %parallel_loop3A_586 = tpu.vector_load_idx %arg11[%parallel_loop3A_549, %get3A_33] : memref<32x1000xf32, #tpu.memory_space<vmem>>[vector<16xi32>, vector<16xi32>], vector<16xf32>,
      %parallel_loop3A_587 = arith.constant 7 : i32
      %parallel_loop3A_588 = arith.index_cast %parallel_loop3A_149 : i32 to index
      %parallel_loop3A_589 = arith.index_cast %parallel_loop3A_587 : i32 to index
      %parallel_loop3A_590 = arith.constant 96 : index
      %parallel_loop3A_591 = tpu.vector_load %arg12[%parallel_loop3A_588, %parallel_loop3A_589, %parallel_loop3A_590] {strides = array<i32>} : memref<4x8x128xf32, #tpu.memory_space<vmem>>, vector<16xf32>,
      tpu.vector_store %arg12[%parallel_loop3A_588, %parallel_loop3A_589, %parallel_loop3A_590], %parallel_loop3A_586 {strides = array<i32>} : memref<4x8x128xf32, #tpu.memory_space<vmem>>, vector<16xf32>,
      %parallel_loop3A_592 = tpu.vector_load_idx %arg11[%parallel_loop3A_549, %get3A_35] : memref<32x1000xf32, #tpu.memory_space<vmem>>[vector<16xi32>, vector<16xi32>], vector<16xf32>,
      %parallel_loop3A_593 = arith.constant 7 : i32
      %parallel_loop3A_594 = arith.index_cast %parallel_loop3A_149 : i32 to index
      %parallel_loop3A_595 = arith.index_cast %parallel_loop3A_593 : i32 to index
      %parallel_loop3A_596 = arith.constant 112 : index
      %parallel_loop3A_597 = tpu.vector_load %arg12[%parallel_loop3A_594, %parallel_loop3A_595, %parallel_loop3A_596] {strides = array<i32>} : memref<4x8x128xf32, #tpu.memory_space<vmem>>, vector<16xf32>,
      tpu.vector_store %arg12[%parallel_loop3A_594, %parallel_loop3A_595, %parallel_loop3A_596], %parallel_loop3A_592 {strides = array<i32>} : memref<4x8x128xf32, #tpu.memory_space<vmem>>, vector<16xf32>,
    } {sc.loop_unroll_factor = 4 : i64, sc.parallel_access}
    %dma_start3A = arith.constant 0 : i32
    %dma_start3A_38 = arith.constant 0 : i32
    %dma_start3A_39 = arith.constant 0 : i32
    %dma_start3A_40 = tpu.memref_slice %arg6[%select_n3A, %dma_start3A, %dma_start3A_38, %dma_start3A_39] : memref<125x160x8x128xf32, #tpu.memory_space<hbm>> -> memref<4x1x8x128xf32, #tpu.memory_space<hbm>>
    %dma_start3A_41 = tpu.memref_squeeze %dma_start3A_40 : memref<4x1x8x128xf32, #tpu.memory_space<hbm>> -> memref<4x8x128xf32, #tpu.memory_space<hbm>>
    %dma_start3A_42 = arith.constant 0 : i32
    %dma_start3A_43 = arith.constant 0 : i32
    %dma_start3A_44 = tpu.memref_slice %arg6[%select_n3A, %dma_start3A, %dma_start3A_42, %dma_start3A_43] : memref<125x160x8x128xf32, #tpu.memory_space<hbm>> -> memref<4x1x8x128xf32, #tpu.memory_space<hbm>>
    %dma_start3A_45 = tpu.memref_squeeze %dma_start3A_44 : memref<4x1x8x128xf32, #tpu.memory_space<hbm>> -> memref<4x8x128xf32, #tpu.memory_space<hbm>>
    tpu.enqueue_dma source(%arg12 : memref<4x8x128xf32, #tpu.memory_space<vmem>>) target(%dma_start3A_45 : memref<4x8x128xf32, #tpu.memory_space<hbm>>) target_semaphore(%arg15 : memref<!tpu.dma_semaphore, #tpu.memory_space<semaphore_mem>>)
    %get3A_46 = arith.constant 128 : index
    %get3A_47 = tpu.vector_load %arg8[%get3A_46] {strides = array<i32>} : memref<20480xi32, #tpu.memory_space<vmem>>, vector<16xi32>,
    %get3A_48 = arith.constant 144 : index
    %get3A_49 = tpu.vector_load %arg8[%get3A_48] {strides = array<i32>} : memref<20480xi32, #tpu.memory_space<vmem>>, vector<16xi32>,
    %get3A_50 = arith.constant 160 : index
    %get3A_51 = tpu.vector_load %arg8[%get3A_50] {strides = array<i32>} : memref<20480xi32, #tpu.memory_space<vmem>>, vector<16xi32>,
    %get3A_52 = arith.constant 176 : index
    %get3A_53 = tpu.vector_load %arg8[%get3A_52] {strides = array<i32>} : memref<20480xi32, #tpu.memory_space<vmem>>, vector<16xi32>,
    %get3A_54 = arith.constant 192 : index
    %get3A_55 = tpu.vector_load %arg8[%get3A_54] {strides = array<i32>} : memref<20480xi32, #tpu.memory_space<vmem>>, vector<16xi32>,
    %get3A_56 = arith.constant 208 : index
    %get3A_57 = tpu.vector_load %arg8[%get3A_56] {strides = array<i32>} : memref<20480xi32, #tpu.memory_space<vmem>>, vector<16xi32>,
    %get3A_58 = arith.constant 224 : index
    %get3A_59 = tpu.vector_load %arg8[%get3A_58] {strides = array<i32>} : memref<20480xi32, #tpu.memory_space<vmem>>, vector<16xi32>,
    %get3A_60 = arith.constant 240 : index
    %get3A_61 = tpu.vector_load %arg8[%get3A_60] {strides = array<i32>} : memref<20480xi32, #tpu.memory_space<vmem>>, vector<16xi32>,
    %parallel_loop3A_62 = arith.constant 0 : i32
    %parallel_loop3A_63 = arith.constant 4 : i32
    %parallel_loop3A_64 = arith.constant 1 : i32
    scf.for %parallel_loop3A_149 = %parallel_loop3A_62 to %parallel_loop3A_63 step %parallel_loop3A_64  : i32 {
      %parallel_loop3A_150 = arith.constant 0 : i32
      %parallel_loop3A_151 = vector.broadcast %parallel_loop3A_150 : i32 to vector<16xi32>
      %parallel_loop3A_152 = arith.constant 8 : i32
      %parallel_loop3A_153 = arith.muli %parallel_loop3A_149, %parallel_loop3A_152 : i32
      %parallel_loop3A_154 = arith.constant 0 : i32
      %parallel_loop3A_155 = arith.addi %parallel_loop3A_153, %parallel_loop3A_154 : i32
      %parallel_loop3A_156 = vector.broadcast %parallel_loop3A_155 : i32 to vector<16xi32>
      %parallel_loop3A_157 = arith.addi %parallel_loop3A_151, %parallel_loop3A_156 : vector<16xi32>
      %parallel_loop3A_158 = tpu.vector_load_idx %arg11[%parallel_loop3A_157, %get3A_47] : memref<32x1000xf32, #tpu.memory_space<vmem>>[vector<16xi32>, vector<16xi32>], vector<16xf32>,
      %parallel_loop3A_159 = arith.constant 0 : i32
      %parallel_loop3A_160 = arith.index_cast %parallel_loop3A_149 : i32 to index
      %parallel_loop3A_161 = arith.index_cast %parallel_loop3A_159 : i32 to index
      %parallel_loop3A_162 = arith.constant 0 : index
      %parallel_loop3A_163 = tpu.vector_load %arg13[%parallel_loop3A_160, %parallel_loop3A_161, %parallel_loop3A_162] {strides = array<i32>} : memref<4x8x128xf32, #tpu.memory_space<vmem>>, vector<16xf32>,
      tpu.vector_store %arg13[%parallel_loop3A_160, %parallel_loop3A_161, %parallel_loop3A_162], %parallel_loop3A_158 {strides = array<i32>} : memref<4x8x128xf32, #tpu.memory_space<vmem>>, vector<16xf32>,
      %parallel_loop3A_164 = tpu.vector_load_idx %arg11[%parallel_loop3A_157, %get3A_49] : memref<32x1000xf32, #tpu.memory_space<vmem>>[vector<16xi32>, vector<16xi32>], vector<16xf32>,
      %parallel_loop3A_165 = arith.constant 0 : i32
      %parallel_loop3A_166 = arith.index_cast %parallel_loop3A_149 : i32 to index
      %parallel_loop3A_167 = arith.index_cast %parallel_loop3A_165 : i32 to index
      %parallel_loop3A_168 = arith.constant 16 : index
      %parallel_loop3A_169 = tpu.vector_load %arg13[%parallel_loop3A_166, %parallel_loop3A_167, %parallel_loop3A_168] {strides = array<i32>} : memref<4x8x128xf32, #tpu.memory_space<vmem>>, vector<16xf32>,
      tpu.vector_store %arg13[%parallel_loop3A_166, %parallel_loop3A_167, %parallel_loop3A_168], %parallel_loop3A_164 {strides = array<i32>} : memref<4x8x128xf32, #tpu.memory_space<vmem>>, vector<16xf32>,
      %parallel_loop3A_170 = tpu.vector_load_idx %arg11[%parallel_loop3A_157, %get3A_51] : memref<32x1000xf32, #tpu.memory_space<vmem>>[vector<16xi32>, vector<16xi32>], vector<16xf32>,
      %parallel_loop3A_171 = arith.constant 0 : i32
      %parallel_loop3A_172 = arith.index_cast %parallel_loop3A_149 : i32 to index
      %parallel_loop3A_173 = arith.index_cast %parallel_loop3A_171 : i32 to index
      %parallel_loop3A_174 = arith.constant 32 : index
      %parallel_loop3A_175 = tpu.vector_load %arg13[%parallel_loop3A_172, %parallel_loop3A_173, %parallel_loop3A_174] {strides = array<i32>} : memref<4x8x128xf32, #tpu.memory_space<vmem>>, vector<16xf32>,
      tpu.vector_store %arg13[%parallel_loop3A_172, %parallel_loop3A_173, %parallel_loop3A_174], %parallel_loop3A_170 {strides = array<i32>} : memref<4x8x128xf32, #tpu.memory_space<vmem>>, vector<16xf32>,
      %parallel_loop3A_176 = tpu.vector_load_idx %arg11[%parallel_loop3A_157, %get3A_53] : memref<32x1000xf32, #tpu.memory_space<vmem>>[vector<16xi32>, vector<16xi32>], vector<16xf32>,
      %parallel_loop3A_177 = arith.constant 0 : i32
      %parallel_loop3A_178 = arith.index_cast %parallel_loop3A_149 : i32 to index
      %parallel_loop3A_179 = arith.index_cast %parallel_loop3A_177 : i32 to index
      %parallel_loop3A_180 = arith.constant 48 : index
      %parallel_loop3A_181 = tpu.vector_load %arg13[%parallel_loop3A_178, %parallel_loop3A_179, %parallel_loop3A_180] {strides = array<i32>} : memref<4x8x128xf32, #tpu.memory_space<vmem>>, vector<16xf32>,
      tpu.vector_store %arg13[%parallel_loop3A_178, %parallel_loop3A_179, %parallel_loop3A_180], %parallel_loop3A_176 {strides = array<i32>} : memref<4x8x128xf32, #tpu.memory_space<vmem>>, vector<16xf32>,
      %parallel_loop3A_182 = tpu.vector_load_idx %arg11[%parallel_loop3A_157, %get3A_55] : memref<32x1000xf32, #tpu.memory_space<vmem>>[vector<16xi32>, vector<16xi32>], vector<16xf32>,
      %parallel_loop3A_183 = arith.constant 0 : i32
      %parallel_loop3A_184 = arith.index_cast %parallel_loop3A_149 : i32 to index
      %parallel_loop3A_185 = arith.index_cast %parallel_loop3A_183 : i32 to index
      %parallel_loop3A_186 = arith.constant 64 : index
      %parallel_loop3A_187 = tpu.vector_load %arg13[%parallel_loop3A_184, %parallel_loop3A_185, %parallel_loop3A_186] {strides = array<i32>} : memref<4x8x128xf32, #tpu.memory_space<vmem>>, vector<16xf32>,
      tpu.vector_store %arg13[%parallel_loop3A_184, %parallel_loop3A_185, %parallel_loop3A_186], %parallel_loop3A_182 {strides = array<i32>} : memref<4x8x128xf32, #tpu.memory_space<vmem>>, vector<16xf32>,
      %parallel_loop3A_188 = tpu.vector_load_idx %arg11[%parallel_loop3A_157, %get3A_57] : memref<32x1000xf32, #tpu.memory_space<vmem>>[vector<16xi32>, vector<16xi32>], vector<16xf32>,
      %parallel_loop3A_189 = arith.constant 0 : i32
      %parallel_loop3A_190 = arith.index_cast %parallel_loop3A_149 : i32 to index
      %parallel_loop3A_191 = arith.index_cast %parallel_loop3A_189 : i32 to index
      %parallel_loop3A_192 = arith.constant 80 : index
      %parallel_loop3A_193 = tpu.vector_load %arg13[%parallel_loop3A_190, %parallel_loop3A_191, %parallel_loop3A_192] {strides = array<i32>} : memref<4x8x128xf32, #tpu.memory_space<vmem>>, vector<16xf32>,
      tpu.vector_store %arg13[%parallel_loop3A_190, %parallel_loop3A_191, %parallel_loop3A_192], %parallel_loop3A_188 {strides = array<i32>} : memref<4x8x128xf32, #tpu.memory_space<vmem>>, vector<16xf32>,
      %parallel_loop3A_194 = tpu.vector_load_idx %arg11[%parallel_loop3A_157, %get3A_59] : memref<32x1000xf32, #tpu.memory_space<vmem>>[vector<16xi32>, vector<16xi32>], vector<16xf32>,
      %parallel_loop3A_195 = arith.constant 0 : i32
      %parallel_loop3A_196 = arith.index_cast %parallel_loop3A_149 : i32 to index
      %parallel_loop3A_197 = arith.index_cast %parallel_loop3A_195 : i32 to index
      %parallel_loop3A_198 = arith.constant 96 : index
      %parallel_loop3A_199 = tpu.vector_load %arg13[%parallel_loop3A_196, %parallel_loop3A_197, %parallel_loop3A_198] {strides = array<i32>} : memref<4x8x128xf32, #tpu.memory_space<vmem>>, vector<16xf32>,
      tpu.vector_store %arg13[%parallel_loop3A_196, %parallel_loop3A_197, %parallel_loop3A_198], %parallel_loop3A_194 {strides = array<i32>} : memref<4x8x128xf32, #tpu.memory_space<vmem>>, vector<16xf32>,
      %parallel_loop3A_200 = tpu.vector_load_idx %arg11[%parallel_loop3A_157, %get3A_61] : memref<32x1000xf32, #tpu.memory_space<vmem>>[vector<16xi32>, vector<16xi32>], vector<16xf32>,
      %parallel_loop3A_201 = arith.constant 0 : i32
      %parallel_loop3A_202 = arith.index_cast %parallel_loop3A_149 : i32 to index
      %parallel_loop3A_203 = arith.index_cast %parallel_loop3A_201 : i32 to index
      %parallel_loop3A_204 = arith.constant 112 : index
      %parallel_loop3A_205 = tpu.vector_load %arg13[%parallel_loop3A_202, %parallel_loop3A_203, %parallel_loop3A_204] {strides = array<i32>} : memref<4x8x128xf32, #tpu.memory_space<vmem>>, vector<16xf32>,
      tpu.vector_store %arg13[%parallel_loop3A_202, %parallel_loop3A_203, %parallel_loop3A_204], %parallel_loop3A_200 {strides = array<i32>} : memref<4x8x128xf32, #tpu.memory_space<vmem>>, vector<16xf32>,
      %parallel_loop3A_206 = arith.constant 0 : i32
      %parallel_loop3A_207 = vector.broadcast %parallel_loop3A_206 : i32 to vector<16xi32>
      %parallel_loop3A_208 = arith.constant 8 : i32
      %parallel_loop3A_209 = arith.muli %parallel_loop3A_149, %parallel_loop3A_208 : i32
      %parallel_loop3A_210 = arith.constant 1 : i32
      %parallel_loop3A_211 = arith.addi %parallel_loop3A_209, %parallel_loop3A_210 : i32
      %parallel_loop3A_212 = vector.broadcast %parallel_loop3A_211 : i32 to vector<16xi32>
      %parallel_loop3A_213 = arith.addi %parallel_loop3A_207, %parallel_loop3A_212 : vector<16xi32>
      %parallel_loop3A_214 = tpu.vector_load_idx %arg11[%parallel_loop3A_213, %get3A_47] : memref<32x1000xf32, #tpu.memory_space<vmem>>[vector<16xi32>, vector<16xi32>], vector<16xf32>,
      %parallel_loop3A_215 = arith.constant 1 : i32
      %parallel_loop3A_216 = arith.index_cast %parallel_loop3A_149 : i32 to index
      %parallel_loop3A_217 = arith.index_cast %parallel_loop3A_215 : i32 to index
      %parallel_loop3A_218 = arith.constant 0 : index
      %parallel_loop3A_219 = tpu.vector_load %arg13[%parallel_loop3A_216, %parallel_loop3A_217, %parallel_loop3A_218] {strides = array<i32>} : memref<4x8x128xf32, #tpu.memory_space<vmem>>, vector<16xf32>,
      tpu.vector_store %arg13[%parallel_loop3A_216, %parallel_loop3A_217, %parallel_loop3A_218], %parallel_loop3A_214 {strides = array<i32>} : memref<4x8x128xf32, #tpu.memory_space<vmem>>, vector<16xf32>,
      %parallel_loop3A_220 = tpu.vector_load_idx %arg11[%parallel_loop3A_213, %get3A_49] : memref<32x1000xf32, #tpu.memory_space<vmem>>[vector<16xi32>, vector<16xi32>], vector<16xf32>,
      %parallel_loop3A_221 = arith.constant 1 : i32
      %parallel_loop3A_222 = arith.index_cast %parallel_loop3A_149 : i32 to index
      %parallel_loop3A_223 = arith.index_cast %parallel_loop3A_221 : i32 to index
      %parallel_loop3A_224 = arith.constant 16 : index
      %parallel_loop3A_225 = tpu.vector_load %arg13[%parallel_loop3A_222, %parallel_loop3A_223, %parallel_loop3A_224] {strides = array<i32>} : memref<4x8x128xf32, #tpu.memory_space<vmem>>, vector<16xf32>,
      tpu.vector_store %arg13[%parallel_loop3A_222, %parallel_loop3A_223, %parallel_loop3A_224], %parallel_loop3A_220 {strides = array<i32>} : memref<4x8x128xf32, #tpu.memory_space<vmem>>, vector<16xf32>,
      %parallel_loop3A_226 = tpu.vector_load_idx %arg11[%parallel_loop3A_213, %get3A_51] : memref<32x1000xf32, #tpu.memory_space<vmem>>[vector<16xi32>, vector<16xi32>], vector<16xf32>,
      %parallel_loop3A_227 = arith.constant 1 : i32
      %parallel_loop3A_228 = arith.index_cast %parallel_loop3A_149 : i32 to index
      %parallel_loop3A_229 = arith.index_cast %parallel_loop3A_227 : i32 to index
      %parallel_loop3A_230 = arith.constant 32 : index
      %parallel_loop3A_231 = tpu.vector_load %arg13[%parallel_loop3A_228, %parallel_loop3A_229, %parallel_loop3A_230] {strides = array<i32>} : memref<4x8x128xf32, #tpu.memory_space<vmem>>, vector<16xf32>,
      tpu.vector_store %arg13[%parallel_loop3A_228, %parallel_loop3A_229, %parallel_loop3A_230], %parallel_loop3A_226 {strides = array<i32>} : memref<4x8x128xf32, #tpu.memory_space<vmem>>, vector<16xf32>,
      %parallel_loop3A_232 = tpu.vector_load_idx %arg11[%parallel_loop3A_213, %get3A_53] : memref<32x1000xf32, #tpu.memory_space<vmem>>[vector<16xi32>, vector<16xi32>], vector<16xf32>,
      %parallel_loop3A_233 = arith.constant 1 : i32
      %parallel_loop3A_234 = arith.index_cast %parallel_loop3A_149 : i32 to index
      %parallel_loop3A_235 = arith.index_cast %parallel_loop3A_233 : i32 to index
      %parallel_loop3A_236 = arith.constant 48 : index
      %parallel_loop3A_237 = tpu.vector_load %arg13[%parallel_loop3A_234, %parallel_loop3A_235, %parallel_loop3A_236] {strides = array<i32>} : memref<4x8x128xf32, #tpu.memory_space<vmem>>, vector<16xf32>,
      tpu.vector_store %arg13[%parallel_loop3A_234, %parallel_loop3A_235, %parallel_loop3A_236], %parallel_loop3A_232 {strides = array<i32>} : memref<4x8x128xf32, #tpu.memory_space<vmem>>, vector<16xf32>,
      %parallel_loop3A_238 = tpu.vector_load_idx %arg11[%parallel_loop3A_213, %get3A_55] : memref<32x1000xf32, #tpu.memory_space<vmem>>[vector<16xi32>, vector<16xi32>], vector<16xf32>,
      %parallel_loop3A_239 = arith.constant 1 : i32
      %parallel_loop3A_240 = arith.index_cast %parallel_loop3A_149 : i32 to index
      %parallel_loop3A_241 = arith.index_cast %parallel_loop3A_239 : i32 to index
      %parallel_loop3A_242 = arith.constant 64 : index
      %parallel_loop3A_243 = tpu.vector_load %arg13[%parallel_loop3A_240, %parallel_loop3A_241, %parallel_loop3A_242] {strides = array<i32>} : memref<4x8x128xf32, #tpu.memory_space<vmem>>, vector<16xf32>,
      tpu.vector_store %arg13[%parallel_loop3A_240, %parallel_loop3A_241, %parallel_loop3A_242], %parallel_loop3A_238 {strides = array<i32>} : memref<4x8x128xf32, #tpu.memory_space<vmem>>, vector<16xf32>,
      %parallel_loop3A_244 = tpu.vector_load_idx %arg11[%parallel_loop3A_213, %get3A_57] : memref<32x1000xf32, #tpu.memory_space<vmem>>[vector<16xi32>, vector<16xi32>], vector<16xf32>,
      %parallel_loop3A_245 = arith.constant 1 : i32
      %parallel_loop3A_246 = arith.index_cast %parallel_loop3A_149 : i32 to index
      %parallel_loop3A_247 = arith.index_cast %parallel_loop3A_245 : i32 to index
      %parallel_loop3A_248 = arith.constant 80 : index
      %parallel_loop3A_249 = tpu.vector_load %arg13[%parallel_loop3A_246, %parallel_loop3A_247, %parallel_loop3A_248] {strides = array<i32>} : memref<4x8x128xf32, #tpu.memory_space<vmem>>, vector<16xf32>,
      tpu.vector_store %arg13[%parallel_loop3A_246, %parallel_loop3A_247, %parallel_loop3A_248], %parallel_loop3A_244 {strides = array<i32>} : memref<4x8x128xf32, #tpu.memory_space<vmem>>, vector<16xf32>,
      %parallel_loop3A_250 = tpu.vector_load_idx %arg11[%parallel_loop3A_213, %get3A_59] : memref<32x1000xf32, #tpu.memory_space<vmem>>[vector<16xi32>, vector<16xi32>], vector<16xf32>,
      %parallel_loop3A_251 = arith.constant 1 : i32
      %parallel_loop3A_252 = arith.index_cast %parallel_loop3A_149 : i32 to index
      %parallel_loop3A_253 = arith.index_cast %parallel_loop3A_251 : i32 to index
      %parallel_loop3A_254 = arith.constant 96 : index
      %parallel_loop3A_255 = tpu.vector_load %arg13[%parallel_loop3A_252, %parallel_loop3A_253, %parallel_loop3A_254] {strides = array<i32>} : memref<4x8x128xf32, #tpu.memory_space<vmem>>, vector<16xf32>,
      tpu.vector_store %arg13[%parallel_loop3A_252, %parallel_loop3A_253, %parallel_loop3A_254], %parallel_loop3A_250 {strides = array<i32>} : memref<4x8x128xf32, #tpu.memory_space<vmem>>, vector<16xf32>,
      %parallel_loop3A_256 = tpu.vector_load_idx %arg11[%parallel_loop3A_213, %get3A_61] : memref<32x1000xf32, #tpu.memory_space<vmem>>[vector<16xi32>, vector<16xi32>], vector<16xf32>,
      %parallel_loop3A_257 = arith.constant 1 : i32
      %parallel_loop3A_258 = arith.index_cast %parallel_loop3A_149 : i32 to index
      %parallel_loop3A_259 = arith.index_cast %parallel_loop3A_257 : i32 to index
      %parallel_loop3A_260 = arith.constant 112 : index
      %parallel_loop3A_261 = tpu.vector_load %arg13[%parallel_loop3A_258, %parallel_loop3A_259, %parallel_loop3A_260] {strides = array<i32>} : memref<4x8x128xf32, #tpu.memory_space<vmem>>, vector<16xf32>,
      tpu.vector_store %arg13[%parallel_loop3A_258, %parallel_loop3A_259, %parallel_loop3A_260], %parallel_loop3A_256 {strides = array<i32>} : memref<4x8x128xf32, #tpu.memory_space<vmem>>, vector<16xf32>,
      %parallel_loop3A_262 = arith.constant 0 : i32
      %parallel_loop3A_263 = vector.broadcast %parallel_loop3A_262 : i32 to vector<16xi32>
      %parallel_loop3A_264 = arith.constant 8 : i32
      %parallel_loop3A_265 = arith.muli %parallel_loop3A_149, %parallel_loop3A_264 : i32
      %parallel_loop3A_266 = arith.constant 2 : i32
      %parallel_loop3A_267 = arith.addi %parallel_loop3A_265, %parallel_loop3A_266 : i32
      %parallel_loop3A_268 = vector.broadcast %parallel_loop3A_267 : i32 to vector<16xi32>
      %parallel_loop3A_269 = arith.addi %parallel_loop3A_263, %parallel_loop3A_268 : vector<16xi32>
      %parallel_loop3A_270 = tpu.vector_load_idx %arg11[%parallel_loop3A_269, %get3A_47] : memref<32x1000xf32, #tpu.memory_space<vmem>>[vector<16xi32>, vector<16xi32>], vector<16xf32>,
      %parallel_loop3A_271 = arith.constant 2 : i32
      %parallel_loop3A_272 = arith.index_cast %parallel_loop3A_149 : i32 to index
      %parallel_loop3A_273 = arith.index_cast %parallel_loop3A_271 : i32 to index
      %parallel_loop3A_274 = arith.constant 0 : index
      %parallel_loop3A_275 = tpu.vector_load %arg13[%parallel_loop3A_272, %parallel_loop3A_273, %parallel_loop3A_274] {strides = array<i32>} : memref<4x8x128xf32, #tpu.memory_space<vmem>>, vector<16xf32>,
      tpu.vector_store %arg13[%parallel_loop3A_272, %parallel_loop3A_273, %parallel_loop3A_274], %parallel_loop3A_270 {strides = array<i32>} : memref<4x8x128xf32, #tpu.memory_space<vmem>>, vector<16xf32>,
      %parallel_loop3A_276 = tpu.vector_load_idx %arg11[%parallel_loop3A_269, %get3A_49] : memref<32x1000xf32, #tpu.memory_space<vmem>>[vector<16xi32>, vector<16xi32>], vector<16xf32>,
      %parallel_loop3A_277 = arith.constant 2 : i32
      %parallel_loop3A_278 = arith.index_cast %parallel_loop3A_149 : i32 to index
      %parallel_loop3A_279 = arith.index_cast %parallel_loop3A_277 : i32 to index
      %parallel_loop3A_280 = arith.constant 16 : index
      %parallel_loop3A_281 = tpu.vector_load %arg13[%parallel_loop3A_278, %parallel_loop3A_279, %parallel_loop3A_280] {strides = array<i32>} : memref<4x8x128xf32, #tpu.memory_space<vmem>>, vector<16xf32>,
      tpu.vector_store %arg13[%parallel_loop3A_278, %parallel_loop3A_279, %parallel_loop3A_280], %parallel_loop3A_276 {strides = array<i32>} : memref<4x8x128xf32, #tpu.memory_space<vmem>>, vector<16xf32>,
      %parallel_loop3A_282 = tpu.vector_load_idx %arg11[%parallel_loop3A_269, %get3A_51] : memref<32x1000xf32, #tpu.memory_space<vmem>>[vector<16xi32>, vector<16xi32>], vector<16xf32>,
      %parallel_loop3A_283 = arith.constant 2 : i32
      %parallel_loop3A_284 = arith.index_cast %parallel_loop3A_149 : i32 to index
      %parallel_loop3A_285 = arith.index_cast %parallel_loop3A_283 : i32 to index
      %parallel_loop3A_286 = arith.constant 32 : index
      %parallel_loop3A_287 = tpu.vector_load %arg13[%parallel_loop3A_284, %parallel_loop3A_285, %parallel_loop3A_286] {strides = array<i32>} : memref<4x8x128xf32, #tpu.memory_space<vmem>>, vector<16xf32>,
      tpu.vector_store %arg13[%parallel_loop3A_284, %parallel_loop3A_285, %parallel_loop3A_286], %parallel_loop3A_282 {strides = array<i32>} : memref<4x8x128xf32, #tpu.memory_space<vmem>>, vector<16xf32>,
      %parallel_loop3A_288 = tpu.vector_load_idx %arg11[%parallel_loop3A_269, %get3A_53] : memref<32x1000xf32, #tpu.memory_space<vmem>>[vector<16xi32>, vector<16xi32>], vector<16xf32>,
      %parallel_loop3A_289 = arith.constant 2 : i32
      %parallel_loop3A_290 = arith.index_cast %parallel_loop3A_149 : i32 to index
      %parallel_loop3A_291 = arith.index_cast %parallel_loop3A_289 : i32 to index
      %parallel_loop3A_292 = arith.constant 48 : index
      %parallel_loop3A_293 = tpu.vector_load %arg13[%parallel_loop3A_290, %parallel_loop3A_291, %parallel_loop3A_292] {strides = array<i32>} : memref<4x8x128xf32, #tpu.memory_space<vmem>>, vector<16xf32>,
      tpu.vector_store %arg13[%parallel_loop3A_290, %parallel_loop3A_291, %parallel_loop3A_292], %parallel_loop3A_288 {strides = array<i32>} : memref<4x8x128xf32, #tpu.memory_space<vmem>>, vector<16xf32>,
      %parallel_loop3A_294 = tpu.vector_load_idx %arg11[%parallel_loop3A_269, %get3A_55] : memref<32x1000xf32, #tpu.memory_space<vmem>>[vector<16xi32>, vector<16xi32>], vector<16xf32>,
      %parallel_loop3A_295 = arith.constant 2 : i32
      %parallel_loop3A_296 = arith.index_cast %parallel_loop3A_149 : i32 to index
      %parallel_loop3A_297 = arith.index_cast %parallel_loop3A_295 : i32 to index
      %parallel_loop3A_298 = arith.constant 64 : index
      %parallel_loop3A_299 = tpu.vector_load %arg13[%parallel_loop3A_296, %parallel_loop3A_297, %parallel_loop3A_298] {strides = array<i32>} : memref<4x8x128xf32, #tpu.memory_space<vmem>>, vector<16xf32>,
      tpu.vector_store %arg13[%parallel_loop3A_296, %parallel_loop3A_297, %parallel_loop3A_298], %parallel_loop3A_294 {strides = array<i32>} : memref<4x8x128xf32, #tpu.memory_space<vmem>>, vector<16xf32>,
      %parallel_loop3A_300 = tpu.vector_load_idx %arg11[%parallel_loop3A_269, %get3A_57] : memref<32x1000xf32, #tpu.memory_space<vmem>>[vector<16xi32>, vector<16xi32>], vector<16xf32>,
      %parallel_loop3A_301 = arith.constant 2 : i32
      %parallel_loop3A_302 = arith.index_cast %parallel_loop3A_149 : i32 to index
      %parallel_loop3A_303 = arith.index_cast %parallel_loop3A_301 : i32 to index
      %parallel_loop3A_304 = arith.constant 80 : index
      %parallel_loop3A_305 = tpu.vector_load %arg13[%parallel_loop3A_302, %parallel_loop3A_303, %parallel_loop3A_304] {strides = array<i32>} : memref<4x8x128xf32, #tpu.memory_space<vmem>>, vector<16xf32>,
      tpu.vector_store %arg13[%parallel_loop3A_302, %parallel_loop3A_303, %parallel_loop3A_304], %parallel_loop3A_300 {strides = array<i32>} : memref<4x8x128xf32, #tpu.memory_space<vmem>>, vector<16xf32>,
      %parallel_loop3A_306 = tpu.vector_load_idx %arg11[%parallel_loop3A_269, %get3A_59] : memref<32x1000xf32, #tpu.memory_space<vmem>>[vector<16xi32>, vector<16xi32>], vector<16xf32>,
      %parallel_loop3A_307 = arith.constant 2 : i32
      %parallel_loop3A_308 = arith.index_cast %parallel_loop3A_149 : i32 to index
      %parallel_loop3A_309 = arith.index_cast %parallel_loop3A_307 : i32 to index
      %parallel_loop3A_310 = arith.constant 96 : index
      %parallel_loop3A_311 = tpu.vector_load %arg13[%parallel_loop3A_308, %parallel_loop3A_309, %parallel_loop3A_310] {strides = array<i32>} : memref<4x8x128xf32, #tpu.memory_space<vmem>>, vector<16xf32>,
      tpu.vector_store %arg13[%parallel_loop3A_308, %parallel_loop3A_309, %parallel_loop3A_310], %parallel_loop3A_306 {strides = array<i32>} : memref<4x8x128xf32, #tpu.memory_space<vmem>>, vector<16xf32>,
      %parallel_loop3A_312 = tpu.vector_load_idx %arg11[%parallel_loop3A_269, %get3A_61] : memref<32x1000xf32, #tpu.memory_space<vmem>>[vector<16xi32>, vector<16xi32>], vector<16xf32>,
      %parallel_loop3A_313 = arith.constant 2 : i32
      %parallel_loop3A_314 = arith.index_cast %parallel_loop3A_149 : i32 to index
      %parallel_loop3A_315 = arith.index_cast %parallel_loop3A_313 : i32 to index
      %parallel_loop3A_316 = arith.constant 112 : index
      %parallel_loop3A_317 = tpu.vector_load %arg13[%parallel_loop3A_314, %parallel_loop3A_315, %parallel_loop3A_316] {strides = array<i32>} : memref<4x8x128xf32, #tpu.memory_space<vmem>>, vector<16xf32>,
      tpu.vector_store %arg13[%parallel_loop3A_314, %parallel_loop3A_315, %parallel_loop3A_316], %parallel_loop3A_312 {strides = array<i32>} : memref<4x8x128xf32, #tpu.memory_space<vmem>>, vector<16xf32>,
      %parallel_loop3A_318 = arith.constant 0 : i32
      %parallel_loop3A_319 = vector.broadcast %parallel_loop3A_318 : i32 to vector<16xi32>
      %parallel_loop3A_320 = arith.constant 8 : i32
      %parallel_loop3A_321 = arith.muli %parallel_loop3A_149, %parallel_loop3A_320 : i32
      %parallel_loop3A_322 = arith.constant 3 : i32
      %parallel_loop3A_323 = arith.addi %parallel_loop3A_321, %parallel_loop3A_322 : i32
      %parallel_loop3A_324 = vector.broadcast %parallel_loop3A_323 : i32 to vector<16xi32>
      %parallel_loop3A_325 = arith.addi %parallel_loop3A_319, %parallel_loop3A_324 : vector<16xi32>
      %parallel_loop3A_326 = tpu.vector_load_idx %arg11[%parallel_loop3A_325, %get3A_47] : memref<32x1000xf32, #tpu.memory_space<vmem>>[vector<16xi32>, vector<16xi32>], vector<16xf32>,
      %parallel_loop3A_327 = arith.constant 3 : i32
      %parallel_loop3A_328 = arith.index_cast %parallel_loop3A_149 : i32 to index
      %parallel_loop3A_329 = arith.index_cast %parallel_loop3A_327 : i32 to index
      %parallel_loop3A_330 = arith.constant 0 : index
      %parallel_loop3A_331 = tpu.vector_load %arg13[%parallel_loop3A_328, %parallel_loop3A_329, %parallel_loop3A_330] {strides = array<i32>} : memref<4x8x128xf32, #tpu.memory_space<vmem>>, vector<16xf32>,
      tpu.vector_store %arg13[%parallel_loop3A_328, %parallel_loop3A_329, %parallel_loop3A_330], %parallel_loop3A_326 {strides = array<i32>} : memref<4x8x128xf32, #tpu.memory_space<vmem>>, vector<16xf32>,
      %parallel_loop3A_332 = tpu.vector_load_idx %arg11[%parallel_loop3A_325, %get3A_49] : memref<32x1000xf32, #tpu.memory_space<vmem>>[vector<16xi32>, vector<16xi32>], vector<16xf32>,
      %parallel_loop3A_333 = arith.constant 3 : i32
      %parallel_loop3A_334 = arith.index_cast %parallel_loop3A_149 : i32 to index
      %parallel_loop3A_335 = arith.index_cast %parallel_loop3A_333 : i32 to index
      %parallel_loop3A_336 = arith.constant 16 : index
      %parallel_loop3A_337 = tpu.vector_load %arg13[%parallel_loop3A_334, %parallel_loop3A_335, %parallel_loop3A_336] {strides = array<i32>} : memref<4x8x128xf32, #tpu.memory_space<vmem>>, vector<16xf32>,
      tpu.vector_store %arg13[%parallel_loop3A_334, %parallel_loop3A_335, %parallel_loop3A_336], %parallel_loop3A_332 {strides = array<i32>} : memref<4x8x128xf32, #tpu.memory_space<vmem>>, vector<16xf32>,
      %parallel_loop3A_338 = tpu.vector_load_idx %arg11[%parallel_loop3A_325, %get3A_51] : memref<32x1000xf32, #tpu.memory_space<vmem>>[vector<16xi32>, vector<16xi32>], vector<16xf32>,
      %parallel_loop3A_339 = arith.constant 3 : i32
      %parallel_loop3A_340 = arith.index_cast %parallel_loop3A_149 : i32 to index
      %parallel_loop3A_341 = arith.index_cast %parallel_loop3A_339 : i32 to index
      %parallel_loop3A_342 = arith.constant 32 : index
      %parallel_loop3A_343 = tpu.vector_load %arg13[%parallel_loop3A_340, %parallel_loop3A_341, %parallel_loop3A_342] {strides = array<i32>} : memref<4x8x128xf32, #tpu.memory_space<vmem>>, vector<16xf32>,
      tpu.vector_store %arg13[%parallel_loop3A_340, %parallel_loop3A_341, %parallel_loop3A_342], %parallel_loop3A_338 {strides = array<i32>} : memref<4x8x128xf32, #tpu.memory_space<vmem>>, vector<16xf32>,
      %parallel_loop3A_344 = tpu.vector_load_idx %arg11[%parallel_loop3A_325, %get3A_53] : memref<32x1000xf32, #tpu.memory_space<vmem>>[vector<16xi32>, vector<16xi32>], vector<16xf32>,
      %parallel_loop3A_345 = arith.constant 3 : i32
      %parallel_loop3A_346 = arith.index_cast %parallel_loop3A_149 : i32 to index
      %parallel_loop3A_347 = arith.index_cast %parallel_loop3A_345 : i32 to index
      %parallel_loop3A_348 = arith.constant 48 : index
      %parallel_loop3A_349 = tpu.vector_load %arg13[%parallel_loop3A_346, %parallel_loop3A_347, %parallel_loop3A_348] {strides = array<i32>} : memref<4x8x128xf32, #tpu.memory_space<vmem>>, vector<16xf32>,
      tpu.vector_store %arg13[%parallel_loop3A_346, %parallel_loop3A_347, %parallel_loop3A_348], %parallel_loop3A_344 {strides = array<i32>} : memref<4x8x128xf32, #tpu.memory_space<vmem>>, vector<16xf32>,
      %parallel_loop3A_350 = tpu.vector_load_idx %arg11[%parallel_loop3A_325, %get3A_55] : memref<32x1000xf32, #tpu.memory_space<vmem>>[vector<16xi32>, vector<16xi32>], vector<16xf32>,
      %parallel_loop3A_351 = arith.constant 3 : i32
      %parallel_loop3A_352 = arith.index_cast %parallel_loop3A_149 : i32 to index
      %parallel_loop3A_353 = arith.index_cast %parallel_loop3A_351 : i32 to index
      %parallel_loop3A_354 = arith.constant 64 : index
      %parallel_loop3A_355 = tpu.vector_load %arg13[%parallel_loop3A_352, %parallel_loop3A_353, %parallel_loop3A_354] {strides = array<i32>} : memref<4x8x128xf32, #tpu.memory_space<vmem>>, vector<16xf32>,
      tpu.vector_store %arg13[%parallel_loop3A_352, %parallel_loop3A_353, %parallel_loop3A_354], %parallel_loop3A_350 {strides = array<i32>} : memref<4x8x128xf32, #tpu.memory_space<vmem>>, vector<16xf32>,
      %parallel_loop3A_356 = tpu.vector_load_idx %arg11[%parallel_loop3A_325, %get3A_57] : memref<32x1000xf32, #tpu.memory_space<vmem>>[vector<16xi32>, vector<16xi32>], vector<16xf32>,
      %parallel_loop3A_357 = arith.constant 3 : i32
      %parallel_loop3A_358 = arith.index_cast %parallel_loop3A_149 : i32 to index
      %parallel_loop3A_359 = arith.index_cast %parallel_loop3A_357 : i32 to index
      %parallel_loop3A_360 = arith.constant 80 : index
      %parallel_loop3A_361 = tpu.vector_load %arg13[%parallel_loop3A_358, %parallel_loop3A_359, %parallel_loop3A_360] {strides = array<i32>} : memref<4x8x128xf32, #tpu.memory_space<vmem>>, vector<16xf32>,
      tpu.vector_store %arg13[%parallel_loop3A_358, %parallel_loop3A_359, %parallel_loop3A_360], %parallel_loop3A_356 {strides = array<i32>} : memref<4x8x128xf32, #tpu.memory_space<vmem>>, vector<16xf32>,
      %parallel_loop3A_362 = tpu.vector_load_idx %arg11[%parallel_loop3A_325, %get3A_59] : memref<32x1000xf32, #tpu.memory_space<vmem>>[vector<16xi32>, vector<16xi32>], vector<16xf32>,
      %parallel_loop3A_363 = arith.constant 3 : i32
      %parallel_loop3A_364 = arith.index_cast %parallel_loop3A_149 : i32 to index
      %parallel_loop3A_365 = arith.index_cast %parallel_loop3A_363 : i32 to index
      %parallel_loop3A_366 = arith.constant 96 : index
      %parallel_loop3A_367 = tpu.vector_load %arg13[%parallel_loop3A_364, %parallel_loop3A_365, %parallel_loop3A_366] {strides = array<i32>} : memref<4x8x128xf32, #tpu.memory_space<vmem>>, vector<16xf32>,
      tpu.vector_store %arg13[%parallel_loop3A_364, %parallel_loop3A_365, %parallel_loop3A_366], %parallel_loop3A_362 {strides = array<i32>} : memref<4x8x128xf32, #tpu.memory_space<vmem>>, vector<16xf32>,
      %parallel_loop3A_368 = tpu.vector_load_idx %arg11[%parallel_loop3A_325, %get3A_61] : memref<32x1000xf32, #tpu.memory_space<vmem>>[vector<16xi32>, vector<16xi32>], vector<16xf32>,
      %parallel_loop3A_369 = arith.constant 3 : i32
      %parallel_loop3A_370 = arith.index_cast %parallel_loop3A_149 : i32 to index
      %parallel_loop3A_371 = arith.index_cast %parallel_loop3A_369 : i32 to index
      %parallel_loop3A_372 = arith.constant 112 : index
      %parallel_loop3A_373 = tpu.vector_load %arg13[%parallel_loop3A_370, %parallel_loop3A_371, %parallel_loop3A_372] {strides = array<i32>} : memref<4x8x128xf32, #tpu.memory_space<vmem>>, vector<16xf32>,
      tpu.vector_store %arg13[%parallel_loop3A_370, %parallel_loop3A_371, %parallel_loop3A_372], %parallel_loop3A_368 {strides = array<i32>} : memref<4x8x128xf32, #tpu.memory_space<vmem>>, vector<16xf32>,
      %parallel_loop3A_374 = arith.constant 0 : i32
      %parallel_loop3A_375 = vector.broadcast %parallel_loop3A_374 : i32 to vector<16xi32>
      %parallel_loop3A_376 = arith.constant 8 : i32
      %parallel_loop3A_377 = arith.muli %parallel_loop3A_149, %parallel_loop3A_376 : i32
      %parallel_loop3A_378 = arith.constant 4 : i32
      %parallel_loop3A_379 = arith.addi %parallel_loop3A_377, %parallel_loop3A_378 : i32
      %parallel_loop3A_380 = vector.broadcast %parallel_loop3A_379 : i32 to vector<16xi32>
      %parallel_loop3A_381 = arith.addi %parallel_loop3A_375, %parallel_loop3A_380 : vector<16xi32>
      %parallel_loop3A_382 = tpu.vector_load_idx %arg11[%parallel_loop3A_381, %get3A_47] : memref<32x1000xf32, #tpu.memory_space<vmem>>[vector<16xi32>, vector<16xi32>], vector<16xf32>,
      %parallel_loop3A_383 = arith.constant 4 : i32
      %parallel_loop3A_384 = arith.index_cast %parallel_loop3A_149 : i32 to index
      %parallel_loop3A_385 = arith.index_cast %parallel_loop3A_383 : i32 to index
      %parallel_loop3A_386 = arith.constant 0 : index
      %parallel_loop3A_387 = tpu.vector_load %arg13[%parallel_loop3A_384, %parallel_loop3A_385, %parallel_loop3A_386] {strides = array<i32>} : memref<4x8x128xf32, #tpu.memory_space<vmem>>, vector<16xf32>,
      tpu.vector_store %arg13[%parallel_loop3A_384, %parallel_loop3A_385, %parallel_loop3A_386], %parallel_loop3A_382 {strides = array<i32>} : memref<4x8x128xf32, #tpu.memory_space<vmem>>, vector<16xf32>,
      %parallel_loop3A_388 = tpu.vector_load_idx %arg11[%parallel_loop3A_381, %get3A_49] : memref<32x1000xf32, #tpu.memory_space<vmem>>[vector<16xi32>, vector<16xi32>], vector<16xf32>,
      %parallel_loop3A_389 = arith.constant 4 : i32
      %parallel_loop3A_390 = arith.index_cast %parallel_loop3A_149 : i32 to index
      %parallel_loop3A_391 = arith.index_cast %parallel_loop3A_389 : i32 to index
      %parallel_loop3A_392 = arith.constant 16 : index
      %parallel_loop3A_393 = tpu.vector_load %arg13[%parallel_loop3A_390, %parallel_loop3A_391, %parallel_loop3A_392] {strides = array<i32>} : memref<4x8x128xf32, #tpu.memory_space<vmem>>, vector<16xf32>,
      tpu.vector_store %arg13[%parallel_loop3A_390, %parallel_loop3A_391, %parallel_loop3A_392], %parallel_loop3A_388 {strides = array<i32>} : memref<4x8x128xf32, #tpu.memory_space<vmem>>, vector<16xf32>,
      %parallel_loop3A_394 = tpu.vector_load_idx %arg11[%parallel_loop3A_381, %get3A_51] : memref<32x1000xf32, #tpu.memory_space<vmem>>[vector<16xi32>, vector<16xi32>], vector<16xf32>,
      %parallel_loop3A_395 = arith.constant 4 : i32
      %parallel_loop3A_396 = arith.index_cast %parallel_loop3A_149 : i32 to index
      %parallel_loop3A_397 = arith.index_cast %parallel_loop3A_395 : i32 to index
      %parallel_loop3A_398 = arith.constant 32 : index
      %parallel_loop3A_399 = tpu.vector_load %arg13[%parallel_loop3A_396, %parallel_loop3A_397, %parallel_loop3A_398] {strides = array<i32>} : memref<4x8x128xf32, #tpu.memory_space<vmem>>, vector<16xf32>,
      tpu.vector_store %arg13[%parallel_loop3A_396, %parallel_loop3A_397, %parallel_loop3A_398], %parallel_loop3A_394 {strides = array<i32>} : memref<4x8x128xf32, #tpu.memory_space<vmem>>, vector<16xf32>,
      %parallel_loop3A_400 = tpu.vector_load_idx %arg11[%parallel_loop3A_381, %get3A_53] : memref<32x1000xf32, #tpu.memory_space<vmem>>[vector<16xi32>, vector<16xi32>], vector<16xf32>,
      %parallel_loop3A_401 = arith.constant 4 : i32
      %parallel_loop3A_402 = arith.index_cast %parallel_loop3A_149 : i32 to index
      %parallel_loop3A_403 = arith.index_cast %parallel_loop3A_401 : i32 to index
      %parallel_loop3A_404 = arith.constant 48 : index
      %parallel_loop3A_405 = tpu.vector_load %arg13[%parallel_loop3A_402, %parallel_loop3A_403, %parallel_loop3A_404] {strides = array<i32>} : memref<4x8x128xf32, #tpu.memory_space<vmem>>, vector<16xf32>,
      tpu.vector_store %arg13[%parallel_loop3A_402, %parallel_loop3A_403, %parallel_loop3A_404], %parallel_loop3A_400 {strides = array<i32>} : memref<4x8x128xf32, #tpu.memory_space<vmem>>, vector<16xf32>,
      %parallel_loop3A_406 = tpu.vector_load_idx %arg11[%parallel_loop3A_381, %get3A_55] : memref<32x1000xf32, #tpu.memory_space<vmem>>[vector<16xi32>, vector<16xi32>], vector<16xf32>,
      %parallel_loop3A_407 = arith.constant 4 : i32
      %parallel_loop3A_408 = arith.index_cast %parallel_loop3A_149 : i32 to index
      %parallel_loop3A_409 = arith.index_cast %parallel_loop3A_407 : i32 to index
      %parallel_loop3A_410 = arith.constant 64 : index
      %parallel_loop3A_411 = tpu.vector_load %arg13[%parallel_loop3A_408, %parallel_loop3A_409, %parallel_loop3A_410] {strides = array<i32>} : memref<4x8x128xf32, #tpu.memory_space<vmem>>, vector<16xf32>,
      tpu.vector_store %arg13[%parallel_loop3A_408, %parallel_loop3A_409, %parallel_loop3A_410], %parallel_loop3A_406 {strides = array<i32>} : memref<4x8x128xf32, #tpu.memory_space<vmem>>, vector<16xf32>,
      %parallel_loop3A_412 = tpu.vector_load_idx %arg11[%parallel_loop3A_381, %get3A_57] : memref<32x1000xf32, #tpu.memory_space<vmem>>[vector<16xi32>, vector<16xi32>], vector<16xf32>,
      %parallel_loop3A_413 = arith.constant 4 : i32
      %parallel_loop3A_414 = arith.index_cast %parallel_loop3A_149 : i32 to index
      %parallel_loop3A_415 = arith.index_cast %parallel_loop3A_413 : i32 to index
      %parallel_loop3A_416 = arith.constant 80 : index
      %parallel_loop3A_417 = tpu.vector_load %arg13[%parallel_loop3A_414, %parallel_loop3A_415, %parallel_loop3A_416] {strides = array<i32>} : memref<4x8x128xf32, #tpu.memory_space<vmem>>, vector<16xf32>,
      tpu.vector_store %arg13[%parallel_loop3A_414, %parallel_loop3A_415, %parallel_loop3A_416], %parallel_loop3A_412 {strides = array<i32>} : memref<4x8x128xf32, #tpu.memory_space<vmem>>, vector<16xf32>,
      %parallel_loop3A_418 = tpu.vector_load_idx %arg11[%parallel_loop3A_381, %get3A_59] : memref<32x1000xf32, #tpu.memory_space<vmem>>[vector<16xi32>, vector<16xi32>], vector<16xf32>,
      %parallel_loop3A_419 = arith.constant 4 : i32
      %parallel_loop3A_420 = arith.index_cast %parallel_loop3A_149 : i32 to index
      %parallel_loop3A_421 = arith.index_cast %parallel_loop3A_419 : i32 to index
      %parallel_loop3A_422 = arith.constant 96 : index
      %parallel_loop3A_423 = tpu.vector_load %arg13[%parallel_loop3A_420, %parallel_loop3A_421, %parallel_loop3A_422] {strides = array<i32>} : memref<4x8x128xf32, #tpu.memory_space<vmem>>, vector<16xf32>,
      tpu.vector_store %arg13[%parallel_loop3A_420, %parallel_loop3A_421, %parallel_loop3A_422], %parallel_loop3A_418 {strides = array<i32>} : memref<4x8x128xf32, #tpu.memory_space<vmem>>, vector<16xf32>,
      %parallel_loop3A_424 = tpu.vector_load_idx %arg11[%parallel_loop3A_381, %get3A_61] : memref<32x1000xf32, #tpu.memory_space<vmem>>[vector<16xi32>, vector<16xi32>], vector<16xf32>,
      %parallel_loop3A_425 = arith.constant 4 : i32
      %parallel_loop3A_426 = arith.index_cast %parallel_loop3A_149 : i32 to index
      %parallel_loop3A_427 = arith.index_cast %parallel_loop3A_425 : i32 to index
      %parallel_loop3A_428 = arith.constant 112 : index
      %parallel_loop3A_429 = tpu.vector_load %arg13[%parallel_loop3A_426, %parallel_loop3A_427, %parallel_loop3A_428] {strides = array<i32>} : memref<4x8x128xf32, #tpu.memory_space<vmem>>, vector<16xf32>,
      tpu.vector_store %arg13[%parallel_loop3A_426, %parallel_loop3A_427, %parallel_loop3A_428], %parallel_loop3A_424 {strides = array<i32>} : memref<4x8x128xf32, #tpu.memory_space<vmem>>, vector<16xf32>,
      %parallel_loop3A_430 = arith.constant 0 : i32
      %parallel_loop3A_431 = vector.broadcast %parallel_loop3A_430 : i32 to vector<16xi32>
      %parallel_loop3A_432 = arith.constant 8 : i32
      %parallel_loop3A_433 = arith.muli %parallel_loop3A_149, %parallel_loop3A_432 : i32
      %parallel_loop3A_434 = arith.constant 5 : i32
      %parallel_loop3A_435 = arith.addi %parallel_loop3A_433, %parallel_loop3A_434 : i32
      %parallel_loop3A_436 = vector.broadcast %parallel_loop3A_435 : i32 to vector<16xi32>
      %parallel_loop3A_437 = arith.addi %parallel_loop3A_431, %parallel_loop3A_436 : vector<16xi32>
      %parallel_loop3A_438 = tpu.vector_load_idx %arg11[%parallel_loop3A_437, %get3A_47] : memref<32x1000xf32, #tpu.memory_space<vmem>>[vector<16xi32>, vector<16xi32>], vector<16xf32>,
      %parallel_loop3A_439 = arith.constant 5 : i32
      %parallel_loop3A_440 = arith.index_cast %parallel_loop3A_149 : i32 to index
      %parallel_loop3A_441 = arith.index_cast %parallel_loop3A_439 : i32 to index
      %parallel_loop3A_442 = arith.constant 0 : index
      %parallel_loop3A_443 = tpu.vector_load %arg13[%parallel_loop3A_440, %parallel_loop3A_441, %parallel_loop3A_442] {strides = array<i32>} : memref<4x8x128xf32, #tpu.memory_space<vmem>>, vector<16xf32>,
      tpu.vector_store %arg13[%parallel_loop3A_440, %parallel_loop3A_441, %parallel_loop3A_442], %parallel_loop3A_438 {strides = array<i32>} : memref<4x8x128xf32, #tpu.memory_space<vmem>>, vector<16xf32>,
      %parallel_loop3A_444 = tpu.vector_load_idx %arg11[%parallel_loop3A_437, %get3A_49] : memref<32x1000xf32, #tpu.memory_space<vmem>>[vector<16xi32>, vector<16xi32>], vector<16xf32>,
      %parallel_loop3A_445 = arith.constant 5 : i32
      %parallel_loop3A_446 = arith.index_cast %parallel_loop3A_149 : i32 to index
      %parallel_loop3A_447 = arith.index_cast %parallel_loop3A_445 : i32 to index
      %parallel_loop3A_448 = arith.constant 16 : index
      %parallel_loop3A_449 = tpu.vector_load %arg13[%parallel_loop3A_446, %parallel_loop3A_447, %parallel_loop3A_448] {strides = array<i32>} : memref<4x8x128xf32, #tpu.memory_space<vmem>>, vector<16xf32>,
      tpu.vector_store %arg13[%parallel_loop3A_446, %parallel_loop3A_447, %parallel_loop3A_448], %parallel_loop3A_444 {strides = array<i32>} : memref<4x8x128xf32, #tpu.memory_space<vmem>>, vector<16xf32>,
      %parallel_loop3A_450 = tpu.vector_load_idx %arg11[%parallel_loop3A_437, %get3A_51] : memref<32x1000xf32, #tpu.memory_space<vmem>>[vector<16xi32>, vector<16xi32>], vector<16xf32>,
      %parallel_loop3A_451 = arith.constant 5 : i32
      %parallel_loop3A_452 = arith.index_cast %parallel_loop3A_149 : i32 to index
      %parallel_loop3A_453 = arith.index_cast %parallel_loop3A_451 : i32 to index
      %parallel_loop3A_454 = arith.constant 32 : index
      %parallel_loop3A_455 = tpu.vector_load %arg13[%parallel_loop3A_452, %parallel_loop3A_453, %parallel_loop3A_454] {strides = array<i32>} : memref<4x8x128xf32, #tpu.memory_space<vmem>>, vector<16xf32>,
      tpu.vector_store %arg13[%parallel_loop3A_452, %parallel_loop3A_453, %parallel_loop3A_454], %parallel_loop3A_450 {strides = array<i32>} : memref<4x8x128xf32, #tpu.memory_space<vmem>>, vector<16xf32>,
      %parallel_loop3A_456 = tpu.vector_load_idx %arg11[%parallel_loop3A_437, %get3A_53] : memref<32x1000xf32, #tpu.memory_space<vmem>>[vector<16xi32>, vector<16xi32>], vector<16xf32>,
      %parallel_loop3A_457 = arith.constant 5 : i32
      %parallel_loop3A_458 = arith.index_cast %parallel_loop3A_149 : i32 to index
      %parallel_loop3A_459 = arith.index_cast %parallel_loop3A_457 : i32 to index
      %parallel_loop3A_460 = arith.constant 48 : index
      %parallel_loop3A_461 = tpu.vector_load %arg13[%parallel_loop3A_458, %parallel_loop3A_459, %parallel_loop3A_460] {strides = array<i32>} : memref<4x8x128xf32, #tpu.memory_space<vmem>>, vector<16xf32>,
      tpu.vector_store %arg13[%parallel_loop3A_458, %parallel_loop3A_459, %parallel_loop3A_460], %parallel_loop3A_456 {strides = array<i32>} : memref<4x8x128xf32, #tpu.memory_space<vmem>>, vector<16xf32>,
      %parallel_loop3A_462 = tpu.vector_load_idx %arg11[%parallel_loop3A_437, %get3A_55] : memref<32x1000xf32, #tpu.memory_space<vmem>>[vector<16xi32>, vector<16xi32>], vector<16xf32>,
      %parallel_loop3A_463 = arith.constant 5 : i32
      %parallel_loop3A_464 = arith.index_cast %parallel_loop3A_149 : i32 to index
      %parallel_loop3A_465 = arith.index_cast %parallel_loop3A_463 : i32 to index
      %parallel_loop3A_466 = arith.constant 64 : index
      %parallel_loop3A_467 = tpu.vector_load %arg13[%parallel_loop3A_464, %parallel_loop3A_465, %parallel_loop3A_466] {strides = array<i32>} : memref<4x8x128xf32, #tpu.memory_space<vmem>>, vector<16xf32>,
      tpu.vector_store %arg13[%parallel_loop3A_464, %parallel_loop3A_465, %parallel_loop3A_466], %parallel_loop3A_462 {strides = array<i32>} : memref<4x8x128xf32, #tpu.memory_space<vmem>>, vector<16xf32>,
      %parallel_loop3A_468 = tpu.vector_load_idx %arg11[%parallel_loop3A_437, %get3A_57] : memref<32x1000xf32, #tpu.memory_space<vmem>>[vector<16xi32>, vector<16xi32>], vector<16xf32>,
      %parallel_loop3A_469 = arith.constant 5 : i32
      %parallel_loop3A_470 = arith.index_cast %parallel_loop3A_149 : i32 to index
      %parallel_loop3A_471 = arith.index_cast %parallel_loop3A_469 : i32 to index
      %parallel_loop3A_472 = arith.constant 80 : index
      %parallel_loop3A_473 = tpu.vector_load %arg13[%parallel_loop3A_470, %parallel_loop3A_471, %parallel_loop3A_472] {strides = array<i32>} : memref<4x8x128xf32, #tpu.memory_space<vmem>>, vector<16xf32>,
      tpu.vector_store %arg13[%parallel_loop3A_470, %parallel_loop3A_471, %parallel_loop3A_472], %parallel_loop3A_468 {strides = array<i32>} : memref<4x8x128xf32, #tpu.memory_space<vmem>>, vector<16xf32>,
      %parallel_loop3A_474 = tpu.vector_load_idx %arg11[%parallel_loop3A_437, %get3A_59] : memref<32x1000xf32, #tpu.memory_space<vmem>>[vector<16xi32>, vector<16xi32>], vector<16xf32>,
      %parallel_loop3A_475 = arith.constant 5 : i32
      %parallel_loop3A_476 = arith.index_cast %parallel_loop3A_149 : i32 to index
      %parallel_loop3A_477 = arith.index_cast %parallel_loop3A_475 : i32 to index
      %parallel_loop3A_478 = arith.constant 96 : index
      %parallel_loop3A_479 = tpu.vector_load %arg13[%parallel_loop3A_476, %parallel_loop3A_477, %parallel_loop3A_478] {strides = array<i32>} : memref<4x8x128xf32, #tpu.memory_space<vmem>>, vector<16xf32>,
      tpu.vector_store %arg13[%parallel_loop3A_476, %parallel_loop3A_477, %parallel_loop3A_478], %parallel_loop3A_474 {strides = array<i32>} : memref<4x8x128xf32, #tpu.memory_space<vmem>>, vector<16xf32>,
      %parallel_loop3A_480 = tpu.vector_load_idx %arg11[%parallel_loop3A_437, %get3A_61] : memref<32x1000xf32, #tpu.memory_space<vmem>>[vector<16xi32>, vector<16xi32>], vector<16xf32>,
      %parallel_loop3A_481 = arith.constant 5 : i32
      %parallel_loop3A_482 = arith.index_cast %parallel_loop3A_149 : i32 to index
      %parallel_loop3A_483 = arith.index_cast %parallel_loop3A_481 : i32 to index
      %parallel_loop3A_484 = arith.constant 112 : index
      %parallel_loop3A_485 = tpu.vector_load %arg13[%parallel_loop3A_482, %parallel_loop3A_483, %parallel_loop3A_484] {strides = array<i32>} : memref<4x8x128xf32, #tpu.memory_space<vmem>>, vector<16xf32>,
      tpu.vector_store %arg13[%parallel_loop3A_482, %parallel_loop3A_483, %parallel_loop3A_484], %parallel_loop3A_480 {strides = array<i32>} : memref<4x8x128xf32, #tpu.memory_space<vmem>>, vector<16xf32>,
      %parallel_loop3A_486 = arith.constant 0 : i32
      %parallel_loop3A_487 = vector.broadcast %parallel_loop3A_486 : i32 to vector<16xi32>
      %parallel_loop3A_488 = arith.constant 8 : i32
      %parallel_loop3A_489 = arith.muli %parallel_loop3A_149, %parallel_loop3A_488 : i32
      %parallel_loop3A_490 = arith.constant 6 : i32
      %parallel_loop3A_491 = arith.addi %parallel_loop3A_489, %parallel_loop3A_490 : i32
      %parallel_loop3A_492 = vector.broadcast %parallel_loop3A_491 : i32 to vector<16xi32>
      %parallel_loop3A_493 = arith.addi %parallel_loop3A_487, %parallel_loop3A_492 : vector<16xi32>
      %parallel_loop3A_494 = tpu.vector_load_idx %arg11[%parallel_loop3A_493, %get3A_47] : memref<32x1000xf32, #tpu.memory_space<vmem>>[vector<16xi32>, vector<16xi32>], vector<16xf32>,
      %parallel_loop3A_495 = arith.constant 6 : i32
      %parallel_loop3A_496 = arith.index_cast %parallel_loop3A_149 : i32 to index
      %parallel_loop3A_497 = arith.index_cast %parallel_loop3A_495 : i32 to index
      %parallel_loop3A_498 = arith.constant 0 : index
      %parallel_loop3A_499 = tpu.vector_load %arg13[%parallel_loop3A_496, %parallel_loop3A_497, %parallel_loop3A_498] {strides = array<i32>} : memref<4x8x128xf32, #tpu.memory_space<vmem>>, vector<16xf32>,
      tpu.vector_store %arg13[%parallel_loop3A_496, %parallel_loop3A_497, %parallel_loop3A_498], %parallel_loop3A_494 {strides = array<i32>} : memref<4x8x128xf32, #tpu.memory_space<vmem>>, vector<16xf32>,
      %parallel_loop3A_500 = tpu.vector_load_idx %arg11[%parallel_loop3A_493, %get3A_49] : memref<32x1000xf32, #tpu.memory_space<vmem>>[vector<16xi32>, vector<16xi32>], vector<16xf32>,
      %parallel_loop3A_501 = arith.constant 6 : i32
      %parallel_loop3A_502 = arith.index_cast %parallel_loop3A_149 : i32 to index
      %parallel_loop3A_503 = arith.index_cast %parallel_loop3A_501 : i32 to index
      %parallel_loop3A_504 = arith.constant 16 : index
      %parallel_loop3A_505 = tpu.vector_load %arg13[%parallel_loop3A_502, %parallel_loop3A_503, %parallel_loop3A_504] {strides = array<i32>} : memref<4x8x128xf32, #tpu.memory_space<vmem>>, vector<16xf32>,
      tpu.vector_store %arg13[%parallel_loop3A_502, %parallel_loop3A_503, %parallel_loop3A_504], %parallel_loop3A_500 {strides = array<i32>} : memref<4x8x128xf32, #tpu.memory_space<vmem>>, vector<16xf32>,
      %parallel_loop3A_506 = tpu.vector_load_idx %arg11[%parallel_loop3A_493, %get3A_51] : memref<32x1000xf32, #tpu.memory_space<vmem>>[vector<16xi32>, vector<16xi32>], vector<16xf32>,
      %parallel_loop3A_507 = arith.constant 6 : i32
      %parallel_loop3A_508 = arith.index_cast %parallel_loop3A_149 : i32 to index
      %parallel_loop3A_509 = arith.index_cast %parallel_loop3A_507 : i32 to index
      %parallel_loop3A_510 = arith.constant 32 : index
      %parallel_loop3A_511 = tpu.vector_load %arg13[%parallel_loop3A_508, %parallel_loop3A_509, %parallel_loop3A_510] {strides = array<i32>} : memref<4x8x128xf32, #tpu.memory_space<vmem>>, vector<16xf32>,
      tpu.vector_store %arg13[%parallel_loop3A_508, %parallel_loop3A_509, %parallel_loop3A_510], %parallel_loop3A_506 {strides = array<i32>} : memref<4x8x128xf32, #tpu.memory_space<vmem>>, vector<16xf32>,
      %parallel_loop3A_512 = tpu.vector_load_idx %arg11[%parallel_loop3A_493, %get3A_53] : memref<32x1000xf32, #tpu.memory_space<vmem>>[vector<16xi32>, vector<16xi32>], vector<16xf32>,
      %parallel_loop3A_513 = arith.constant 6 : i32
      %parallel_loop3A_514 = arith.index_cast %parallel_loop3A_149 : i32 to index
      %parallel_loop3A_515 = arith.index_cast %parallel_loop3A_513 : i32 to index
      %parallel_loop3A_516 = arith.constant 48 : index
      %parallel_loop3A_517 = tpu.vector_load %arg13[%parallel_loop3A_514, %parallel_loop3A_515, %parallel_loop3A_516] {strides = array<i32>} : memref<4x8x128xf32, #tpu.memory_space<vmem>>, vector<16xf32>,
      tpu.vector_store %arg13[%parallel_loop3A_514, %parallel_loop3A_515, %parallel_loop3A_516], %parallel_loop3A_512 {strides = array<i32>} : memref<4x8x128xf32, #tpu.memory_space<vmem>>, vector<16xf32>,
      %parallel_loop3A_518 = tpu.vector_load_idx %arg11[%parallel_loop3A_493, %get3A_55] : memref<32x1000xf32, #tpu.memory_space<vmem>>[vector<16xi32>, vector<16xi32>], vector<16xf32>,
      %parallel_loop3A_519 = arith.constant 6 : i32
      %parallel_loop3A_520 = arith.index_cast %parallel_loop3A_149 : i32 to index
      %parallel_loop3A_521 = arith.index_cast %parallel_loop3A_519 : i32 to index
      %parallel_loop3A_522 = arith.constant 64 : index
      %parallel_loop3A_523 = tpu.vector_load %arg13[%parallel_loop3A_520, %parallel_loop3A_521, %parallel_loop3A_522] {strides = array<i32>} : memref<4x8x128xf32, #tpu.memory_space<vmem>>, vector<16xf32>,
      tpu.vector_store %arg13[%parallel_loop3A_520, %parallel_loop3A_521, %parallel_loop3A_522], %parallel_loop3A_518 {strides = array<i32>} : memref<4x8x128xf32, #tpu.memory_space<vmem>>, vector<16xf32>,
      %parallel_loop3A_524 = tpu.vector_load_idx %arg11[%parallel_loop3A_493, %get3A_57] : memref<32x1000xf32, #tpu.memory_space<vmem>>[vector<16xi32>, vector<16xi32>], vector<16xf32>,
      %parallel_loop3A_525 = arith.constant 6 : i32
      %parallel_loop3A_526 = arith.index_cast %parallel_loop3A_149 : i32 to index
      %parallel_loop3A_527 = arith.index_cast %parallel_loop3A_525 : i32 to index
      %parallel_loop3A_528 = arith.constant 80 : index
      %parallel_loop3A_529 = tpu.vector_load %arg13[%parallel_loop3A_526, %parallel_loop3A_527, %parallel_loop3A_528] {strides = array<i32>} : memref<4x8x128xf32, #tpu.memory_space<vmem>>, vector<16xf32>,
      tpu.vector_store %arg13[%parallel_loop3A_526, %parallel_loop3A_527, %parallel_loop3A_528], %parallel_loop3A_524 {strides = array<i32>} : memref<4x8x128xf32, #tpu.memory_space<vmem>>, vector<16xf32>,
      %parallel_loop3A_530 = tpu.vector_load_idx %arg11[%parallel_loop3A_493, %get3A_59] : memref<32x1000xf32, #tpu.memory_space<vmem>>[vector<16xi32>, vector<16xi32>], vector<16xf32>,
      %parallel_loop3A_531 = arith.constant 6 : i32
      %parallel_loop3A_532 = arith.index_cast %parallel_loop3A_149 : i32 to index
      %parallel_loop3A_533 = arith.index_cast %parallel_loop3A_531 : i32 to index
      %parallel_loop3A_534 = arith.constant 96 : index
      %parallel_loop3A_535 = tpu.vector_load %arg13[%parallel_loop3A_532, %parallel_loop3A_533, %parallel_loop3A_534] {strides = array<i32>} : memref<4x8x128xf32, #tpu.memory_space<vmem>>, vector<16xf32>,
      tpu.vector_store %arg13[%parallel_loop3A_532, %parallel_loop3A_533, %parallel_loop3A_534], %parallel_loop3A_530 {strides = array<i32>} : memref<4x8x128xf32, #tpu.memory_space<vmem>>, vector<16xf32>,
      %parallel_loop3A_536 = tpu.vector_load_idx %arg11[%parallel_loop3A_493, %get3A_61] : memref<32x1000xf32, #tpu.memory_space<vmem>>[vector<16xi32>, vector<16xi32>], vector<16xf32>,
      %parallel_loop3A_537 = arith.constant 6 : i32
      %parallel_loop3A_538 = arith.index_cast %parallel_loop3A_149 : i32 to index
      %parallel_loop3A_539 = arith.index_cast %parallel_loop3A_537 : i32 to index
      %parallel_loop3A_540 = arith.constant 112 : index
      %parallel_loop3A_541 = tpu.vector_load %arg13[%parallel_loop3A_538, %parallel_loop3A_539, %parallel_loop3A_540] {strides = array<i32>} : memref<4x8x128xf32, #tpu.memory_space<vmem>>, vector<16xf32>,
      tpu.vector_store %arg13[%parallel_loop3A_538, %parallel_loop3A_539, %parallel_loop3A_540], %parallel_loop3A_536 {strides = array<i32>} : memref<4x8x128xf32, #tpu.memory_space<vmem>>, vector<16xf32>,
      %parallel_loop3A_542 = arith.constant 0 : i32
      %parallel_loop3A_543 = vector.broadcast %parallel_loop3A_542 : i32 to vector<16xi32>
      %parallel_loop3A_544 = arith.constant 8 : i32
      %parallel_loop3A_545 = arith.muli %parallel_loop3A_149, %parallel_loop3A_544 : i32
      %parallel_loop3A_546 = arith.constant 7 : i32
      %parallel_loop3A_547 = arith.addi %parallel_loop3A_545, %parallel_loop3A_546 : i32
      %parallel_loop3A_548 = vector.broadcast %parallel_loop3A_547 : i32 to vector<16xi32>
      %parallel_loop3A_549 = arith.addi %parallel_loop3A_543, %parallel_loop3A_548 : vector<16xi32>
      %parallel_loop3A_550 = tpu.vector_load_idx %arg11[%parallel_loop3A_549, %get3A_47] : memref<32x1000xf32, #tpu.memory_space<vmem>>[vector<16xi32>, vector<16xi32>], vector<16xf32>,
      %parallel_loop3A_551 = arith.constant 7 : i32
      %parallel_loop3A_552 = arith.index_cast %parallel_loop3A_149 : i32 to index
      %parallel_loop3A_553 = arith.index_cast %parallel_loop3A_551 : i32 to index
      %parallel_loop3A_554 = arith.constant 0 : index
      %parallel_loop3A_555 = tpu.vector_load %arg13[%parallel_loop3A_552, %parallel_loop3A_553, %parallel_loop3A_554] {strides = array<i32>} : memref<4x8x128xf32, #tpu.memory_space<vmem>>, vector<16xf32>,
      tpu.vector_store %arg13[%parallel_loop3A_552, %parallel_loop3A_553, %parallel_loop3A_554], %parallel_loop3A_550 {strides = array<i32>} : memref<4x8x128xf32, #tpu.memory_space<vmem>>, vector<16xf32>,
      %parallel_loop3A_556 = tpu.vector_load_idx %arg11[%parallel_loop3A_549, %get3A_49] : memref<32x1000xf32, #tpu.memory_space<vmem>>[vector<16xi32>, vector<16xi32>], vector<16xf32>,
      %parallel_loop3A_557 = arith.constant 7 : i32
      %parallel_loop3A_558 = arith.index_cast %parallel_loop3A_149 : i32 to index
      %parallel_loop3A_559 = arith.index_cast %parallel_loop3A_557 : i32 to index
      %parallel_loop3A_560 = arith.constant 16 : index
      %parallel_loop3A_561 = tpu.vector_load %arg13[%parallel_loop3A_558, %parallel_loop3A_559, %parallel_loop3A_560] {strides = array<i32>} : memref<4x8x128xf32, #tpu.memory_space<vmem>>, vector<16xf32>,
      tpu.vector_store %arg13[%parallel_loop3A_558, %parallel_loop3A_559, %parallel_loop3A_560], %parallel_loop3A_556 {strides = array<i32>} : memref<4x8x128xf32, #tpu.memory_space<vmem>>, vector<16xf32>,
      %parallel_loop3A_562 = tpu.vector_load_idx %arg11[%parallel_loop3A_549, %get3A_51] : memref<32x1000xf32, #tpu.memory_space<vmem>>[vector<16xi32>, vector<16xi32>], vector<16xf32>,
      %parallel_loop3A_563 = arith.constant 7 : i32
      %parallel_loop3A_564 = arith.index_cast %parallel_loop3A_149 : i32 to index
      %parallel_loop3A_565 = arith.index_cast %parallel_loop3A_563 : i32 to index
      %parallel_loop3A_566 = arith.constant 32 : index
      %parallel_loop3A_567 = tpu.vector_load %arg13[%parallel_loop3A_564, %parallel_loop3A_565, %parallel_loop3A_566] {strides = array<i32>} : memref<4x8x128xf32, #tpu.memory_space<vmem>>, vector<16xf32>,
      tpu.vector_store %arg13[%parallel_loop3A_564, %parallel_loop3A_565, %parallel_loop3A_566], %parallel_loop3A_562 {strides = array<i32>} : memref<4x8x128xf32, #tpu.memory_space<vmem>>, vector<16xf32>,
      %parallel_loop3A_568 = tpu.vector_load_idx %arg11[%parallel_loop3A_549, %get3A_53] : memref<32x1000xf32, #tpu.memory_space<vmem>>[vector<16xi32>, vector<16xi32>], vector<16xf32>,
      %parallel_loop3A_569 = arith.constant 7 : i32
      %parallel_loop3A_570 = arith.index_cast %parallel_loop3A_149 : i32 to index
      %parallel_loop3A_571 = arith.index_cast %parallel_loop3A_569 : i32 to index
      %parallel_loop3A_572 = arith.constant 48 : index
      %parallel_loop3A_573 = tpu.vector_load %arg13[%parallel_loop3A_570, %parallel_loop3A_571, %parallel_loop3A_572] {strides = array<i32>} : memref<4x8x128xf32, #tpu.memory_space<vmem>>, vector<16xf32>,
      tpu.vector_store %arg13[%parallel_loop3A_570, %parallel_loop3A_571, %parallel_loop3A_572], %parallel_loop3A_568 {strides = array<i32>} : memref<4x8x128xf32, #tpu.memory_space<vmem>>, vector<16xf32>,
      %parallel_loop3A_574 = tpu.vector_load_idx %arg11[%parallel_loop3A_549, %get3A_55] : memref<32x1000xf32, #tpu.memory_space<vmem>>[vector<16xi32>, vector<16xi32>], vector<16xf32>,
      %parallel_loop3A_575 = arith.constant 7 : i32
      %parallel_loop3A_576 = arith.index_cast %parallel_loop3A_149 : i32 to index
      %parallel_loop3A_577 = arith.index_cast %parallel_loop3A_575 : i32 to index
      %parallel_loop3A_578 = arith.constant 64 : index
      %parallel_loop3A_579 = tpu.vector_load %arg13[%parallel_loop3A_576, %parallel_loop3A_577, %parallel_loop3A_578] {strides = array<i32>} : memref<4x8x128xf32, #tpu.memory_space<vmem>>, vector<16xf32>,
      tpu.vector_store %arg13[%parallel_loop3A_576, %parallel_loop3A_577, %parallel_loop3A_578], %parallel_loop3A_574 {strides = array<i32>} : memref<4x8x128xf32, #tpu.memory_space<vmem>>, vector<16xf32>,
      %parallel_loop3A_580 = tpu.vector_load_idx %arg11[%parallel_loop3A_549, %get3A_57] : memref<32x1000xf32, #tpu.memory_space<vmem>>[vector<16xi32>, vector<16xi32>], vector<16xf32>,
      %parallel_loop3A_581 = arith.constant 7 : i32
      %parallel_loop3A_582 = arith.index_cast %parallel_loop3A_149 : i32 to index
      %parallel_loop3A_583 = arith.index_cast %parallel_loop3A_581 : i32 to index
      %parallel_loop3A_584 = arith.constant 80 : index
      %parallel_loop3A_585 = tpu.vector_load %arg13[%parallel_loop3A_582, %parallel_loop3A_583, %parallel_loop3A_584] {strides = array<i32>} : memref<4x8x128xf32, #tpu.memory_space<vmem>>, vector<16xf32>,
      tpu.vector_store %arg13[%parallel_loop3A_582, %parallel_loop3A_583, %parallel_loop3A_584], %parallel_loop3A_580 {strides = array<i32>} : memref<4x8x128xf32, #tpu.memory_space<vmem>>, vector<16xf32>,
      %parallel_loop3A_586 = tpu.vector_load_idx %arg11[%parallel_loop3A_549, %get3A_59] : memref<32x1000xf32, #tpu.memory_space<vmem>>[vector<16xi32>, vector<16xi32>], vector<16xf32>,
      %parallel_loop3A_587 = arith.constant 7 : i32
      %parallel_loop3A_588 = arith.index_cast %parallel_loop3A_149 : i32 to index
      %parallel_loop3A_589 = arith.index_cast %parallel_loop3A_587 : i32 to index
      %parallel_loop3A_590 = arith.constant 96 : index
      %parallel_loop3A_591 = tpu.vector_load %arg13[%parallel_loop3A_588, %parallel_loop3A_589, %parallel_loop3A_590] {strides = array<i32>} : memref<4x8x128xf32, #tpu.memory_space<vmem>>, vector<16xf32>,
      tpu.vector_store %arg13[%parallel_loop3A_588, %parallel_loop3A_589, %parallel_loop3A_590], %parallel_loop3A_586 {strides = array<i32>} : memref<4x8x128xf32, #tpu.memory_space<vmem>>, vector<16xf32>,
      %parallel_loop3A_592 = tpu.vector_load_idx %arg11[%parallel_loop3A_549, %get3A_61] : memref<32x1000xf32, #tpu.memory_space<vmem>>[vector<16xi32>, vector<16xi32>], vector<16xf32>,
      %parallel_loop3A_593 = arith.constant 7 : i32
      %parallel_loop3A_594 = arith.index_cast %parallel_loop3A_149 : i32 to index
      %parallel_loop3A_595 = arith.index_cast %parallel_loop3A_593 : i32 to index
      %parallel_loop3A_596 = arith.constant 112 : index
      %parallel_loop3A_597 = tpu.vector_load %arg13[%parallel_loop3A_594, %parallel_loop3A_595, %parallel_loop3A_596] {strides = array<i32>} : memref<4x8x128xf32, #tpu.memory_space<vmem>>, vector<16xf32>,
      tpu.vector_store %arg13[%parallel_loop3A_594, %parallel_loop3A_595, %parallel_loop3A_596], %parallel_loop3A_592 {strides = array<i32>} : memref<4x8x128xf32, #tpu.memory_space<vmem>>, vector<16xf32>,
    } {sc.loop_unroll_factor = 4 : i64, sc.parallel_access}
    %dma_start3A_65 = arith.constant 1 : i32
    %dma_start3A_66 = arith.constant 0 : i32
    %dma_start3A_67 = arith.constant 0 : i32
    %dma_start3A_68 = tpu.memref_slice %arg6[%select_n3A, %dma_start3A_65, %dma_start3A_66, %dma_start3A_67] : memref<125x160x8x128xf32, #tpu.memory_space<hbm>> -> memref<4x1x8x128xf32, #tpu.memory_space<hbm>>
    %dma_start3A_69 = tpu.memref_squeeze %dma_start3A_68 : memref<4x1x8x128xf32, #tpu.memory_space<hbm>> -> memref<4x8x128xf32, #tpu.memory_space<hbm>>
    %dma_start3A_70 = arith.constant 0 : i32
    %dma_start3A_71 = arith.constant 0 : i32
    %dma_start3A_72 = tpu.memref_slice %arg6[%select_n3A, %dma_start3A_65, %dma_start3A_70, %dma_start3A_71] : memref<125x160x8x128xf32, #tpu.memory_space<hbm>> -> memref<4x1x8x128xf32, #tpu.memory_space<hbm>>
    %dma_start3A_73 = tpu.memref_squeeze %dma_start3A_72 : memref<4x1x8x128xf32, #tpu.memory_space<hbm>> -> memref<4x8x128xf32, #tpu.memory_space<hbm>>
    tpu.enqueue_dma source(%arg13 : memref<4x8x128xf32, #tpu.memory_space<vmem>>) target(%dma_start3A_73 : memref<4x8x128xf32, #tpu.memory_space<hbm>>) target_semaphore(%arg16 : memref<!tpu.dma_semaphore, #tpu.memory_space<semaphore_mem>>)
    %scan3A = arith.constant 0 : i32
    %scan3A_74 = arith.constant 1 : i32
    %scan3A_75 = arith.constant 79 : i32
    %scan3A_76 = arith.addi %scan3A_74, %scan3A_75 : i32
    %scan3A_77 = arith.constant 1 : i32
    %scan3A_78 = scf.for %scan3A_149 = %scan3A_74 to %scan3A_76 step %scan3A_77 iter_args(%scan3A_150 = %scan3A) -> (i32)  : i32 {
      %dma_wait3A_151 = arith.constant 0 : i32
      %dma_wait3A_152 = arith.constant 0 : i32
      %dma_wait3A_153 = arith.constant 0 : i32
      %dma_wait3A_154 = tpu.memref_slice %arg6[%select_n3A, %dma_wait3A_151, %dma_wait3A_152, %dma_wait3A_153] : memref<125x160x8x128xf32, #tpu.memory_space<hbm>> -> memref<4x1x8x128xf32, #tpu.memory_space<hbm>>
      %dma_wait3A_155 = tpu.memref_squeeze %dma_wait3A_154 : memref<4x1x8x128xf32, #tpu.memory_space<hbm>> -> memref<4x8x128xf32, #tpu.memory_space<hbm>>
      %dma_wait3A_156 = arith.constant 0 : i32
      %dma_wait3A_157 = arith.constant 0 : i32
      %dma_wait3A_158 = tpu.memref_slice %arg6[%select_n3A, %dma_wait3A_151, %dma_wait3A_156, %dma_wait3A_157] : memref<125x160x8x128xf32, #tpu.memory_space<hbm>> -> memref<4x1x8x128xf32, #tpu.memory_space<hbm>>
      %dma_wait3A_159 = tpu.memref_squeeze %dma_wait3A_158 : memref<4x1x8x128xf32, #tpu.memory_space<hbm>> -> memref<4x8x128xf32, #tpu.memory_space<hbm>>
      tpu.wait_dma2 semaphore(%arg15 : memref<!tpu.dma_semaphore, #tpu.memory_space<semaphore_mem>>) src(%arg12 : memref<4x8x128xf32, #tpu.memory_space<vmem>>) dst(%dma_wait3A_159 : memref<4x8x128xf32, #tpu.memory_space<hbm>>)
      %mul3A_160 = arith.constant 2 : i32
      %mul3A_161 = arith.muli %mul3A_160, %scan3A_149 : i32
      %mul3A_162 = arith.constant 128 : i32
      %mul3A_163 = arith.muli %mul3A_161, %mul3A_162 : i32
      %add3A_164 = arith.constant 0 : i32
      %add3A_165 = arith.addi %mul3A_163, %add3A_164 : i32
      %get3A_166 = arith.index_cast %add3A_165 : i32 to index
      %get3A_167 = tpu.vector_load %arg8[%get3A_166] {strides = array<i32>} : memref<20480xi32, #tpu.memory_space<vmem>>, vector<16xi32>,
      %mul3A_168 = arith.constant 128 : i32
      %mul3A_169 = arith.muli %mul3A_161, %mul3A_168 : i32
      %add3A_170 = arith.constant 16 : i32
      %add3A_171 = arith.addi %mul3A_169, %add3A_170 : i32
      %get3A_172 = arith.index_cast %add3A_171 : i32 to index
      %get3A_173 = tpu.vector_load %arg8[%get3A_172] {strides = array<i32>} : memref<20480xi32, #tpu.memory_space<vmem>>, vector<16xi32>,
      %mul3A_174 = arith.constant 128 : i32
      %mul3A_175 = arith.muli %mul3A_161, %mul3A_174 : i32
      %add3A_176 = arith.constant 32 : i32
      %add3A_177 = arith.addi %mul3A_175, %add3A_176 : i32
      %get3A_178 = arith.index_cast %add3A_177 : i32 to index
      %get3A_179 = tpu.vector_load %arg8[%get3A_178] {strides = array<i32>} : memref<20480xi32, #tpu.memory_space<vmem>>, vector<16xi32>,
      %mul3A_180 = arith.constant 128 : i32
      %mul3A_181 = arith.muli %mul3A_161, %mul3A_180 : i32
      %add3A_182 = arith.constant 48 : i32
      %add3A_183 = arith.addi %mul3A_181, %add3A_182 : i32
      %get3A_184 = arith.index_cast %add3A_183 : i32 to index
      %get3A_185 = tpu.vector_load %arg8[%get3A_184] {strides = array<i32>} : memref<20480xi32, #tpu.memory_space<vmem>>, vector<16xi32>,
      %mul3A_186 = arith.constant 128 : i32
      %mul3A_187 = arith.muli %mul3A_161, %mul3A_186 : i32
      %add3A_188 = arith.constant 64 : i32
      %add3A_189 = arith.addi %mul3A_187, %add3A_188 : i32
      %get3A_190 = arith.index_cast %add3A_189 : i32 to index
      %get3A_191 = tpu.vector_load %arg8[%get3A_190] {strides = array<i32>} : memref<20480xi32, #tpu.memory_space<vmem>>, vector<16xi32>,
      %mul3A_192 = arith.constant 128 : i32
      %mul3A_193 = arith.muli %mul3A_161, %mul3A_192 : i32
      %add3A_194 = arith.constant 80 : i32
      %add3A_195 = arith.addi %mul3A_193, %add3A_194 : i32
      %get3A_196 = arith.index_cast %add3A_195 : i32 to index
      %get3A_197 = tpu.vector_load %arg8[%get3A_196] {strides = array<i32>} : memref<20480xi32, #tpu.memory_space<vmem>>, vector<16xi32>,
      %mul3A_198 = arith.constant 128 : i32
      %mul3A_199 = arith.muli %mul3A_161, %mul3A_198 : i32
      %add3A_200 = arith.constant 96 : i32
      %add3A_201 = arith.addi %mul3A_199, %add3A_200 : i32
      %get3A_202 = arith.index_cast %add3A_201 : i32 to index
      %get3A_203 = tpu.vector_load %arg8[%get3A_202] {strides = array<i32>} : memref<20480xi32, #tpu.memory_space<vmem>>, vector<16xi32>,
      %mul3A_204 = arith.constant 128 : i32
      %mul3A_205 = arith.muli %mul3A_161, %mul3A_204 : i32
      %add3A_206 = arith.constant 112 : i32
      %add3A_207 = arith.addi %mul3A_205, %add3A_206 : i32
      %get3A_208 = arith.index_cast %add3A_207 : i32 to index
      %get3A_209 = tpu.vector_load %arg8[%get3A_208] {strides = array<i32>} : memref<20480xi32, #tpu.memory_space<vmem>>, vector<16xi32>,
      %parallel_loop3A_210 = arith.constant 0 : i32
      %parallel_loop3A_211 = arith.constant 4 : i32
      %parallel_loop3A_212 = arith.constant 1 : i32
      scf.for %parallel_loop3A_300 = %parallel_loop3A_210 to %parallel_loop3A_211 step %parallel_loop3A_212  : i32 {
        %parallel_loop3A_301 = arith.constant 0 : i32
        %parallel_loop3A_302 = vector.broadcast %parallel_loop3A_301 : i32 to vector<16xi32>
        %parallel_loop3A_303 = arith.constant 8 : i32
        %parallel_loop3A_304 = arith.muli %parallel_loop3A_300, %parallel_loop3A_303 : i32
        %parallel_loop3A_305 = arith.constant 0 : i32
        %parallel_loop3A_306 = arith.addi %parallel_loop3A_304, %parallel_loop3A_305 : i32
        %parallel_loop3A_307 = vector.broadcast %parallel_loop3A_306 : i32 to vector<16xi32>
        %parallel_loop3A_308 = arith.addi %parallel_loop3A_302, %parallel_loop3A_307 : vector<16xi32>
        %parallel_loop3A_309 = tpu.vector_load_idx %arg11[%parallel_loop3A_308, %get3A_167] : memref<32x1000xf32, #tpu.memory_space<vmem>>[vector<16xi32>, vector<16xi32>], vector<16xf32>,
        %parallel_loop3A_310 = arith.constant 0 : i32
        %parallel_loop3A_311 = arith.index_cast %parallel_loop3A_300 : i32 to index
        %parallel_loop3A_312 = arith.index_cast %parallel_loop3A_310 : i32 to index
        %parallel_loop3A_313 = arith.constant 0 : index
        %parallel_loop3A_314 = tpu.vector_load %arg12[%parallel_loop3A_311, %parallel_loop3A_312, %parallel_loop3A_313] {strides = array<i32>} : memref<4x8x128xf32, #tpu.memory_space<vmem>>, vector<16xf32>,
        tpu.vector_store %arg12[%parallel_loop3A_311, %parallel_loop3A_312, %parallel_loop3A_313], %parallel_loop3A_309 {strides = array<i32>} : memref<4x8x128xf32, #tpu.memory_space<vmem>>, vector<16xf32>,
        %parallel_loop3A_315 = tpu.vector_load_idx %arg11[%parallel_loop3A_308, %get3A_173] : memref<32x1000xf32, #tpu.memory_space<vmem>>[vector<16xi32>, vector<16xi32>], vector<16xf32>,
        %parallel_loop3A_316 = arith.constant 0 : i32
        %parallel_loop3A_317 = arith.index_cast %parallel_loop3A_300 : i32 to index
        %parallel_loop3A_318 = arith.index_cast %parallel_loop3A_316 : i32 to index
        %parallel_loop3A_319 = arith.constant 16 : index
        %parallel_loop3A_320 = tpu.vector_load %arg12[%parallel_loop3A_317, %parallel_loop3A_318, %parallel_loop3A_319] {strides = array<i32>} : memref<4x8x128xf32, #tpu.memory_space<vmem>>, vector<16xf32>,
        tpu.vector_store %arg12[%parallel_loop3A_317, %parallel_loop3A_318, %parallel_loop3A_319], %parallel_loop3A_315 {strides = array<i32>} : memref<4x8x128xf32, #tpu.memory_space<vmem>>, vector<16xf32>,
        %parallel_loop3A_321 = tpu.vector_load_idx %arg11[%parallel_loop3A_308, %get3A_179] : memref<32x1000xf32, #tpu.memory_space<vmem>>[vector<16xi32>, vector<16xi32>], vector<16xf32>,
        %parallel_loop3A_322 = arith.constant 0 : i32
        %parallel_loop3A_323 = arith.index_cast %parallel_loop3A_300 : i32 to index
        %parallel_loop3A_324 = arith.index_cast %parallel_loop3A_322 : i32 to index
        %parallel_loop3A_325 = arith.constant 32 : index
        %parallel_loop3A_326 = tpu.vector_load %arg12[%parallel_loop3A_323, %parallel_loop3A_324, %parallel_loop3A_325] {strides = array<i32>} : memref<4x8x128xf32, #tpu.memory_space<vmem>>, vector<16xf32>,
        tpu.vector_store %arg12[%parallel_loop3A_323, %parallel_loop3A_324, %parallel_loop3A_325], %parallel_loop3A_321 {strides = array<i32>} : memref<4x8x128xf32, #tpu.memory_space<vmem>>, vector<16xf32>,
        %parallel_loop3A_327 = tpu.vector_load_idx %arg11[%parallel_loop3A_308, %get3A_185] : memref<32x1000xf32, #tpu.memory_space<vmem>>[vector<16xi32>, vector<16xi32>], vector<16xf32>,
        %parallel_loop3A_328 = arith.constant 0 : i32
        %parallel_loop3A_329 = arith.index_cast %parallel_loop3A_300 : i32 to index
        %parallel_loop3A_330 = arith.index_cast %parallel_loop3A_328 : i32 to index
        %parallel_loop3A_331 = arith.constant 48 : index
        %parallel_loop3A_332 = tpu.vector_load %arg12[%parallel_loop3A_329, %parallel_loop3A_330, %parallel_loop3A_331] {strides = array<i32>} : memref<4x8x128xf32, #tpu.memory_space<vmem>>, vector<16xf32>,
        tpu.vector_store %arg12[%parallel_loop3A_329, %parallel_loop3A_330, %parallel_loop3A_331], %parallel_loop3A_327 {strides = array<i32>} : memref<4x8x128xf32, #tpu.memory_space<vmem>>, vector<16xf32>,
        %parallel_loop3A_333 = tpu.vector_load_idx %arg11[%parallel_loop3A_308, %get3A_191] : memref<32x1000xf32, #tpu.memory_space<vmem>>[vector<16xi32>, vector<16xi32>], vector<16xf32>,
        %parallel_loop3A_334 = arith.constant 0 : i32
        %parallel_loop3A_335 = arith.index_cast %parallel_loop3A_300 : i32 to index
        %parallel_loop3A_336 = arith.index_cast %parallel_loop3A_334 : i32 to index
        %parallel_loop3A_337 = arith.constant 64 : index
        %parallel_loop3A_338 = tpu.vector_load %arg12[%parallel_loop3A_335, %parallel_loop3A_336, %parallel_loop3A_337] {strides = array<i32>} : memref<4x8x128xf32, #tpu.memory_space<vmem>>, vector<16xf32>,
        tpu.vector_store %arg12[%parallel_loop3A_335, %parallel_loop3A_336, %parallel_loop3A_337], %parallel_loop3A_333 {strides = array<i32>} : memref<4x8x128xf32, #tpu.memory_space<vmem>>, vector<16xf32>,
        %parallel_loop3A_339 = tpu.vector_load_idx %arg11[%parallel_loop3A_308, %get3A_197] : memref<32x1000xf32, #tpu.memory_space<vmem>>[vector<16xi32>, vector<16xi32>], vector<16xf32>,
        %parallel_loop3A_340 = arith.constant 0 : i32
        %parallel_loop3A_341 = arith.index_cast %parallel_loop3A_300 : i32 to index
        %parallel_loop3A_342 = arith.index_cast %parallel_loop3A_340 : i32 to index
        %parallel_loop3A_343 = arith.constant 80 : index
        %parallel_loop3A_344 = tpu.vector_load %arg12[%parallel_loop3A_341, %parallel_loop3A_342, %parallel_loop3A_343] {strides = array<i32>} : memref<4x8x128xf32, #tpu.memory_space<vmem>>, vector<16xf32>,
        tpu.vector_store %arg12[%parallel_loop3A_341, %parallel_loop3A_342, %parallel_loop3A_343], %parallel_loop3A_339 {strides = array<i32>} : memref<4x8x128xf32, #tpu.memory_space<vmem>>, vector<16xf32>,
        %parallel_loop3A_345 = tpu.vector_load_idx %arg11[%parallel_loop3A_308, %get3A_203] : memref<32x1000xf32, #tpu.memory_space<vmem>>[vector<16xi32>, vector<16xi32>], vector<16xf32>,
        %parallel_loop3A_346 = arith.constant 0 : i32
        %parallel_loop3A_347 = arith.index_cast %parallel_loop3A_300 : i32 to index
        %parallel_loop3A_348 = arith.index_cast %parallel_loop3A_346 : i32 to index
        %parallel_loop3A_349 = arith.constant 96 : index
        %parallel_loop3A_350 = tpu.vector_load %arg12[%parallel_loop3A_347, %parallel_loop3A_348, %parallel_loop3A_349] {strides = array<i32>} : memref<4x8x128xf32, #tpu.memory_space<vmem>>, vector<16xf32>,
        tpu.vector_store %arg12[%parallel_loop3A_347, %parallel_loop3A_348, %parallel_loop3A_349], %parallel_loop3A_345 {strides = array<i32>} : memref<4x8x128xf32, #tpu.memory_space<vmem>>, vector<16xf32>,
        %parallel_loop3A_351 = tpu.vector_load_idx %arg11[%parallel_loop3A_308, %get3A_209] : memref<32x1000xf32, #tpu.memory_space<vmem>>[vector<16xi32>, vector<16xi32>], vector<16xf32>,
        %parallel_loop3A_352 = arith.constant 0 : i32
        %parallel_loop3A_353 = arith.index_cast %parallel_loop3A_300 : i32 to index
        %parallel_loop3A_354 = arith.index_cast %parallel_loop3A_352 : i32 to index
        %parallel_loop3A_355 = arith.constant 112 : index
        %parallel_loop3A_356 = tpu.vector_load %arg12[%parallel_loop3A_353, %parallel_loop3A_354, %parallel_loop3A_355] {strides = array<i32>} : memref<4x8x128xf32, #tpu.memory_space<vmem>>, vector<16xf32>,
        tpu.vector_store %arg12[%parallel_loop3A_353, %parallel_loop3A_354, %parallel_loop3A_355], %parallel_loop3A_351 {strides = array<i32>} : memref<4x8x128xf32, #tpu.memory_space<vmem>>, vector<16xf32>,
        %parallel_loop3A_357 = arith.constant 0 : i32
        %parallel_loop3A_358 = vector.broadcast %parallel_loop3A_357 : i32 to vector<16xi32>
        %parallel_loop3A_359 = arith.constant 8 : i32
        %parallel_loop3A_360 = arith.muli %parallel_loop3A_300, %parallel_loop3A_359 : i32
        %parallel_loop3A_361 = arith.constant 1 : i32
        %parallel_loop3A_362 = arith.addi %parallel_loop3A_360, %parallel_loop3A_361 : i32
        %parallel_loop3A_363 = vector.broadcast %parallel_loop3A_362 : i32 to vector<16xi32>
        %parallel_loop3A_364 = arith.addi %parallel_loop3A_358, %parallel_loop3A_363 : vector<16xi32>
        %parallel_loop3A_365 = tpu.vector_load_idx %arg11[%parallel_loop3A_364, %get3A_167] : memref<32x1000xf32, #tpu.memory_space<vmem>>[vector<16xi32>, vector<16xi32>], vector<16xf32>,
        %parallel_loop3A_366 = arith.constant 1 : i32
        %parallel_loop3A_367 = arith.index_cast %parallel_loop3A_300 : i32 to index
        %parallel_loop3A_368 = arith.index_cast %parallel_loop3A_366 : i32 to index
        %parallel_loop3A_369 = arith.constant 0 : index
        %parallel_loop3A_370 = tpu.vector_load %arg12[%parallel_loop3A_367, %parallel_loop3A_368, %parallel_loop3A_369] {strides = array<i32>} : memref<4x8x128xf32, #tpu.memory_space<vmem>>, vector<16xf32>,
        tpu.vector_store %arg12[%parallel_loop3A_367, %parallel_loop3A_368, %parallel_loop3A_369], %parallel_loop3A_365 {strides = array<i32>} : memref<4x8x128xf32, #tpu.memory_space<vmem>>, vector<16xf32>,
        %parallel_loop3A_371 = tpu.vector_load_idx %arg11[%parallel_loop3A_364, %get3A_173] : memref<32x1000xf32, #tpu.memory_space<vmem>>[vector<16xi32>, vector<16xi32>], vector<16xf32>,
        %parallel_loop3A_372 = arith.constant 1 : i32
        %parallel_loop3A_373 = arith.index_cast %parallel_loop3A_300 : i32 to index
        %parallel_loop3A_374 = arith.index_cast %parallel_loop3A_372 : i32 to index
        %parallel_loop3A_375 = arith.constant 16 : index
        %parallel_loop3A_376 = tpu.vector_load %arg12[%parallel_loop3A_373, %parallel_loop3A_374, %parallel_loop3A_375] {strides = array<i32>} : memref<4x8x128xf32, #tpu.memory_space<vmem>>, vector<16xf32>,
        tpu.vector_store %arg12[%parallel_loop3A_373, %parallel_loop3A_374, %parallel_loop3A_375], %parallel_loop3A_371 {strides = array<i32>} : memref<4x8x128xf32, #tpu.memory_space<vmem>>, vector<16xf32>,
        %parallel_loop3A_377 = tpu.vector_load_idx %arg11[%parallel_loop3A_364, %get3A_179] : memref<32x1000xf32, #tpu.memory_space<vmem>>[vector<16xi32>, vector<16xi32>], vector<16xf32>,
        %parallel_loop3A_378 = arith.constant 1 : i32
        %parallel_loop3A_379 = arith.index_cast %parallel_loop3A_300 : i32 to index
        %parallel_loop3A_380 = arith.index_cast %parallel_loop3A_378 : i32 to index
        %parallel_loop3A_381 = arith.constant 32 : index
        %parallel_loop3A_382 = tpu.vector_load %arg12[%parallel_loop3A_379, %parallel_loop3A_380, %parallel_loop3A_381] {strides = array<i32>} : memref<4x8x128xf32, #tpu.memory_space<vmem>>, vector<16xf32>,
        tpu.vector_store %arg12[%parallel_loop3A_379, %parallel_loop3A_380, %parallel_loop3A_381], %parallel_loop3A_377 {strides = array<i32>} : memref<4x8x128xf32, #tpu.memory_space<vmem>>, vector<16xf32>,
        %parallel_loop3A_383 = tpu.vector_load_idx %arg11[%parallel_loop3A_364, %get3A_185] : memref<32x1000xf32, #tpu.memory_space<vmem>>[vector<16xi32>, vector<16xi32>], vector<16xf32>,
        %parallel_loop3A_384 = arith.constant 1 : i32
        %parallel_loop3A_385 = arith.index_cast %parallel_loop3A_300 : i32 to index
        %parallel_loop3A_386 = arith.index_cast %parallel_loop3A_384 : i32 to index
        %parallel_loop3A_387 = arith.constant 48 : index
        %parallel_loop3A_388 = tpu.vector_load %arg12[%parallel_loop3A_385, %parallel_loop3A_386, %parallel_loop3A_387] {strides = array<i32>} : memref<4x8x128xf32, #tpu.memory_space<vmem>>, vector<16xf32>,
        tpu.vector_store %arg12[%parallel_loop3A_385, %parallel_loop3A_386, %parallel_loop3A_387], %parallel_loop3A_383 {strides = array<i32>} : memref<4x8x128xf32, #tpu.memory_space<vmem>>, vector<16xf32>,
        %parallel_loop3A_389 = tpu.vector_load_idx %arg11[%parallel_loop3A_364, %get3A_191] : memref<32x1000xf32, #tpu.memory_space<vmem>>[vector<16xi32>, vector<16xi32>], vector<16xf32>,
        %parallel_loop3A_390 = arith.constant 1 : i32
        %parallel_loop3A_391 = arith.index_cast %parallel_loop3A_300 : i32 to index
        %parallel_loop3A_392 = arith.index_cast %parallel_loop3A_390 : i32 to index
        %parallel_loop3A_393 = arith.constant 64 : index
        %parallel_loop3A_394 = tpu.vector_load %arg12[%parallel_loop3A_391, %parallel_loop3A_392, %parallel_loop3A_393] {strides = array<i32>} : memref<4x8x128xf32, #tpu.memory_space<vmem>>, vector<16xf32>,
        tpu.vector_store %arg12[%parallel_loop3A_391, %parallel_loop3A_392, %parallel_loop3A_393], %parallel_loop3A_389 {strides = array<i32>} : memref<4x8x128xf32, #tpu.memory_space<vmem>>, vector<16xf32>,
        %parallel_loop3A_395 = tpu.vector_load_idx %arg11[%parallel_loop3A_364, %get3A_197] : memref<32x1000xf32, #tpu.memory_space<vmem>>[vector<16xi32>, vector<16xi32>], vector<16xf32>,
        %parallel_loop3A_396 = arith.constant 1 : i32
        %parallel_loop3A_397 = arith.index_cast %parallel_loop3A_300 : i32 to index
        %parallel_loop3A_398 = arith.index_cast %parallel_loop3A_396 : i32 to index
        %parallel_loop3A_399 = arith.constant 80 : index
        %parallel_loop3A_400 = tpu.vector_load %arg12[%parallel_loop3A_397, %parallel_loop3A_398, %parallel_loop3A_399] {strides = array<i32>} : memref<4x8x128xf32, #tpu.memory_space<vmem>>, vector<16xf32>,
        tpu.vector_store %arg12[%parallel_loop3A_397, %parallel_loop3A_398, %parallel_loop3A_399], %parallel_loop3A_395 {strides = array<i32>} : memref<4x8x128xf32, #tpu.memory_space<vmem>>, vector<16xf32>,
        %parallel_loop3A_401 = tpu.vector_load_idx %arg11[%parallel_loop3A_364, %get3A_203] : memref<32x1000xf32, #tpu.memory_space<vmem>>[vector<16xi32>, vector<16xi32>], vector<16xf32>,
        %parallel_loop3A_402 = arith.constant 1 : i32
        %parallel_loop3A_403 = arith.index_cast %parallel_loop3A_300 : i32 to index
        %parallel_loop3A_404 = arith.index_cast %parallel_loop3A_402 : i32 to index
        %parallel_loop3A_405 = arith.constant 96 : index
        %parallel_loop3A_406 = tpu.vector_load %arg12[%parallel_loop3A_403, %parallel_loop3A_404, %parallel_loop3A_405] {strides = array<i32>} : memref<4x8x128xf32, #tpu.memory_space<vmem>>, vector<16xf32>,
        tpu.vector_store %arg12[%parallel_loop3A_403, %parallel_loop3A_404, %parallel_loop3A_405], %parallel_loop3A_401 {strides = array<i32>} : memref<4x8x128xf32, #tpu.memory_space<vmem>>, vector<16xf32>,
        %parallel_loop3A_407 = tpu.vector_load_idx %arg11[%parallel_loop3A_364, %get3A_209] : memref<32x1000xf32, #tpu.memory_space<vmem>>[vector<16xi32>, vector<16xi32>], vector<16xf32>,
        %parallel_loop3A_408 = arith.constant 1 : i32
        %parallel_loop3A_409 = arith.index_cast %parallel_loop3A_300 : i32 to index
        %parallel_loop3A_410 = arith.index_cast %parallel_loop3A_408 : i32 to index
        %parallel_loop3A_411 = arith.constant 112 : index
        %parallel_loop3A_412 = tpu.vector_load %arg12[%parallel_loop3A_409, %parallel_loop3A_410, %parallel_loop3A_411] {strides = array<i32>} : memref<4x8x128xf32, #tpu.memory_space<vmem>>, vector<16xf32>,
        tpu.vector_store %arg12[%parallel_loop3A_409, %parallel_loop3A_410, %parallel_loop3A_411], %parallel_loop3A_407 {strides = array<i32>} : memref<4x8x128xf32, #tpu.memory_space<vmem>>, vector<16xf32>,
        %parallel_loop3A_413 = arith.constant 0 : i32
        %parallel_loop3A_414 = vector.broadcast %parallel_loop3A_413 : i32 to vector<16xi32>
        %parallel_loop3A_415 = arith.constant 8 : i32
        %parallel_loop3A_416 = arith.muli %parallel_loop3A_300, %parallel_loop3A_415 : i32
        %parallel_loop3A_417 = arith.constant 2 : i32
        %parallel_loop3A_418 = arith.addi %parallel_loop3A_416, %parallel_loop3A_417 : i32
        %parallel_loop3A_419 = vector.broadcast %parallel_loop3A_418 : i32 to vector<16xi32>
        %parallel_loop3A_420 = arith.addi %parallel_loop3A_414, %parallel_loop3A_419 : vector<16xi32>
        %parallel_loop3A_421 = tpu.vector_load_idx %arg11[%parallel_loop3A_420, %get3A_167] : memref<32x1000xf32, #tpu.memory_space<vmem>>[vector<16xi32>, vector<16xi32>], vector<16xf32>,
        %parallel_loop3A_422 = arith.constant 2 : i32
        %parallel_loop3A_423 = arith.index_cast %parallel_loop3A_300 : i32 to index
        %parallel_loop3A_424 = arith.index_cast %parallel_loop3A_422 : i32 to index
        %parallel_loop3A_425 = arith.constant 0 : index
        %parallel_loop3A_426 = tpu.vector_load %arg12[%parallel_loop3A_423, %parallel_loop3A_424, %parallel_loop3A_425] {strides = array<i32>} : memref<4x8x128xf32, #tpu.memory_space<vmem>>, vector<16xf32>,
        tpu.vector_store %arg12[%parallel_loop3A_423, %parallel_loop3A_424, %parallel_loop3A_425], %parallel_loop3A_421 {strides = array<i32>} : memref<4x8x128xf32, #tpu.memory_space<vmem>>, vector<16xf32>,
        %parallel_loop3A_427 = tpu.vector_load_idx %arg11[%parallel_loop3A_420, %get3A_173] : memref<32x1000xf32, #tpu.memory_space<vmem>>[vector<16xi32>, vector<16xi32>], vector<16xf32>,
        %parallel_loop3A_428 = arith.constant 2 : i32
        %parallel_loop3A_429 = arith.index_cast %parallel_loop3A_300 : i32 to index
        %parallel_loop3A_430 = arith.index_cast %parallel_loop3A_428 : i32 to index
        %parallel_loop3A_431 = arith.constant 16 : index
        %parallel_loop3A_432 = tpu.vector_load %arg12[%parallel_loop3A_429, %parallel_loop3A_430, %parallel_loop3A_431] {strides = array<i32>} : memref<4x8x128xf32, #tpu.memory_space<vmem>>, vector<16xf32>,
        tpu.vector_store %arg12[%parallel_loop3A_429, %parallel_loop3A_430, %parallel_loop3A_431], %parallel_loop3A_427 {strides = array<i32>} : memref<4x8x128xf32, #tpu.memory_space<vmem>>, vector<16xf32>,
        %parallel_loop3A_433 = tpu.vector_load_idx %arg11[%parallel_loop3A_420, %get3A_179] : memref<32x1000xf32, #tpu.memory_space<vmem>>[vector<16xi32>, vector<16xi32>], vector<16xf32>,
        %parallel_loop3A_434 = arith.constant 2 : i32
        %parallel_loop3A_435 = arith.index_cast %parallel_loop3A_300 : i32 to index
        %parallel_loop3A_436 = arith.index_cast %parallel_loop3A_434 : i32 to index
        %parallel_loop3A_437 = arith.constant 32 : index
        %parallel_loop3A_438 = tpu.vector_load %arg12[%parallel_loop3A_435, %parallel_loop3A_436, %parallel_loop3A_437] {strides = array<i32>} : memref<4x8x128xf32, #tpu.memory_space<vmem>>, vector<16xf32>,
        tpu.vector_store %arg12[%parallel_loop3A_435, %parallel_loop3A_436, %parallel_loop3A_437], %parallel_loop3A_433 {strides = array<i32>} : memref<4x8x128xf32, #tpu.memory_space<vmem>>, vector<16xf32>,
        %parallel_loop3A_439 = tpu.vector_load_idx %arg11[%parallel_loop3A_420, %get3A_185] : memref<32x1000xf32, #tpu.memory_space<vmem>>[vector<16xi32>, vector<16xi32>], vector<16xf32>,
        %parallel_loop3A_440 = arith.constant 2 : i32
        %parallel_loop3A_441 = arith.index_cast %parallel_loop3A_300 : i32 to index
        %parallel_loop3A_442 = arith.index_cast %parallel_loop3A_440 : i32 to index
        %parallel_loop3A_443 = arith.constant 48 : index
        %parallel_loop3A_444 = tpu.vector_load %arg12[%parallel_loop3A_441, %parallel_loop3A_442, %parallel_loop3A_443] {strides = array<i32>} : memref<4x8x128xf32, #tpu.memory_space<vmem>>, vector<16xf32>,
        tpu.vector_store %arg12[%parallel_loop3A_441, %parallel_loop3A_442, %parallel_loop3A_443], %parallel_loop3A_439 {strides = array<i32>} : memref<4x8x128xf32, #tpu.memory_space<vmem>>, vector<16xf32>,
        %parallel_loop3A_445 = tpu.vector_load_idx %arg11[%parallel_loop3A_420, %get3A_191] : memref<32x1000xf32, #tpu.memory_space<vmem>>[vector<16xi32>, vector<16xi32>], vector<16xf32>,
        %parallel_loop3A_446 = arith.constant 2 : i32
        %parallel_loop3A_447 = arith.index_cast %parallel_loop3A_300 : i32 to index
        %parallel_loop3A_448 = arith.index_cast %parallel_loop3A_446 : i32 to index
        %parallel_loop3A_449 = arith.constant 64 : index
        %parallel_loop3A_450 = tpu.vector_load %arg12[%parallel_loop3A_447, %parallel_loop3A_448, %parallel_loop3A_449] {strides = array<i32>} : memref<4x8x128xf32, #tpu.memory_space<vmem>>, vector<16xf32>,
        tpu.vector_store %arg12[%parallel_loop3A_447, %parallel_loop3A_448, %parallel_loop3A_449], %parallel_loop3A_445 {strides = array<i32>} : memref<4x8x128xf32, #tpu.memory_space<vmem>>, vector<16xf32>,
        %parallel_loop3A_451 = tpu.vector_load_idx %arg11[%parallel_loop3A_420, %get3A_197] : memref<32x1000xf32, #tpu.memory_space<vmem>>[vector<16xi32>, vector<16xi32>], vector<16xf32>,
        %parallel_loop3A_452 = arith.constant 2 : i32
        %parallel_loop3A_453 = arith.index_cast %parallel_loop3A_300 : i32 to index
        %parallel_loop3A_454 = arith.index_cast %parallel_loop3A_452 : i32 to index
        %parallel_loop3A_455 = arith.constant 80 : index
        %parallel_loop3A_456 = tpu.vector_load %arg12[%parallel_loop3A_453, %parallel_loop3A_454, %parallel_loop3A_455] {strides = array<i32>} : memref<4x8x128xf32, #tpu.memory_space<vmem>>, vector<16xf32>,
        tpu.vector_store %arg12[%parallel_loop3A_453, %parallel_loop3A_454, %parallel_loop3A_455], %parallel_loop3A_451 {strides = array<i32>} : memref<4x8x128xf32, #tpu.memory_space<vmem>>, vector<16xf32>,
        %parallel_loop3A_457 = tpu.vector_load_idx %arg11[%parallel_loop3A_420, %get3A_203] : memref<32x1000xf32, #tpu.memory_space<vmem>>[vector<16xi32>, vector<16xi32>], vector<16xf32>,
        %parallel_loop3A_458 = arith.constant 2 : i32
        %parallel_loop3A_459 = arith.index_cast %parallel_loop3A_300 : i32 to index
        %parallel_loop3A_460 = arith.index_cast %parallel_loop3A_458 : i32 to index
        %parallel_loop3A_461 = arith.constant 96 : index
        %parallel_loop3A_462 = tpu.vector_load %arg12[%parallel_loop3A_459, %parallel_loop3A_460, %parallel_loop3A_461] {strides = array<i32>} : memref<4x8x128xf32, #tpu.memory_space<vmem>>, vector<16xf32>,
        tpu.vector_store %arg12[%parallel_loop3A_459, %parallel_loop3A_460, %parallel_loop3A_461], %parallel_loop3A_457 {strides = array<i32>} : memref<4x8x128xf32, #tpu.memory_space<vmem>>, vector<16xf32>,
        %parallel_loop3A_463 = tpu.vector_load_idx %arg11[%parallel_loop3A_420, %get3A_209] : memref<32x1000xf32, #tpu.memory_space<vmem>>[vector<16xi32>, vector<16xi32>], vector<16xf32>,
        %parallel_loop3A_464 = arith.constant 2 : i32
        %parallel_loop3A_465 = arith.index_cast %parallel_loop3A_300 : i32 to index
        %parallel_loop3A_466 = arith.index_cast %parallel_loop3A_464 : i32 to index
        %parallel_loop3A_467 = arith.constant 112 : index
        %parallel_loop3A_468 = tpu.vector_load %arg12[%parallel_loop3A_465, %parallel_loop3A_466, %parallel_loop3A_467] {strides = array<i32>} : memref<4x8x128xf32, #tpu.memory_space<vmem>>, vector<16xf32>,
        tpu.vector_store %arg12[%parallel_loop3A_465, %parallel_loop3A_466, %parallel_loop3A_467], %parallel_loop3A_463 {strides = array<i32>} : memref<4x8x128xf32, #tpu.memory_space<vmem>>, vector<16xf32>,
        %parallel_loop3A_469 = arith.constant 0 : i32
        %parallel_loop3A_470 = vector.broadcast %parallel_loop3A_469 : i32 to vector<16xi32>
        %parallel_loop3A_471 = arith.constant 8 : i32
        %parallel_loop3A_472 = arith.muli %parallel_loop3A_300, %parallel_loop3A_471 : i32
        %parallel_loop3A_473 = arith.constant 3 : i32
        %parallel_loop3A_474 = arith.addi %parallel_loop3A_472, %parallel_loop3A_473 : i32
        %parallel_loop3A_475 = vector.broadcast %parallel_loop3A_474 : i32 to vector<16xi32>
        %parallel_loop3A_476 = arith.addi %parallel_loop3A_470, %parallel_loop3A_475 : vector<16xi32>
        %parallel_loop3A_477 = tpu.vector_load_idx %arg11[%parallel_loop3A_476, %get3A_167] : memref<32x1000xf32, #tpu.memory_space<vmem>>[vector<16xi32>, vector<16xi32>], vector<16xf32>,
        %parallel_loop3A_478 = arith.constant 3 : i32
        %parallel_loop3A_479 = arith.index_cast %parallel_loop3A_300 : i32 to index
        %parallel_loop3A_480 = arith.index_cast %parallel_loop3A_478 : i32 to index
        %parallel_loop3A_481 = arith.constant 0 : index
        %parallel_loop3A_482 = tpu.vector_load %arg12[%parallel_loop3A_479, %parallel_loop3A_480, %parallel_loop3A_481] {strides = array<i32>} : memref<4x8x128xf32, #tpu.memory_space<vmem>>, vector<16xf32>,
        tpu.vector_store %arg12[%parallel_loop3A_479, %parallel_loop3A_480, %parallel_loop3A_481], %parallel_loop3A_477 {strides = array<i32>} : memref<4x8x128xf32, #tpu.memory_space<vmem>>, vector<16xf32>,
        %parallel_loop3A_483 = tpu.vector_load_idx %arg11[%parallel_loop3A_476, %get3A_173] : memref<32x1000xf32, #tpu.memory_space<vmem>>[vector<16xi32>, vector<16xi32>], vector<16xf32>,
        %parallel_loop3A_484 = arith.constant 3 : i32
        %parallel_loop3A_485 = arith.index_cast %parallel_loop3A_300 : i32 to index
        %parallel_loop3A_486 = arith.index_cast %parallel_loop3A_484 : i32 to index
        %parallel_loop3A_487 = arith.constant 16 : index
        %parallel_loop3A_488 = tpu.vector_load %arg12[%parallel_loop3A_485, %parallel_loop3A_486, %parallel_loop3A_487] {strides = array<i32>} : memref<4x8x128xf32, #tpu.memory_space<vmem>>, vector<16xf32>,
        tpu.vector_store %arg12[%parallel_loop3A_485, %parallel_loop3A_486, %parallel_loop3A_487], %parallel_loop3A_483 {strides = array<i32>} : memref<4x8x128xf32, #tpu.memory_space<vmem>>, vector<16xf32>,
        %parallel_loop3A_489 = tpu.vector_load_idx %arg11[%parallel_loop3A_476, %get3A_179] : memref<32x1000xf32, #tpu.memory_space<vmem>>[vector<16xi32>, vector<16xi32>], vector<16xf32>,
        %parallel_loop3A_490 = arith.constant 3 : i32
        %parallel_loop3A_491 = arith.index_cast %parallel_loop3A_300 : i32 to index
        %parallel_loop3A_492 = arith.index_cast %parallel_loop3A_490 : i32 to index
        %parallel_loop3A_493 = arith.constant 32 : index
        %parallel_loop3A_494 = tpu.vector_load %arg12[%parallel_loop3A_491, %parallel_loop3A_492, %parallel_loop3A_493] {strides = array<i32>} : memref<4x8x128xf32, #tpu.memory_space<vmem>>, vector<16xf32>,
        tpu.vector_store %arg12[%parallel_loop3A_491, %parallel_loop3A_492, %parallel_loop3A_493], %parallel_loop3A_489 {strides = array<i32>} : memref<4x8x128xf32, #tpu.memory_space<vmem>>, vector<16xf32>,
        %parallel_loop3A_495 = tpu.vector_load_idx %arg11[%parallel_loop3A_476, %get3A_185] : memref<32x1000xf32, #tpu.memory_space<vmem>>[vector<16xi32>, vector<16xi32>], vector<16xf32>,
        %parallel_loop3A_496 = arith.constant 3 : i32
        %parallel_loop3A_497 = arith.index_cast %parallel_loop3A_300 : i32 to index
        %parallel_loop3A_498 = arith.index_cast %parallel_loop3A_496 : i32 to index
        %parallel_loop3A_499 = arith.constant 48 : index
        %parallel_loop3A_500 = tpu.vector_load %arg12[%parallel_loop3A_497, %parallel_loop3A_498, %parallel_loop3A_499] {strides = array<i32>} : memref<4x8x128xf32, #tpu.memory_space<vmem>>, vector<16xf32>,
        tpu.vector_store %arg12[%parallel_loop3A_497, %parallel_loop3A_498, %parallel_loop3A_499], %parallel_loop3A_495 {strides = array<i32>} : memref<4x8x128xf32, #tpu.memory_space<vmem>>, vector<16xf32>,
        %parallel_loop3A_501 = tpu.vector_load_idx %arg11[%parallel_loop3A_476, %get3A_191] : memref<32x1000xf32, #tpu.memory_space<vmem>>[vector<16xi32>, vector<16xi32>], vector<16xf32>,
        %parallel_loop3A_502 = arith.constant 3 : i32
        %parallel_loop3A_503 = arith.index_cast %parallel_loop3A_300 : i32 to index
        %parallel_loop3A_504 = arith.index_cast %parallel_loop3A_502 : i32 to index
        %parallel_loop3A_505 = arith.constant 64 : index
        %parallel_loop3A_506 = tpu.vector_load %arg12[%parallel_loop3A_503, %parallel_loop3A_504, %parallel_loop3A_505] {strides = array<i32>} : memref<4x8x128xf32, #tpu.memory_space<vmem>>, vector<16xf32>,
        tpu.vector_store %arg12[%parallel_loop3A_503, %parallel_loop3A_504, %parallel_loop3A_505], %parallel_loop3A_501 {strides = array<i32>} : memref<4x8x128xf32, #tpu.memory_space<vmem>>, vector<16xf32>,
        %parallel_loop3A_507 = tpu.vector_load_idx %arg11[%parallel_loop3A_476, %get3A_197] : memref<32x1000xf32, #tpu.memory_space<vmem>>[vector<16xi32>, vector<16xi32>], vector<16xf32>,
        %parallel_loop3A_508 = arith.constant 3 : i32
        %parallel_loop3A_509 = arith.index_cast %parallel_loop3A_300 : i32 to index
        %parallel_loop3A_510 = arith.index_cast %parallel_loop3A_508 : i32 to index
        %parallel_loop3A_511 = arith.constant 80 : index
        %parallel_loop3A_512 = tpu.vector_load %arg12[%parallel_loop3A_509, %parallel_loop3A_510, %parallel_loop3A_511] {strides = array<i32>} : memref<4x8x128xf32, #tpu.memory_space<vmem>>, vector<16xf32>,
        tpu.vector_store %arg12[%parallel_loop3A_509, %parallel_loop3A_510, %parallel_loop3A_511], %parallel_loop3A_507 {strides = array<i32>} : memref<4x8x128xf32, #tpu.memory_space<vmem>>, vector<16xf32>,
        %parallel_loop3A_513 = tpu.vector_load_idx %arg11[%parallel_loop3A_476, %get3A_203] : memref<32x1000xf32, #tpu.memory_space<vmem>>[vector<16xi32>, vector<16xi32>], vector<16xf32>,
        %parallel_loop3A_514 = arith.constant 3 : i32
        %parallel_loop3A_515 = arith.index_cast %parallel_loop3A_300 : i32 to index
        %parallel_loop3A_516 = arith.index_cast %parallel_loop3A_514 : i32 to index
        %parallel_loop3A_517 = arith.constant 96 : index
        %parallel_loop3A_518 = tpu.vector_load %arg12[%parallel_loop3A_515, %parallel_loop3A_516, %parallel_loop3A_517] {strides = array<i32>} : memref<4x8x128xf32, #tpu.memory_space<vmem>>, vector<16xf32>,
        tpu.vector_store %arg12[%parallel_loop3A_515, %parallel_loop3A_516, %parallel_loop3A_517], %parallel_loop3A_513 {strides = array<i32>} : memref<4x8x128xf32, #tpu.memory_space<vmem>>, vector<16xf32>,
        %parallel_loop3A_519 = tpu.vector_load_idx %arg11[%parallel_loop3A_476, %get3A_209] : memref<32x1000xf32, #tpu.memory_space<vmem>>[vector<16xi32>, vector<16xi32>], vector<16xf32>,
        %parallel_loop3A_520 = arith.constant 3 : i32
        %parallel_loop3A_521 = arith.index_cast %parallel_loop3A_300 : i32 to index
        %parallel_loop3A_522 = arith.index_cast %parallel_loop3A_520 : i32 to index
        %parallel_loop3A_523 = arith.constant 112 : index
        %parallel_loop3A_524 = tpu.vector_load %arg12[%parallel_loop3A_521, %parallel_loop3A_522, %parallel_loop3A_523] {strides = array<i32>} : memref<4x8x128xf32, #tpu.memory_space<vmem>>, vector<16xf32>,
        tpu.vector_store %arg12[%parallel_loop3A_521, %parallel_loop3A_522, %parallel_loop3A_523], %parallel_loop3A_519 {strides = array<i32>} : memref<4x8x128xf32, #tpu.memory_space<vmem>>, vector<16xf32>,
        %parallel_loop3A_525 = arith.constant 0 : i32
        %parallel_loop3A_526 = vector.broadcast %parallel_loop3A_525 : i32 to vector<16xi32>
        %parallel_loop3A_527 = arith.constant 8 : i32
        %parallel_loop3A_528 = arith.muli %parallel_loop3A_300, %parallel_loop3A_527 : i32
        %parallel_loop3A_529 = arith.constant 4 : i32
        %parallel_loop3A_530 = arith.addi %parallel_loop3A_528, %parallel_loop3A_529 : i32
        %parallel_loop3A_531 = vector.broadcast %parallel_loop3A_530 : i32 to vector<16xi32>
        %parallel_loop3A_532 = arith.addi %parallel_loop3A_526, %parallel_loop3A_531 : vector<16xi32>
        %parallel_loop3A_533 = tpu.vector_load_idx %arg11[%parallel_loop3A_532, %get3A_167] : memref<32x1000xf32, #tpu.memory_space<vmem>>[vector<16xi32>, vector<16xi32>], vector<16xf32>,
        %parallel_loop3A_534 = arith.constant 4 : i32
        %parallel_loop3A_535 = arith.index_cast %parallel_loop3A_300 : i32 to index
        %parallel_loop3A_536 = arith.index_cast %parallel_loop3A_534 : i32 to index
        %parallel_loop3A_537 = arith.constant 0 : index
        %parallel_loop3A_538 = tpu.vector_load %arg12[%parallel_loop3A_535, %parallel_loop3A_536, %parallel_loop3A_537] {strides = array<i32>} : memref<4x8x128xf32, #tpu.memory_space<vmem>>, vector<16xf32>,
        tpu.vector_store %arg12[%parallel_loop3A_535, %parallel_loop3A_536, %parallel_loop3A_537], %parallel_loop3A_533 {strides = array<i32>} : memref<4x8x128xf32, #tpu.memory_space<vmem>>, vector<16xf32>,
        %parallel_loop3A_539 = tpu.vector_load_idx %arg11[%parallel_loop3A_532, %get3A_173] : memref<32x1000xf32, #tpu.memory_space<vmem>>[vector<16xi32>, vector<16xi32>], vector<16xf32>,
        %parallel_loop3A_540 = arith.constant 4 : i32
        %parallel_loop3A_541 = arith.index_cast %parallel_loop3A_300 : i32 to index
        %parallel_loop3A_542 = arith.index_cast %parallel_loop3A_540 : i32 to index
        %parallel_loop3A_543 = arith.constant 16 : index
        %parallel_loop3A_544 = tpu.vector_load %arg12[%parallel_loop3A_541, %parallel_loop3A_542, %parallel_loop3A_543] {strides = array<i32>} : memref<4x8x128xf32, #tpu.memory_space<vmem>>, vector<16xf32>,
        tpu.vector_store %arg12[%parallel_loop3A_541, %parallel_loop3A_542, %parallel_loop3A_543], %parallel_loop3A_539 {strides = array<i32>} : memref<4x8x128xf32, #tpu.memory_space<vmem>>, vector<16xf32>,
        %parallel_loop3A_545 = tpu.vector_load_idx %arg11[%parallel_loop3A_532, %get3A_179] : memref<32x1000xf32, #tpu.memory_space<vmem>>[vector<16xi32>, vector<16xi32>], vector<16xf32>,
        %parallel_loop3A_546 = arith.constant 4 : i32
        %parallel_loop3A_547 = arith.index_cast %parallel_loop3A_300 : i32 to index
        %parallel_loop3A_548 = arith.index_cast %parallel_loop3A_546 : i32 to index
        %parallel_loop3A_549 = arith.constant 32 : index
        %parallel_loop3A_550 = tpu.vector_load %arg12[%parallel_loop3A_547, %parallel_loop3A_548, %parallel_loop3A_549] {strides = array<i32>} : memref<4x8x128xf32, #tpu.memory_space<vmem>>, vector<16xf32>,
        tpu.vector_store %arg12[%parallel_loop3A_547, %parallel_loop3A_548, %parallel_loop3A_549], %parallel_loop3A_545 {strides = array<i32>} : memref<4x8x128xf32, #tpu.memory_space<vmem>>, vector<16xf32>,
        %parallel_loop3A_551 = tpu.vector_load_idx %arg11[%parallel_loop3A_532, %get3A_185] : memref<32x1000xf32, #tpu.memory_space<vmem>>[vector<16xi32>, vector<16xi32>], vector<16xf32>,
        %parallel_loop3A_552 = arith.constant 4 : i32
        %parallel_loop3A_553 = arith.index_cast %parallel_loop3A_300 : i32 to index
        %parallel_loop3A_554 = arith.index_cast %parallel_loop3A_552 : i32 to index
        %parallel_loop3A_555 = arith.constant 48 : index
        %parallel_loop3A_556 = tpu.vector_load %arg12[%parallel_loop3A_553, %parallel_loop3A_554, %parallel_loop3A_555] {strides = array<i32>} : memref<4x8x128xf32, #tpu.memory_space<vmem>>, vector<16xf32>,
        tpu.vector_store %arg12[%parallel_loop3A_553, %parallel_loop3A_554, %parallel_loop3A_555], %parallel_loop3A_551 {strides = array<i32>} : memref<4x8x128xf32, #tpu.memory_space<vmem>>, vector<16xf32>,
        %parallel_loop3A_557 = tpu.vector_load_idx %arg11[%parallel_loop3A_532, %get3A_191] : memref<32x1000xf32, #tpu.memory_space<vmem>>[vector<16xi32>, vector<16xi32>], vector<16xf32>,
        %parallel_loop3A_558 = arith.constant 4 : i32
        %parallel_loop3A_559 = arith.index_cast %parallel_loop3A_300 : i32 to index
        %parallel_loop3A_560 = arith.index_cast %parallel_loop3A_558 : i32 to index
        %parallel_loop3A_561 = arith.constant 64 : index
        %parallel_loop3A_562 = tpu.vector_load %arg12[%parallel_loop3A_559, %parallel_loop3A_560, %parallel_loop3A_561] {strides = array<i32>} : memref<4x8x128xf32, #tpu.memory_space<vmem>>, vector<16xf32>,
        tpu.vector_store %arg12[%parallel_loop3A_559, %parallel_loop3A_560, %parallel_loop3A_561], %parallel_loop3A_557 {strides = array<i32>} : memref<4x8x128xf32, #tpu.memory_space<vmem>>, vector<16xf32>,
        %parallel_loop3A_563 = tpu.vector_load_idx %arg11[%parallel_loop3A_532, %get3A_197] : memref<32x1000xf32, #tpu.memory_space<vmem>>[vector<16xi32>, vector<16xi32>], vector<16xf32>,
        %parallel_loop3A_564 = arith.constant 4 : i32
        %parallel_loop3A_565 = arith.index_cast %parallel_loop3A_300 : i32 to index
        %parallel_loop3A_566 = arith.index_cast %parallel_loop3A_564 : i32 to index
        %parallel_loop3A_567 = arith.constant 80 : index
        %parallel_loop3A_568 = tpu.vector_load %arg12[%parallel_loop3A_565, %parallel_loop3A_566, %parallel_loop3A_567] {strides = array<i32>} : memref<4x8x128xf32, #tpu.memory_space<vmem>>, vector<16xf32>,
        tpu.vector_store %arg12[%parallel_loop3A_565, %parallel_loop3A_566, %parallel_loop3A_567], %parallel_loop3A_563 {strides = array<i32>} : memref<4x8x128xf32, #tpu.memory_space<vmem>>, vector<16xf32>,
        %parallel_loop3A_569 = tpu.vector_load_idx %arg11[%parallel_loop3A_532, %get3A_203] : memref<32x1000xf32, #tpu.memory_space<vmem>>[vector<16xi32>, vector<16xi32>], vector<16xf32>,
        %parallel_loop3A_570 = arith.constant 4 : i32
        %parallel_loop3A_571 = arith.index_cast %parallel_loop3A_300 : i32 to index
        %parallel_loop3A_572 = arith.index_cast %parallel_loop3A_570 : i32 to index
        %parallel_loop3A_573 = arith.constant 96 : index
        %parallel_loop3A_574 = tpu.vector_load %arg12[%parallel_loop3A_571, %parallel_loop3A_572, %parallel_loop3A_573] {strides = array<i32>} : memref<4x8x128xf32, #tpu.memory_space<vmem>>, vector<16xf32>,
        tpu.vector_store %arg12[%parallel_loop3A_571, %parallel_loop3A_572, %parallel_loop3A_573], %parallel_loop3A_569 {strides = array<i32>} : memref<4x8x128xf32, #tpu.memory_space<vmem>>, vector<16xf32>,
        %parallel_loop3A_575 = tpu.vector_load_idx %arg11[%parallel_loop3A_532, %get3A_209] : memref<32x1000xf32, #tpu.memory_space<vmem>>[vector<16xi32>, vector<16xi32>], vector<16xf32>,
        %parallel_loop3A_576 = arith.constant 4 : i32
        %parallel_loop3A_577 = arith.index_cast %parallel_loop3A_300 : i32 to index
        %parallel_loop3A_578 = arith.index_cast %parallel_loop3A_576 : i32 to index
        %parallel_loop3A_579 = arith.constant 112 : index
        %parallel_loop3A_580 = tpu.vector_load %arg12[%parallel_loop3A_577, %parallel_loop3A_578, %parallel_loop3A_579] {strides = array<i32>} : memref<4x8x128xf32, #tpu.memory_space<vmem>>, vector<16xf32>,
        tpu.vector_store %arg12[%parallel_loop3A_577, %parallel_loop3A_578, %parallel_loop3A_579], %parallel_loop3A_575 {strides = array<i32>} : memref<4x8x128xf32, #tpu.memory_space<vmem>>, vector<16xf32>,
        %parallel_loop3A_581 = arith.constant 0 : i32
        %parallel_loop3A_582 = vector.broadcast %parallel_loop3A_581 : i32 to vector<16xi32>
        %parallel_loop3A_583 = arith.constant 8 : i32
        %parallel_loop3A_584 = arith.muli %parallel_loop3A_300, %parallel_loop3A_583 : i32
        %parallel_loop3A_585 = arith.constant 5 : i32
        %parallel_loop3A_586 = arith.addi %parallel_loop3A_584, %parallel_loop3A_585 : i32
        %parallel_loop3A_587 = vector.broadcast %parallel_loop3A_586 : i32 to vector<16xi32>
        %parallel_loop3A_588 = arith.addi %parallel_loop3A_582, %parallel_loop3A_587 : vector<16xi32>
        %parallel_loop3A_589 = tpu.vector_load_idx %arg11[%parallel_loop3A_588, %get3A_167] : memref<32x1000xf32, #tpu.memory_space<vmem>>[vector<16xi32>, vector<16xi32>], vector<16xf32>,
        %parallel_loop3A_590 = arith.constant 5 : i32
        %parallel_loop3A_591 = arith.index_cast %parallel_loop3A_300 : i32 to index
        %parallel_loop3A_592 = arith.index_cast %parallel_loop3A_590 : i32 to index
        %parallel_loop3A_593 = arith.constant 0 : index
        %parallel_loop3A_594 = tpu.vector_load %arg12[%parallel_loop3A_591, %parallel_loop3A_592, %parallel_loop3A_593] {strides = array<i32>} : memref<4x8x128xf32, #tpu.memory_space<vmem>>, vector<16xf32>,
        tpu.vector_store %arg12[%parallel_loop3A_591, %parallel_loop3A_592, %parallel_loop3A_593], %parallel_loop3A_589 {strides = array<i32>} : memref<4x8x128xf32, #tpu.memory_space<vmem>>, vector<16xf32>,
        %parallel_loop3A_595 = tpu.vector_load_idx %arg11[%parallel_loop3A_588, %get3A_173] : memref<32x1000xf32, #tpu.memory_space<vmem>>[vector<16xi32>, vector<16xi32>], vector<16xf32>,
        %parallel_loop3A_596 = arith.constant 5 : i32
        %parallel_loop3A_597 = arith.index_cast %parallel_loop3A_300 : i32 to index
        %parallel_loop3A_598 = arith.index_cast %parallel_loop3A_596 : i32 to index
        %parallel_loop3A_599 = arith.constant 16 : index
        %parallel_loop3A_600 = tpu.vector_load %arg12[%parallel_loop3A_597, %parallel_loop3A_598, %parallel_loop3A_599] {strides = array<i32>} : memref<4x8x128xf32, #tpu.memory_space<vmem>>, vector<16xf32>,
        tpu.vector_store %arg12[%parallel_loop3A_597, %parallel_loop3A_598, %parallel_loop3A_599], %parallel_loop3A_595 {strides = array<i32>} : memref<4x8x128xf32, #tpu.memory_space<vmem>>, vector<16xf32>,
        %parallel_loop3A_601 = tpu.vector_load_idx %arg11[%parallel_loop3A_588, %get3A_179] : memref<32x1000xf32, #tpu.memory_space<vmem>>[vector<16xi32>, vector<16xi32>], vector<16xf32>,
        %parallel_loop3A_602 = arith.constant 5 : i32
        %parallel_loop3A_603 = arith.index_cast %parallel_loop3A_300 : i32 to index
        %parallel_loop3A_604 = arith.index_cast %parallel_loop3A_602 : i32 to index
        %parallel_loop3A_605 = arith.constant 32 : index
        %parallel_loop3A_606 = tpu.vector_load %arg12[%parallel_loop3A_603, %parallel_loop3A_604, %parallel_loop3A_605] {strides = array<i32>} : memref<4x8x128xf32, #tpu.memory_space<vmem>>, vector<16xf32>,
        tpu.vector_store %arg12[%parallel_loop3A_603, %parallel_loop3A_604, %parallel_loop3A_605], %parallel_loop3A_601 {strides = array<i32>} : memref<4x8x128xf32, #tpu.memory_space<vmem>>, vector<16xf32>,
        %parallel_loop3A_607 = tpu.vector_load_idx %arg11[%parallel_loop3A_588, %get3A_185] : memref<32x1000xf32, #tpu.memory_space<vmem>>[vector<16xi32>, vector<16xi32>], vector<16xf32>,
        %parallel_loop3A_608 = arith.constant 5 : i32
        %parallel_loop3A_609 = arith.index_cast %parallel_loop3A_300 : i32 to index
        %parallel_loop3A_610 = arith.index_cast %parallel_loop3A_608 : i32 to index
        %parallel_loop3A_611 = arith.constant 48 : index
        %parallel_loop3A_612 = tpu.vector_load %arg12[%parallel_loop3A_609, %parallel_loop3A_610, %parallel_loop3A_611] {strides = array<i32>} : memref<4x8x128xf32, #tpu.memory_space<vmem>>, vector<16xf32>,
        tpu.vector_store %arg12[%parallel_loop3A_609, %parallel_loop3A_610, %parallel_loop3A_611], %parallel_loop3A_607 {strides = array<i32>} : memref<4x8x128xf32, #tpu.memory_space<vmem>>, vector<16xf32>,
        %parallel_loop3A_613 = tpu.vector_load_idx %arg11[%parallel_loop3A_588, %get3A_191] : memref<32x1000xf32, #tpu.memory_space<vmem>>[vector<16xi32>, vector<16xi32>], vector<16xf32>,
        %parallel_loop3A_614 = arith.constant 5 : i32
        %parallel_loop3A_615 = arith.index_cast %parallel_loop3A_300 : i32 to index
        %parallel_loop3A_616 = arith.index_cast %parallel_loop3A_614 : i32 to index
        %parallel_loop3A_617 = arith.constant 64 : index
        %parallel_loop3A_618 = tpu.vector_load %arg12[%parallel_loop3A_615, %parallel_loop3A_616, %parallel_loop3A_617] {strides = array<i32>} : memref<4x8x128xf32, #tpu.memory_space<vmem>>, vector<16xf32>,
        tpu.vector_store %arg12[%parallel_loop3A_615, %parallel_loop3A_616, %parallel_loop3A_617], %parallel_loop3A_613 {strides = array<i32>} : memref<4x8x128xf32, #tpu.memory_space<vmem>>, vector<16xf32>,
        %parallel_loop3A_619 = tpu.vector_load_idx %arg11[%parallel_loop3A_588, %get3A_197] : memref<32x1000xf32, #tpu.memory_space<vmem>>[vector<16xi32>, vector<16xi32>], vector<16xf32>,
        %parallel_loop3A_620 = arith.constant 5 : i32
        %parallel_loop3A_621 = arith.index_cast %parallel_loop3A_300 : i32 to index
        %parallel_loop3A_622 = arith.index_cast %parallel_loop3A_620 : i32 to index
        %parallel_loop3A_623 = arith.constant 80 : index
        %parallel_loop3A_624 = tpu.vector_load %arg12[%parallel_loop3A_621, %parallel_loop3A_622, %parallel_loop3A_623] {strides = array<i32>} : memref<4x8x128xf32, #tpu.memory_space<vmem>>, vector<16xf32>,
        tpu.vector_store %arg12[%parallel_loop3A_621, %parallel_loop3A_622, %parallel_loop3A_623], %parallel_loop3A_619 {strides = array<i32>} : memref<4x8x128xf32, #tpu.memory_space<vmem>>, vector<16xf32>,
        %parallel_loop3A_625 = tpu.vector_load_idx %arg11[%parallel_loop3A_588, %get3A_203] : memref<32x1000xf32, #tpu.memory_space<vmem>>[vector<16xi32>, vector<16xi32>], vector<16xf32>,
        %parallel_loop3A_626 = arith.constant 5 : i32
        %parallel_loop3A_627 = arith.index_cast %parallel_loop3A_300 : i32 to index
        %parallel_loop3A_628 = arith.index_cast %parallel_loop3A_626 : i32 to index
        %parallel_loop3A_629 = arith.constant 96 : index
        %parallel_loop3A_630 = tpu.vector_load %arg12[%parallel_loop3A_627, %parallel_loop3A_628, %parallel_loop3A_629] {strides = array<i32>} : memref<4x8x128xf32, #tpu.memory_space<vmem>>, vector<16xf32>,
        tpu.vector_store %arg12[%parallel_loop3A_627, %parallel_loop3A_628, %parallel_loop3A_629], %parallel_loop3A_625 {strides = array<i32>} : memref<4x8x128xf32, #tpu.memory_space<vmem>>, vector<16xf32>,
        %parallel_loop3A_631 = tpu.vector_load_idx %arg11[%parallel_loop3A_588, %get3A_209] : memref<32x1000xf32, #tpu.memory_space<vmem>>[vector<16xi32>, vector<16xi32>], vector<16xf32>,
        %parallel_loop3A_632 = arith.constant 5 : i32
        %parallel_loop3A_633 = arith.index_cast %parallel_loop3A_300 : i32 to index
        %parallel_loop3A_634 = arith.index_cast %parallel_loop3A_632 : i32 to index
        %parallel_loop3A_635 = arith.constant 112 : index
        %parallel_loop3A_636 = tpu.vector_load %arg12[%parallel_loop3A_633, %parallel_loop3A_634, %parallel_loop3A_635] {strides = array<i32>} : memref<4x8x128xf32, #tpu.memory_space<vmem>>, vector<16xf32>,
        tpu.vector_store %arg12[%parallel_loop3A_633, %parallel_loop3A_634, %parallel_loop3A_635], %parallel_loop3A_631 {strides = array<i32>} : memref<4x8x128xf32, #tpu.memory_space<vmem>>, vector<16xf32>,
        %parallel_loop3A_637 = arith.constant 0 : i32
        %parallel_loop3A_638 = vector.broadcast %parallel_loop3A_637 : i32 to vector<16xi32>
        %parallel_loop3A_639 = arith.constant 8 : i32
        %parallel_loop3A_640 = arith.muli %parallel_loop3A_300, %parallel_loop3A_639 : i32
        %parallel_loop3A_641 = arith.constant 6 : i32
        %parallel_loop3A_642 = arith.addi %parallel_loop3A_640, %parallel_loop3A_641 : i32
        %parallel_loop3A_643 = vector.broadcast %parallel_loop3A_642 : i32 to vector<16xi32>
        %parallel_loop3A_644 = arith.addi %parallel_loop3A_638, %parallel_loop3A_643 : vector<16xi32>
        %parallel_loop3A_645 = tpu.vector_load_idx %arg11[%parallel_loop3A_644, %get3A_167] : memref<32x1000xf32, #tpu.memory_space<vmem>>[vector<16xi32>, vector<16xi32>], vector<16xf32>,
        %parallel_loop3A_646 = arith.constant 6 : i32
        %parallel_loop3A_647 = arith.index_cast %parallel_loop3A_300 : i32 to index
        %parallel_loop3A_648 = arith.index_cast %parallel_loop3A_646 : i32 to index
        %parallel_loop3A_649 = arith.constant 0 : index
        %parallel_loop3A_650 = tpu.vector_load %arg12[%parallel_loop3A_647, %parallel_loop3A_648, %parallel_loop3A_649] {strides = array<i32>} : memref<4x8x128xf32, #tpu.memory_space<vmem>>, vector<16xf32>,
        tpu.vector_store %arg12[%parallel_loop3A_647, %parallel_loop3A_648, %parallel_loop3A_649], %parallel_loop3A_645 {strides = array<i32>} : memref<4x8x128xf32, #tpu.memory_space<vmem>>, vector<16xf32>,
        %parallel_loop3A_651 = tpu.vector_load_idx %arg11[%parallel_loop3A_644, %get3A_173] : memref<32x1000xf32, #tpu.memory_space<vmem>>[vector<16xi32>, vector<16xi32>], vector<16xf32>,
        %parallel_loop3A_652 = arith.constant 6 : i32
        %parallel_loop3A_653 = arith.index_cast %parallel_loop3A_300 : i32 to index
        %parallel_loop3A_654 = arith.index_cast %parallel_loop3A_652 : i32 to index
        %parallel_loop3A_655 = arith.constant 16 : index
        %parallel_loop3A_656 = tpu.vector_load %arg12[%parallel_loop3A_653, %parallel_loop3A_654, %parallel_loop3A_655] {strides = array<i32>} : memref<4x8x128xf32, #tpu.memory_space<vmem>>, vector<16xf32>,
        tpu.vector_store %arg12[%parallel_loop3A_653, %parallel_loop3A_654, %parallel_loop3A_655], %parallel_loop3A_651 {strides = array<i32>} : memref<4x8x128xf32, #tpu.memory_space<vmem>>, vector<16xf32>,
        %parallel_loop3A_657 = tpu.vector_load_idx %arg11[%parallel_loop3A_644, %get3A_179] : memref<32x1000xf32, #tpu.memory_space<vmem>>[vector<16xi32>, vector<16xi32>], vector<16xf32>,
        %parallel_loop3A_658 = arith.constant 6 : i32
        %parallel_loop3A_659 = arith.index_cast %parallel_loop3A_300 : i32 to index
        %parallel_loop3A_660 = arith.index_cast %parallel_loop3A_658 : i32 to index
        %parallel_loop3A_661 = arith.constant 32 : index
        %parallel_loop3A_662 = tpu.vector_load %arg12[%parallel_loop3A_659, %parallel_loop3A_660, %parallel_loop3A_661] {strides = array<i32>} : memref<4x8x128xf32, #tpu.memory_space<vmem>>, vector<16xf32>,
        tpu.vector_store %arg12[%parallel_loop3A_659, %parallel_loop3A_660, %parallel_loop3A_661], %parallel_loop3A_657 {strides = array<i32>} : memref<4x8x128xf32, #tpu.memory_space<vmem>>, vector<16xf32>,
        %parallel_loop3A_663 = tpu.vector_load_idx %arg11[%parallel_loop3A_644, %get3A_185] : memref<32x1000xf32, #tpu.memory_space<vmem>>[vector<16xi32>, vector<16xi32>], vector<16xf32>,
        %parallel_loop3A_664 = arith.constant 6 : i32
        %parallel_loop3A_665 = arith.index_cast %parallel_loop3A_300 : i32 to index
        %parallel_loop3A_666 = arith.index_cast %parallel_loop3A_664 : i32 to index
        %parallel_loop3A_667 = arith.constant 48 : index
        %parallel_loop3A_668 = tpu.vector_load %arg12[%parallel_loop3A_665, %parallel_loop3A_666, %parallel_loop3A_667] {strides = array<i32>} : memref<4x8x128xf32, #tpu.memory_space<vmem>>, vector<16xf32>,
        tpu.vector_store %arg12[%parallel_loop3A_665, %parallel_loop3A_666, %parallel_loop3A_667], %parallel_loop3A_663 {strides = array<i32>} : memref<4x8x128xf32, #tpu.memory_space<vmem>>, vector<16xf32>,
        %parallel_loop3A_669 = tpu.vector_load_idx %arg11[%parallel_loop3A_644, %get3A_191] : memref<32x1000xf32, #tpu.memory_space<vmem>>[vector<16xi32>, vector<16xi32>], vector<16xf32>,
        %parallel_loop3A_670 = arith.constant 6 : i32
        %parallel_loop3A_671 = arith.index_cast %parallel_loop3A_300 : i32 to index
        %parallel_loop3A_672 = arith.index_cast %parallel_loop3A_670 : i32 to index
        %parallel_loop3A_673 = arith.constant 64 : index
        %parallel_loop3A_674 = tpu.vector_load %arg12[%parallel_loop3A_671, %parallel_loop3A_672, %parallel_loop3A_673] {strides = array<i32>} : memref<4x8x128xf32, #tpu.memory_space<vmem>>, vector<16xf32>,
        tpu.vector_store %arg12[%parallel_loop3A_671, %parallel_loop3A_672, %parallel_loop3A_673], %parallel_loop3A_669 {strides = array<i32>} : memref<4x8x128xf32, #tpu.memory_space<vmem>>, vector<16xf32>,
        %parallel_loop3A_675 = tpu.vector_load_idx %arg11[%parallel_loop3A_644, %get3A_197] : memref<32x1000xf32, #tpu.memory_space<vmem>>[vector<16xi32>, vector<16xi32>], vector<16xf32>,
        %parallel_loop3A_676 = arith.constant 6 : i32
        %parallel_loop3A_677 = arith.index_cast %parallel_loop3A_300 : i32 to index
        %parallel_loop3A_678 = arith.index_cast %parallel_loop3A_676 : i32 to index
        %parallel_loop3A_679 = arith.constant 80 : index
        %parallel_loop3A_680 = tpu.vector_load %arg12[%parallel_loop3A_677, %parallel_loop3A_678, %parallel_loop3A_679] {strides = array<i32>} : memref<4x8x128xf32, #tpu.memory_space<vmem>>, vector<16xf32>,
        tpu.vector_store %arg12[%parallel_loop3A_677, %parallel_loop3A_678, %parallel_loop3A_679], %parallel_loop3A_675 {strides = array<i32>} : memref<4x8x128xf32, #tpu.memory_space<vmem>>, vector<16xf32>,
        %parallel_loop3A_681 = tpu.vector_load_idx %arg11[%parallel_loop3A_644, %get3A_203] : memref<32x1000xf32, #tpu.memory_space<vmem>>[vector<16xi32>, vector<16xi32>], vector<16xf32>,
        %parallel_loop3A_682 = arith.constant 6 : i32
        %parallel_loop3A_683 = arith.index_cast %parallel_loop3A_300 : i32 to index
        %parallel_loop3A_684 = arith.index_cast %parallel_loop3A_682 : i32 to index
        %parallel_loop3A_685 = arith.constant 96 : index
        %parallel_loop3A_686 = tpu.vector_load %arg12[%parallel_loop3A_683, %parallel_loop3A_684, %parallel_loop3A_685] {strides = array<i32>} : memref<4x8x128xf32, #tpu.memory_space<vmem>>, vector<16xf32>,
        tpu.vector_store %arg12[%parallel_loop3A_683, %parallel_loop3A_684, %parallel_loop3A_685], %parallel_loop3A_681 {strides = array<i32>} : memref<4x8x128xf32, #tpu.memory_space<vmem>>, vector<16xf32>,
        %parallel_loop3A_687 = tpu.vector_load_idx %arg11[%parallel_loop3A_644, %get3A_209] : memref<32x1000xf32, #tpu.memory_space<vmem>>[vector<16xi32>, vector<16xi32>], vector<16xf32>,
        %parallel_loop3A_688 = arith.constant 6 : i32
        %parallel_loop3A_689 = arith.index_cast %parallel_loop3A_300 : i32 to index
        %parallel_loop3A_690 = arith.index_cast %parallel_loop3A_688 : i32 to index
        %parallel_loop3A_691 = arith.constant 112 : index
        %parallel_loop3A_692 = tpu.vector_load %arg12[%parallel_loop3A_689, %parallel_loop3A_690, %parallel_loop3A_691] {strides = array<i32>} : memref<4x8x128xf32, #tpu.memory_space<vmem>>, vector<16xf32>,
        tpu.vector_store %arg12[%parallel_loop3A_689, %parallel_loop3A_690, %parallel_loop3A_691], %parallel_loop3A_687 {strides = array<i32>} : memref<4x8x128xf32, #tpu.memory_space<vmem>>, vector<16xf32>,
        %parallel_loop3A_693 = arith.constant 0 : i32
        %parallel_loop3A_694 = vector.broadcast %parallel_loop3A_693 : i32 to vector<16xi32>
        %parallel_loop3A_695 = arith.constant 8 : i32
        %parallel_loop3A_696 = arith.muli %parallel_loop3A_300, %parallel_loop3A_695 : i32
        %parallel_loop3A_697 = arith.constant 7 : i32
        %parallel_loop3A_698 = arith.addi %parallel_loop3A_696, %parallel_loop3A_697 : i32
        %parallel_loop3A_699 = vector.broadcast %parallel_loop3A_698 : i32 to vector<16xi32>
        %parallel_loop3A_700 = arith.addi %parallel_loop3A_694, %parallel_loop3A_699 : vector<16xi32>
        %parallel_loop3A_701 = tpu.vector_load_idx %arg11[%parallel_loop3A_700, %get3A_167] : memref<32x1000xf32, #tpu.memory_space<vmem>>[vector<16xi32>, vector<16xi32>], vector<16xf32>,
        %parallel_loop3A_702 = arith.constant 7 : i32
        %parallel_loop3A_703 = arith.index_cast %parallel_loop3A_300 : i32 to index
        %parallel_loop3A_704 = arith.index_cast %parallel_loop3A_702 : i32 to index
        %parallel_loop3A_705 = arith.constant 0 : index
        %parallel_loop3A_706 = tpu.vector_load %arg12[%parallel_loop3A_703, %parallel_loop3A_704, %parallel_loop3A_705] {strides = array<i32>} : memref<4x8x128xf32, #tpu.memory_space<vmem>>, vector<16xf32>,
        tpu.vector_store %arg12[%parallel_loop3A_703, %parallel_loop3A_704, %parallel_loop3A_705], %parallel_loop3A_701 {strides = array<i32>} : memref<4x8x128xf32, #tpu.memory_space<vmem>>, vector<16xf32>,
        %parallel_loop3A_707 = tpu.vector_load_idx %arg11[%parallel_loop3A_700, %get3A_173] : memref<32x1000xf32, #tpu.memory_space<vmem>>[vector<16xi32>, vector<16xi32>], vector<16xf32>,
        %parallel_loop3A_708 = arith.constant 7 : i32
        %parallel_loop3A_709 = arith.index_cast %parallel_loop3A_300 : i32 to index
        %parallel_loop3A_710 = arith.index_cast %parallel_loop3A_708 : i32 to index
        %parallel_loop3A_711 = arith.constant 16 : index
        %parallel_loop3A_712 = tpu.vector_load %arg12[%parallel_loop3A_709, %parallel_loop3A_710, %parallel_loop3A_711] {strides = array<i32>} : memref<4x8x128xf32, #tpu.memory_space<vmem>>, vector<16xf32>,
        tpu.vector_store %arg12[%parallel_loop3A_709, %parallel_loop3A_710, %parallel_loop3A_711], %parallel_loop3A_707 {strides = array<i32>} : memref<4x8x128xf32, #tpu.memory_space<vmem>>, vector<16xf32>,
        %parallel_loop3A_713 = tpu.vector_load_idx %arg11[%parallel_loop3A_700, %get3A_179] : memref<32x1000xf32, #tpu.memory_space<vmem>>[vector<16xi32>, vector<16xi32>], vector<16xf32>,
        %parallel_loop3A_714 = arith.constant 7 : i32
        %parallel_loop3A_715 = arith.index_cast %parallel_loop3A_300 : i32 to index
        %parallel_loop3A_716 = arith.index_cast %parallel_loop3A_714 : i32 to index
        %parallel_loop3A_717 = arith.constant 32 : index
        %parallel_loop3A_718 = tpu.vector_load %arg12[%parallel_loop3A_715, %parallel_loop3A_716, %parallel_loop3A_717] {strides = array<i32>} : memref<4x8x128xf32, #tpu.memory_space<vmem>>, vector<16xf32>,
        tpu.vector_store %arg12[%parallel_loop3A_715, %parallel_loop3A_716, %parallel_loop3A_717], %parallel_loop3A_713 {strides = array<i32>} : memref<4x8x128xf32, #tpu.memory_space<vmem>>, vector<16xf32>,
        %parallel_loop3A_719 = tpu.vector_load_idx %arg11[%parallel_loop3A_700, %get3A_185] : memref<32x1000xf32, #tpu.memory_space<vmem>>[vector<16xi32>, vector<16xi32>], vector<16xf32>,
        %parallel_loop3A_720 = arith.constant 7 : i32
        %parallel_loop3A_721 = arith.index_cast %parallel_loop3A_300 : i32 to index
        %parallel_loop3A_722 = arith.index_cast %parallel_loop3A_720 : i32 to index
        %parallel_loop3A_723 = arith.constant 48 : index
        %parallel_loop3A_724 = tpu.vector_load %arg12[%parallel_loop3A_721, %parallel_loop3A_722, %parallel_loop3A_723] {strides = array<i32>} : memref<4x8x128xf32, #tpu.memory_space<vmem>>, vector<16xf32>,
        tpu.vector_store %arg12[%parallel_loop3A_721, %parallel_loop3A_722, %parallel_loop3A_723], %parallel_loop3A_719 {strides = array<i32>} : memref<4x8x128xf32, #tpu.memory_space<vmem>>, vector<16xf32>,
        %parallel_loop3A_725 = tpu.vector_load_idx %arg11[%parallel_loop3A_700, %get3A_191] : memref<32x1000xf32, #tpu.memory_space<vmem>>[vector<16xi32>, vector<16xi32>], vector<16xf32>,
        %parallel_loop3A_726 = arith.constant 7 : i32
        %parallel_loop3A_727 = arith.index_cast %parallel_loop3A_300 : i32 to index
        %parallel_loop3A_728 = arith.index_cast %parallel_loop3A_726 : i32 to index
        %parallel_loop3A_729 = arith.constant 64 : index
        %parallel_loop3A_730 = tpu.vector_load %arg12[%parallel_loop3A_727, %parallel_loop3A_728, %parallel_loop3A_729] {strides = array<i32>} : memref<4x8x128xf32, #tpu.memory_space<vmem>>, vector<16xf32>,
        tpu.vector_store %arg12[%parallel_loop3A_727, %parallel_loop3A_728, %parallel_loop3A_729], %parallel_loop3A_725 {strides = array<i32>} : memref<4x8x128xf32, #tpu.memory_space<vmem>>, vector<16xf32>,
        %parallel_loop3A_731 = tpu.vector_load_idx %arg11[%parallel_loop3A_700, %get3A_197] : memref<32x1000xf32, #tpu.memory_space<vmem>>[vector<16xi32>, vector<16xi32>], vector<16xf32>,
        %parallel_loop3A_732 = arith.constant 7 : i32
        %parallel_loop3A_733 = arith.index_cast %parallel_loop3A_300 : i32 to index
        %parallel_loop3A_734 = arith.index_cast %parallel_loop3A_732 : i32 to index
        %parallel_loop3A_735 = arith.constant 80 : index
        %parallel_loop3A_736 = tpu.vector_load %arg12[%parallel_loop3A_733, %parallel_loop3A_734, %parallel_loop3A_735] {strides = array<i32>} : memref<4x8x128xf32, #tpu.memory_space<vmem>>, vector<16xf32>,
        tpu.vector_store %arg12[%parallel_loop3A_733, %parallel_loop3A_734, %parallel_loop3A_735], %parallel_loop3A_731 {strides = array<i32>} : memref<4x8x128xf32, #tpu.memory_space<vmem>>, vector<16xf32>,
        %parallel_loop3A_737 = tpu.vector_load_idx %arg11[%parallel_loop3A_700, %get3A_203] : memref<32x1000xf32, #tpu.memory_space<vmem>>[vector<16xi32>, vector<16xi32>], vector<16xf32>,
        %parallel_loop3A_738 = arith.constant 7 : i32
        %parallel_loop3A_739 = arith.index_cast %parallel_loop3A_300 : i32 to index
        %parallel_loop3A_740 = arith.index_cast %parallel_loop3A_738 : i32 to index
        %parallel_loop3A_741 = arith.constant 96 : index
        %parallel_loop3A_742 = tpu.vector_load %arg12[%parallel_loop3A_739, %parallel_loop3A_740, %parallel_loop3A_741] {strides = array<i32>} : memref<4x8x128xf32, #tpu.memory_space<vmem>>, vector<16xf32>,
        tpu.vector_store %arg12[%parallel_loop3A_739, %parallel_loop3A_740, %parallel_loop3A_741], %parallel_loop3A_737 {strides = array<i32>} : memref<4x8x128xf32, #tpu.memory_space<vmem>>, vector<16xf32>,
        %parallel_loop3A_743 = tpu.vector_load_idx %arg11[%parallel_loop3A_700, %get3A_209] : memref<32x1000xf32, #tpu.memory_space<vmem>>[vector<16xi32>, vector<16xi32>], vector<16xf32>,
        %parallel_loop3A_744 = arith.constant 7 : i32
        %parallel_loop3A_745 = arith.index_cast %parallel_loop3A_300 : i32 to index
        %parallel_loop3A_746 = arith.index_cast %parallel_loop3A_744 : i32 to index
        %parallel_loop3A_747 = arith.constant 112 : index
        %parallel_loop3A_748 = tpu.vector_load %arg12[%parallel_loop3A_745, %parallel_loop3A_746, %parallel_loop3A_747] {strides = array<i32>} : memref<4x8x128xf32, #tpu.memory_space<vmem>>, vector<16xf32>,
        tpu.vector_store %arg12[%parallel_loop3A_745, %parallel_loop3A_746, %parallel_loop3A_747], %parallel_loop3A_743 {strides = array<i32>} : memref<4x8x128xf32, #tpu.memory_space<vmem>>, vector<16xf32>,
      } {sc.loop_unroll_factor = 4 : i64, sc.parallel_access}
      %mul3A_213 = arith.constant 2 : i32
      %mul3A_214 = arith.muli %mul3A_213, %scan3A_149 : i32
      %dma_start3A_215 = arith.constant 0 : i32
      %dma_start3A_216 = arith.constant 0 : i32
      %dma_start3A_217 = tpu.memref_slice %arg6[%select_n3A, %mul3A_214, %dma_start3A_215, %dma_start3A_216] : memref<125x160x8x128xf32, #tpu.memory_space<hbm>> -> memref<4x1x8x128xf32, #tpu.memory_space<hbm>>
      %dma_start3A_218 = tpu.memref_squeeze %dma_start3A_217 : memref<4x1x8x128xf32, #tpu.memory_space<hbm>> -> memref<4x8x128xf32, #tpu.memory_space<hbm>>
      %dma_start3A_219 = arith.constant 0 : i32
      %dma_start3A_220 = arith.constant 0 : i32
      %dma_start3A_221 = tpu.memref_slice %arg6[%select_n3A, %mul3A_214, %dma_start3A_219, %dma_start3A_220] : memref<125x160x8x128xf32, #tpu.memory_space<hbm>> -> memref<4x1x8x128xf32, #tpu.memory_space<hbm>>
      %dma_start3A_222 = tpu.memref_squeeze %dma_start3A_221 : memref<4x1x8x128xf32, #tpu.memory_space<hbm>> -> memref<4x8x128xf32, #tpu.memory_space<hbm>>
      tpu.enqueue_dma source(%arg12 : memref<4x8x128xf32, #tpu.memory_space<vmem>>) target(%dma_start3A_222 : memref<4x8x128xf32, #tpu.memory_space<hbm>>) target_semaphore(%arg15 : memref<!tpu.dma_semaphore, #tpu.memory_space<semaphore_mem>>)
      %dma_wait3A_223 = arith.constant 0 : i32
      %dma_wait3A_224 = arith.constant 0 : i32
      %dma_wait3A_225 = arith.constant 0 : i32
      %dma_wait3A_226 = tpu.memref_slice %arg6[%select_n3A, %dma_wait3A_223, %dma_wait3A_224, %dma_wait3A_225] : memref<125x160x8x128xf32, #tpu.memory_space<hbm>> -> memref<4x1x8x128xf32, #tpu.memory_space<hbm>>
      %dma_wait3A_227 = tpu.memref_squeeze %dma_wait3A_226 : memref<4x1x8x128xf32, #tpu.memory_space<hbm>> -> memref<4x8x128xf32, #tpu.memory_space<hbm>>
      %dma_wait3A_228 = arith.constant 0 : i32
      %dma_wait3A_229 = arith.constant 0 : i32
      %dma_wait3A_230 = tpu.memref_slice %arg6[%select_n3A, %dma_wait3A_223, %dma_wait3A_228, %dma_wait3A_229] : memref<125x160x8x128xf32, #tpu.memory_space<hbm>> -> memref<4x1x8x128xf32, #tpu.memory_space<hbm>>
      %dma_wait3A_231 = tpu.memref_squeeze %dma_wait3A_230 : memref<4x1x8x128xf32, #tpu.memory_space<hbm>> -> memref<4x8x128xf32, #tpu.memory_space<hbm>>
      tpu.wait_dma2 semaphore(%arg16 : memref<!tpu.dma_semaphore, #tpu.memory_space<semaphore_mem>>) src(%arg13 : memref<4x8x128xf32, #tpu.memory_space<vmem>>) dst(%dma_wait3A_231 : memref<4x8x128xf32, #tpu.memory_space<hbm>>)
      %mul3A_232 = arith.constant 2 : i32
      %mul3A_233 = arith.muli %mul3A_232, %scan3A_149 : i32
      %add3A_234 = arith.constant 1 : i32
      %add3A_235 = arith.addi %mul3A_233, %add3A_234 : i32
      %mul3A_236 = arith.constant 128 : i32
      %mul3A_237 = arith.muli %add3A_235, %mul3A_236 : i32
      %add3A_238 = arith.constant 0 : i32
      %add3A_239 = arith.addi %mul3A_237, %add3A_238 : i32
      %get3A_240 = arith.index_cast %add3A_239 : i32 to index
      %get3A_241 = tpu.vector_load %arg8[%get3A_240] {strides = array<i32>} : memref<20480xi32, #tpu.memory_space<vmem>>, vector<16xi32>,
      %mul3A_242 = arith.constant 128 : i32
      %mul3A_243 = arith.muli %add3A_235, %mul3A_242 : i32
      %add3A_244 = arith.constant 16 : i32
      %add3A_245 = arith.addi %mul3A_243, %add3A_244 : i32
      %get3A_246 = arith.index_cast %add3A_245 : i32 to index
      %get3A_247 = tpu.vector_load %arg8[%get3A_246] {strides = array<i32>} : memref<20480xi32, #tpu.memory_space<vmem>>, vector<16xi32>,
      %mul3A_248 = arith.constant 128 : i32
      %mul3A_249 = arith.muli %add3A_235, %mul3A_248 : i32
      %add3A_250 = arith.constant 32 : i32
      %add3A_251 = arith.addi %mul3A_249, %add3A_250 : i32
      %get3A_252 = arith.index_cast %add3A_251 : i32 to index
      %get3A_253 = tpu.vector_load %arg8[%get3A_252] {strides = array<i32>} : memref<20480xi32, #tpu.memory_space<vmem>>, vector<16xi32>,
      %mul3A_254 = arith.constant 128 : i32
      %mul3A_255 = arith.muli %add3A_235, %mul3A_254 : i32
      %add3A_256 = arith.constant 48 : i32
      %add3A_257 = arith.addi %mul3A_255, %add3A_256 : i32
      %get3A_258 = arith.index_cast %add3A_257 : i32 to index
      %get3A_259 = tpu.vector_load %arg8[%get3A_258] {strides = array<i32>} : memref<20480xi32, #tpu.memory_space<vmem>>, vector<16xi32>,
      %mul3A_260 = arith.constant 128 : i32
      %mul3A_261 = arith.muli %add3A_235, %mul3A_260 : i32
      %add3A_262 = arith.constant 64 : i32
      %add3A_263 = arith.addi %mul3A_261, %add3A_262 : i32
      %get3A_264 = arith.index_cast %add3A_263 : i32 to index
      %get3A_265 = tpu.vector_load %arg8[%get3A_264] {strides = array<i32>} : memref<20480xi32, #tpu.memory_space<vmem>>, vector<16xi32>,
      %mul3A_266 = arith.constant 128 : i32
      %mul3A_267 = arith.muli %add3A_235, %mul3A_266 : i32
      %add3A_268 = arith.constant 80 : i32
      %add3A_269 = arith.addi %mul3A_267, %add3A_268 : i32
      %get3A_270 = arith.index_cast %add3A_269 : i32 to index
      %get3A_271 = tpu.vector_load %arg8[%get3A_270] {strides = array<i32>} : memref<20480xi32, #tpu.memory_space<vmem>>, vector<16xi32>,
      %mul3A_272 = arith.constant 128 : i32
      %mul3A_273 = arith.muli %add3A_235, %mul3A_272 : i32
      %add3A_274 = arith.constant 96 : i32
      %add3A_275 = arith.addi %mul3A_273, %add3A_274 : i32
      %get3A_276 = arith.index_cast %add3A_275 : i32 to index
      %get3A_277 = tpu.vector_load %arg8[%get3A_276] {strides = array<i32>} : memref<20480xi32, #tpu.memory_space<vmem>>, vector<16xi32>,
      %mul3A_278 = arith.constant 128 : i32
      %mul3A_279 = arith.muli %add3A_235, %mul3A_278 : i32
      %add3A_280 = arith.constant 112 : i32
      %add3A_281 = arith.addi %mul3A_279, %add3A_280 : i32
      %get3A_282 = arith.index_cast %add3A_281 : i32 to index
      %get3A_283 = tpu.vector_load %arg8[%get3A_282] {strides = array<i32>} : memref<20480xi32, #tpu.memory_space<vmem>>, vector<16xi32>,
      %parallel_loop3A_284 = arith.constant 0 : i32
      %parallel_loop3A_285 = arith.constant 4 : i32
      %parallel_loop3A_286 = arith.constant 1 : i32
      scf.for %parallel_loop3A_300 = %parallel_loop3A_284 to %parallel_loop3A_285 step %parallel_loop3A_286  : i32 {
        %parallel_loop3A_301 = arith.constant 0 : i32
        %parallel_loop3A_302 = vector.broadcast %parallel_loop3A_301 : i32 to vector<16xi32>
        %parallel_loop3A_303 = arith.constant 8 : i32
        %parallel_loop3A_304 = arith.muli %parallel_loop3A_300, %parallel_loop3A_303 : i32
        %parallel_loop3A_305 = arith.constant 0 : i32
        %parallel_loop3A_306 = arith.addi %parallel_loop3A_304, %parallel_loop3A_305 : i32
        %parallel_loop3A_307 = vector.broadcast %parallel_loop3A_306 : i32 to vector<16xi32>
        %parallel_loop3A_308 = arith.addi %parallel_loop3A_302, %parallel_loop3A_307 : vector<16xi32>
        %parallel_loop3A_309 = tpu.vector_load_idx %arg11[%parallel_loop3A_308, %get3A_241] : memref<32x1000xf32, #tpu.memory_space<vmem>>[vector<16xi32>, vector<16xi32>], vector<16xf32>,
        %parallel_loop3A_310 = arith.constant 0 : i32
        %parallel_loop3A_311 = arith.index_cast %parallel_loop3A_300 : i32 to index
        %parallel_loop3A_312 = arith.index_cast %parallel_loop3A_310 : i32 to index
        %parallel_loop3A_313 = arith.constant 0 : index
        %parallel_loop3A_314 = tpu.vector_load %arg13[%parallel_loop3A_311, %parallel_loop3A_312, %parallel_loop3A_313] {strides = array<i32>} : memref<4x8x128xf32, #tpu.memory_space<vmem>>, vector<16xf32>,
        tpu.vector_store %arg13[%parallel_loop3A_311, %parallel_loop3A_312, %parallel_loop3A_313], %parallel_loop3A_309 {strides = array<i32>} : memref<4x8x128xf32, #tpu.memory_space<vmem>>, vector<16xf32>,
        %parallel_loop3A_315 = tpu.vector_load_idx %arg11[%parallel_loop3A_308, %get3A_247] : memref<32x1000xf32, #tpu.memory_space<vmem>>[vector<16xi32>, vector<16xi32>], vector<16xf32>,
        %parallel_loop3A_316 = arith.constant 0 : i32
        %parallel_loop3A_317 = arith.index_cast %parallel_loop3A_300 : i32 to index
        %parallel_loop3A_318 = arith.index_cast %parallel_loop3A_316 : i32 to index
        %parallel_loop3A_319 = arith.constant 16 : index
        %parallel_loop3A_320 = tpu.vector_load %arg13[%parallel_loop3A_317, %parallel_loop3A_318, %parallel_loop3A_319] {strides = array<i32>} : memref<4x8x128xf32, #tpu.memory_space<vmem>>, vector<16xf32>,
        tpu.vector_store %arg13[%parallel_loop3A_317, %parallel_loop3A_318, %parallel_loop3A_319], %parallel_loop3A_315 {strides = array<i32>} : memref<4x8x128xf32, #tpu.memory_space<vmem>>, vector<16xf32>,
        %parallel_loop3A_321 = tpu.vector_load_idx %arg11[%parallel_loop3A_308, %get3A_253] : memref<32x1000xf32, #tpu.memory_space<vmem>>[vector<16xi32>, vector<16xi32>], vector<16xf32>,
        %parallel_loop3A_322 = arith.constant 0 : i32
        %parallel_loop3A_323 = arith.index_cast %parallel_loop3A_300 : i32 to index
        %parallel_loop3A_324 = arith.index_cast %parallel_loop3A_322 : i32 to index
        %parallel_loop3A_325 = arith.constant 32 : index
        %parallel_loop3A_326 = tpu.vector_load %arg13[%parallel_loop3A_323, %parallel_loop3A_324, %parallel_loop3A_325] {strides = array<i32>} : memref<4x8x128xf32, #tpu.memory_space<vmem>>, vector<16xf32>,
        tpu.vector_store %arg13[%parallel_loop3A_323, %parallel_loop3A_324, %parallel_loop3A_325], %parallel_loop3A_321 {strides = array<i32>} : memref<4x8x128xf32, #tpu.memory_space<vmem>>, vector<16xf32>,
        %parallel_loop3A_327 = tpu.vector_load_idx %arg11[%parallel_loop3A_308, %get3A_259] : memref<32x1000xf32, #tpu.memory_space<vmem>>[vector<16xi32>, vector<16xi32>], vector<16xf32>,
        %parallel_loop3A_328 = arith.constant 0 : i32
        %parallel_loop3A_329 = arith.index_cast %parallel_loop3A_300 : i32 to index
        %parallel_loop3A_330 = arith.index_cast %parallel_loop3A_328 : i32 to index
        %parallel_loop3A_331 = arith.constant 48 : index
        %parallel_loop3A_332 = tpu.vector_load %arg13[%parallel_loop3A_329, %parallel_loop3A_330, %parallel_loop3A_331] {strides = array<i32>} : memref<4x8x128xf32, #tpu.memory_space<vmem>>, vector<16xf32>,
        tpu.vector_store %arg13[%parallel_loop3A_329, %parallel_loop3A_330, %parallel_loop3A_331], %parallel_loop3A_327 {strides = array<i32>} : memref<4x8x128xf32, #tpu.memory_space<vmem>>, vector<16xf32>,
        %parallel_loop3A_333 = tpu.vector_load_idx %arg11[%parallel_loop3A_308, %get3A_265] : memref<32x1000xf32, #tpu.memory_space<vmem>>[vector<16xi32>, vector<16xi32>], vector<16xf32>,
        %parallel_loop3A_334 = arith.constant 0 : i32
        %parallel_loop3A_335 = arith.index_cast %parallel_loop3A_300 : i32 to index
        %parallel_loop3A_336 = arith.index_cast %parallel_loop3A_334 : i32 to index
        %parallel_loop3A_337 = arith.constant 64 : index
        %parallel_loop3A_338 = tpu.vector_load %arg13[%parallel_loop3A_335, %parallel_loop3A_336, %parallel_loop3A_337] {strides = array<i32>} : memref<4x8x128xf32, #tpu.memory_space<vmem>>, vector<16xf32>,
        tpu.vector_store %arg13[%parallel_loop3A_335, %parallel_loop3A_336, %parallel_loop3A_337], %parallel_loop3A_333 {strides = array<i32>} : memref<4x8x128xf32, #tpu.memory_space<vmem>>, vector<16xf32>,
        %parallel_loop3A_339 = tpu.vector_load_idx %arg11[%parallel_loop3A_308, %get3A_271] : memref<32x1000xf32, #tpu.memory_space<vmem>>[vector<16xi32>, vector<16xi32>], vector<16xf32>,
        %parallel_loop3A_340 = arith.constant 0 : i32
        %parallel_loop3A_341 = arith.index_cast %parallel_loop3A_300 : i32 to index
        %parallel_loop3A_342 = arith.index_cast %parallel_loop3A_340 : i32 to index
        %parallel_loop3A_343 = arith.constant 80 : index
        %parallel_loop3A_344 = tpu.vector_load %arg13[%parallel_loop3A_341, %parallel_loop3A_342, %parallel_loop3A_343] {strides = array<i32>} : memref<4x8x128xf32, #tpu.memory_space<vmem>>, vector<16xf32>,
        tpu.vector_store %arg13[%parallel_loop3A_341, %parallel_loop3A_342, %parallel_loop3A_343], %parallel_loop3A_339 {strides = array<i32>} : memref<4x8x128xf32, #tpu.memory_space<vmem>>, vector<16xf32>,
        %parallel_loop3A_345 = tpu.vector_load_idx %arg11[%parallel_loop3A_308, %get3A_277] : memref<32x1000xf32, #tpu.memory_space<vmem>>[vector<16xi32>, vector<16xi32>], vector<16xf32>,
        %parallel_loop3A_346 = arith.constant 0 : i32
        %parallel_loop3A_347 = arith.index_cast %parallel_loop3A_300 : i32 to index
        %parallel_loop3A_348 = arith.index_cast %parallel_loop3A_346 : i32 to index
        %parallel_loop3A_349 = arith.constant 96 : index
        %parallel_loop3A_350 = tpu.vector_load %arg13[%parallel_loop3A_347, %parallel_loop3A_348, %parallel_loop3A_349] {strides = array<i32>} : memref<4x8x128xf32, #tpu.memory_space<vmem>>, vector<16xf32>,
        tpu.vector_store %arg13[%parallel_loop3A_347, %parallel_loop3A_348, %parallel_loop3A_349], %parallel_loop3A_345 {strides = array<i32>} : memref<4x8x128xf32, #tpu.memory_space<vmem>>, vector<16xf32>,
        %parallel_loop3A_351 = tpu.vector_load_idx %arg11[%parallel_loop3A_308, %get3A_283] : memref<32x1000xf32, #tpu.memory_space<vmem>>[vector<16xi32>, vector<16xi32>], vector<16xf32>,
        %parallel_loop3A_352 = arith.constant 0 : i32
        %parallel_loop3A_353 = arith.index_cast %parallel_loop3A_300 : i32 to index
        %parallel_loop3A_354 = arith.index_cast %parallel_loop3A_352 : i32 to index
        %parallel_loop3A_355 = arith.constant 112 : index
        %parallel_loop3A_356 = tpu.vector_load %arg13[%parallel_loop3A_353, %parallel_loop3A_354, %parallel_loop3A_355] {strides = array<i32>} : memref<4x8x128xf32, #tpu.memory_space<vmem>>, vector<16xf32>,
        tpu.vector_store %arg13[%parallel_loop3A_353, %parallel_loop3A_354, %parallel_loop3A_355], %parallel_loop3A_351 {strides = array<i32>} : memref<4x8x128xf32, #tpu.memory_space<vmem>>, vector<16xf32>,
        %parallel_loop3A_357 = arith.constant 0 : i32
        %parallel_loop3A_358 = vector.broadcast %parallel_loop3A_357 : i32 to vector<16xi32>
        %parallel_loop3A_359 = arith.constant 8 : i32
        %parallel_loop3A_360 = arith.muli %parallel_loop3A_300, %parallel_loop3A_359 : i32
        %parallel_loop3A_361 = arith.constant 1 : i32
        %parallel_loop3A_362 = arith.addi %parallel_loop3A_360, %parallel_loop3A_361 : i32
        %parallel_loop3A_363 = vector.broadcast %parallel_loop3A_362 : i32 to vector<16xi32>
        %parallel_loop3A_364 = arith.addi %parallel_loop3A_358, %parallel_loop3A_363 : vector<16xi32>
        %parallel_loop3A_365 = tpu.vector_load_idx %arg11[%parallel_loop3A_364, %get3A_241] : memref<32x1000xf32, #tpu.memory_space<vmem>>[vector<16xi32>, vector<16xi32>], vector<16xf32>,
        %parallel_loop3A_366 = arith.constant 1 : i32
        %parallel_loop3A_367 = arith.index_cast %parallel_loop3A_300 : i32 to index
        %parallel_loop3A_368 = arith.index_cast %parallel_loop3A_366 : i32 to index
        %parallel_loop3A_369 = arith.constant 0 : index
        %parallel_loop3A_370 = tpu.vector_load %arg13[%parallel_loop3A_367, %parallel_loop3A_368, %parallel_loop3A_369] {strides = array<i32>} : memref<4x8x128xf32, #tpu.memory_space<vmem>>, vector<16xf32>,
        tpu.vector_store %arg13[%parallel_loop3A_367, %parallel_loop3A_368, %parallel_loop3A_369], %parallel_loop3A_365 {strides = array<i32>} : memref<4x8x128xf32, #tpu.memory_space<vmem>>, vector<16xf32>,
        %parallel_loop3A_371 = tpu.vector_load_idx %arg11[%parallel_loop3A_364, %get3A_247] : memref<32x1000xf32, #tpu.memory_space<vmem>>[vector<16xi32>, vector<16xi32>], vector<16xf32>,
        %parallel_loop3A_372 = arith.constant 1 : i32
        %parallel_loop3A_373 = arith.index_cast %parallel_loop3A_300 : i32 to index
        %parallel_loop3A_374 = arith.index_cast %parallel_loop3A_372 : i32 to index
        %parallel_loop3A_375 = arith.constant 16 : index
        %parallel_loop3A_376 = tpu.vector_load %arg13[%parallel_loop3A_373, %parallel_loop3A_374, %parallel_loop3A_375] {strides = array<i32>} : memref<4x8x128xf32, #tpu.memory_space<vmem>>, vector<16xf32>,
        tpu.vector_store %arg13[%parallel_loop3A_373, %parallel_loop3A_374, %parallel_loop3A_375], %parallel_loop3A_371 {strides = array<i32>} : memref<4x8x128xf32, #tpu.memory_space<vmem>>, vector<16xf32>,
        %parallel_loop3A_377 = tpu.vector_load_idx %arg11[%parallel_loop3A_364, %get3A_253] : memref<32x1000xf32, #tpu.memory_space<vmem>>[vector<16xi32>, vector<16xi32>], vector<16xf32>,
        %parallel_loop3A_378 = arith.constant 1 : i32
        %parallel_loop3A_379 = arith.index_cast %parallel_loop3A_300 : i32 to index
        %parallel_loop3A_380 = arith.index_cast %parallel_loop3A_378 : i32 to index
        %parallel_loop3A_381 = arith.constant 32 : index
        %parallel_loop3A_382 = tpu.vector_load %arg13[%parallel_loop3A_379, %parallel_loop3A_380, %parallel_loop3A_381] {strides = array<i32>} : memref<4x8x128xf32, #tpu.memory_space<vmem>>, vector<16xf32>,
        tpu.vector_store %arg13[%parallel_loop3A_379, %parallel_loop3A_380, %parallel_loop3A_381], %parallel_loop3A_377 {strides = array<i32>} : memref<4x8x128xf32, #tpu.memory_space<vmem>>, vector<16xf32>,
        %parallel_loop3A_383 = tpu.vector_load_idx %arg11[%parallel_loop3A_364, %get3A_259] : memref<32x1000xf32, #tpu.memory_space<vmem>>[vector<16xi32>, vector<16xi32>], vector<16xf32>,
        %parallel_loop3A_384 = arith.constant 1 : i32
        %parallel_loop3A_385 = arith.index_cast %parallel_loop3A_300 : i32 to index
        %parallel_loop3A_386 = arith.index_cast %parallel_loop3A_384 : i32 to index
        %parallel_loop3A_387 = arith.constant 48 : index
        %parallel_loop3A_388 = tpu.vector_load %arg13[%parallel_loop3A_385, %parallel_loop3A_386, %parallel_loop3A_387] {strides = array<i32>} : memref<4x8x128xf32, #tpu.memory_space<vmem>>, vector<16xf32>,
        tpu.vector_store %arg13[%parallel_loop3A_385, %parallel_loop3A_386, %parallel_loop3A_387], %parallel_loop3A_383 {strides = array<i32>} : memref<4x8x128xf32, #tpu.memory_space<vmem>>, vector<16xf32>,
        %parallel_loop3A_389 = tpu.vector_load_idx %arg11[%parallel_loop3A_364, %get3A_265] : memref<32x1000xf32, #tpu.memory_space<vmem>>[vector<16xi32>, vector<16xi32>], vector<16xf32>,
        %parallel_loop3A_390 = arith.constant 1 : i32
        %parallel_loop3A_391 = arith.index_cast %parallel_loop3A_300 : i32 to index
        %parallel_loop3A_392 = arith.index_cast %parallel_loop3A_390 : i32 to index
        %parallel_loop3A_393 = arith.constant 64 : index
        %parallel_loop3A_394 = tpu.vector_load %arg13[%parallel_loop3A_391, %parallel_loop3A_392, %parallel_loop3A_393] {strides = array<i32>} : memref<4x8x128xf32, #tpu.memory_space<vmem>>, vector<16xf32>,
        tpu.vector_store %arg13[%parallel_loop3A_391, %parallel_loop3A_392, %parallel_loop3A_393], %parallel_loop3A_389 {strides = array<i32>} : memref<4x8x128xf32, #tpu.memory_space<vmem>>, vector<16xf32>,
        %parallel_loop3A_395 = tpu.vector_load_idx %arg11[%parallel_loop3A_364, %get3A_271] : memref<32x1000xf32, #tpu.memory_space<vmem>>[vector<16xi32>, vector<16xi32>], vector<16xf32>,
        %parallel_loop3A_396 = arith.constant 1 : i32
        %parallel_loop3A_397 = arith.index_cast %parallel_loop3A_300 : i32 to index
        %parallel_loop3A_398 = arith.index_cast %parallel_loop3A_396 : i32 to index
        %parallel_loop3A_399 = arith.constant 80 : index
        %parallel_loop3A_400 = tpu.vector_load %arg13[%parallel_loop3A_397, %parallel_loop3A_398, %parallel_loop3A_399] {strides = array<i32>} : memref<4x8x128xf32, #tpu.memory_space<vmem>>, vector<16xf32>,
        tpu.vector_store %arg13[%parallel_loop3A_397, %parallel_loop3A_398, %parallel_loop3A_399], %parallel_loop3A_395 {strides = array<i32>} : memref<4x8x128xf32, #tpu.memory_space<vmem>>, vector<16xf32>,
        %parallel_loop3A_401 = tpu.vector_load_idx %arg11[%parallel_loop3A_364, %get3A_277] : memref<32x1000xf32, #tpu.memory_space<vmem>>[vector<16xi32>, vector<16xi32>], vector<16xf32>,
        %parallel_loop3A_402 = arith.constant 1 : i32
        %parallel_loop3A_403 = arith.index_cast %parallel_loop3A_300 : i32 to index
        %parallel_loop3A_404 = arith.index_cast %parallel_loop3A_402 : i32 to index
        %parallel_loop3A_405 = arith.constant 96 : index
        %parallel_loop3A_406 = tpu.vector_load %arg13[%parallel_loop3A_403, %parallel_loop3A_404, %parallel_loop3A_405] {strides = array<i32>} : memref<4x8x128xf32, #tpu.memory_space<vmem>>, vector<16xf32>,
        tpu.vector_store %arg13[%parallel_loop3A_403, %parallel_loop3A_404, %parallel_loop3A_405], %parallel_loop3A_401 {strides = array<i32>} : memref<4x8x128xf32, #tpu.memory_space<vmem>>, vector<16xf32>,
        %parallel_loop3A_407 = tpu.vector_load_idx %arg11[%parallel_loop3A_364, %get3A_283] : memref<32x1000xf32, #tpu.memory_space<vmem>>[vector<16xi32>, vector<16xi32>], vector<16xf32>,
        %parallel_loop3A_408 = arith.constant 1 : i32
        %parallel_loop3A_409 = arith.index_cast %parallel_loop3A_300 : i32 to index
        %parallel_loop3A_410 = arith.index_cast %parallel_loop3A_408 : i32 to index
        %parallel_loop3A_411 = arith.constant 112 : index
        %parallel_loop3A_412 = tpu.vector_load %arg13[%parallel_loop3A_409, %parallel_loop3A_410, %parallel_loop3A_411] {strides = array<i32>} : memref<4x8x128xf32, #tpu.memory_space<vmem>>, vector<16xf32>,
        tpu.vector_store %arg13[%parallel_loop3A_409, %parallel_loop3A_410, %parallel_loop3A_411], %parallel_loop3A_407 {strides = array<i32>} : memref<4x8x128xf32, #tpu.memory_space<vmem>>, vector<16xf32>,
        %parallel_loop3A_413 = arith.constant 0 : i32
        %parallel_loop3A_414 = vector.broadcast %parallel_loop3A_413 : i32 to vector<16xi32>
        %parallel_loop3A_415 = arith.constant 8 : i32
        %parallel_loop3A_416 = arith.muli %parallel_loop3A_300, %parallel_loop3A_415 : i32
        %parallel_loop3A_417 = arith.constant 2 : i32
        %parallel_loop3A_418 = arith.addi %parallel_loop3A_416, %parallel_loop3A_417 : i32
        %parallel_loop3A_419 = vector.broadcast %parallel_loop3A_418 : i32 to vector<16xi32>
        %parallel_loop3A_420 = arith.addi %parallel_loop3A_414, %parallel_loop3A_419 : vector<16xi32>
        %parallel_loop3A_421 = tpu.vector_load_idx %arg11[%parallel_loop3A_420, %get3A_241] : memref<32x1000xf32, #tpu.memory_space<vmem>>[vector<16xi32>, vector<16xi32>], vector<16xf32>,
        %parallel_loop3A_422 = arith.constant 2 : i32
        %parallel_loop3A_423 = arith.index_cast %parallel_loop3A_300 : i32 to index
        %parallel_loop3A_424 = arith.index_cast %parallel_loop3A_422 : i32 to index
        %parallel_loop3A_425 = arith.constant 0 : index
        %parallel_loop3A_426 = tpu.vector_load %arg13[%parallel_loop3A_423, %parallel_loop3A_424, %parallel_loop3A_425] {strides = array<i32>} : memref<4x8x128xf32, #tpu.memory_space<vmem>>, vector<16xf32>,
        tpu.vector_store %arg13[%parallel_loop3A_423, %parallel_loop3A_424, %parallel_loop3A_425], %parallel_loop3A_421 {strides = array<i32>} : memref<4x8x128xf32, #tpu.memory_space<vmem>>, vector<16xf32>,
        %parallel_loop3A_427 = tpu.vector_load_idx %arg11[%parallel_loop3A_420, %get3A_247] : memref<32x1000xf32, #tpu.memory_space<vmem>>[vector<16xi32>, vector<16xi32>], vector<16xf32>,
        %parallel_loop3A_428 = arith.constant 2 : i32
        %parallel_loop3A_429 = arith.index_cast %parallel_loop3A_300 : i32 to index
        %parallel_loop3A_430 = arith.index_cast %parallel_loop3A_428 : i32 to index
        %parallel_loop3A_431 = arith.constant 16 : index
        %parallel_loop3A_432 = tpu.vector_load %arg13[%parallel_loop3A_429, %parallel_loop3A_430, %parallel_loop3A_431] {strides = array<i32>} : memref<4x8x128xf32, #tpu.memory_space<vmem>>, vector<16xf32>,
        tpu.vector_store %arg13[%parallel_loop3A_429, %parallel_loop3A_430, %parallel_loop3A_431], %parallel_loop3A_427 {strides = array<i32>} : memref<4x8x128xf32, #tpu.memory_space<vmem>>, vector<16xf32>,
        %parallel_loop3A_433 = tpu.vector_load_idx %arg11[%parallel_loop3A_420, %get3A_253] : memref<32x1000xf32, #tpu.memory_space<vmem>>[vector<16xi32>, vector<16xi32>], vector<16xf32>,
        %parallel_loop3A_434 = arith.constant 2 : i32
        %parallel_loop3A_435 = arith.index_cast %parallel_loop3A_300 : i32 to index
        %parallel_loop3A_436 = arith.index_cast %parallel_loop3A_434 : i32 to index
        %parallel_loop3A_437 = arith.constant 32 : index
        %parallel_loop3A_438 = tpu.vector_load %arg13[%parallel_loop3A_435, %parallel_loop3A_436, %parallel_loop3A_437] {strides = array<i32>} : memref<4x8x128xf32, #tpu.memory_space<vmem>>, vector<16xf32>,
        tpu.vector_store %arg13[%parallel_loop3A_435, %parallel_loop3A_436, %parallel_loop3A_437], %parallel_loop3A_433 {strides = array<i32>} : memref<4x8x128xf32, #tpu.memory_space<vmem>>, vector<16xf32>,
        %parallel_loop3A_439 = tpu.vector_load_idx %arg11[%parallel_loop3A_420, %get3A_259] : memref<32x1000xf32, #tpu.memory_space<vmem>>[vector<16xi32>, vector<16xi32>], vector<16xf32>,
        %parallel_loop3A_440 = arith.constant 2 : i32
        %parallel_loop3A_441 = arith.index_cast %parallel_loop3A_300 : i32 to index
        %parallel_loop3A_442 = arith.index_cast %parallel_loop3A_440 : i32 to index
        %parallel_loop3A_443 = arith.constant 48 : index
        %parallel_loop3A_444 = tpu.vector_load %arg13[%parallel_loop3A_441, %parallel_loop3A_442, %parallel_loop3A_443] {strides = array<i32>} : memref<4x8x128xf32, #tpu.memory_space<vmem>>, vector<16xf32>,
        tpu.vector_store %arg13[%parallel_loop3A_441, %parallel_loop3A_442, %parallel_loop3A_443], %parallel_loop3A_439 {strides = array<i32>} : memref<4x8x128xf32, #tpu.memory_space<vmem>>, vector<16xf32>,
        %parallel_loop3A_445 = tpu.vector_load_idx %arg11[%parallel_loop3A_420, %get3A_265] : memref<32x1000xf32, #tpu.memory_space<vmem>>[vector<16xi32>, vector<16xi32>], vector<16xf32>,
        %parallel_loop3A_446 = arith.constant 2 : i32
        %parallel_loop3A_447 = arith.index_cast %parallel_loop3A_300 : i32 to index
        %parallel_loop3A_448 = arith.index_cast %parallel_loop3A_446 : i32 to index
        %parallel_loop3A_449 = arith.constant 64 : index
        %parallel_loop3A_450 = tpu.vector_load %arg13[%parallel_loop3A_447, %parallel_loop3A_448, %parallel_loop3A_449] {strides = array<i32>} : memref<4x8x128xf32, #tpu.memory_space<vmem>>, vector<16xf32>,
        tpu.vector_store %arg13[%parallel_loop3A_447, %parallel_loop3A_448, %parallel_loop3A_449], %parallel_loop3A_445 {strides = array<i32>} : memref<4x8x128xf32, #tpu.memory_space<vmem>>, vector<16xf32>,
        %parallel_loop3A_451 = tpu.vector_load_idx %arg11[%parallel_loop3A_420, %get3A_271] : memref<32x1000xf32, #tpu.memory_space<vmem>>[vector<16xi32>, vector<16xi32>], vector<16xf32>,
        %parallel_loop3A_452 = arith.constant 2 : i32
        %parallel_loop3A_453 = arith.index_cast %parallel_loop3A_300 : i32 to index
        %parallel_loop3A_454 = arith.index_cast %parallel_loop3A_452 : i32 to index
        %parallel_loop3A_455 = arith.constant 80 : index
        %parallel_loop3A_456 = tpu.vector_load %arg13[%parallel_loop3A_453, %parallel_loop3A_454, %parallel_loop3A_455] {strides = array<i32>} : memref<4x8x128xf32, #tpu.memory_space<vmem>>, vector<16xf32>,
        tpu.vector_store %arg13[%parallel_loop3A_453, %parallel_loop3A_454, %parallel_loop3A_455], %parallel_loop3A_451 {strides = array<i32>} : memref<4x8x128xf32, #tpu.memory_space<vmem>>, vector<16xf32>,
        %parallel_loop3A_457 = tpu.vector_load_idx %arg11[%parallel_loop3A_420, %get3A_277] : memref<32x1000xf32, #tpu.memory_space<vmem>>[vector<16xi32>, vector<16xi32>], vector<16xf32>,
        %parallel_loop3A_458 = arith.constant 2 : i32
        %parallel_loop3A_459 = arith.index_cast %parallel_loop3A_300 : i32 to index
        %parallel_loop3A_460 = arith.index_cast %parallel_loop3A_458 : i32 to index
        %parallel_loop3A_461 = arith.constant 96 : index
        %parallel_loop3A_462 = tpu.vector_load %arg13[%parallel_loop3A_459, %parallel_loop3A_460, %parallel_loop3A_461] {strides = array<i32>} : memref<4x8x128xf32, #tpu.memory_space<vmem>>, vector<16xf32>,
        tpu.vector_store %arg13[%parallel_loop3A_459, %parallel_loop3A_460, %parallel_loop3A_461], %parallel_loop3A_457 {strides = array<i32>} : memref<4x8x128xf32, #tpu.memory_space<vmem>>, vector<16xf32>,
        %parallel_loop3A_463 = tpu.vector_load_idx %arg11[%parallel_loop3A_420, %get3A_283] : memref<32x1000xf32, #tpu.memory_space<vmem>>[vector<16xi32>, vector<16xi32>], vector<16xf32>,
        %parallel_loop3A_464 = arith.constant 2 : i32
        %parallel_loop3A_465 = arith.index_cast %parallel_loop3A_300 : i32 to index
        %parallel_loop3A_466 = arith.index_cast %parallel_loop3A_464 : i32 to index
        %parallel_loop3A_467 = arith.constant 112 : index
        %parallel_loop3A_468 = tpu.vector_load %arg13[%parallel_loop3A_465, %parallel_loop3A_466, %parallel_loop3A_467] {strides = array<i32>} : memref<4x8x128xf32, #tpu.memory_space<vmem>>, vector<16xf32>,
        tpu.vector_store %arg13[%parallel_loop3A_465, %parallel_loop3A_466, %parallel_loop3A_467], %parallel_loop3A_463 {strides = array<i32>} : memref<4x8x128xf32, #tpu.memory_space<vmem>>, vector<16xf32>,
        %parallel_loop3A_469 = arith.constant 0 : i32
        %parallel_loop3A_470 = vector.broadcast %parallel_loop3A_469 : i32 to vector<16xi32>
        %parallel_loop3A_471 = arith.constant 8 : i32
        %parallel_loop3A_472 = arith.muli %parallel_loop3A_300, %parallel_loop3A_471 : i32
        %parallel_loop3A_473 = arith.constant 3 : i32
        %parallel_loop3A_474 = arith.addi %parallel_loop3A_472, %parallel_loop3A_473 : i32
        %parallel_loop3A_475 = vector.broadcast %parallel_loop3A_474 : i32 to vector<16xi32>
        %parallel_loop3A_476 = arith.addi %parallel_loop3A_470, %parallel_loop3A_475 : vector<16xi32>
        %parallel_loop3A_477 = tpu.vector_load_idx %arg11[%parallel_loop3A_476, %get3A_241] : memref<32x1000xf32, #tpu.memory_space<vmem>>[vector<16xi32>, vector<16xi32>], vector<16xf32>,
        %parallel_loop3A_478 = arith.constant 3 : i32
        %parallel_loop3A_479 = arith.index_cast %parallel_loop3A_300 : i32 to index
        %parallel_loop3A_480 = arith.index_cast %parallel_loop3A_478 : i32 to index
        %parallel_loop3A_481 = arith.constant 0 : index
        %parallel_loop3A_482 = tpu.vector_load %arg13[%parallel_loop3A_479, %parallel_loop3A_480, %parallel_loop3A_481] {strides = array<i32>} : memref<4x8x128xf32, #tpu.memory_space<vmem>>, vector<16xf32>,
        tpu.vector_store %arg13[%parallel_loop3A_479, %parallel_loop3A_480, %parallel_loop3A_481], %parallel_loop3A_477 {strides = array<i32>} : memref<4x8x128xf32, #tpu.memory_space<vmem>>, vector<16xf32>,
        %parallel_loop3A_483 = tpu.vector_load_idx %arg11[%parallel_loop3A_476, %get3A_247] : memref<32x1000xf32, #tpu.memory_space<vmem>>[vector<16xi32>, vector<16xi32>], vector<16xf32>,
        %parallel_loop3A_484 = arith.constant 3 : i32
        %parallel_loop3A_485 = arith.index_cast %parallel_loop3A_300 : i32 to index
        %parallel_loop3A_486 = arith.index_cast %parallel_loop3A_484 : i32 to index
        %parallel_loop3A_487 = arith.constant 16 : index
        %parallel_loop3A_488 = tpu.vector_load %arg13[%parallel_loop3A_485, %parallel_loop3A_486, %parallel_loop3A_487] {strides = array<i32>} : memref<4x8x128xf32, #tpu.memory_space<vmem>>, vector<16xf32>,
        tpu.vector_store %arg13[%parallel_loop3A_485, %parallel_loop3A_486, %parallel_loop3A_487], %parallel_loop3A_483 {strides = array<i32>} : memref<4x8x128xf32, #tpu.memory_space<vmem>>, vector<16xf32>,
        %parallel_loop3A_489 = tpu.vector_load_idx %arg11[%parallel_loop3A_476, %get3A_253] : memref<32x1000xf32, #tpu.memory_space<vmem>>[vector<16xi32>, vector<16xi32>], vector<16xf32>,
        %parallel_loop3A_490 = arith.constant 3 : i32
        %parallel_loop3A_491 = arith.index_cast %parallel_loop3A_300 : i32 to index
        %parallel_loop3A_492 = arith.index_cast %parallel_loop3A_490 : i32 to index
        %parallel_loop3A_493 = arith.constant 32 : index
        %parallel_loop3A_494 = tpu.vector_load %arg13[%parallel_loop3A_491, %parallel_loop3A_492, %parallel_loop3A_493] {strides = array<i32>} : memref<4x8x128xf32, #tpu.memory_space<vmem>>, vector<16xf32>,
        tpu.vector_store %arg13[%parallel_loop3A_491, %parallel_loop3A_492, %parallel_loop3A_493], %parallel_loop3A_489 {strides = array<i32>} : memref<4x8x128xf32, #tpu.memory_space<vmem>>, vector<16xf32>,
        %parallel_loop3A_495 = tpu.vector_load_idx %arg11[%parallel_loop3A_476, %get3A_259] : memref<32x1000xf32, #tpu.memory_space<vmem>>[vector<16xi32>, vector<16xi32>], vector<16xf32>,
        %parallel_loop3A_496 = arith.constant 3 : i32
        %parallel_loop3A_497 = arith.index_cast %parallel_loop3A_300 : i32 to index
        %parallel_loop3A_498 = arith.index_cast %parallel_loop3A_496 : i32 to index
        %parallel_loop3A_499 = arith.constant 48 : index
        %parallel_loop3A_500 = tpu.vector_load %arg13[%parallel_loop3A_497, %parallel_loop3A_498, %parallel_loop3A_499] {strides = array<i32>} : memref<4x8x128xf32, #tpu.memory_space<vmem>>, vector<16xf32>,
        tpu.vector_store %arg13[%parallel_loop3A_497, %parallel_loop3A_498, %parallel_loop3A_499], %parallel_loop3A_495 {strides = array<i32>} : memref<4x8x128xf32, #tpu.memory_space<vmem>>, vector<16xf32>,
        %parallel_loop3A_501 = tpu.vector_load_idx %arg11[%parallel_loop3A_476, %get3A_265] : memref<32x1000xf32, #tpu.memory_space<vmem>>[vector<16xi32>, vector<16xi32>], vector<16xf32>,
        %parallel_loop3A_502 = arith.constant 3 : i32
        %parallel_loop3A_503 = arith.index_cast %parallel_loop3A_300 : i32 to index
        %parallel_loop3A_504 = arith.index_cast %parallel_loop3A_502 : i32 to index
        %parallel_loop3A_505 = arith.constant 64 : index
        %parallel_loop3A_506 = tpu.vector_load %arg13[%parallel_loop3A_503, %parallel_loop3A_504, %parallel_loop3A_505] {strides = array<i32>} : memref<4x8x128xf32, #tpu.memory_space<vmem>>, vector<16xf32>,
        tpu.vector_store %arg13[%parallel_loop3A_503, %parallel_loop3A_504, %parallel_loop3A_505], %parallel_loop3A_501 {strides = array<i32>} : memref<4x8x128xf32, #tpu.memory_space<vmem>>, vector<16xf32>,
        %parallel_loop3A_507 = tpu.vector_load_idx %arg11[%parallel_loop3A_476, %get3A_271] : memref<32x1000xf32, #tpu.memory_space<vmem>>[vector<16xi32>, vector<16xi32>], vector<16xf32>,
        %parallel_loop3A_508 = arith.constant 3 : i32
        %parallel_loop3A_509 = arith.index_cast %parallel_loop3A_300 : i32 to index
        %parallel_loop3A_510 = arith.index_cast %parallel_loop3A_508 : i32 to index
        %parallel_loop3A_511 = arith.constant 80 : index
        %parallel_loop3A_512 = tpu.vector_load %arg13[%parallel_loop3A_509, %parallel_loop3A_510, %parallel_loop3A_511] {strides = array<i32>} : memref<4x8x128xf32, #tpu.memory_space<vmem>>, vector<16xf32>,
        tpu.vector_store %arg13[%parallel_loop3A_509, %parallel_loop3A_510, %parallel_loop3A_511], %parallel_loop3A_507 {strides = array<i32>} : memref<4x8x128xf32, #tpu.memory_space<vmem>>, vector<16xf32>,
        %parallel_loop3A_513 = tpu.vector_load_idx %arg11[%parallel_loop3A_476, %get3A_277] : memref<32x1000xf32, #tpu.memory_space<vmem>>[vector<16xi32>, vector<16xi32>], vector<16xf32>,
        %parallel_loop3A_514 = arith.constant 3 : i32
        %parallel_loop3A_515 = arith.index_cast %parallel_loop3A_300 : i32 to index
        %parallel_loop3A_516 = arith.index_cast %parallel_loop3A_514 : i32 to index
        %parallel_loop3A_517 = arith.constant 96 : index
        %parallel_loop3A_518 = tpu.vector_load %arg13[%parallel_loop3A_515, %parallel_loop3A_516, %parallel_loop3A_517] {strides = array<i32>} : memref<4x8x128xf32, #tpu.memory_space<vmem>>, vector<16xf32>,
        tpu.vector_store %arg13[%parallel_loop3A_515, %parallel_loop3A_516, %parallel_loop3A_517], %parallel_loop3A_513 {strides = array<i32>} : memref<4x8x128xf32, #tpu.memory_space<vmem>>, vector<16xf32>,
        %parallel_loop3A_519 = tpu.vector_load_idx %arg11[%parallel_loop3A_476, %get3A_283] : memref<32x1000xf32, #tpu.memory_space<vmem>>[vector<16xi32>, vector<16xi32>], vector<16xf32>,
        %parallel_loop3A_520 = arith.constant 3 : i32
        %parallel_loop3A_521 = arith.index_cast %parallel_loop3A_300 : i32 to index
        %parallel_loop3A_522 = arith.index_cast %parallel_loop3A_520 : i32 to index
        %parallel_loop3A_523 = arith.constant 112 : index
        %parallel_loop3A_524 = tpu.vector_load %arg13[%parallel_loop3A_521, %parallel_loop3A_522, %parallel_loop3A_523] {strides = array<i32>} : memref<4x8x128xf32, #tpu.memory_space<vmem>>, vector<16xf32>,
        tpu.vector_store %arg13[%parallel_loop3A_521, %parallel_loop3A_522, %parallel_loop3A_523], %parallel_loop3A_519 {strides = array<i32>} : memref<4x8x128xf32, #tpu.memory_space<vmem>>, vector<16xf32>,
        %parallel_loop3A_525 = arith.constant 0 : i32
        %parallel_loop3A_526 = vector.broadcast %parallel_loop3A_525 : i32 to vector<16xi32>
        %parallel_loop3A_527 = arith.constant 8 : i32
        %parallel_loop3A_528 = arith.muli %parallel_loop3A_300, %parallel_loop3A_527 : i32
        %parallel_loop3A_529 = arith.constant 4 : i32
        %parallel_loop3A_530 = arith.addi %parallel_loop3A_528, %parallel_loop3A_529 : i32
        %parallel_loop3A_531 = vector.broadcast %parallel_loop3A_530 : i32 to vector<16xi32>
        %parallel_loop3A_532 = arith.addi %parallel_loop3A_526, %parallel_loop3A_531 : vector<16xi32>
        %parallel_loop3A_533 = tpu.vector_load_idx %arg11[%parallel_loop3A_532, %get3A_241] : memref<32x1000xf32, #tpu.memory_space<vmem>>[vector<16xi32>, vector<16xi32>], vector<16xf32>,
        %parallel_loop3A_534 = arith.constant 4 : i32
        %parallel_loop3A_535 = arith.index_cast %parallel_loop3A_300 : i32 to index
        %parallel_loop3A_536 = arith.index_cast %parallel_loop3A_534 : i32 to index
        %parallel_loop3A_537 = arith.constant 0 : index
        %parallel_loop3A_538 = tpu.vector_load %arg13[%parallel_loop3A_535, %parallel_loop3A_536, %parallel_loop3A_537] {strides = array<i32>} : memref<4x8x128xf32, #tpu.memory_space<vmem>>, vector<16xf32>,
        tpu.vector_store %arg13[%parallel_loop3A_535, %parallel_loop3A_536, %parallel_loop3A_537], %parallel_loop3A_533 {strides = array<i32>} : memref<4x8x128xf32, #tpu.memory_space<vmem>>, vector<16xf32>,
        %parallel_loop3A_539 = tpu.vector_load_idx %arg11[%parallel_loop3A_532, %get3A_247] : memref<32x1000xf32, #tpu.memory_space<vmem>>[vector<16xi32>, vector<16xi32>], vector<16xf32>,
        %parallel_loop3A_540 = arith.constant 4 : i32
        %parallel_loop3A_541 = arith.index_cast %parallel_loop3A_300 : i32 to index
        %parallel_loop3A_542 = arith.index_cast %parallel_loop3A_540 : i32 to index
        %parallel_loop3A_543 = arith.constant 16 : index
        %parallel_loop3A_544 = tpu.vector_load %arg13[%parallel_loop3A_541, %parallel_loop3A_542, %parallel_loop3A_543] {strides = array<i32>} : memref<4x8x128xf32, #tpu.memory_space<vmem>>, vector<16xf32>,
        tpu.vector_store %arg13[%parallel_loop3A_541, %parallel_loop3A_542, %parallel_loop3A_543], %parallel_loop3A_539 {strides = array<i32>} : memref<4x8x128xf32, #tpu.memory_space<vmem>>, vector<16xf32>,
        %parallel_loop3A_545 = tpu.vector_load_idx %arg11[%parallel_loop3A_532, %get3A_253] : memref<32x1000xf32, #tpu.memory_space<vmem>>[vector<16xi32>, vector<16xi32>], vector<16xf32>,
        %parallel_loop3A_546 = arith.constant 4 : i32
        %parallel_loop3A_547 = arith.index_cast %parallel_loop3A_300 : i32 to index
        %parallel_loop3A_548 = arith.index_cast %parallel_loop3A_546 : i32 to index
        %parallel_loop3A_549 = arith.constant 32 : index
        %parallel_loop3A_550 = tpu.vector_load %arg13[%parallel_loop3A_547, %parallel_loop3A_548, %parallel_loop3A_549] {strides = array<i32>} : memref<4x8x128xf32, #tpu.memory_space<vmem>>, vector<16xf32>,
        tpu.vector_store %arg13[%parallel_loop3A_547, %parallel_loop3A_548, %parallel_loop3A_549], %parallel_loop3A_545 {strides = array<i32>} : memref<4x8x128xf32, #tpu.memory_space<vmem>>, vector<16xf32>,
        %parallel_loop3A_551 = tpu.vector_load_idx %arg11[%parallel_loop3A_532, %get3A_259] : memref<32x1000xf32, #tpu.memory_space<vmem>>[vector<16xi32>, vector<16xi32>], vector<16xf32>,
        %parallel_loop3A_552 = arith.constant 4 : i32
        %parallel_loop3A_553 = arith.index_cast %parallel_loop3A_300 : i32 to index
        %parallel_loop3A_554 = arith.index_cast %parallel_loop3A_552 : i32 to index
        %parallel_loop3A_555 = arith.constant 48 : index
        %parallel_loop3A_556 = tpu.vector_load %arg13[%parallel_loop3A_553, %parallel_loop3A_554, %parallel_loop3A_555] {strides = array<i32>} : memref<4x8x128xf32, #tpu.memory_space<vmem>>, vector<16xf32>,
        tpu.vector_store %arg13[%parallel_loop3A_553, %parallel_loop3A_554, %parallel_loop3A_555], %parallel_loop3A_551 {strides = array<i32>} : memref<4x8x128xf32, #tpu.memory_space<vmem>>, vector<16xf32>,
        %parallel_loop3A_557 = tpu.vector_load_idx %arg11[%parallel_loop3A_532, %get3A_265] : memref<32x1000xf32, #tpu.memory_space<vmem>>[vector<16xi32>, vector<16xi32>], vector<16xf32>,
        %parallel_loop3A_558 = arith.constant 4 : i32
        %parallel_loop3A_559 = arith.index_cast %parallel_loop3A_300 : i32 to index
        %parallel_loop3A_560 = arith.index_cast %parallel_loop3A_558 : i32 to index
        %parallel_loop3A_561 = arith.constant 64 : index
        %parallel_loop3A_562 = tpu.vector_load %arg13[%parallel_loop3A_559, %parallel_loop3A_560, %parallel_loop3A_561] {strides = array<i32>} : memref<4x8x128xf32, #tpu.memory_space<vmem>>, vector<16xf32>,
        tpu.vector_store %arg13[%parallel_loop3A_559, %parallel_loop3A_560, %parallel_loop3A_561], %parallel_loop3A_557 {strides = array<i32>} : memref<4x8x128xf32, #tpu.memory_space<vmem>>, vector<16xf32>,
        %parallel_loop3A_563 = tpu.vector_load_idx %arg11[%parallel_loop3A_532, %get3A_271] : memref<32x1000xf32, #tpu.memory_space<vmem>>[vector<16xi32>, vector<16xi32>], vector<16xf32>,
        %parallel_loop3A_564 = arith.constant 4 : i32
        %parallel_loop3A_565 = arith.index_cast %parallel_loop3A_300 : i32 to index
        %parallel_loop3A_566 = arith.index_cast %parallel_loop3A_564 : i32 to index
        %parallel_loop3A_567 = arith.constant 80 : index
        %parallel_loop3A_568 = tpu.vector_load %arg13[%parallel_loop3A_565, %parallel_loop3A_566, %parallel_loop3A_567] {strides = array<i32>} : memref<4x8x128xf32, #tpu.memory_space<vmem>>, vector<16xf32>,
        tpu.vector_store %arg13[%parallel_loop3A_565, %parallel_loop3A_566, %parallel_loop3A_567], %parallel_loop3A_563 {strides = array<i32>} : memref<4x8x128xf32, #tpu.memory_space<vmem>>, vector<16xf32>,
        %parallel_loop3A_569 = tpu.vector_load_idx %arg11[%parallel_loop3A_532, %get3A_277] : memref<32x1000xf32, #tpu.memory_space<vmem>>[vector<16xi32>, vector<16xi32>], vector<16xf32>,
        %parallel_loop3A_570 = arith.constant 4 : i32
        %parallel_loop3A_571 = arith.index_cast %parallel_loop3A_300 : i32 to index
        %parallel_loop3A_572 = arith.index_cast %parallel_loop3A_570 : i32 to index
        %parallel_loop3A_573 = arith.constant 96 : index
        %parallel_loop3A_574 = tpu.vector_load %arg13[%parallel_loop3A_571, %parallel_loop3A_572, %parallel_loop3A_573] {strides = array<i32>} : memref<4x8x128xf32, #tpu.memory_space<vmem>>, vector<16xf32>,
        tpu.vector_store %arg13[%parallel_loop3A_571, %parallel_loop3A_572, %parallel_loop3A_573], %parallel_loop3A_569 {strides = array<i32>} : memref<4x8x128xf32, #tpu.memory_space<vmem>>, vector<16xf32>,
        %parallel_loop3A_575 = tpu.vector_load_idx %arg11[%parallel_loop3A_532, %get3A_283] : memref<32x1000xf32, #tpu.memory_space<vmem>>[vector<16xi32>, vector<16xi32>], vector<16xf32>,
        %parallel_loop3A_576 = arith.constant 4 : i32
        %parallel_loop3A_577 = arith.index_cast %parallel_loop3A_300 : i32 to index
        %parallel_loop3A_578 = arith.index_cast %parallel_loop3A_576 : i32 to index
        %parallel_loop3A_579 = arith.constant 112 : index
        %parallel_loop3A_580 = tpu.vector_load %arg13[%parallel_loop3A_577, %parallel_loop3A_578, %parallel_loop3A_579] {strides = array<i32>} : memref<4x8x128xf32, #tpu.memory_space<vmem>>, vector<16xf32>,
        tpu.vector_store %arg13[%parallel_loop3A_577, %parallel_loop3A_578, %parallel_loop3A_579], %parallel_loop3A_575 {strides = array<i32>} : memref<4x8x128xf32, #tpu.memory_space<vmem>>, vector<16xf32>,
        %parallel_loop3A_581 = arith.constant 0 : i32
        %parallel_loop3A_582 = vector.broadcast %parallel_loop3A_581 : i32 to vector<16xi32>
        %parallel_loop3A_583 = arith.constant 8 : i32
        %parallel_loop3A_584 = arith.muli %parallel_loop3A_300, %parallel_loop3A_583 : i32
        %parallel_loop3A_585 = arith.constant 5 : i32
        %parallel_loop3A_586 = arith.addi %parallel_loop3A_584, %parallel_loop3A_585 : i32
        %parallel_loop3A_587 = vector.broadcast %parallel_loop3A_586 : i32 to vector<16xi32>
        %parallel_loop3A_588 = arith.addi %parallel_loop3A_582, %parallel_loop3A_587 : vector<16xi32>
        %parallel_loop3A_589 = tpu.vector_load_idx %arg11[%parallel_loop3A_588, %get3A_241] : memref<32x1000xf32, #tpu.memory_space<vmem>>[vector<16xi32>, vector<16xi32>], vector<16xf32>,
        %parallel_loop3A_590 = arith.constant 5 : i32
        %parallel_loop3A_591 = arith.index_cast %parallel_loop3A_300 : i32 to index
        %parallel_loop3A_592 = arith.index_cast %parallel_loop3A_590 : i32 to index
        %parallel_loop3A_593 = arith.constant 0 : index
        %parallel_loop3A_594 = tpu.vector_load %arg13[%parallel_loop3A_591, %parallel_loop3A_592, %parallel_loop3A_593] {strides = array<i32>} : memref<4x8x128xf32, #tpu.memory_space<vmem>>, vector<16xf32>,
        tpu.vector_store %arg13[%parallel_loop3A_591, %parallel_loop3A_592, %parallel_loop3A_593], %parallel_loop3A_589 {strides = array<i32>} : memref<4x8x128xf32, #tpu.memory_space<vmem>>, vector<16xf32>,
        %parallel_loop3A_595 = tpu.vector_load_idx %arg11[%parallel_loop3A_588, %get3A_247] : memref<32x1000xf32, #tpu.memory_space<vmem>>[vector<16xi32>, vector<16xi32>], vector<16xf32>,
        %parallel_loop3A_596 = arith.constant 5 : i32
        %parallel_loop3A_597 = arith.index_cast %parallel_loop3A_300 : i32 to index
        %parallel_loop3A_598 = arith.index_cast %parallel_loop3A_596 : i32 to index
        %parallel_loop3A_599 = arith.constant 16 : index
        %parallel_loop3A_600 = tpu.vector_load %arg13[%parallel_loop3A_597, %parallel_loop3A_598, %parallel_loop3A_599] {strides = array<i32>} : memref<4x8x128xf32, #tpu.memory_space<vmem>>, vector<16xf32>,
        tpu.vector_store %arg13[%parallel_loop3A_597, %parallel_loop3A_598, %parallel_loop3A_599], %parallel_loop3A_595 {strides = array<i32>} : memref<4x8x128xf32, #tpu.memory_space<vmem>>, vector<16xf32>,
        %parallel_loop3A_601 = tpu.vector_load_idx %arg11[%parallel_loop3A_588, %get3A_253] : memref<32x1000xf32, #tpu.memory_space<vmem>>[vector<16xi32>, vector<16xi32>], vector<16xf32>,
        %parallel_loop3A_602 = arith.constant 5 : i32
        %parallel_loop3A_603 = arith.index_cast %parallel_loop3A_300 : i32 to index
        %parallel_loop3A_604 = arith.index_cast %parallel_loop3A_602 : i32 to index
        %parallel_loop3A_605 = arith.constant 32 : index
        %parallel_loop3A_606 = tpu.vector_load %arg13[%parallel_loop3A_603, %parallel_loop3A_604, %parallel_loop3A_605] {strides = array<i32>} : memref<4x8x128xf32, #tpu.memory_space<vmem>>, vector<16xf32>,
        tpu.vector_store %arg13[%parallel_loop3A_603, %parallel_loop3A_604, %parallel_loop3A_605], %parallel_loop3A_601 {strides = array<i32>} : memref<4x8x128xf32, #tpu.memory_space<vmem>>, vector<16xf32>,
        %parallel_loop3A_607 = tpu.vector_load_idx %arg11[%parallel_loop3A_588, %get3A_259] : memref<32x1000xf32, #tpu.memory_space<vmem>>[vector<16xi32>, vector<16xi32>], vector<16xf32>,
        %parallel_loop3A_608 = arith.constant 5 : i32
        %parallel_loop3A_609 = arith.index_cast %parallel_loop3A_300 : i32 to index
        %parallel_loop3A_610 = arith.index_cast %parallel_loop3A_608 : i32 to index
        %parallel_loop3A_611 = arith.constant 48 : index
        %parallel_loop3A_612 = tpu.vector_load %arg13[%parallel_loop3A_609, %parallel_loop3A_610, %parallel_loop3A_611] {strides = array<i32>} : memref<4x8x128xf32, #tpu.memory_space<vmem>>, vector<16xf32>,
        tpu.vector_store %arg13[%parallel_loop3A_609, %parallel_loop3A_610, %parallel_loop3A_611], %parallel_loop3A_607 {strides = array<i32>} : memref<4x8x128xf32, #tpu.memory_space<vmem>>, vector<16xf32>,
        %parallel_loop3A_613 = tpu.vector_load_idx %arg11[%parallel_loop3A_588, %get3A_265] : memref<32x1000xf32, #tpu.memory_space<vmem>>[vector<16xi32>, vector<16xi32>], vector<16xf32>,
        %parallel_loop3A_614 = arith.constant 5 : i32
        %parallel_loop3A_615 = arith.index_cast %parallel_loop3A_300 : i32 to index
        %parallel_loop3A_616 = arith.index_cast %parallel_loop3A_614 : i32 to index
        %parallel_loop3A_617 = arith.constant 64 : index
        %parallel_loop3A_618 = tpu.vector_load %arg13[%parallel_loop3A_615, %parallel_loop3A_616, %parallel_loop3A_617] {strides = array<i32>} : memref<4x8x128xf32, #tpu.memory_space<vmem>>, vector<16xf32>,
        tpu.vector_store %arg13[%parallel_loop3A_615, %parallel_loop3A_616, %parallel_loop3A_617], %parallel_loop3A_613 {strides = array<i32>} : memref<4x8x128xf32, #tpu.memory_space<vmem>>, vector<16xf32>,
        %parallel_loop3A_619 = tpu.vector_load_idx %arg11[%parallel_loop3A_588, %get3A_271] : memref<32x1000xf32, #tpu.memory_space<vmem>>[vector<16xi32>, vector<16xi32>], vector<16xf32>,
        %parallel_loop3A_620 = arith.constant 5 : i32
        %parallel_loop3A_621 = arith.index_cast %parallel_loop3A_300 : i32 to index
        %parallel_loop3A_622 = arith.index_cast %parallel_loop3A_620 : i32 to index
        %parallel_loop3A_623 = arith.constant 80 : index
        %parallel_loop3A_624 = tpu.vector_load %arg13[%parallel_loop3A_621, %parallel_loop3A_622, %parallel_loop3A_623] {strides = array<i32>} : memref<4x8x128xf32, #tpu.memory_space<vmem>>, vector<16xf32>,
        tpu.vector_store %arg13[%parallel_loop3A_621, %parallel_loop3A_622, %parallel_loop3A_623], %parallel_loop3A_619 {strides = array<i32>} : memref<4x8x128xf32, #tpu.memory_space<vmem>>, vector<16xf32>,
        %parallel_loop3A_625 = tpu.vector_load_idx %arg11[%parallel_loop3A_588, %get3A_277] : memref<32x1000xf32, #tpu.memory_space<vmem>>[vector<16xi32>, vector<16xi32>], vector<16xf32>,
        %parallel_loop3A_626 = arith.constant 5 : i32
        %parallel_loop3A_627 = arith.index_cast %parallel_loop3A_300 : i32 to index
        %parallel_loop3A_628 = arith.index_cast %parallel_loop3A_626 : i32 to index
        %parallel_loop3A_629 = arith.constant 96 : index
        %parallel_loop3A_630 = tpu.vector_load %arg13[%parallel_loop3A_627, %parallel_loop3A_628, %parallel_loop3A_629] {strides = array<i32>} : memref<4x8x128xf32, #tpu.memory_space<vmem>>, vector<16xf32>,
        tpu.vector_store %arg13[%parallel_loop3A_627, %parallel_loop3A_628, %parallel_loop3A_629], %parallel_loop3A_625 {strides = array<i32>} : memref<4x8x128xf32, #tpu.memory_space<vmem>>, vector<16xf32>,
        %parallel_loop3A_631 = tpu.vector_load_idx %arg11[%parallel_loop3A_588, %get3A_283] : memref<32x1000xf32, #tpu.memory_space<vmem>>[vector<16xi32>, vector<16xi32>], vector<16xf32>,
        %parallel_loop3A_632 = arith.constant 5 : i32
        %parallel_loop3A_633 = arith.index_cast %parallel_loop3A_300 : i32 to index
        %parallel_loop3A_634 = arith.index_cast %parallel_loop3A_632 : i32 to index
        %parallel_loop3A_635 = arith.constant 112 : index
        %parallel_loop3A_636 = tpu.vector_load %arg13[%parallel_loop3A_633, %parallel_loop3A_634, %parallel_loop3A_635] {strides = array<i32>} : memref<4x8x128xf32, #tpu.memory_space<vmem>>, vector<16xf32>,
        tpu.vector_store %arg13[%parallel_loop3A_633, %parallel_loop3A_634, %parallel_loop3A_635], %parallel_loop3A_631 {strides = array<i32>} : memref<4x8x128xf32, #tpu.memory_space<vmem>>, vector<16xf32>,
        %parallel_loop3A_637 = arith.constant 0 : i32
        %parallel_loop3A_638 = vector.broadcast %parallel_loop3A_637 : i32 to vector<16xi32>
        %parallel_loop3A_639 = arith.constant 8 : i32
        %parallel_loop3A_640 = arith.muli %parallel_loop3A_300, %parallel_loop3A_639 : i32
        %parallel_loop3A_641 = arith.constant 6 : i32
        %parallel_loop3A_642 = arith.addi %parallel_loop3A_640, %parallel_loop3A_641 : i32
        %parallel_loop3A_643 = vector.broadcast %parallel_loop3A_642 : i32 to vector<16xi32>
        %parallel_loop3A_644 = arith.addi %parallel_loop3A_638, %parallel_loop3A_643 : vector<16xi32>
        %parallel_loop3A_645 = tpu.vector_load_idx %arg11[%parallel_loop3A_644, %get3A_241] : memref<32x1000xf32, #tpu.memory_space<vmem>>[vector<16xi32>, vector<16xi32>], vector<16xf32>,
        %parallel_loop3A_646 = arith.constant 6 : i32
        %parallel_loop3A_647 = arith.index_cast %parallel_loop3A_300 : i32 to index
        %parallel_loop3A_648 = arith.index_cast %parallel_loop3A_646 : i32 to index
        %parallel_loop3A_649 = arith.constant 0 : index
        %parallel_loop3A_650 = tpu.vector_load %arg13[%parallel_loop3A_647, %parallel_loop3A_648, %parallel_loop3A_649] {strides = array<i32>} : memref<4x8x128xf32, #tpu.memory_space<vmem>>, vector<16xf32>,
        tpu.vector_store %arg13[%parallel_loop3A_647, %parallel_loop3A_648, %parallel_loop3A_649], %parallel_loop3A_645 {strides = array<i32>} : memref<4x8x128xf32, #tpu.memory_space<vmem>>, vector<16xf32>,
        %parallel_loop3A_651 = tpu.vector_load_idx %arg11[%parallel_loop3A_644, %get3A_247] : memref<32x1000xf32, #tpu.memory_space<vmem>>[vector<16xi32>, vector<16xi32>], vector<16xf32>,
        %parallel_loop3A_652 = arith.constant 6 : i32
        %parallel_loop3A_653 = arith.index_cast %parallel_loop3A_300 : i32 to index
        %parallel_loop3A_654 = arith.index_cast %parallel_loop3A_652 : i32 to index
        %parallel_loop3A_655 = arith.constant 16 : index
        %parallel_loop3A_656 = tpu.vector_load %arg13[%parallel_loop3A_653, %parallel_loop3A_654, %parallel_loop3A_655] {strides = array<i32>} : memref<4x8x128xf32, #tpu.memory_space<vmem>>, vector<16xf32>,
        tpu.vector_store %arg13[%parallel_loop3A_653, %parallel_loop3A_654, %parallel_loop3A_655], %parallel_loop3A_651 {strides = array<i32>} : memref<4x8x128xf32, #tpu.memory_space<vmem>>, vector<16xf32>,
        %parallel_loop3A_657 = tpu.vector_load_idx %arg11[%parallel_loop3A_644, %get3A_253] : memref<32x1000xf32, #tpu.memory_space<vmem>>[vector<16xi32>, vector<16xi32>], vector<16xf32>,
        %parallel_loop3A_658 = arith.constant 6 : i32
        %parallel_loop3A_659 = arith.index_cast %parallel_loop3A_300 : i32 to index
        %parallel_loop3A_660 = arith.index_cast %parallel_loop3A_658 : i32 to index
        %parallel_loop3A_661 = arith.constant 32 : index
        %parallel_loop3A_662 = tpu.vector_load %arg13[%parallel_loop3A_659, %parallel_loop3A_660, %parallel_loop3A_661] {strides = array<i32>} : memref<4x8x128xf32, #tpu.memory_space<vmem>>, vector<16xf32>,
        tpu.vector_store %arg13[%parallel_loop3A_659, %parallel_loop3A_660, %parallel_loop3A_661], %parallel_loop3A_657 {strides = array<i32>} : memref<4x8x128xf32, #tpu.memory_space<vmem>>, vector<16xf32>,
        %parallel_loop3A_663 = tpu.vector_load_idx %arg11[%parallel_loop3A_644, %get3A_259] : memref<32x1000xf32, #tpu.memory_space<vmem>>[vector<16xi32>, vector<16xi32>], vector<16xf32>,
        %parallel_loop3A_664 = arith.constant 6 : i32
        %parallel_loop3A_665 = arith.index_cast %parallel_loop3A_300 : i32 to index
        %parallel_loop3A_666 = arith.index_cast %parallel_loop3A_664 : i32 to index
        %parallel_loop3A_667 = arith.constant 48 : index
        %parallel_loop3A_668 = tpu.vector_load %arg13[%parallel_loop3A_665, %parallel_loop3A_666, %parallel_loop3A_667] {strides = array<i32>} : memref<4x8x128xf32, #tpu.memory_space<vmem>>, vector<16xf32>,
        tpu.vector_store %arg13[%parallel_loop3A_665, %parallel_loop3A_666, %parallel_loop3A_667], %parallel_loop3A_663 {strides = array<i32>} : memref<4x8x128xf32, #tpu.memory_space<vmem>>, vector<16xf32>,
        %parallel_loop3A_669 = tpu.vector_load_idx %arg11[%parallel_loop3A_644, %get3A_265] : memref<32x1000xf32, #tpu.memory_space<vmem>>[vector<16xi32>, vector<16xi32>], vector<16xf32>,
        %parallel_loop3A_670 = arith.constant 6 : i32
        %parallel_loop3A_671 = arith.index_cast %parallel_loop3A_300 : i32 to index
        %parallel_loop3A_672 = arith.index_cast %parallel_loop3A_670 : i32 to index
        %parallel_loop3A_673 = arith.constant 64 : index
        %parallel_loop3A_674 = tpu.vector_load %arg13[%parallel_loop3A_671, %parallel_loop3A_672, %parallel_loop3A_673] {strides = array<i32>} : memref<4x8x128xf32, #tpu.memory_space<vmem>>, vector<16xf32>,
        tpu.vector_store %arg13[%parallel_loop3A_671, %parallel_loop3A_672, %parallel_loop3A_673], %parallel_loop3A_669 {strides = array<i32>} : memref<4x8x128xf32, #tpu.memory_space<vmem>>, vector<16xf32>,
        %parallel_loop3A_675 = tpu.vector_load_idx %arg11[%parallel_loop3A_644, %get3A_271] : memref<32x1000xf32, #tpu.memory_space<vmem>>[vector<16xi32>, vector<16xi32>], vector<16xf32>,
        %parallel_loop3A_676 = arith.constant 6 : i32
        %parallel_loop3A_677 = arith.index_cast %parallel_loop3A_300 : i32 to index
        %parallel_loop3A_678 = arith.index_cast %parallel_loop3A_676 : i32 to index
        %parallel_loop3A_679 = arith.constant 80 : index
        %parallel_loop3A_680 = tpu.vector_load %arg13[%parallel_loop3A_677, %parallel_loop3A_678, %parallel_loop3A_679] {strides = array<i32>} : memref<4x8x128xf32, #tpu.memory_space<vmem>>, vector<16xf32>,
        tpu.vector_store %arg13[%parallel_loop3A_677, %parallel_loop3A_678, %parallel_loop3A_679], %parallel_loop3A_675 {strides = array<i32>} : memref<4x8x128xf32, #tpu.memory_space<vmem>>, vector<16xf32>,
        %parallel_loop3A_681 = tpu.vector_load_idx %arg11[%parallel_loop3A_644, %get3A_277] : memref<32x1000xf32, #tpu.memory_space<vmem>>[vector<16xi32>, vector<16xi32>], vector<16xf32>,
        %parallel_loop3A_682 = arith.constant 6 : i32
        %parallel_loop3A_683 = arith.index_cast %parallel_loop3A_300 : i32 to index
        %parallel_loop3A_684 = arith.index_cast %parallel_loop3A_682 : i32 to index
        %parallel_loop3A_685 = arith.constant 96 : index
        %parallel_loop3A_686 = tpu.vector_load %arg13[%parallel_loop3A_683, %parallel_loop3A_684, %parallel_loop3A_685] {strides = array<i32>} : memref<4x8x128xf32, #tpu.memory_space<vmem>>, vector<16xf32>,
        tpu.vector_store %arg13[%parallel_loop3A_683, %parallel_loop3A_684, %parallel_loop3A_685], %parallel_loop3A_681 {strides = array<i32>} : memref<4x8x128xf32, #tpu.memory_space<vmem>>, vector<16xf32>,
        %parallel_loop3A_687 = tpu.vector_load_idx %arg11[%parallel_loop3A_644, %get3A_283] : memref<32x1000xf32, #tpu.memory_space<vmem>>[vector<16xi32>, vector<16xi32>], vector<16xf32>,
        %parallel_loop3A_688 = arith.constant 6 : i32
        %parallel_loop3A_689 = arith.index_cast %parallel_loop3A_300 : i32 to index
        %parallel_loop3A_690 = arith.index_cast %parallel_loop3A_688 : i32 to index
        %parallel_loop3A_691 = arith.constant 112 : index
        %parallel_loop3A_692 = tpu.vector_load %arg13[%parallel_loop3A_689, %parallel_loop3A_690, %parallel_loop3A_691] {strides = array<i32>} : memref<4x8x128xf32, #tpu.memory_space<vmem>>, vector<16xf32>,
        tpu.vector_store %arg13[%parallel_loop3A_689, %parallel_loop3A_690, %parallel_loop3A_691], %parallel_loop3A_687 {strides = array<i32>} : memref<4x8x128xf32, #tpu.memory_space<vmem>>, vector<16xf32>,
        %parallel_loop3A_693 = arith.constant 0 : i32
        %parallel_loop3A_694 = vector.broadcast %parallel_loop3A_693 : i32 to vector<16xi32>
        %parallel_loop3A_695 = arith.constant 8 : i32
        %parallel_loop3A_696 = arith.muli %parallel_loop3A_300, %parallel_loop3A_695 : i32
        %parallel_loop3A_697 = arith.constant 7 : i32
        %parallel_loop3A_698 = arith.addi %parallel_loop3A_696, %parallel_loop3A_697 : i32
        %parallel_loop3A_699 = vector.broadcast %parallel_loop3A_698 : i32 to vector<16xi32>
        %parallel_loop3A_700 = arith.addi %parallel_loop3A_694, %parallel_loop3A_699 : vector<16xi32>
        %parallel_loop3A_701 = tpu.vector_load_idx %arg11[%parallel_loop3A_700, %get3A_241] : memref<32x1000xf32, #tpu.memory_space<vmem>>[vector<16xi32>, vector<16xi32>], vector<16xf32>,
        %parallel_loop3A_702 = arith.constant 7 : i32
        %parallel_loop3A_703 = arith.index_cast %parallel_loop3A_300 : i32 to index
        %parallel_loop3A_704 = arith.index_cast %parallel_loop3A_702 : i32 to index
        %parallel_loop3A_705 = arith.constant 0 : index
        %parallel_loop3A_706 = tpu.vector_load %arg13[%parallel_loop3A_703, %parallel_loop3A_704, %parallel_loop3A_705] {strides = array<i32>} : memref<4x8x128xf32, #tpu.memory_space<vmem>>, vector<16xf32>,
        tpu.vector_store %arg13[%parallel_loop3A_703, %parallel_loop3A_704, %parallel_loop3A_705], %parallel_loop3A_701 {strides = array<i32>} : memref<4x8x128xf32, #tpu.memory_space<vmem>>, vector<16xf32>,
        %parallel_loop3A_707 = tpu.vector_load_idx %arg11[%parallel_loop3A_700, %get3A_247] : memref<32x1000xf32, #tpu.memory_space<vmem>>[vector<16xi32>, vector<16xi32>], vector<16xf32>,
        %parallel_loop3A_708 = arith.constant 7 : i32
        %parallel_loop3A_709 = arith.index_cast %parallel_loop3A_300 : i32 to index
        %parallel_loop3A_710 = arith.index_cast %parallel_loop3A_708 : i32 to index
        %parallel_loop3A_711 = arith.constant 16 : index
        %parallel_loop3A_712 = tpu.vector_load %arg13[%parallel_loop3A_709, %parallel_loop3A_710, %parallel_loop3A_711] {strides = array<i32>} : memref<4x8x128xf32, #tpu.memory_space<vmem>>, vector<16xf32>,
        tpu.vector_store %arg13[%parallel_loop3A_709, %parallel_loop3A_710, %parallel_loop3A_711], %parallel_loop3A_707 {strides = array<i32>} : memref<4x8x128xf32, #tpu.memory_space<vmem>>, vector<16xf32>,
        %parallel_loop3A_713 = tpu.vector_load_idx %arg11[%parallel_loop3A_700, %get3A_253] : memref<32x1000xf32, #tpu.memory_space<vmem>>[vector<16xi32>, vector<16xi32>], vector<16xf32>,
        %parallel_loop3A_714 = arith.constant 7 : i32
        %parallel_loop3A_715 = arith.index_cast %parallel_loop3A_300 : i32 to index
        %parallel_loop3A_716 = arith.index_cast %parallel_loop3A_714 : i32 to index
        %parallel_loop3A_717 = arith.constant 32 : index
        %parallel_loop3A_718 = tpu.vector_load %arg13[%parallel_loop3A_715, %parallel_loop3A_716, %parallel_loop3A_717] {strides = array<i32>} : memref<4x8x128xf32, #tpu.memory_space<vmem>>, vector<16xf32>,
        tpu.vector_store %arg13[%parallel_loop3A_715, %parallel_loop3A_716, %parallel_loop3A_717], %parallel_loop3A_713 {strides = array<i32>} : memref<4x8x128xf32, #tpu.memory_space<vmem>>, vector<16xf32>,
        %parallel_loop3A_719 = tpu.vector_load_idx %arg11[%parallel_loop3A_700, %get3A_259] : memref<32x1000xf32, #tpu.memory_space<vmem>>[vector<16xi32>, vector<16xi32>], vector<16xf32>,
        %parallel_loop3A_720 = arith.constant 7 : i32
        %parallel_loop3A_721 = arith.index_cast %parallel_loop3A_300 : i32 to index
        %parallel_loop3A_722 = arith.index_cast %parallel_loop3A_720 : i32 to index
        %parallel_loop3A_723 = arith.constant 48 : index
        %parallel_loop3A_724 = tpu.vector_load %arg13[%parallel_loop3A_721, %parallel_loop3A_722, %parallel_loop3A_723] {strides = array<i32>} : memref<4x8x128xf32, #tpu.memory_space<vmem>>, vector<16xf32>,
        tpu.vector_store %arg13[%parallel_loop3A_721, %parallel_loop3A_722, %parallel_loop3A_723], %parallel_loop3A_719 {strides = array<i32>} : memref<4x8x128xf32, #tpu.memory_space<vmem>>, vector<16xf32>,
        %parallel_loop3A_725 = tpu.vector_load_idx %arg11[%parallel_loop3A_700, %get3A_265] : memref<32x1000xf32, #tpu.memory_space<vmem>>[vector<16xi32>, vector<16xi32>], vector<16xf32>,
        %parallel_loop3A_726 = arith.constant 7 : i32
        %parallel_loop3A_727 = arith.index_cast %parallel_loop3A_300 : i32 to index
        %parallel_loop3A_728 = arith.index_cast %parallel_loop3A_726 : i32 to index
        %parallel_loop3A_729 = arith.constant 64 : index
        %parallel_loop3A_730 = tpu.vector_load %arg13[%parallel_loop3A_727, %parallel_loop3A_728, %parallel_loop3A_729] {strides = array<i32>} : memref<4x8x128xf32, #tpu.memory_space<vmem>>, vector<16xf32>,
        tpu.vector_store %arg13[%parallel_loop3A_727, %parallel_loop3A_728, %parallel_loop3A_729], %parallel_loop3A_725 {strides = array<i32>} : memref<4x8x128xf32, #tpu.memory_space<vmem>>, vector<16xf32>,
        %parallel_loop3A_731 = tpu.vector_load_idx %arg11[%parallel_loop3A_700, %get3A_271] : memref<32x1000xf32, #tpu.memory_space<vmem>>[vector<16xi32>, vector<16xi32>], vector<16xf32>,
        %parallel_loop3A_732 = arith.constant 7 : i32
        %parallel_loop3A_733 = arith.index_cast %parallel_loop3A_300 : i32 to index
        %parallel_loop3A_734 = arith.index_cast %parallel_loop3A_732 : i32 to index
        %parallel_loop3A_735 = arith.constant 80 : index
        %parallel_loop3A_736 = tpu.vector_load %arg13[%parallel_loop3A_733, %parallel_loop3A_734, %parallel_loop3A_735] {strides = array<i32>} : memref<4x8x128xf32, #tpu.memory_space<vmem>>, vector<16xf32>,
        tpu.vector_store %arg13[%parallel_loop3A_733, %parallel_loop3A_734, %parallel_loop3A_735], %parallel_loop3A_731 {strides = array<i32>} : memref<4x8x128xf32, #tpu.memory_space<vmem>>, vector<16xf32>,
        %parallel_loop3A_737 = tpu.vector_load_idx %arg11[%parallel_loop3A_700, %get3A_277] : memref<32x1000xf32, #tpu.memory_space<vmem>>[vector<16xi32>, vector<16xi32>], vector<16xf32>,
        %parallel_loop3A_738 = arith.constant 7 : i32
        %parallel_loop3A_739 = arith.index_cast %parallel_loop3A_300 : i32 to index
        %parallel_loop3A_740 = arith.index_cast %parallel_loop3A_738 : i32 to index
        %parallel_loop3A_741 = arith.constant 96 : index
        %parallel_loop3A_742 = tpu.vector_load %arg13[%parallel_loop3A_739, %parallel_loop3A_740, %parallel_loop3A_741] {strides = array<i32>} : memref<4x8x128xf32, #tpu.memory_space<vmem>>, vector<16xf32>,
        tpu.vector_store %arg13[%parallel_loop3A_739, %parallel_loop3A_740, %parallel_loop3A_741], %parallel_loop3A_737 {strides = array<i32>} : memref<4x8x128xf32, #tpu.memory_space<vmem>>, vector<16xf32>,
        %parallel_loop3A_743 = tpu.vector_load_idx %arg11[%parallel_loop3A_700, %get3A_283] : memref<32x1000xf32, #tpu.memory_space<vmem>>[vector<16xi32>, vector<16xi32>], vector<16xf32>,
        %parallel_loop3A_744 = arith.constant 7 : i32
        %parallel_loop3A_745 = arith.index_cast %parallel_loop3A_300 : i32 to index
        %parallel_loop3A_746 = arith.index_cast %parallel_loop3A_744 : i32 to index
        %parallel_loop3A_747 = arith.constant 112 : index
        %parallel_loop3A_748 = tpu.vector_load %arg13[%parallel_loop3A_745, %parallel_loop3A_746, %parallel_loop3A_747] {strides = array<i32>} : memref<4x8x128xf32, #tpu.memory_space<vmem>>, vector<16xf32>,
        tpu.vector_store %arg13[%parallel_loop3A_745, %parallel_loop3A_746, %parallel_loop3A_747], %parallel_loop3A_743 {strides = array<i32>} : memref<4x8x128xf32, #tpu.memory_space<vmem>>, vector<16xf32>,
      } {sc.loop_unroll_factor = 4 : i64, sc.parallel_access}
      %mul3A_287 = arith.constant 2 : i32
      %mul3A_288 = arith.muli %mul3A_287, %scan3A_149 : i32
      %add3A_289 = arith.constant 1 : i32
      %add3A_290 = arith.addi %mul3A_288, %add3A_289 : i32
      %dma_start3A_291 = arith.constant 0 : i32
      %dma_start3A_292 = arith.constant 0 : i32
      %dma_start3A_293 = tpu.memref_slice %arg6[%select_n3A, %add3A_290, %dma_start3A_291, %dma_start3A_292] : memref<125x160x8x128xf32, #tpu.memory_space<hbm>> -> memref<4x1x8x128xf32, #tpu.memory_space<hbm>>
      %dma_start3A_294 = tpu.memref_squeeze %dma_start3A_293 : memref<4x1x8x128xf32, #tpu.memory_space<hbm>> -> memref<4x8x128xf32, #tpu.memory_space<hbm>>
      %dma_start3A_295 = arith.constant 0 : i32
      %dma_start3A_296 = arith.constant 0 : i32
      %dma_start3A_297 = tpu.memref_slice %arg6[%select_n3A, %add3A_290, %dma_start3A_295, %dma_start3A_296] : memref<125x160x8x128xf32, #tpu.memory_space<hbm>> -> memref<4x1x8x128xf32, #tpu.memory_space<hbm>>
      %dma_start3A_298 = tpu.memref_squeeze %dma_start3A_297 : memref<4x1x8x128xf32, #tpu.memory_space<hbm>> -> memref<4x8x128xf32, #tpu.memory_space<hbm>>
      tpu.enqueue_dma source(%arg13 : memref<4x8x128xf32, #tpu.memory_space<vmem>>) target(%dma_start3A_298 : memref<4x8x128xf32, #tpu.memory_space<hbm>>) target_semaphore(%arg16 : memref<!tpu.dma_semaphore, #tpu.memory_space<semaphore_mem>>)
      %scan3A_299 = arith.constant 0 : i32
      scf.yield %scan3A_299 : i32
    }
    %scan3A_79 = arith.constant 79 : i32
    %iota3A = tpu.iota {dimensions = array<i32: 0>} : vector<16xi32>
    %broadcast_in_dim3A = arith.constant 0.000000e+00 : f32
    %broadcast_in_dim3A_80 = vector.broadcast %broadcast_in_dim3A : f32 to vector<16xf32>
    %mul3A_81 = arith.constant 640 : i32
    %mul3A_82 = arith.muli %add3A, %mul3A_81 : i32
    %scan3A_83 = arith.constant 0 : i32
    %scan3A_84 = arith.constant 40 : i32
    %scan3A_85 = arith.addi %scan3A_83, %scan3A_84 : i32
    %scan3A_86 = arith.constant 1 : i32
    %scan3A_87 = scf.for %scan3A_149 = %scan3A_83 to %scan3A_85 step %scan3A_86 iter_args(%scan3A_150 = %broadcast_in_dim3A_80) -> (vector<16xf32>)  : i32 {
      %mul3A_151 = arith.constant 16 : i32
      %mul3A_152 = arith.muli %scan3A_149, %mul3A_151 : i32
      %add3A_153 = arith.addi %mul3A_82, %mul3A_152 : i32
      %get3A_154 = arith.index_cast %add3A_153 : i32 to index
      %get3A_155 = tpu.vector_load %arg8[%get3A_154] {strides = array<i32>} : memref<20480xi32, #tpu.memory_space<vmem>>, vector<16xi32>,
      %gather3A = tpu.vector_load_idx %arg10[%get3A_155] : memref<1024xf32, #tpu.memory_space<vmem>>[vector<16xi32>], vector<16xf32>,
      %add3A_156 = arith.addf %scan3A_150, %gather3A : vector<16xf32>
      scf.yield %add3A_156 : vector<16xf32>
    }
    %scan3A_88 = arith.constant 40 : i32
    %lt3A = arith.constant 31 : i32
    %lt3A_89 = arith.cmpi slt, %add3A, %lt3A : i32
    %add3A_90 = arith.constant 1 : i32
    %add3A_91 = arith.addi %add3A, %add3A_90 : i32
    %mul3A_92 = arith.constant 121 : i32
    %mul3A_93 = arith.muli %add3A_91, %mul3A_92 : i32
    %jit3A_94 = arith.constant 31 : i32
    %div3A_95 = arith.divsi %mul3A_93, %jit3A_94 : i32
    %sign3A_96 = arith.constant 0 : i32
    %sign3A_97 = arith.cmpi sgt, %mul3A_93, %sign3A_96 : i32
    %sign3A_98 = arith.extui %sign3A_97 : i1 to i32
    %sign3A_99 = arith.constant 0 : i32
    %sign3A_100 = arith.cmpi slt, %mul3A_93, %sign3A_99 : i32
    %sign3A_101 = arith.extui %sign3A_100 : i1 to i32
    %sign3A_102 = arith.subi %sign3A_98, %sign3A_101 : i32
    %sign3A_103 = arith.constant 0 : i32
    %sign3A_104 = arith.cmpi sgt, %jit3A_94, %sign3A_103 : i32
    %sign3A_105 = arith.extui %sign3A_104 : i1 to i32
    %sign3A_106 = arith.constant 0 : i32
    %sign3A_107 = arith.cmpi slt, %jit3A_94, %sign3A_106 : i32
    %sign3A_108 = arith.extui %sign3A_107 : i1 to i32
    %sign3A_109 = arith.subi %sign3A_105, %sign3A_108 : i32
    %ne3A_110 = arith.cmpi ne, %sign3A_102, %sign3A_109 : i32
    %rem3A_111 = arith.remsi %mul3A_93, %jit3A_94 : i32
    %ne3A_112 = arith.constant 0 : i32
    %ne3A_113 = arith.cmpi ne, %rem3A_111, %ne3A_112 : i32
    %and3A_114 = arith.andi %ne3A_110, %ne3A_113 : i1
    %sub3A_115 = arith.constant 1 : i32
    %sub3A_116 = arith.subi %div3A_95, %sub3A_115 : i32
    %select_n3A_117 = arith.select %and3A_114, %sub3A_116, %div3A_95 : i32
    %jit3A_118 = arith.constant 125 : i32
    %select_n3A_119 = arith.select %lt3A_89, %select_n3A_117, %jit3A_118 : i32
    %mul3A_120 = arith.constant 8 : i32
    %mul3A_121 = arith.muli %select_n3A_119, %mul3A_120 : i32
    %scan3A_122 = arith.constant 0 : i32
    %scan3A_123 = arith.constant 1280 : i32
    %scan3A_124 = arith.addi %scan3A_122, %scan3A_123 : i32
    %scan3A_125 = arith.constant 1 : i32
    %scan3A_126 = scf.for %scan3A_149 = %scan3A_122 to %scan3A_124 step %scan3A_125 iter_args(%scan3A_150 = %scan3A_87) -> (vector<16xf32>)  : i32 {
      %mul3A_151 = arith.constant 16 : i32
      %mul3A_152 = arith.muli %scan3A_149, %mul3A_151 : i32
      %get3A_153 = arith.index_cast %mul3A_152 : i32 to index
      %get3A_154 = tpu.vector_load %arg8[%get3A_153] {strides = array<i32>} : memref<20480xi32, #tpu.memory_space<vmem>>, vector<16xi32>,
      %mul3A_155 = arith.constant 16 : i32
      %mul3A_156 = arith.muli %scan3A_149, %mul3A_155 : i32
      %get3A_157 = arith.index_cast %mul3A_156 : i32 to index
      %get3A_158 = tpu.vector_load %arg9[%get3A_157] {strides = array<i32>} : memref<20480xi32, #tpu.memory_space<vmem>>, vector<16xi32>,
      %ge3A = vector.broadcast %mul3A_20 : i32 to vector<16xi32>
      %ge3A_159 = arith.cmpi sge, %get3A_158, %ge3A : vector<16xi32>
      %lt3A_160 = vector.broadcast %mul3A_121 : i32 to vector<16xi32>
      %lt3A_161 = arith.cmpi slt, %get3A_158, %lt3A_160 : vector<16xi32>
      %and3A_162 = arith.andi %ge3A_159, %lt3A_161 : vector<16xi1>
      %sub3A_163 = vector.broadcast %mul3A_20 : i32 to vector<16xi32>
      %sub3A_164 = arith.subi %get3A_158, %sub3A_163 : vector<16xi32>
      %jit3A_165 = arith.constant 0 : i32
      %jit3A_166 = arith.constant 31 : i32
      %max3A = vector.broadcast %jit3A_165 : i32 to vector<16xi32>
      %max3A_167 = arith.maxsi %max3A, %sub3A_164 : vector<16xi32>
      %min3A = vector.broadcast %jit3A_166 : i32 to vector<16xi32>
      %min3A_168 = arith.minsi %min3A, %max3A_167 : vector<16xi32>
      %gather3A = tpu.vector_load_idx %arg11[%min3A_168, %get3A_154] : memref<32x1000xf32, #tpu.memory_space<vmem>>[vector<16xi32>, vector<16xi32>], vector<16xf32>,
      %broadcast_in_dim3A_169 = arith.constant 0.000000e+00 : f32
      %broadcast_in_dim3A_170 = vector.broadcast %broadcast_in_dim3A_169 : f32 to vector<16xf32>
      %select_n3A_171 = arith.select %and3A_162, %gather3A, %broadcast_in_dim3A_170 : vector<16xi1>, vector<16xf32>
      %sub3A_172 = arith.subf %scan3A_150, %select_n3A_171 : vector<16xf32>
      scf.yield %sub3A_172 : vector<16xf32>
    }
    %scan3A_127 = arith.constant 1280 : i32
    %dma_wait3A = arith.constant 0 : i32
    %dma_wait3A_128 = arith.constant 0 : i32
    %dma_wait3A_129 = arith.constant 0 : i32
    %dma_wait3A_130 = tpu.memref_slice %arg6[%select_n3A, %dma_wait3A, %dma_wait3A_128, %dma_wait3A_129] : memref<125x160x8x128xf32, #tpu.memory_space<hbm>> -> memref<4x1x8x128xf32, #tpu.memory_space<hbm>>
    %dma_wait3A_131 = tpu.memref_squeeze %dma_wait3A_130 : memref<4x1x8x128xf32, #tpu.memory_space<hbm>> -> memref<4x8x128xf32, #tpu.memory_space<hbm>>
    %dma_wait3A_132 = arith.constant 0 : i32
    %dma_wait3A_133 = arith.constant 0 : i32
    %dma_wait3A_134 = tpu.memref_slice %arg6[%select_n3A, %dma_wait3A, %dma_wait3A_132, %dma_wait3A_133] : memref<125x160x8x128xf32, #tpu.memory_space<hbm>> -> memref<4x1x8x128xf32, #tpu.memory_space<hbm>>
    %dma_wait3A_135 = tpu.memref_squeeze %dma_wait3A_134 : memref<4x1x8x128xf32, #tpu.memory_space<hbm>> -> memref<4x8x128xf32, #tpu.memory_space<hbm>>
    tpu.wait_dma2 semaphore(%arg15 : memref<!tpu.dma_semaphore, #tpu.memory_space<semaphore_mem>>) src(%arg12 : memref<4x8x128xf32, #tpu.memory_space<vmem>>) dst(%dma_wait3A_135 : memref<4x8x128xf32, #tpu.memory_space<hbm>>)
    %dma_wait3A_136 = arith.constant 0 : i32
    %dma_wait3A_137 = arith.constant 0 : i32
    %dma_wait3A_138 = arith.constant 0 : i32
    %dma_wait3A_139 = tpu.memref_slice %arg6[%select_n3A, %dma_wait3A_136, %dma_wait3A_137, %dma_wait3A_138] : memref<125x160x8x128xf32, #tpu.memory_space<hbm>> -> memref<4x1x8x128xf32, #tpu.memory_space<hbm>>
    %dma_wait3A_140 = tpu.memref_squeeze %dma_wait3A_139 : memref<4x1x8x128xf32, #tpu.memory_space<hbm>> -> memref<4x8x128xf32, #tpu.memory_space<hbm>>
    %dma_wait3A_141 = arith.constant 0 : i32
    %dma_wait3A_142 = arith.constant 0 : i32
    %dma_wait3A_143 = tpu.memref_slice %arg6[%select_n3A, %dma_wait3A_136, %dma_wait3A_141, %dma_wait3A_142] : memref<125x160x8x128xf32, #tpu.memory_space<hbm>> -> memref<4x1x8x128xf32, #tpu.memory_space<hbm>>
    %dma_wait3A_144 = tpu.memref_squeeze %dma_wait3A_143 : memref<4x1x8x128xf32, #tpu.memory_space<hbm>> -> memref<4x8x128xf32, #tpu.memory_space<hbm>>
    tpu.wait_dma2 semaphore(%arg16 : memref<!tpu.dma_semaphore, #tpu.memory_space<semaphore_mem>>) src(%arg13 : memref<4x8x128xf32, #tpu.memory_space<vmem>>) dst(%dma_wait3A_144 : memref<4x8x128xf32, #tpu.memory_space<hbm>>)
    %mul3A_145 = arith.constant 4.88281257E-5 : f32
    %mul3A_146 = vector.broadcast %mul3A_145 : f32 to vector<16xf32>
    %mul3A_147 = arith.mulf %scan3A_126, %mul3A_146 : vector<16xf32>
    %swap3A = arith.constant 0 : index
    %swap3A_148 = tpu.vector_load %arg14[%swap3A] {strides = array<i32>} : memref<16xf32, #tpu.memory_space<vmem>>, vector<16xf32>,
    tpu.vector_store %arg14[%swap3A], %mul3A_147 {strides = array<i32>} : memref<16xf32, #tpu.memory_space<vmem>>, vector<16xf32>,
    "tpu.region"() ({
      %run_scoped3A = tpu.sem_alloc : memref<!tpu.dma_semaphore, #tpu.memory_space<semaphore_mem>>
      %dma_start3A_149 = arith.constant 0 : i32
      %dma_start3A_150 = tpu.memref_slice %arg7[%add3A, %dma_start3A_149] : memref<32x16xf32, #tpu.memory_space<hbm>> -> memref<1x16xf32, #tpu.memory_space<hbm>>
      %dma_start3A_151 = tpu.memref_squeeze %dma_start3A_150 : memref<1x16xf32, #tpu.memory_space<hbm>> -> memref<16xf32, #tpu.memory_space<hbm>>
      %dma_start3A_152 = arith.constant 0 : i32
      %dma_start3A_153 = tpu.memref_slice %arg7[%add3A, %dma_start3A_152] : memref<32x16xf32, #tpu.memory_space<hbm>> -> memref<1x16xf32, #tpu.memory_space<hbm>>
      %dma_start3A_154 = tpu.memref_squeeze %dma_start3A_153 : memref<1x16xf32, #tpu.memory_space<hbm>> -> memref<16xf32, #tpu.memory_space<hbm>>
      tpu.enqueue_dma source(%arg14 : memref<16xf32, #tpu.memory_space<vmem>>) target(%dma_start3A_154 : memref<16xf32, #tpu.memory_space<hbm>>) target_semaphore(%run_scoped3A : memref<!tpu.dma_semaphore, #tpu.memory_space<semaphore_mem>>)
      %dma_wait3A_155 = arith.constant 0 : i32
      %dma_wait3A_156 = tpu.memref_slice %arg7[%add3A, %dma_wait3A_155] : memref<32x16xf32, #tpu.memory_space<hbm>> -> memref<1x16xf32, #tpu.memory_space<hbm>>
      %dma_wait3A_157 = tpu.memref_squeeze %dma_wait3A_156 : memref<1x16xf32, #tpu.memory_space<hbm>> -> memref<16xf32, #tpu.memory_space<hbm>>
      %dma_wait3A_158 = arith.constant 0 : i32
      %dma_wait3A_159 = tpu.memref_slice %arg7[%add3A, %dma_wait3A_158] : memref<32x16xf32, #tpu.memory_space<hbm>> -> memref<1x16xf32, #tpu.memory_space<hbm>>
      %dma_wait3A_160 = tpu.memref_squeeze %dma_wait3A_159 : memref<1x16xf32, #tpu.memory_space<hbm>> -> memref<16xf32, #tpu.memory_space<hbm>>
      tpu.wait_dma2 semaphore(%run_scoped3A : memref<!tpu.dma_semaphore, #tpu.memory_space<semaphore_mem>>) src(%arg14 : memref<16xf32, #tpu.memory_space<vmem>>) dst(%dma_wait3A_160 : memref<16xf32, #tpu.memory_space<hbm>>)
      tpu.yield
    }) : () -> ()
    return
  }
}

module attributes {stable_mosaic.version = 14 : i64} {
  func.func @_prep_body(%arg0: memref<1000x1000xf32, #tpu.memory_space<vmem>>, %arg1: memref<1024xf32, #tpu.memory_space<vmem>>, %arg2: memref<1000x1000xf32, #tpu.memory_space<vmem>>) attributes {dimension_semantics = [], scalar_prefetch = 0 : i64, scratch_operands = 0 : i64, tpu.core_type = #tpu.core_type<tc>} {
    %get3A = arith.constant 0 : index
    %get3A_0 = arith.constant 0 : index
    %get3A_1 = vector.load %arg0[%get3A, %get3A_0] : memref<1000x1000xf32, #tpu.memory_space<vmem>>, vector<1000x1000xf32>
    %reduce_max3A = arith.constant dense<0xFF800000> : vector<1000xf32>
    %reduce_max3A_2 = vector.multi_reduction <maximumf>, %get3A_1, %reduce_max3A [1] : vector<1000x1000xf32> to vector<1000xf32>
    %broadcast_in_dim3A = vector.shape_cast %reduce_max3A_2 : vector<1000xf32> to vector<1000x1xf32>
    %sub3A = vector.broadcast %broadcast_in_dim3A : vector<1000x1xf32> to vector<1000x1000xf32>
    %sub3A_3 = arith.subf %get3A_1, %sub3A : vector<1000x1000xf32>
    %exp3A = math.exp %sub3A_3 : vector<1000x1000xf32>
    %reduce_sum3A = arith.constant dense<0.000000e+00> : vector<1000xf32>
    %reduce_sum3A_4 = vector.multi_reduction <add>, %exp3A, %reduce_sum3A [1] : vector<1000x1000xf32> to vector<1000xf32>
    %log3A = math.log %reduce_sum3A_4 : vector<1000xf32>
    %add3A = arith.addf %reduce_max3A_2, %log3A : vector<1000xf32>
    %swap3A = arith.constant 0 : index
    %swap3A_5 = vector.load %arg1[%swap3A] : memref<1024xf32, #tpu.memory_space<vmem>>, vector<1000xf32>
    tpu.vector_store %arg1[%swap3A], %add3A {strides = array<i32>} : memref<1024xf32, #tpu.memory_space<vmem>>, vector<1000xf32>,
    %broadcast_in_dim3A_6 = arith.constant 0.000000e+00 : f32
    %broadcast_in_dim3A_7 = vector.broadcast %broadcast_in_dim3A_6 : f32 to vector<24xf32>
    %swap3A_8 = arith.constant 1000 : index
    %swap3A_9 = vector.load %arg1[%swap3A_8] : memref<1024xf32, #tpu.memory_space<vmem>>, vector<24xf32>
    tpu.vector_store %arg1[%swap3A_8], %broadcast_in_dim3A_7 {strides = array<i32>} : memref<1024xf32, #tpu.memory_space<vmem>>, vector<24xf32>,
    %transpose3A = tpu.transpose %get3A_1, [1, 0] : vector<1000x1000xf32> -> vector<1000x1000xf32>
    %swap3A_10 = arith.constant 0 : index
    %swap3A_11 = arith.constant 0 : index
    %swap3A_12 = vector.load %arg2[%swap3A_10, %swap3A_11] : memref<1000x1000xf32, #tpu.memory_space<vmem>>, vector<1000x1000xf32>
    tpu.vector_store %arg2[%swap3A_10, %swap3A_11], %transpose3A {strides = array<i32>} : memref<1000x1000xf32, #tpu.memory_space<vmem>>, vector<1000x1000xf32>,
    return
  }
}

</mosaic_0001>

<sc_bundles>
// kernel: kernel.4.cloned.1.call-start
scs
__scs_entry_jumppad:
0x0: {  	(pc) =	sbr.rel $0x88, $3  }
0x1: {  	(tag) =	ssettag $0x0;
	lr =	simm.s32 $0x1  }
0x2: {  	[smem:$0x3F9E] =	sst lr;
	_ =	strace $0xD0000000  }
0x3: {  	_ = 	snop  }
0x4: {  	_ = 	snop  }
0x5: {  	_ = 	snop  }
0x6: {  	_ = 	snop  }
0x7: {  	_ = 	snop  }
__scs_overlays_trampoline_lowered:
0x8: {  	[smem:$0x3FAD] =	sst s0  }
0x9: {  	[smem:$0x3FAE] =	sst s1  }
0xa: {  	[smem:$0x3FAF] =	sst s2  }
0xb: {  	[smem:$0x3FB0] =	sst s3  }
0xc: {  	[smem:$0x3FB1] =	sst s4  }
0xd: {  	[smem:$0x3FB2] =	sst s5  }
0xe: {  	[smem:$0x3FB3] =	sst s6  }
0xf: {  	[smem:$0x3FB4] =	sst s7  }
0x10: {  	[smem:$0x3FB5] =	sst s8  }
0x11: {  	[smem:$0x3FB6] =	sst s9;
	s0 =	simm.s32 @!p0 $0x0  }
0x12: {  	s1 =	sld [smem:$0x3F9C];
	s0 =	simm.s32 @p0 $0x1  }
0x13: {  	[smem:$0x3FB7] =	sst s0;
	s0 =	simm.s32 @!p1 $0x0  }
0x14: {  	s2 =	sld [smem:$0x3F9B];
	s0 =	simm.s32 @p1 $0x1  }
0x15: {  	[smem:$0x3FB8] =	sst s0;
	s0 =	simm.s32 @!p2 $0x0  }
0x16: {  	s3 =	sld [smem:$0x3FDB];
	s0 =	simm.s32 @p2 $0x1  }
0x17: {  	s4 =	simm.s32 $0x1BF5;
	[smem:$0x3FBA] =	sst s0  }
0x18: {  	s0 =	sld [smem:$0x3F9D];
	_ =	swait.ge [sflag:s4], $0x0  }
0x19: {  	s7 =	sld [smem:$0x3F9E]  }
0x1a: {  	s8 =	sadd.s32 $0xFFFFE003, lr  }
0x1b: {  	s9 =	sadd.s32 $0xFFFFFEF7, lr;
	s5 =	simm.s32 $0xFFFFFFFF;
	p2 =	slt.u32 s8, $0xFFFFF086  }
0x1c: {  	p1 =	slt.u32 s9, $0xF7A;
	s5 =	simm.s32 @!p2 $0x0  }
0x1d: {  	s5 =	simm.s32 @p1 $0x1;
	p0 =	seq.s32 s7, s2  }
0x1e: {  	s7 =	smul.u32 @!p0 $0xF7A, s2;
	p2 =	seq.s32 @!p0 s5, $0x0  }
0x1f: {  	s9 =	smul.u32 $0xF7A, s1;
	s8 =	simm.s32 @!p0 $0x1BF5;
	p2 =	por !p2, p0  }
0x20: {  	[sflag:s8] =	ssyncset.s32 @!p0 $0xFFFFF086;
	s6 =	sadd.s32 @!p0 s3, s7;
	s7 =	simm.s32 @!p0 $0x108  }
0x21: {  	s3 =	sadd.s32 s3, s9;
	s6 =	sadd.s32 @!p0 $0x88, s6;
	s7 =	simm.s32 @p2 $0x1082  }
0x22: {  	[simem:s7], [sflag:s8] =	dma.local @!p0 [hbm:s6], $0xF7A  }
0x23: {  	s9 =	sor.u32 $0xD0000000, s2;
	s6 =	simm.s32 $0x108;
	_ =	swait.ge @!p0 [sflag:s8], $0x0  }
0x24: {  	s3 =	sadd.s32 $0x88, s3;
	s6 =	simm.s32 @!p1 $0x1082;
	[sflag:s4] =	ssyncset.s32 $0xFFFFF086  }
0x25: {  	[simem:s6], [sflag:s4] =	dma.local [hbm:s3], $0xF7A  }
0x26: {  	[smem:$0x3F9E] =	sst s1;
	(tag) =	ssettag s2;
	_ =	strace s9  }
0x27: {  	s1 =	sld [smem:$0x3FAE]  }
0x28: {  	s2 =	sld [smem:$0x3FAF]  }
0x29: {  	s4 =	sld [smem:$0x3FB1]  }
0x2a: {  	p0 =	seq.s32 s5, $0x0;
	s5 =	sld [smem:$0x3FB2]  }
0x2b: {  	s6 =	sld [smem:$0x3FB3]  }
0x2c: {  	s7 =	sld [smem:$0x3FB4]  }
0x2d: {  	s3 =	simm.s32 $0x108;
	s8 =	sld [smem:$0x3FB5]  }
0x2e: {  	s3 =	simm.s32 @!p0 $0x1082;
	s9 =	sld [smem:$0x3FB6]  }
0x2f: {  	lr =	sadd.s32 s0, s3;
	s0 =	sld [smem:$0x3FAD]  }
0x30: {  	s3 =	sld [smem:$0x3FB0]  }
0x31: {  	[smem:$0x3FB9] =	sst s10  }
0x32: {  	s10 =	sld [smem:$0x3FB7];
	_ =	sdelay $0x3  }
0x33: {  	p0 =	seq.s32 s10, $0x1;
	s10 =	sld [smem:$0x3FB9];
	_ =	sdelay $0x3  }
0x34: {  	[smem:$0x3FB9] =	sst s10  }
0x35: {  	s10 =	sld [smem:$0x3FB8];
	_ =	sdelay $0x3  }
0x36: {  	p1 =	seq.s32 s10, $0x1;
	s10 =	sld [smem:$0x3FB9];
	_ =	sdelay $0x3  }
0x37: {  	[smem:$0x3FB9] =	sst s10  }
0x38: {  	s10 =	sld [smem:$0x3FBA]  }
0x39: {  	_ = 	snop;
	(pc) =	sbr.ind lr, $3  }
0x3a: {  	_ = 	snop  }
0x3b: {  	_ = 	snop  }
0x3c: {  	p2 =	seq.s32 s10, $0x1;
	s10 =	sld [smem:$0x3FB9]  }
0x3d: {  	_ =	shalt  }
0x3e: {  	_ =	shalt  }
0x3f: {  	_ =	shalt  }
0x40: {  	_ =	shalt  }
0x41: {  	_ =	shalt  }
0x42: {  	_ =	shalt  }
0x43: {  	_ =	shalt  }
0x44: {  	_ =	shalt  }
0x45: {  	_ =	shalt  }
0x46: {  	_ =	shalt  }
0x47: {  	_ =	shalt  }
0x48: {  	_ =	shalt  }
0x49: {  	_ =	shalt  }
0x4a: {  	_ =	shalt  }
0x4b: {  	_ =	shalt  }
0x4c: {  	_ =	shalt  }
0x4d: {  	_ =	shalt  }
0x4e: {  	_ =	shalt  }
0x4f: {  	_ =	shalt  }
0x50: {  	_ =	shalt  }
0x51: {  	_ =	shalt  }
0x52: {  	_ =	shalt  }
0x53: {  	_ =	shalt  }
0x54: {  	_ =	shalt  }
0x55: {  	_ =	shalt  }
0x56: {  	_ =	shalt  }
0x57: {  	_ =	shalt  }
0x58: {  	_ =	shalt  }
0x59: {  	_ =	shalt  }
0x5a: {  	_ =	shalt  }
0x5b: {  	_ =	shalt  }
0x5c: {  	_ =	shalt  }
0x5d: {  	_ =	shalt  }
0x5e: {  	_ =	shalt  }
0x5f: {  	_ =	shalt  }
0x60: {  	_ =	shalt  }
0x61: {  	_ =	shalt  }
0x62: {  	_ =	shalt  }
0x63: {  	_ =	shalt  }
0x64: {  	_ =	shalt  }
0x65: {  	_ =	shalt  }
0x66: {  	_ =	shalt  }
0x67: {  	_ =	shalt  }
0x68: {  	_ =	shalt  }
0x69: {  	_ =	shalt  }
0x6a: {  	_ =	shalt  }
0x6b: {  	_ =	shalt  }
0x6c: {  	_ =	shalt  }
0x6d: {  	_ =	shalt  }
0x6e: {  	_ =	shalt  }
0x6f: {  	_ =	shalt  }
0x70: {  	_ =	shalt  }
0x71: {  	_ =	shalt  }
0x72: {  	_ =	shalt  }
0x73: {  	_ =	shalt  }
0x74: {  	_ =	shalt  }
0x75: {  	_ =	shalt  }
0x76: {  	_ =	shalt  }
0x77: {  	_ =	shalt  }
0x78: {  	_ =	shalt  }
0x79: {  	_ =	shalt  }
0x7a: {  	_ =	shalt  }
0x7b: {  	_ =	shalt  }
0x7c: {  	_ =	shalt  }
0x7d: {  	_ =	shalt  }
0x7e: {  	_ =	shalt  }
0x7f: {  	_ =	shalt  }
0x80: {  	_ =	shalt  }
0x81: {  	_ =	shalt  }
0x82: {  	_ =	shalt  }
0x83: {  	_ =	shalt  }
0x84: {  	_ =	shalt  }
0x85: {  	_ =	shalt  }
0x86: {  	_ =	shalt  }
0x87: {  	_ =	shalt  }
.Lfunc_end0:
.L_simem_size_0:
called_computation_lowered:
.L_overlay_start_0:
0x88: {  	s2 =	sld [smem:$0x3FD9]  }
0x89: {  	s3 =	sld [smem:$0x3FFE];
	_ =	sdelay $0x1  }
0x8a: {  	s1 =	srdreg.scid  }
0x8b: {  	s0 =	sand.u32 $0x1, s1  }
0x8c: {  	s14 =	sshll.u32 s0, $0xA;
	s2 =	sadd.s32 s3, s2  }
0x8d: {  	s2 =	sadd.s32 s2, s14  }
0x8e: {  	[smem:$0x3FC5] =	sst s2  }
0x8f: {  	_ = 	snop  }
0x90: {  	s2 =	sld [smem:$0x3FD0];
	_ =	sdelay $0x2  }
0x91: {  	s15 =	simm.s32 $0xA;
	s4 =	simm.s32 $0x10  }
0x92: {  	[smem:s4], [sflag:s15] =	dma.local [hbm:s2], $0x1  }
0x93: {  	_ =	swait.eq [sflag:s15], $0x1  }
0x94: {  	[sflag:s15] =	ssyncset.done $0x0  }
0x95: {  	[sflag:s15] =	ssyncadd.s32 $0xFFFFFFFF  }
0x96: {  	s16 =	sld [smem:$0x10];
	(tm) =	ssettm $0x1  }
0x97: {  	s17 =	sld [smem:$0x3FFB];
	_ =	sdelay $0x3  }
0x98: {  	_ =	strace s17  }
0x99: {  	s3 =	sld [smem:$0x3FFC];
	_ =	sdelay $0x3  }
0x9a: {  	_ =	strace s3  }
0x9b: {  	s3 =	sld [smem:$0x3FFD];
	_ =	sdelay $0x3  }
0x9c: {  	_ =	strace s3  }
0x9d: {  	_ =	strace $0x8FFFFFFF  }
0x9e: {  	s18 =	sld [smem:$0x3FDB];
	_ =	sdelay $0x1  }
0x9f: {  	s19 =	simm.s32 $_scs_section_size  }
0xa0: {  	s5 =	simm.s32 $_size__tile_overlayer_lowered;
	s6 =	simm.s32 $_tile_overlayer_lowered  }
0xa1: {  	s22 =	simm.s32 $0x1BFF;
	s21 =	sshll.u32 s6, $0x1;
	s3 =	sadd.s32 s19, s18  }
0xa2: {  	s7 =	simm.s32 $0x0;
	s20 =	sshll.u32 s5, $0x1;
	s5 =	sadd.s32 s21, s3  }
0xa3: {  	[timem:s7], [sflag:s22] =	dma.local [hbm:s5], s20  }
0xa4: {  	_ =	swait.ge [sflag:s22], s20  }
0xa5: {  	s4 =	ssub.s32 $0x0, s20;
	[sflag:s22] =	ssyncset.done $0x0  }
0xa6: {  	[sflag:s22] =	ssyncadd.s32 s4;
	_ =	sdelay $0x1  }
0xa7: {  	s23 =	simm.s32 $0x1B8B  }
0xa8: {  	_ =	swait.ge [sflag:s23], $0x1  }
0xa9: {  	[sflag:s23] =	ssyncset.done $0x0  }
0xaa: {  	s25 =	simm.s32 $0x1B8E;
	s24 =	sld [smem:$0x3FFE];
	[sflag:s23] =	ssyncadd.s32 $0xFFFFFFFF  }
0xab: {  	s26 =	simm.s32 $execute0_lowered;
	[smem:$0x3FD2] =	sst s25  }
0xac: {  	s5 =	sshll.u32 s26, $0x1;
	_ =	strace $0x80000046;
	[dreg:$0x1] =	wrdreg $0xFFFFFFFF  }
0xad: {  	s28 =	simm.s32 $_size_execute0_lowered;
	s3 =	sadd.s32 s3, s5;
	[dreg:$0x0] =	wrdreg $0x0  }
0xae: {  	s5 =	sshll.u32 s28, $0x1;
	[dreg:$0x2] =	wrdreg s3  }
0xaf: {  	[dreg:$0x3] =	wrdreg s5  }
0xb0: {  	[dreg:$0x4] =	wrdreg $0xC0  }
0xb1: {  	_ =	task [dreg:s7], $0x5FFFF  }
0xb2: {  	[dreg:$0x1] =	wrdreg $0xFFFFFFFF  }
0xb3: {  	[dreg:$0x0] =	wrdreg $0x60  }
0xb4: {  	[dreg:$0x2] =	wrdreg s24  }
0xb5: {  	[dreg:$0x3] =	wrdreg s16  }
0xb6: {  	[dreg:$0x4] =	wrdreg $0x9  }
0xb7: {  	_ =	task.clear_ibuf [dreg:s7], $0x5FFFF;
	_ =	strace $0x90000046  }
0xb8: {  	s29 =	simm.s32 $0x9;
	_ =	strace $0x80000048  }
0xb9: {  	_ =	swait.ge [sflag:s29], $0x1  }
0xba: {  	[sflag:s29] =	ssyncadd.s32 $0xFFFFFFFF  }
0xbb: {  	_ =	strace $0x90000048  }
0xbc: {  	_ =	sfence  }
0xbd: {  	s30 =	sld [smem:$0x0];
	_ =	sdelay $0x2  }
0xbe: {  	s31 =	sshll.u32 s1, $0xD;
	s1 =	sshrl.u32 s1, $0x2  }
0xbf: {  	s3 =	sand.u32 $0x4000, s31;
	s1 =	sadd.s32 s1, s30  }
0xc0: {  	s0 =	sor.u32 s3, s0;
	s1 =	sshll.u32 s1, $0x11  }
0xc1: {  	s0 =	sor.u32 s1, s0  }
0xc2: {  	s0 =	sadd.s32 $0x8F2B, s0  }
0xc3: {  	[sflag:s0] =	ssyncadd.remote.s32 $0x1  }
0xc4: {  	_ =	sfence.sel $0xFFFF  }
0xc5: {  	[dreg:$0x0] =	wrdreg $0xFFFFFFFF;
	(pc) =	sbr.abs _section_cstart, $3  }
0xc6: {  	[dreg:$0x1] =	wrdreg $0xFFFFFFFF  }
0xc7: {  	_ =	task.clear_ibuf [dreg:s7], $0x2FFFF;
	_ =	strace $0x9FFFFFFF  }
0xc8: {  	(tm) =	ssettm $0x7FFFFFFF  }
0xc9: {  	_ =	shalt  }
tec
execute0_lowered:
.L_overlay_start_1:
0x0: {  	(tag) =	ssettag $0x1  }
0x1: {  	s1 =	srdreg.scid;
	s6 =	rddreg [dreg:$0x0]  }
0x2: {  	s0 =	stileid.u32;
	s11 =	rddreg [dreg:$0x1];
	s2 =	simm.s32 $0x0  }
0x3: {  	s18 =	simm.s32 $0x12100;
	s19 =	simm.s32 $0x13100;
	s20 =	simm.s32 $0x1  }
0x4: {  	s9 =	sand.u32 $0x1, s1;
	s1 =	rddreg [dreg:$0x2];
	s13 =	smul.u32 $0xF2, s0  }
0x5: {  	s23 =	sshll.u32 s0, $0x1;
	[smem:$0x7FF] =	sst s2;
	s29 =	smul.u32 $0x1400, s0  }
0x6: {  	s4 =	sadd.s32 $0x1400, s6;
	s5 =	sadd.s32 $0x1E00, s6;
	s16 =	smul.u32 $0x79, s9  }
0x7: {  	s10 =	sor.u32 s9, s23;
	_ =	strace $0x80000047;
	s30 =	smul.u32 $0xA00, s9  }
0x8: {  	s12 =	ssub.s32 $0x2, s9;
	s3 =	smul.u32 $0x7CEDD, s10;
	s14 =	sshll.u32 s10, $0x1  }
0x9: {  	s15 =	sshrl.u32 s12, $0x1;
	s17 =	smul.u32 $0xF9D41, s10;
	p0 =	seq.s32 s10, $0x1F  }
0xa: {  	s14 =	sadd.s32 s14, s6;
	s12 =	ssub.s32 s12, s15;
	s25 =	sadd.s32 s16, s13  }
0xb: {  	s31 =	sadd.s32 s30, s29;
	s16 =	simm.s32 $0x400;
	s7 =	sshrl.u32 s3, $0x11  }
0xc: {  	s13 =	smulhi.u32 $0x8421085, s25;
	s28 =	sadd.s32 $0xF9D41, s17;
	s9 =	sadd.s32 $0x20A00, s14  }
0xd: {  	s10 =	smax.u32 s12, $0x1;
	s23 =	sshrl.u32 s31, $0x2;
	s12 =	simm.s32 $0xA400  }
0xe: {  	s14 =	simm.s32 $0x5000;
	s17 =	simm.s32 $0x28000;
	s3 =	smul.u32 $0x3E8, s7  }
0xf: {  	s24 =	smul.u32 $0x28000, s7;
	s21 =	sshll.u32 s7, $0x3;
	s15 =	sshrl.u32 s28, $0xF  }
0x10: {  	v2 =	vmov s23;
	s23 =	simm.s32 $0x0;
	s22 =	sand.u32 $0x7F8, s15;
	s13 =	smul.u32 $0x5000, s13  }
0x11: {  	s15 =	simm.s32 $0xA000;
	v0 =	vmov s21;
	s21 =	simm.s32 $0x2;
	s8 =	sadd.s32 s3, s6  }
0x12: {  	s3 =	sadd.s32 $0xA00, s6;
	s26 =	sshrl.u32 s24, $0x3;
	s22 =	simm.s32 @p0 $0x3E8  }
0x13: {  	s6 =	sadd.s32 $0x2000, s8;
	s7 =	sadd.s32 s11, s26;
	s11 =	sadd.s32 s13, s11  }
0x14: {  	s13 =	simm.s32 $0x3;
	v1 =	vmov s22;
	s22 =	simm.s32 $0x14100;
	s8 =	sadd.s32 $0x80, s7  }
.LBB2_1:
0x15: {  	[tilespmem:s12], [sflag:$0x3] =	stream.linear.gather [hbm4b:s6+s2], $0x7D00, $0x38;
	[tilespmem:$0x14110] =	vst v63  }
0x16: {  	_ =	swait.ge [sflag:s13], $0x7D00  }
0x17: {  	[sflag:s13] =	ssyncset.done $0x0  }
0x18: {  	[sflag:s13] =	ssyncadd.s32 $0xFFFF8300  }
0x19: {  	[tilespmem:s2], [sflag:$0x3] =	stream.linear.gather [hbm4b:s3+s2], $0x5000, $0x38;
	[tilespmem:$0x14110] =	vst v63  }
0x1a: {  	_ =	swait.ge [sflag:s13], $0x5000  }
0x1b: {  	[sflag:s13] =	ssyncset.done $0x0  }
0x1c: {  	[sflag:s13] =	ssyncadd.s32 $0xFFFFB000  }
0x1d: {  	[tilespmem:s14], [sflag:$0x3] =	stream.linear.gather [hbm4b:s4+s2], $0x5000, $0x38;
	[tilespmem:$0x14110] =	vst v63  }
0x1e: {  	_ =	swait.ge [sflag:s13], $0x5000  }
0x1f: {  	[sflag:s13] =	ssyncset.done $0x0  }
0x20: {  	[sflag:s13] =	ssyncadd.s32 $0xFFFFB000  }
0x21: {  	[tilespmem:s15], [sflag:$0x3] =	stream.linear.gather [hbm4b:s5+s2], $0x400, $0x38;
	[tilespmem:$0x14110] =	vst v63  }
0x22: {  	_ =	swait.ge [sflag:s13], $0x400  }
0x23: {  	[sflag:s13] =	ssyncset.done $0x0  }
0x24: {  	[sflag:s13] =	ssyncadd.s32 $0xFFFFFC00  }
0x25: {  	v10 =	vld [tilespmem:$0x0];
	_ =	sdelay $0x5  }
0x26: {  	v9 =	vld [tilespmem:$0x10];
	_ =	sdelay $0x1  }
0x27: {  	v3 =	vld.idx.msk [tilespmem:v10+s12+$0x0], $0xffff;
	_ =	sdelay $0x3  }
0x28: {  	v8 =	vld [tilespmem:$0x20]  }
0x29: {  	[tilespmem:$0x12100] =	vst v3  }
0x2a: {  	v3 =	vld.idx.msk [tilespmem:v9+s12+$0x0], $0xffff;
	_ =	sdelay $0x3  }
0x2b: {  	v7 =	vld [tilespmem:$0x30]  }
0x2c: {  	[tilespmem:$0x12110] =	vst v3  }
0x2d: {  	v3 =	vld.idx.msk [tilespmem:v8+s12+$0x0], $0xffff;
	_ =	sdelay $0x3  }
0x2e: {  	v6 =	vld [tilespmem:$0x40]  }
0x2f: {  	[tilespmem:$0x12120] =	vst v3  }
0x30: {  	v3 =	vld.idx.msk [tilespmem:v7+s12+$0x0], $0xffff;
	_ =	sdelay $0x3  }
0x31: {  	v5 =	vld [tilespmem:$0x50]  }
0x32: {  	[tilespmem:$0x12130] =	vst v3  }
0x33: {  	v3 =	vld.idx.msk [tilespmem:v6+s12+$0x0], $0xffff;
	_ =	sdelay $0x3  }
0x34: {  	v4 =	vld [tilespmem:$0x60]  }
0x35: {  	[tilespmem:$0x12140] =	vst v3  }
0x36: {  	v11 =	vld.idx.msk [tilespmem:v5+s12+$0x0], $0xffff;
	_ =	sdelay $0x3  }
0x37: {  	v3 =	vld [tilespmem:$0x70]  }
0x38: {  	[tilespmem:$0x12150] =	vst v11  }
0x39: {  	v11 =	vld.idx.msk [tilespmem:v4+s12+$0x0], $0xffff;
	_ =	sdelay $0x4  }
0x3a: {  	[tilespmem:$0x12160] =	vst v11  }
0x3b: {  	v11 =	vld.idx.msk [tilespmem:v3+s12+$0x0], $0xffff  }
0x3c: {  	v12 =	vadd.s32 $0x3E8, v10;
	_ =	sdelay $0x3  }
0x3d: {  	[tilespmem:$0x12170] =	vst v11  }
0x3e: {  	v11 =	vld.idx.msk [tilespmem:v12+s12+$0x0], $0xffff  }
0x3f: {  	v21 =	vadd.s32 $0x3E8, v9;
	_ =	sdelay $0x3  }
0x40: {  	[tilespmem:$0x12180] =	vst v11  }
0x41: {  	v11 =	vld.idx.msk [tilespmem:v21+s12+$0x0], $0xffff  }
0x42: {  	v22 =	vadd.s32 $0x3E8, v8;
	_ =	sdelay $0x3  }
0x43: {  	[tilespmem:$0x12190] =	vst v11  }
0x44: {  	v11 =	vld.idx.msk [tilespmem:v22+s12+$0x0], $0xffff  }
0x45: {  	v23 =	vadd.s32 $0x3E8, v7;
	_ =	sdelay $0x3  }
0x46: {  	[tilespmem:$0x121A0] =	vst v11  }
0x47: {  	v11 =	vld.idx.msk [tilespmem:v23+s12+$0x0], $0xffff  }
0x48: {  	v24 =	vadd.s32 $0x3E8, v6;
	_ =	sdelay $0x3  }
0x49: {  	[tilespmem:$0x121B0] =	vst v11  }
0x4a: {  	v11 =	vld.idx.msk [tilespmem:v24+s12+$0x0], $0xffff  }
0x4b: {  	v25 =	vadd.s32 $0x3E8, v5;
	_ =	sdelay $0x3  }
0x4c: {  	[tilespmem:$0x121C0] =	vst v11  }
0x4d: {  	v11 =	vld.idx.msk [tilespmem:v25+s12+$0x0], $0xffff  }
0x4e: {  	v26 =	vadd.s32 $0x3E8, v4;
	_ =	sdelay $0x3  }
0x4f: {  	[tilespmem:$0x121D0] =	vst v11  }
0x50: {  	v11 =	vld.idx.msk [tilespmem:v26+s12+$0x0], $0xffff  }
0x51: {  	v27 =	vadd.s32 $0x3E8, v3;
	_ =	sdelay $0x3  }
0x52: {  	[tilespmem:$0x121E0] =	vst v11  }
0x53: {  	v11 =	vld.idx.msk [tilespmem:v27+s12+$0x0], $0xffff  }
0x54: {  	v28 =	vadd.s32 $0x7D0, v10;
	_ =	sdelay $0x3  }
0x55: {  	[tilespmem:$0x121F0] =	vst v11  }
0x56: {  	v11 =	vld.idx.msk [tilespmem:v28+s12+$0x0], $0xffff  }
0x57: {  	v29 =	vadd.s32 $0x7D0, v9  }
0x58: {  	v13 =	vadd.s32 $0x1F40, v10  }
0x59: {  	v14 =	vadd.s32 $0x3E80, v10  }
0x5a: {  	v15 =	vadd.s32 $0x5DC0, v10  }
0x5b: {  	[tilespmem:$0x12200] =	vst v11  }
0x5c: {  	v11 =	vld.idx.msk [tilespmem:v29+s12+$0x0], $0xffff  }
0x5d: {  	v12 =	vld.idx.msk [tilespmem:v13+s12+$0x0], $0xffff  }
0x5e: {  	v30 =	vadd.s32 $0x1F40, v9;
	v14 =	vld.idx.msk [tilespmem:v14+s12+$0x0], $0xffff  }
0x5f: {  	v16 =	vadd.s32 $0x3E80, v9;
	v15 =	vld.idx.msk [tilespmem:v15+s12+$0x0], $0xffff  }
0x60: {  	v17 =	vadd.s32 $0x5DC0, v9;
	_ =	sdelay $0x1  }
0x61: {  	[tilespmem:$0x12500] =	vst v12  }
0x62: {  	[tilespmem:$0x12900] =	vst v14;
	v12 =	vld.idx.msk [tilespmem:v30+s12+$0x0], $0xffff  }
0x63: {  	v31 =	vadd.s32 $0x1F40, v8;
	[tilespmem:$0x12D00] =	vst v15;
	v14 =	vld.idx.msk [tilespmem:v16+s12+$0x0], $0xffff  }
0x64: {  	v32 =	vadd.s32 $0x3E80, v8;
	v33 =	vld.idx.msk [tilespmem:v17+s12+$0x0], $0xffff  }
0x65: {  	v34 =	vadd.s32 $0x5DC0, v8;
	_ =	sdelay $0x1  }
0x66: {  	[tilespmem:$0x12510] =	vst v12  }
0x67: {  	[tilespmem:$0x12910] =	vst v14;
	v12 =	vld.idx.msk [tilespmem:v31+s12+$0x0], $0xffff  }
0x68: {  	v35 =	vadd.s32 $0x1F40, v7;
	[tilespmem:$0x12D10] =	vst v33;
	v14 =	vld.idx.msk [tilespmem:v32+s12+$0x0], $0xffff  }
0x69: {  	v36 =	vadd.s32 $0x3E80, v7;
	v16 =	vld.idx.msk [tilespmem:v34+s12+$0x0], $0xffff  }
0x6a: {  	v37 =	vadd.s32 $0x5DC0, v7;
	_ =	sdelay $0x1  }
0x6b: {  	[tilespmem:$0x12520] =	vst v12  }
0x6c: {  	[tilespmem:$0x12920] =	vst v14;
	v12 =	vld.idx.msk [tilespmem:v35+s12+$0x0], $0xffff  }
0x6d: {  	v38 =	vadd.s32 $0x1F40, v6;
	[tilespmem:$0x12D20] =	vst v16;
	v14 =	vld.idx.msk [tilespmem:v36+s12+$0x0], $0xffff  }
0x6e: {  	v39 =	vadd.s32 $0x3E80, v6;
	v16 =	vld.idx.msk [tilespmem:v37+s12+$0x0], $0xffff  }
0x6f: {  	v40 =	vadd.s32 $0x5DC0, v6;
	_ =	sdelay $0x1  }
0x70: {  	[tilespmem:$0x12530] =	vst v12  }
0x71: {  	[tilespmem:$0x12930] =	vst v14;
	v12 =	vld.idx.msk [tilespmem:v38+s12+$0x0], $0xffff  }
0x72: {  	v41 =	vadd.s32 $0x1F40, v5;
	[tilespmem:$0x12D30] =	vst v16;
	v14 =	vld.idx.msk [tilespmem:v39+s12+$0x0], $0xffff  }
0x73: {  	v42 =	vadd.s32 $0x3E80, v5;
	v16 =	vld.idx.msk [tilespmem:v40+s12+$0x0], $0xffff  }
0x74: {  	v43 =	vadd.s32 $0x5DC0, v5;
	_ =	sdelay $0x1  }
0x75: {  	[tilespmem:$0x12540] =	vst v12  }
0x76: {  	[tilespmem:$0x12940] =	vst v14;
	v12 =	vld.idx.msk [tilespmem:v41+s12+$0x0], $0xffff  }
0x77: {  	v44 =	vadd.s32 $0x1F40, v4;
	[tilespmem:$0x12D40] =	vst v16;
	v14 =	vld.idx.msk [tilespmem:v42+s12+$0x0], $0xffff  }
0x78: {  	v45 =	vadd.s32 $0x3E80, v4;
	v16 =	vld.idx.msk [tilespmem:v43+s12+$0x0], $0xffff  }
0x79: {  	v46 =	vadd.s32 $0x5DC0, v4;
	_ =	sdelay $0x1  }
0x7a: {  	[tilespmem:$0x12550] =	vst v12  }
0x7b: {  	[tilespmem:$0x12950] =	vst v14;
	v12 =	vld.idx.msk [tilespmem:v44+s12+$0x0], $0xffff  }
0x7c: {  	v47 =	vadd.s32 $0x1F40, v3;
	[tilespmem:$0x12D50] =	vst v16;
	v14 =	vld.idx.msk [tilespmem:v45+s12+$0x0], $0xffff  }
0x7d: {  	v48 =	vadd.s32 $0x3E80, v3;
	v16 =	vld.idx.msk [tilespmem:v46+s12+$0x0], $0xffff  }
0x7e: {  	v49 =	vadd.s32 $0x5DC0, v3;
	_ =	sdelay $0x1  }
0x7f: {  	[tilespmem:$0x12560] =	vst v12  }
0x80: {  	[tilespmem:$0x12960] =	vst v14;
	v12 =	vld.idx.msk [tilespmem:v47+s12+$0x0], $0xffff  }
0x81: {  	v50 =	vadd.s32 $0x2328, v10;
	[tilespmem:$0x12D60] =	vst v16;
	v14 =	vld.idx.msk [tilespmem:v48+s12+$0x0], $0xffff  }
0x82: {  	v51 =	vadd.s32 $0x4268, v10;
	v16 =	vld.idx.msk [tilespmem:v49+s12+$0x0], $0xffff  }
0x83: {  	v52 =	vadd.s32 $0x61A8, v10;
	_ =	sdelay $0x1  }
0x84: {  	[tilespmem:$0x12570] =	vst v12  }
0x85: {  	[tilespmem:$0x12970] =	vst v14;
	v12 =	vld.idx.msk [tilespmem:v50+s12+$0x0], $0xffff  }
0x86: {  	v53 =	vadd.s32 $0x2328, v9;
	[tilespmem:$0x12D70] =	vst v16;
	v14 =	vld.idx.msk [tilespmem:v51+s12+$0x0], $0xffff  }
0x87: {  	v54 =	vadd.s32 $0x4268, v9;
	v16 =	vld.idx.msk [tilespmem:v52+s12+$0x0], $0xffff  }
0x88: {  	v55 =	vadd.s32 $0x61A8, v9;
	_ =	sdelay $0x1  }
0x89: {  	[tilespmem:$0x12580] =	vst v12  }
0x8a: {  	[tilespmem:$0x12980] =	vst v14;
	v12 =	vld.idx.msk [tilespmem:v53+s12+$0x0], $0xffff  }
0x8b: {  	v56 =	vadd.s32 $0x2328, v8;
	[tilespmem:$0x12D80] =	vst v16;
	v14 =	vld.idx.msk [tilespmem:v54+s12+$0x0], $0xffff  }
0x8c: {  	v57 =	vadd.s32 $0x4268, v8;
	v16 =	vld.idx.msk [tilespmem:v55+s12+$0x0], $0xffff  }
0x8d: {  	v58 =	vadd.s32 $0x61A8, v8;
	_ =	sdelay $0x1  }
0x8e: {  	[tilespmem:$0x12590] =	vst v12  }
0x8f: {  	[tilespmem:$0x12990] =	vst v14;
	v12 =	vld.idx.msk [tilespmem:v56+s12+$0x0], $0xffff  }
0x90: {  	v59 =	vadd.s32 $0x2328, v7;
	[tilespmem:$0x12D90] =	vst v16;
	v14 =	vld.idx.msk [tilespmem:v57+s12+$0x0], $0xffff  }
0x91: {  	v60 =	vadd.s32 $0x4268, v7;
	v16 =	vld.idx.msk [tilespmem:v58+s12+$0x0], $0xffff  }
0x92: {  	v61 =	vadd.s32 $0x61A8, v7;
	_ =	sdelay $0x1  }
0x93: {  	[tilespmem:$0x125A0] =	vst v12  }
0x94: {  	[tilespmem:$0x129A0] =	vst v14;
	v12 =	vld.idx.msk [tilespmem:v59+s12+$0x0], $0xffff  }
0x95: {  	v62 =	vadd.s32 $0x2328, v6;
	[tilespmem:$0x12DA0] =	vst v16;
	v14 =	vld.idx.msk [tilespmem:v60+s12+$0x0], $0xffff  }
0x96: {  	v63 =	vadd.s32 $0x4268, v6;
	v16 =	vld.idx.msk [tilespmem:v61+s12+$0x0], $0xffff  }
0x97: {  	v20 =	vadd.s32 $0x61A8, v6;
	_ =	sdelay $0x1  }
0x98: {  	[tilespmem:$0x125B0] =	vst v12  }
0x99: {  	[tilespmem:$0x129B0] =	vst v14;
	v12 =	vld.idx.msk [tilespmem:v62+s12+$0x0], $0xffff  }
0x9a: {  	v21 =	vadd.s32 $0x2328, v5;
	[tilespmem:$0x12DB0] =	vst v16;
	v14 =	vld.idx.msk [tilespmem:v63+s12+$0x0], $0xffff  }
0x9b: {  	v22 =	vadd.s32 $0x4268, v5;
	v16 =	vld.idx.msk [tilespmem:v20+s12+$0x0], $0xffff  }
0x9c: {  	v23 =	vadd.s32 $0x61A8, v5;
	_ =	sdelay $0x1  }
0x9d: {  	[tilespmem:$0x125C0] =	vst v12  }
0x9e: {  	[tilespmem:$0x129C0] =	vst v14;
	v12 =	vld.idx.msk [tilespmem:v21+s12+$0x0], $0xffff  }
0x9f: {  	v24 =	vadd.s32 $0x2328, v4;
	[tilespmem:$0x12DC0] =	vst v16;
	v14 =	vld.idx.msk [tilespmem:v22+s12+$0x0], $0xffff  }
0xa0: {  	v25 =	vadd.s32 $0x4268, v4;
	v16 =	vld.idx.msk [tilespmem:v23+s12+$0x0], $0xffff  }
0xa1: {  	v26 =	vadd.s32 $0x61A8, v4;
	_ =	sdelay $0x1  }
0xa2: {  	[tilespmem:$0x125D0] =	vst v12  }
0xa3: {  	[tilespmem:$0x129D0] =	vst v14;
	v12 =	vld.idx.msk [tilespmem:v24+s12+$0x0], $0xffff  }
0xa4: {  	v27 =	vadd.s32 $0x2328, v3;
	[tilespmem:$0x12DD0] =	vst v16;
	v14 =	vld.idx.msk [tilespmem:v25+s12+$0x0], $0xffff  }
0xa5: {  	v28 =	vadd.s32 $0x4268, v3;
	v16 =	vld.idx.msk [tilespmem:v26+s12+$0x0], $0xffff  }
0xa6: {  	v29 =	vadd.s32 $0x61A8, v3;
	_ =	sdelay $0x1  }
0xa7: {  	[tilespmem:$0x125E0] =	vst v12  }
0xa8: {  	[tilespmem:$0x129E0] =	vst v14;
	v12 =	vld.idx.msk [tilespmem:v27+s12+$0x0], $0xffff  }
0xa9: {  	v30 =	vadd.s32 $0x2710, v10;
	[tilespmem:$0x12DE0] =	vst v16;
	v14 =	vld.idx.msk [tilespmem:v28+s12+$0x0], $0xffff  }
0xaa: {  	v31 =	vadd.s32 $0x4650, v10;
	v16 =	vld.idx.msk [tilespmem:v29+s12+$0x0], $0xffff  }
0xab: {  	v32 =	vadd.s32 $0x6590, v10;
	_ =	sdelay $0x1  }
0xac: {  	[tilespmem:$0x125F0] =	vst v12  }
0xad: {  	[tilespmem:$0x129F0] =	vst v14;
	v12 =	vld.idx.msk [tilespmem:v30+s12+$0x0], $0xffff  }
0xae: {  	v33 =	vadd.s32 $0x2710, v9;
	[tilespmem:$0x12DF0] =	vst v16;
	v14 =	vld.idx.msk [tilespmem:v31+s12+$0x0], $0xffff  }
0xaf: {  	v34 =	vadd.s32 $0x4650, v9;
	v16 =	vld.idx.msk [tilespmem:v32+s12+$0x0], $0xffff  }
0xb0: {  	v35 =	vadd.s32 $0x6590, v9;
	_ =	sdelay $0x1  }
0xb1: {  	[tilespmem:$0x12600] =	vst v12  }
0xb2: {  	v36 =	vadd.s32 $0x7D0, v8;
	[tilespmem:$0x12A00] =	vst v14;
	v13 =	vld.idx.msk [tilespmem:v33+s12+$0x0], $0xffff  }
0xb3: {  	v37 =	vadd.s32 $0x2710, v8;
	[tilespmem:$0x12E00] =	vst v16;
	v15 =	vld.idx.msk [tilespmem:v34+s12+$0x0], $0xffff  }
0xb4: {  	v38 =	vadd.s32 $0x4650, v8;
	v17 =	vld.idx.msk [tilespmem:v35+s12+$0x0], $0xffff  }
0xb5: {  	v18 =	vadd.s32 $0x6590, v8  }
0xb6: {  	[tilespmem:$0x12210] =	vst v11  }
0xb7: {  	v11 =	vld.idx.msk [tilespmem:v36+s12+$0x0], $0xffff;
	[tilespmem:$0x12610] =	vst v13  }
0xb8: {  	v39 =	vadd.s32 $0x7D0, v7;
	[tilespmem:$0x12A10] =	vst v15;
	v13 =	vld.idx.msk [tilespmem:v37+s12+$0x0], $0xffff  }
0xb9: {  	v40 =	vadd.s32 $0x2710, v7;
	[tilespmem:$0x12E10] =	vst v17;
	v15 =	vld.idx.msk [tilespmem:v38+s12+$0x0], $0xffff  }
0xba: {  	v41 =	vadd.s32 $0x4650, v7;
	v17 =	vld.idx.msk [tilespmem:v18+s12+$0x0], $0xffff  }
0xbb: {  	v42 =	vadd.s32 $0x6590, v7  }
0xbc: {  	[tilespmem:$0x12220] =	vst v11  }
0xbd: {  	v11 =	vld.idx.msk [tilespmem:v39+s12+$0x0], $0xffff;
	[tilespmem:$0x12620] =	vst v13  }
0xbe: {  	v43 =	vadd.s32 $0x7D0, v6;
	[tilespmem:$0x12A20] =	vst v15;
	v13 =	vld.idx.msk [tilespmem:v40+s12+$0x0], $0xffff  }
0xbf: {  	v44 =	vadd.s32 $0x2710, v6;
	[tilespmem:$0x12E20] =	vst v17;
	v15 =	vld.idx.msk [tilespmem:v41+s12+$0x0], $0xffff  }
0xc0: {  	v45 =	vadd.s32 $0x4650, v6;
	v17 =	vld.idx.msk [tilespmem:v42+s12+$0x0], $0xffff  }
0xc1: {  	v46 =	vadd.s32 $0x6590, v6  }
0xc2: {  	[tilespmem:$0x12230] =	vst v11  }
0xc3: {  	v11 =	vld.idx.msk [tilespmem:v43+s12+$0x0], $0xffff;
	[tilespmem:$0x12630] =	vst v13  }
0xc4: {  	v47 =	vadd.s32 $0x7D0, v5;
	[tilespmem:$0x12A30] =	vst v15;
	v13 =	vld.idx.msk [tilespmem:v44+s12+$0x0], $0xffff  }
0xc5: {  	v48 =	vadd.s32 $0x2710, v5;
	[tilespmem:$0x12E30] =	vst v17;
	v15 =	vld.idx.msk [tilespmem:v45+s12+$0x0], $0xffff  }
0xc6: {  	v49 =	vadd.s32 $0x4650, v5;
	v17 =	vld.idx.msk [tilespmem:v46+s12+$0x0], $0xffff  }
0xc7: {  	v50 =	vadd.s32 $0x6590, v5  }
0xc8: {  	[tilespmem:$0x12240] =	vst v11  }
0xc9: {  	v11 =	vld.idx.msk [tilespmem:v47+s12+$0x0], $0xffff;
	[tilespmem:$0x12640] =	vst v13  }
0xca: {  	v51 =	vadd.s32 $0x7D0, v4;
	[tilespmem:$0x12A40] =	vst v15;
	v13 =	vld.idx.msk [tilespmem:v48+s12+$0x0], $0xffff  }
0xcb: {  	v52 =	vadd.s32 $0x2710, v4;
	[tilespmem:$0x12E40] =	vst v17;
	v15 =	vld.idx.msk [tilespmem:v49+s12+$0x0], $0xffff  }
0xcc: {  	v53 =	vadd.s32 $0x4650, v4;
	v17 =	vld.idx.msk [tilespmem:v50+s12+$0x0], $0xffff  }
0xcd: {  	v54 =	vadd.s32 $0x6590, v4  }
0xce: {  	[tilespmem:$0x12250] =	vst v11  }
0xcf: {  	v11 =	vld.idx.msk [tilespmem:v51+s12+$0x0], $0xffff;
	[tilespmem:$0x12650] =	vst v13  }
0xd0: {  	v55 =	vadd.s32 $0x7D0, v3;
	[tilespmem:$0x12A50] =	vst v15;
	v13 =	vld.idx.msk [tilespmem:v52+s12+$0x0], $0xffff  }
0xd1: {  	v56 =	vadd.s32 $0x2710, v3;
	[tilespmem:$0x12E50] =	vst v17;
	v15 =	vld.idx.msk [tilespmem:v53+s12+$0x0], $0xffff  }
0xd2: {  	v57 =	vadd.s32 $0x4650, v3;
	v17 =	vld.idx.msk [tilespmem:v54+s12+$0x0], $0xffff  }
0xd3: {  	v58 =	vadd.s32 $0x6590, v3  }
0xd4: {  	[tilespmem:$0x12260] =	vst v11  }
0xd5: {  	v11 =	vld.idx.msk [tilespmem:v55+s12+$0x0], $0xffff;
	[tilespmem:$0x12660] =	vst v13  }
0xd6: {  	v59 =	vadd.s32 $0xBB8, v10;
	[tilespmem:$0x12A60] =	vst v15;
	v13 =	vld.idx.msk [tilespmem:v56+s12+$0x0], $0xffff  }
0xd7: {  	v60 =	vadd.s32 $0x2AF8, v10;
	[tilespmem:$0x12E60] =	vst v17;
	v15 =	vld.idx.msk [tilespmem:v57+s12+$0x0], $0xffff  }
0xd8: {  	v61 =	vadd.s32 $0x4A38, v10;
	v17 =	vld.idx.msk [tilespmem:v58+s12+$0x0], $0xffff  }
0xd9: {  	v62 =	vadd.s32 $0x6978, v10  }
0xda: {  	[tilespmem:$0x12270] =	vst v11  }
0xdb: {  	v11 =	vld.idx.msk [tilespmem:v59+s12+$0x0], $0xffff;
	[tilespmem:$0x12670] =	vst v13  }
0xdc: {  	v63 =	vadd.s32 $0xBB8, v9;
	[tilespmem:$0x12A70] =	vst v15;
	v13 =	vld.idx.msk [tilespmem:v60+s12+$0x0], $0xffff  }
0xdd: {  	v21 =	vadd.s32 $0x2AF8, v9;
	[tilespmem:$0x12E70] =	vst v17;
	v15 =	vld.idx.msk [tilespmem:v61+s12+$0x0], $0xffff  }
0xde: {  	v22 =	vadd.s32 $0x4A38, v9;
	v17 =	vld.idx.msk [tilespmem:v62+s12+$0x0], $0xffff  }
0xdf: {  	v23 =	vadd.s32 $0x6978, v9  }
0xe0: {  	[tilespmem:$0x12280] =	vst v11  }
0xe1: {  	v11 =	vld.idx.msk [tilespmem:v63+s12+$0x0], $0xffff;
	[tilespmem:$0x12680] =	vst v13  }
0xe2: {  	v24 =	vadd.s32 $0xBB8, v8;
	[tilespmem:$0x12A80] =	vst v15;
	v13 =	vld.idx.msk [tilespmem:v21+s12+$0x0], $0xffff  }
0xe3: {  	v25 =	vadd.s32 $0x2AF8, v8;
	[tilespmem:$0x12E80] =	vst v17;
	v15 =	vld.idx.msk [tilespmem:v22+s12+$0x0], $0xffff  }
0xe4: {  	v26 =	vadd.s32 $0x4A38, v8;
	v17 =	vld.idx.msk [tilespmem:v23+s12+$0x0], $0xffff  }
0xe5: {  	v27 =	vadd.s32 $0x6978, v8  }
0xe6: {  	[tilespmem:$0x12290] =	vst v11  }
0xe7: {  	v11 =	vld.idx.msk [tilespmem:v24+s12+$0x0], $0xffff;
	[tilespmem:$0x12690] =	vst v13  }
0xe8: {  	v28 =	vadd.s32 $0xBB8, v7;
	[tilespmem:$0x12A90] =	vst v15;
	v13 =	vld.idx.msk [tilespmem:v25+s12+$0x0], $0xffff  }
0xe9: {  	v29 =	vadd.s32 $0x2AF8, v7;
	[tilespmem:$0x12E90] =	vst v17;
	v15 =	vld.idx.msk [tilespmem:v26+s12+$0x0], $0xffff  }
0xea: {  	v30 =	vadd.s32 $0x4A38, v7;
	v17 =	vld.idx.msk [tilespmem:v27+s12+$0x0], $0xffff  }
0xeb: {  	v31 =	vadd.s32 $0x6978, v7  }
0xec: {  	[tilespmem:$0x122A0] =	vst v11  }
0xed: {  	v11 =	vld.idx.msk [tilespmem:v28+s12+$0x0], $0xffff;
	[tilespmem:$0x126A0] =	vst v13  }
0xee: {  	v32 =	vadd.s32 $0xBB8, v6;
	[tilespmem:$0x12AA0] =	vst v15;
	v13 =	vld.idx.msk [tilespmem:v29+s12+$0x0], $0xffff  }
0xef: {  	v33 =	vadd.s32 $0x2AF8, v6;
	[tilespmem:$0x12EA0] =	vst v17;
	v15 =	vld.idx.msk [tilespmem:v30+s12+$0x0], $0xffff  }
0xf0: {  	v34 =	vadd.s32 $0x4A38, v6;
	v17 =	vld.idx.msk [tilespmem:v31+s12+$0x0], $0xffff  }
0xf1: {  	v35 =	vadd.s32 $0x6978, v6  }
0xf2: {  	[tilespmem:$0x122B0] =	vst v11  }
0xf3: {  	v11 =	vld.idx.msk [tilespmem:v32+s12+$0x0], $0xffff;
	[tilespmem:$0x126B0] =	vst v13  }
0xf4: {  	v36 =	vadd.s32 $0xBB8, v5;
	[tilespmem:$0x12AB0] =	vst v15;
	v13 =	vld.idx.msk [tilespmem:v33+s12+$0x0], $0xffff  }
0xf5: {  	v37 =	vadd.s32 $0x2AF8, v5;
	[tilespmem:$0x12EB0] =	vst v17;
	v15 =	vld.idx.msk [tilespmem:v34+s12+$0x0], $0xffff  }
0xf6: {  	v38 =	vadd.s32 $0x4A38, v5;
	v17 =	vld.idx.msk [tilespmem:v35+s12+$0x0], $0xffff  }
0xf7: {  	v39 =	vadd.s32 $0x6978, v5  }
0xf8: {  	[tilespmem:$0x122C0] =	vst v11  }
0xf9: {  	v11 =	vld.idx.msk [tilespmem:v36+s12+$0x0], $0xffff;
	[tilespmem:$0x126C0] =	vst v13  }
0xfa: {  	v40 =	vadd.s32 $0xBB8, v4;
	[tilespmem:$0x12AC0] =	vst v15;
	v13 =	vld.idx.msk [tilespmem:v37+s12+$0x0], $0xffff  }
0xfb: {  	v41 =	vadd.s32 $0x2AF8, v4;
	[tilespmem:$0x12EC0] =	vst v17;
	v15 =	vld.idx.msk [tilespmem:v38+s12+$0x0], $0xffff  }
0xfc: {  	v42 =	vadd.s32 $0x4A38, v4;
	v17 =	vld.idx.msk [tilespmem:v39+s12+$0x0], $0xffff  }
0xfd: {  	v43 =	vadd.s32 $0x6978, v4  }
0xfe: {  	[tilespmem:$0x122D0] =	vst v11  }
0xff: {  	v11 =	vld.idx.msk [tilespmem:v40+s12+$0x0], $0xffff;
	[tilespmem:$0x126D0] =	vst v13  }
0x100: {  	v44 =	vadd.s32 $0xBB8, v3;
	[tilespmem:$0x12AD0] =	vst v15;
	v13 =	vld.idx.msk [tilespmem:v41+s12+$0x0], $0xffff  }
0x101: {  	v45 =	vadd.s32 $0x2AF8, v3;
	[tilespmem:$0x12ED0] =	vst v17;
	v15 =	vld.idx.msk [tilespmem:v42+s12+$0x0], $0xffff  }
0x102: {  	v46 =	vadd.s32 $0x4A38, v3;
	v17 =	vld.idx.msk [tilespmem:v43+s12+$0x0], $0xffff  }
0x103: {  	v47 =	vadd.s32 $0x6978, v3  }
0x104: {  	[tilespmem:$0x122E0] =	vst v11  }
0x105: {  	v11 =	vld.idx.msk [tilespmem:v44+s12+$0x0], $0xffff;
	[tilespmem:$0x126E0] =	vst v13  }
0x106: {  	v48 =	vadd.s32 $0xFA0, v10;
	[tilespmem:$0x12AE0] =	vst v15;
	v13 =	vld.idx.msk [tilespmem:v45+s12+$0x0], $0xffff  }
0x107: {  	v49 =	vadd.s32 $0x2EE0, v10;
	[tilespmem:$0x12EE0] =	vst v17;
	v15 =	vld.idx.msk [tilespmem:v46+s12+$0x0], $0xffff  }
0x108: {  	v50 =	vadd.s32 $0x4E20, v10;
	v17 =	vld.idx.msk [tilespmem:v47+s12+$0x0], $0xffff  }
0x109: {  	v51 =	vadd.s32 $0x6D60, v10  }
0x10a: {  	[tilespmem:$0x122F0] =	vst v11  }
0x10b: {  	v11 =	vld.idx.msk [tilespmem:v48+s12+$0x0], $0xffff;
	[tilespmem:$0x126F0] =	vst v13  }
0x10c: {  	v52 =	vadd.s32 $0xFA0, v9;
	[tilespmem:$0x12AF0] =	vst v15;
	v13 =	vld.idx.msk [tilespmem:v49+s12+$0x0], $0xffff  }
0x10d: {  	v53 =	vadd.s32 $0x2EE0, v9;
	[tilespmem:$0x12EF0] =	vst v17;
	v15 =	vld.idx.msk [tilespmem:v50+s12+$0x0], $0xffff  }
0x10e: {  	v54 =	vadd.s32 $0x4E20, v9;
	v17 =	vld.idx.msk [tilespmem:v51+s12+$0x0], $0xffff  }
0x10f: {  	v55 =	vadd.s32 $0x6D60, v9  }
0x110: {  	[tilespmem:$0x12300] =	vst v11  }
0x111: {  	v11 =	vld.idx.msk [tilespmem:v52+s12+$0x0], $0xffff;
	[tilespmem:$0x12700] =	vst v13  }
0x112: {  	v56 =	vadd.s32 $0xFA0, v8;
	[tilespmem:$0x12B00] =	vst v15;
	v13 =	vld.idx.msk [tilespmem:v53+s12+$0x0], $0xffff  }
0x113: {  	v57 =	vadd.s32 $0x2EE0, v8;
	[tilespmem:$0x12F00] =	vst v17;
	v15 =	vld.idx.msk [tilespmem:v54+s12+$0x0], $0xffff  }
0x114: {  	v58 =	vadd.s32 $0x4E20, v8;
	v17 =	vld.idx.msk [tilespmem:v55+s12+$0x0], $0xffff  }
0x115: {  	v59 =	vadd.s32 $0x6D60, v8  }
0x116: {  	[tilespmem:$0x12310] =	vst v11  }
0x117: {  	v11 =	vld.idx.msk [tilespmem:v56+s12+$0x0], $0xffff;
	[tilespmem:$0x12710] =	vst v13  }
0x118: {  	v60 =	vadd.s32 $0xFA0, v7;
	[tilespmem:$0x12B10] =	vst v15;
	v13 =	vld.idx.msk [tilespmem:v57+s12+$0x0], $0xffff  }
0x119: {  	v61 =	vadd.s32 $0x2EE0, v7;
	[tilespmem:$0x12F10] =	vst v17;
	v15 =	vld.idx.msk [tilespmem:v58+s12+$0x0], $0xffff  }
0x11a: {  	v62 =	vadd.s32 $0x4E20, v7;
	v17 =	vld.idx.msk [tilespmem:v59+s12+$0x0], $0xffff  }
0x11b: {  	v63 =	vadd.s32 $0x6D60, v7  }
0x11c: {  	[tilespmem:$0x12320] =	vst v11  }
0x11d: {  	v11 =	vld.idx.msk [tilespmem:v60+s12+$0x0], $0xffff;
	[tilespmem:$0x12720] =	vst v13  }
0x11e: {  	v21 =	vadd.s32 $0xFA0, v6;
	[tilespmem:$0x12B20] =	vst v15;
	v13 =	vld.idx.msk [tilespmem:v61+s12+$0x0], $0xffff  }
0x11f: {  	v22 =	vadd.s32 $0x2EE0, v6;
	[tilespmem:$0x12F20] =	vst v17;
	v15 =	vld.idx.msk [tilespmem:v62+s12+$0x0], $0xffff  }
0x120: {  	v23 =	vadd.s32 $0x4E20, v6;
	v17 =	vld.idx.msk [tilespmem:v63+s12+$0x0], $0xffff  }
0x121: {  	v24 =	vadd.s32 $0x6D60, v6  }
0x122: {  	[tilespmem:$0x12330] =	vst v11  }
0x123: {  	v11 =	vld.idx.msk [tilespmem:v21+s12+$0x0], $0xffff;
	[tilespmem:$0x12730] =	vst v13  }
0x124: {  	v25 =	vadd.s32 $0xFA0, v5;
	[tilespmem:$0x12B30] =	vst v15;
	v13 =	vld.idx.msk [tilespmem:v22+s12+$0x0], $0xffff  }
0x125: {  	v26 =	vadd.s32 $0x2EE0, v5;
	[tilespmem:$0x12F30] =	vst v17;
	v15 =	vld.idx.msk [tilespmem:v23+s12+$0x0], $0xffff  }
0x126: {  	v27 =	vadd.s32 $0x4E20, v5;
	v17 =	vld.idx.msk [tilespmem:v24+s12+$0x0], $0xffff  }
0x127: {  	v28 =	vadd.s32 $0x6D60, v5  }
0x128: {  	[tilespmem:$0x12340] =	vst v11  }
0x129: {  	v11 =	vld.idx.msk [tilespmem:v25+s12+$0x0], $0xffff;
	[tilespmem:$0x12740] =	vst v13  }
0x12a: {  	v29 =	vadd.s32 $0xFA0, v4;
	[tilespmem:$0x12B40] =	vst v15;
	v13 =	vld.idx.msk [tilespmem:v26+s12+$0x0], $0xffff  }
0x12b: {  	v30 =	vadd.s32 $0x2EE0, v4;
	[tilespmem:$0x12F40] =	vst v17;
	v15 =	vld.idx.msk [tilespmem:v27+s12+$0x0], $0xffff  }
0x12c: {  	v31 =	vadd.s32 $0x4E20, v4;
	v17 =	vld.idx.msk [tilespmem:v28+s12+$0x0], $0xffff  }
0x12d: {  	v32 =	vadd.s32 $0x6D60, v4  }
0x12e: {  	[tilespmem:$0x12350] =	vst v11  }
0x12f: {  	v11 =	vld.idx.msk [tilespmem:v29+s12+$0x0], $0xffff;
	[tilespmem:$0x12750] =	vst v13  }
0x130: {  	v33 =	vadd.s32 $0xFA0, v3;
	[tilespmem:$0x12B50] =	vst v15;
	v13 =	vld.idx.msk [tilespmem:v30+s12+$0x0], $0xffff  }
0x131: {  	v34 =	vadd.s32 $0x2EE0, v3;
	[tilespmem:$0x12F50] =	vst v17;
	v15 =	vld.idx.msk [tilespmem:v31+s12+$0x0], $0xffff  }
0x132: {  	v35 =	vadd.s32 $0x4E20, v3;
	v17 =	vld.idx.msk [tilespmem:v32+s12+$0x0], $0xffff  }
0x133: {  	v36 =	vadd.s32 $0x6D60, v3  }
0x134: {  	[tilespmem:$0x12360] =	vst v11  }
0x135: {  	v11 =	vld.idx.msk [tilespmem:v33+s12+$0x0], $0xffff;
	[tilespmem:$0x12760] =	vst v13  }
0x136: {  	v37 =	vadd.s32 $0x1388, v10;
	[tilespmem:$0x12B60] =	vst v15;
	v13 =	vld.idx.msk [tilespmem:v34+s12+$0x0], $0xffff  }
0x137: {  	v38 =	vadd.s32 $0x32C8, v10;
	[tilespmem:$0x12F60] =	vst v17;
	v15 =	vld.idx.msk [tilespmem:v35+s12+$0x0], $0xffff  }
0x138: {  	v39 =	vadd.s32 $0x5208, v10;
	v17 =	vld.idx.msk [tilespmem:v36+s12+$0x0], $0xffff  }
0x139: {  	v40 =	vadd.s32 $0x7148, v10  }
0x13a: {  	[tilespmem:$0x12370] =	vst v11  }
0x13b: {  	v11 =	vld.idx.msk [tilespmem:v37+s12+$0x0], $0xffff;
	[tilespmem:$0x12770] =	vst v13  }
0x13c: {  	v41 =	vadd.s32 $0x1388, v9;
	[tilespmem:$0x12B70] =	vst v15;
	v13 =	vld.idx.msk [tilespmem:v38+s12+$0x0], $0xffff  }
0x13d: {  	v42 =	vadd.s32 $0x32C8, v9;
	[tilespmem:$0x12F70] =	vst v17;
	v15 =	vld.idx.msk [tilespmem:v39+s12+$0x0], $0xffff  }
0x13e: {  	v43 =	vadd.s32 $0x5208, v9;
	v17 =	vld.idx.msk [tilespmem:v40+s12+$0x0], $0xffff  }
0x13f: {  	v44 =	vadd.s32 $0x7148, v9  }
0x140: {  	[tilespmem:$0x12380] =	vst v11  }
0x141: {  	v11 =	vld.idx.msk [tilespmem:v41+s12+$0x0], $0xffff;
	[tilespmem:$0x12780] =	vst v13  }
0x142: {  	v45 =	vadd.s32 $0x1388, v8;
	[tilespmem:$0x12B80] =	vst v15;
	v13 =	vld.idx.msk [tilespmem:v42+s12+$0x0], $0xffff  }
0x143: {  	v46 =	vadd.s32 $0x32C8, v8;
	[tilespmem:$0x12F80] =	vst v17;
	v15 =	vld.idx.msk [tilespmem:v43+s12+$0x0], $0xffff  }
0x144: {  	v47 =	vadd.s32 $0x5208, v8;
	v17 =	vld.idx.msk [tilespmem:v44+s12+$0x0], $0xffff  }
0x145: {  	v48 =	vadd.s32 $0x7148, v8  }
0x146: {  	[tilespmem:$0x12390] =	vst v11  }
0x147: {  	v11 =	vld.idx.msk [tilespmem:v45+s12+$0x0], $0xffff;
	[tilespmem:$0x12790] =	vst v13  }
0x148: {  	v49 =	vadd.s32 $0x1388, v7;
	[tilespmem:$0x12B90] =	vst v15;
	v13 =	vld.idx.msk [tilespmem:v46+s12+$0x0], $0xffff  }
0x149: {  	v50 =	vadd.s32 $0x32C8, v7;
	[tilespmem:$0x12F90] =	vst v17;
	v15 =	vld.idx.msk [tilespmem:v47+s12+$0x0], $0xffff  }
0x14a: {  	v51 =	vadd.s32 $0x5208, v7;
	v17 =	vld.idx.msk [tilespmem:v48+s12+$0x0], $0xffff  }
0x14b: {  	v52 =	vadd.s32 $0x7148, v7  }
0x14c: {  	[tilespmem:$0x123A0] =	vst v11  }
0x14d: {  	v11 =	vld.idx.msk [tilespmem:v49+s12+$0x0], $0xffff;
	[tilespmem:$0x127A0] =	vst v13  }
0x14e: {  	v53 =	vadd.s32 $0x1388, v6;
	[tilespmem:$0x12BA0] =	vst v15;
	v13 =	vld.idx.msk [tilespmem:v50+s12+$0x0], $0xffff  }
0x14f: {  	v54 =	vadd.s32 $0x32C8, v6;
	[tilespmem:$0x12FA0] =	vst v17;
	v15 =	vld.idx.msk [tilespmem:v51+s12+$0x0], $0xffff  }
0x150: {  	v55 =	vadd.s32 $0x5208, v6;
	v17 =	vld.idx.msk [tilespmem:v52+s12+$0x0], $0xffff  }
0x151: {  	v56 =	vadd.s32 $0x7148, v6  }
0x152: {  	[tilespmem:$0x123B0] =	vst v11  }
0x153: {  	v11 =	vld.idx.msk [tilespmem:v53+s12+$0x0], $0xffff;
	[tilespmem:$0x127B0] =	vst v13  }
0x154: {  	v57 =	vadd.s32 $0x1388, v5;
	[tilespmem:$0x12BB0] =	vst v15;
	v13 =	vld.idx.msk [tilespmem:v54+s12+$0x0], $0xffff  }
0x155: {  	v58 =	vadd.s32 $0x32C8, v5;
	[tilespmem:$0x12FB0] =	vst v17;
	v15 =	vld.idx.msk [tilespmem:v55+s12+$0x0], $0xffff  }
0x156: {  	v59 =	vadd.s32 $0x5208, v5;
	v17 =	vld.idx.msk [tilespmem:v56+s12+$0x0], $0xffff  }
0x157: {  	v60 =	vadd.s32 $0x7148, v5  }
0x158: {  	[tilespmem:$0x123C0] =	vst v11  }
0x159: {  	v11 =	vld.idx.msk [tilespmem:v57+s12+$0x0], $0xffff;
	[tilespmem:$0x127C0] =	vst v13  }
0x15a: {  	v61 =	vadd.s32 $0x1388, v4;
	[tilespmem:$0x12BC0] =	vst v15;
	v13 =	vld.idx.msk [tilespmem:v58+s12+$0x0], $0xffff  }
0x15b: {  	v62 =	vadd.s32 $0x32C8, v4;
	[tilespmem:$0x12FC0] =	vst v17;
	v15 =	vld.idx.msk [tilespmem:v59+s12+$0x0], $0xffff  }
0x15c: {  	v63 =	vadd.s32 $0x5208, v4;
	v17 =	vld.idx.msk [tilespmem:v60+s12+$0x0], $0xffff  }
0x15d: {  	v21 =	vadd.s32 $0x7148, v4  }
0x15e: {  	[tilespmem:$0x123D0] =	vst v11  }
0x15f: {  	v11 =	vld.idx.msk [tilespmem:v61+s12+$0x0], $0xffff;
	[tilespmem:$0x127D0] =	vst v13  }
0x160: {  	v22 =	vadd.s32 $0x1388, v3;
	[tilespmem:$0x12BD0] =	vst v15;
	v13 =	vld.idx.msk [tilespmem:v62+s12+$0x0], $0xffff  }
0x161: {  	v23 =	vadd.s32 $0x32C8, v3;
	[tilespmem:$0x12FD0] =	vst v17;
	v15 =	vld.idx.msk [tilespmem:v63+s12+$0x0], $0xffff  }
0x162: {  	v24 =	vadd.s32 $0x5208, v3;
	v17 =	vld.idx.msk [tilespmem:v21+s12+$0x0], $0xffff  }
0x163: {  	v25 =	vadd.s32 $0x7148, v3  }
0x164: {  	[tilespmem:$0x123E0] =	vst v11  }
0x165: {  	v11 =	vld.idx.msk [tilespmem:v22+s12+$0x0], $0xffff;
	[tilespmem:$0x127E0] =	vst v13  }
0x166: {  	v26 =	vadd.s32 $0x1770, v10;
	[tilespmem:$0x12BE0] =	vst v15;
	v13 =	vld.idx.msk [tilespmem:v23+s12+$0x0], $0xffff  }
0x167: {  	v27 =	vadd.s32 $0x36B0, v10;
	[tilespmem:$0x12FE0] =	vst v17;
	v15 =	vld.idx.msk [tilespmem:v24+s12+$0x0], $0xffff  }
0x168: {  	v28 =	vadd.s32 $0x55F0, v10;
	v17 =	vld.idx.msk [tilespmem:v25+s12+$0x0], $0xffff  }
0x169: {  	v29 =	vadd.s32 $0x7530, v10  }
0x16a: {  	[tilespmem:$0x123F0] =	vst v11  }
0x16b: {  	v11 =	vld.idx.msk [tilespmem:v26+s12+$0x0], $0xffff;
	[tilespmem:$0x127F0] =	vst v13  }
0x16c: {  	v30 =	vadd.s32 $0x1770, v9;
	[tilespmem:$0x12BF0] =	vst v15;
	v13 =	vld.idx.msk [tilespmem:v27+s12+$0x0], $0xffff  }
0x16d: {  	v31 =	vadd.s32 $0x36B0, v9;
	[tilespmem:$0x12FF0] =	vst v17;
	v15 =	vld.idx.msk [tilespmem:v28+s12+$0x0], $0xffff  }
0x16e: {  	v32 =	vadd.s32 $0x55F0, v9;
	v17 =	vld.idx.msk [tilespmem:v29+s12+$0x0], $0xffff  }
0x16f: {  	v33 =	vadd.s32 $0x7530, v9  }
0x170: {  	[tilespmem:$0x12400] =	vst v11  }
0x171: {  	v11 =	vld.idx.msk [tilespmem:v30+s12+$0x0], $0xffff;
	[tilespmem:$0x12800] =	vst v13  }
0x172: {  	v34 =	vadd.s32 $0x1770, v8;
	[tilespmem:$0x12C00] =	vst v15;
	v13 =	vld.idx.msk [tilespmem:v31+s12+$0x0], $0xffff  }
0x173: {  	v35 =	vadd.s32 $0x36B0, v8;
	[tilespmem:$0x13000] =	vst v17;
	v15 =	vld.idx.msk [tilespmem:v32+s12+$0x0], $0xffff  }
0x174: {  	v36 =	vadd.s32 $0x55F0, v8;
	v17 =	vld.idx.msk [tilespmem:v33+s12+$0x0], $0xffff  }
0x175: {  	v37 =	vadd.s32 $0x7530, v8  }
0x176: {  	[tilespmem:$0x12410] =	vst v11  }
0x177: {  	v11 =	vld.idx.msk [tilespmem:v34+s12+$0x0], $0xffff;
	[tilespmem:$0x12810] =	vst v13  }
0x178: {  	v38 =	vadd.s32 $0x1770, v7;
	[tilespmem:$0x12C10] =	vst v15;
	v13 =	vld.idx.msk [tilespmem:v35+s12+$0x0], $0xffff  }
0x179: {  	v39 =	vadd.s32 $0x36B0, v7;
	[tilespmem:$0x13010] =	vst v17;
	v15 =	vld.idx.msk [tilespmem:v36+s12+$0x0], $0xffff  }
0x17a: {  	v40 =	vadd.s32 $0x55F0, v7;
	v17 =	vld.idx.msk [tilespmem:v37+s12+$0x0], $0xffff  }
0x17b: {  	v41 =	vadd.s32 $0x7530, v7  }
0x17c: {  	[tilespmem:$0x12420] =	vst v11  }
0x17d: {  	v11 =	vld.idx.msk [tilespmem:v38+s12+$0x0], $0xffff;
	[tilespmem:$0x12820] =	vst v13  }
0x17e: {  	v42 =	vadd.s32 $0x1770, v6;
	[tilespmem:$0x12C20] =	vst v15;
	v13 =	vld.idx.msk [tilespmem:v39+s12+$0x0], $0xffff  }
0x17f: {  	v43 =	vadd.s32 $0x36B0, v6;
	[tilespmem:$0x13020] =	vst v17;
	v15 =	vld.idx.msk [tilespmem:v40+s12+$0x0], $0xffff  }
0x180: {  	v44 =	vadd.s32 $0x55F0, v6;
	v17 =	vld.idx.msk [tilespmem:v41+s12+$0x0], $0xffff  }
0x181: {  	v45 =	vadd.s32 $0x7530, v6  }
0x182: {  	[tilespmem:$0x12430] =	vst v11  }
0x183: {  	v11 =	vld.idx.msk [tilespmem:v42+s12+$0x0], $0xffff;
	[tilespmem:$0x12830] =	vst v13  }
0x184: {  	v46 =	vadd.s32 $0x1770, v5;
	[tilespmem:$0x12C30] =	vst v15;
	v13 =	vld.idx.msk [tilespmem:v43+s12+$0x0], $0xffff  }
0x185: {  	v47 =	vadd.s32 $0x36B0, v5;
	[tilespmem:$0x13030] =	vst v17;
	v15 =	vld.idx.msk [tilespmem:v44+s12+$0x0], $0xffff  }
0x186: {  	v48 =	vadd.s32 $0x55F0, v5;
	v17 =	vld.idx.msk [tilespmem:v45+s12+$0x0], $0xffff  }
0x187: {  	v49 =	vadd.s32 $0x7530, v5  }
0x188: {  	[tilespmem:$0x12440] =	vst v11  }
0x189: {  	v11 =	vld.idx.msk [tilespmem:v46+s12+$0x0], $0xffff;
	[tilespmem:$0x12840] =	vst v13  }
0x18a: {  	v50 =	vadd.s32 $0x1770, v4;
	[tilespmem:$0x12C40] =	vst v15;
	v13 =	vld.idx.msk [tilespmem:v47+s12+$0x0], $0xffff  }
0x18b: {  	v51 =	vadd.s32 $0x36B0, v4;
	[tilespmem:$0x13040] =	vst v17;
	v15 =	vld.idx.msk [tilespmem:v48+s12+$0x0], $0xffff  }
0x18c: {  	v52 =	vadd.s32 $0x55F0, v4;
	v17 =	vld.idx.msk [tilespmem:v49+s12+$0x0], $0xffff  }
0x18d: {  	v53 =	vadd.s32 $0x7530, v4  }
0x18e: {  	[tilespmem:$0x12450] =	vst v11  }
0x18f: {  	v11 =	vld.idx.msk [tilespmem:v50+s12+$0x0], $0xffff;
	[tilespmem:$0x12850] =	vst v13  }
0x190: {  	v54 =	vadd.s32 $0x1770, v3;
	[tilespmem:$0x12C50] =	vst v15;
	v13 =	vld.idx.msk [tilespmem:v51+s12+$0x0], $0xffff  }
0x191: {  	v55 =	vadd.s32 $0x36B0, v3;
	[tilespmem:$0x13050] =	vst v17;
	v15 =	vld.idx.msk [tilespmem:v52+s12+$0x0], $0xffff  }
0x192: {  	v56 =	vadd.s32 $0x55F0, v3;
	v17 =	vld.idx.msk [tilespmem:v53+s12+$0x0], $0xffff  }
0x193: {  	v57 =	vadd.s32 $0x7530, v3  }
0x194: {  	[tilespmem:$0x12460] =	vst v11  }
0x195: {  	v11 =	vld.idx.msk [tilespmem:v54+s12+$0x0], $0xffff;
	[tilespmem:$0x12860] =	vst v13  }
0x196: {  	v58 =	vadd.s32 $0x1B58, v10;
	[tilespmem:$0x12C60] =	vst v15;
	v13 =	vld.idx.msk [tilespmem:v55+s12+$0x0], $0xffff  }
0x197: {  	v59 =	vadd.s32 $0x3A98, v10;
	[tilespmem:$0x13060] =	vst v17;
	v15 =	vld.idx.msk [tilespmem:v56+s12+$0x0], $0xffff  }
0x198: {  	v60 =	vadd.s32 $0x59D8, v10;
	v17 =	vld.idx.msk [tilespmem:v57+s12+$0x0], $0xffff  }
0x199: {  	v10 =	vadd.s32 $0x7918, v10  }
0x19a: {  	[tilespmem:$0x12470] =	vst v11  }
0x19b: {  	v11 =	vld.idx.msk [tilespmem:v58+s12+$0x0], $0xffff;
	[tilespmem:$0x12870] =	vst v13  }
0x19c: {  	v61 =	vadd.s32 $0x1B58, v9;
	[tilespmem:$0x12C70] =	vst v15;
	v13 =	vld.idx.msk [tilespmem:v59+s12+$0x0], $0xffff  }
0x19d: {  	v62 =	vadd.s32 $0x3A98, v9;
	[tilespmem:$0x13070] =	vst v17;
	v15 =	vld.idx.msk [tilespmem:v60+s12+$0x0], $0xffff  }
0x19e: {  	v63 =	vadd.s32 $0x59D8, v9;
	v10 =	vld.idx.msk [tilespmem:v10+s12+$0x0], $0xffff  }
0x19f: {  	v9 =	vadd.s32 $0x7918, v9  }
0x1a0: {  	[tilespmem:$0x12480] =	vst v11  }
0x1a1: {  	v11 =	vld.idx.msk [tilespmem:v61+s12+$0x0], $0xffff;
	[tilespmem:$0x12880] =	vst v13  }
0x1a2: {  	v18 =	vadd.s32 $0x1B58, v8;
	[tilespmem:$0x12C80] =	vst v15;
	v13 =	vld.idx.msk [tilespmem:v62+s12+$0x0], $0xffff  }
0x1a3: {  	v19 =	vadd.s32 $0x3A98, v8;
	[tilespmem:$0x13080] =	vst v10;
	v15 =	vld.idx.msk [tilespmem:v63+s12+$0x0], $0xffff  }
0x1a4: {  	v20 =	vadd.s32 $0x59D8, v8;
	v9 =	vld.idx.msk [tilespmem:v9+s12+$0x0], $0xffff  }
0x1a5: {  	v8 =	vadd.s32 $0x7918, v8  }
0x1a6: {  	[tilespmem:$0x12490] =	vst v11  }
0x1a7: {  	v11 =	vld.idx.msk [tilespmem:v18+s12+$0x0], $0xffff;
	[tilespmem:$0x12890] =	vst v13  }
0x1a8: {  	v21 =	vadd.s32 $0x1B58, v7;
	[tilespmem:$0x12C90] =	vst v15;
	v13 =	vld.idx.msk [tilespmem:v19+s12+$0x0], $0xffff  }
0x1a9: {  	v22 =	vadd.s32 $0x3A98, v7;
	[tilespmem:$0x13090] =	vst v9;
	v10 =	vld.idx.msk [tilespmem:v20+s12+$0x0], $0xffff  }
0x1aa: {  	v23 =	vadd.s32 $0x59D8, v7;
	v8 =	vld.idx.msk [tilespmem:v8+s12+$0x0], $0xffff  }
0x1ab: {  	v7 =	vadd.s32 $0x7918, v7  }
0x1ac: {  	[tilespmem:$0x124A0] =	vst v11  }
0x1ad: {  	v11 =	vld.idx.msk [tilespmem:v21+s12+$0x0], $0xffff;
	[tilespmem:$0x128A0] =	vst v13  }
0x1ae: {  	v24 =	vadd.s32 $0x1B58, v6;
	[tilespmem:$0x12CA0] =	vst v10;
	v13 =	vld.idx.msk [tilespmem:v22+s12+$0x0], $0xffff  }
0x1af: {  	v25 =	vadd.s32 $0x3A98, v6;
	[tilespmem:$0x130A0] =	vst v8;
	v9 =	vld.idx.msk [tilespmem:v23+s12+$0x0], $0xffff  }
0x1b0: {  	v26 =	vadd.s32 $0x59D8, v6;
	v7 =	vld.idx.msk [tilespmem:v7+s12+$0x0], $0xffff  }
0x1b1: {  	v6 =	vadd.s32 $0x7918, v6  }
0x1b2: {  	[tilespmem:$0x124B0] =	vst v11  }
0x1b3: {  	v11 =	vld.idx.msk [tilespmem:v24+s12+$0x0], $0xffff;
	[tilespmem:$0x128B0] =	vst v13  }
0x1b4: {  	v27 =	vadd.s32 $0x1B58, v5;
	[tilespmem:$0x12CB0] =	vst v9;
	v10 =	vld.idx.msk [tilespmem:v25+s12+$0x0], $0xffff  }
0x1b5: {  	v28 =	vadd.s32 $0x3A98, v5;
	[tilespmem:$0x130B0] =	vst v7;
	v8 =	vld.idx.msk [tilespmem:v26+s12+$0x0], $0xffff  }
0x1b6: {  	v29 =	vadd.s32 $0x59D8, v5;
	v6 =	vld.idx.msk [tilespmem:v6+s12+$0x0], $0xffff  }
0x1b7: {  	v5 =	vadd.s32 $0x7918, v5  }
0x1b8: {  	[tilespmem:$0x124C0] =	vst v11  }
0x1b9: {  	v11 =	vld.idx.msk [tilespmem:v27+s12+$0x0], $0xffff;
	[tilespmem:$0x128C0] =	vst v10  }
0x1ba: {  	v30 =	vadd.s32 $0x1B58, v4;
	[tilespmem:$0x12CC0] =	vst v8;
	v9 =	vld.idx.msk [tilespmem:v28+s12+$0x0], $0xffff  }
0x1bb: {  	v31 =	vadd.s32 $0x3A98, v4;
	[tilespmem:$0x130C0] =	vst v6;
	v7 =	vld.idx.msk [tilespmem:v29+s12+$0x0], $0xffff  }
0x1bc: {  	v32 =	vadd.s32 $0x59D8, v4;
	v5 =	vld.idx.msk [tilespmem:v5+s12+$0x0], $0xffff  }
0x1bd: {  	v4 =	vadd.s32 $0x7918, v4  }
0x1be: {  	[tilespmem:$0x124D0] =	vst v11  }
0x1bf: {  	v10 =	vld.idx.msk [tilespmem:v30+s12+$0x0], $0xffff;
	[tilespmem:$0x128D0] =	vst v9  }
0x1c0: {  	v33 =	vadd.s32 $0x1B58, v3;
	[tilespmem:$0x12CD0] =	vst v7;
	v8 =	vld.idx.msk [tilespmem:v31+s12+$0x0], $0xffff  }
0x1c1: {  	v34 =	vadd.s32 $0x3A98, v3;
	[tilespmem:$0x130D0] =	vst v5;
	v6 =	vld.idx.msk [tilespmem:v32+s12+$0x0], $0xffff  }
0x1c2: {  	v35 =	vadd.s32 $0x59D8, v3;
	v4 =	vld.idx.msk [tilespmem:v4+s12+$0x0], $0xffff  }
0x1c3: {  	v3 =	vadd.s32 $0x7918, v3  }
0x1c4: {  	[tilespmem:$0x124E0] =	vst v10  }
0x1c5: {  	v9 =	vld.idx.msk [tilespmem:v33+s12+$0x0], $0xffff;
	[tilespmem:$0x128E0] =	vst v8  }
0x1c6: {  	[tilespmem:$0x12CE0] =	vst v6;
	v7 =	vld.idx.msk [tilespmem:v34+s12+$0x0], $0xffff  }
0x1c7: {  	[tilespmem:$0x130E0] =	vst v4;
	v5 =	vld.idx.msk [tilespmem:v35+s12+$0x0], $0xffff  }
0x1c8: {  	v3 =	vld.idx.msk [tilespmem:v3+s12+$0x0], $0xffff;
	_ =	sdelay $0x1  }
0x1c9: {  	[tilespmem:$0x124F0] =	vst v9  }
0x1ca: {  	[tilespmem:$0x128F0] =	vst v7  }
0x1cb: {  	[tilespmem:$0x12CF0] =	vst v5  }
0x1cc: {  	[tilespmem:$0x130F0] =	vst v3  }
0x1cd: {  	[hbm4b:s7+s16] =	stream.strided.scatter [tilespmem:s18], [sflag:$0x1], $0x1000, s17, s16, $0x38;
	[tilespmem:$0x14110] =	vst v63  }
0x1ce: {  	v10 =	vld [tilespmem:$0x80];
	_ =	sdelay $0x5  }
0x1cf: {  	v9 =	vld [tilespmem:$0x90];
	_ =	sdelay $0x1  }
0x1d0: {  	v3 =	vld.idx.msk [tilespmem:v10+s12+$0x0], $0xffff;
	_ =	sdelay $0x3  }
0x1d1: {  	v8 =	vld [tilespmem:$0xA0]  }
0x1d2: {  	[tilespmem:$0x13100] =	vst v3  }
0x1d3: {  	v3 =	vld.idx.msk [tilespmem:v9+s12+$0x0], $0xffff;
	_ =	sdelay $0x3  }
0x1d4: {  	v7 =	vld [tilespmem:$0xB0]  }
0x1d5: {  	[tilespmem:$0x13110] =	vst v3  }
0x1d6: {  	v3 =	vld.idx.msk [tilespmem:v8+s12+$0x0], $0xffff;
	_ =	sdelay $0x3  }
0x1d7: {  	v6 =	vld [tilespmem:$0xC0]  }
0x1d8: {  	[tilespmem:$0x13120] =	vst v3  }
0x1d9: {  	v3 =	vld.idx.msk [tilespmem:v7+s12+$0x0], $0xffff;
	_ =	sdelay $0x3  }
0x1da: {  	v5 =	vld [tilespmem:$0xD0]  }
0x1db: {  	[tilespmem:$0x13130] =	vst v3  }
0x1dc: {  	v3 =	vld.idx.msk [tilespmem:v6+s12+$0x0], $0xffff;
	_ =	sdelay $0x3  }
0x1dd: {  	v4 =	vld [tilespmem:$0xE0]  }
0x1de: {  	[tilespmem:$0x13140] =	vst v3  }
0x1df: {  	v3 =	vld.idx.msk [tilespmem:v5+s12+$0x0], $0xffff;
	_ =	sdelay $0x4  }
0x1e0: {  	[tilespmem:$0x13150] =	vst v3  }
0x1e1: {  	v11 =	vld.idx.msk [tilespmem:v4+s12+$0x0], $0xffff  }
0x1e2: {  	v36 =	vadd.s32 $0x1F40, v10  }
0x1e3: {  	v37 =	vadd.s32 $0x3E80, v10  }
0x1e4: {  	v38 =	vadd.s32 $0x5DC0, v10;
	_ =	sdelay $0x1  }
0x1e5: {  	v3 =	vld [tilespmem:$0xF0];
	[tilespmem:$0x13160] =	vst v11  }
0x1e6: {  	v11 =	vld.idx.msk [tilespmem:v36+s12+$0x0], $0xffff  }
0x1e7: {  	v39 =	vadd.s32 $0x1F40, v9;
	v13 =	vld.idx.msk [tilespmem:v37+s12+$0x0], $0xffff  }
0x1e8: {  	v40 =	vadd.s32 $0x3E80, v9;
	v14 =	vld.idx.msk [tilespmem:v38+s12+$0x0], $0xffff  }
0x1e9: {  	v41 =	vadd.s32 $0x5DC0, v9;
	_ =	sdelay $0x1  }
0x1ea: {  	[tilespmem:$0x13500] =	vst v11  }
0x1eb: {  	[tilespmem:$0x13900] =	vst v13;
	v11 =	vld.idx.msk [tilespmem:v39+s12+$0x0], $0xffff  }
0x1ec: {  	v42 =	vadd.s32 $0x1F40, v8;
	[tilespmem:$0x13D00] =	vst v14;
	v13 =	vld.idx.msk [tilespmem:v40+s12+$0x0], $0xffff  }
0x1ed: {  	v43 =	vadd.s32 $0x3E80, v8;
	v44 =	vld.idx.msk [tilespmem:v41+s12+$0x0], $0xffff  }
0x1ee: {  	v45 =	vadd.s32 $0x5DC0, v8;
	_ =	sdelay $0x1  }
0x1ef: {  	[tilespmem:$0x13510] =	vst v11  }
0x1f0: {  	[tilespmem:$0x13910] =	vst v13;
	v11 =	vld.idx.msk [tilespmem:v42+s12+$0x0], $0xffff  }
0x1f1: {  	v46 =	vadd.s32 $0x1F40, v7;
	[tilespmem:$0x13D10] =	vst v44;
	v13 =	vld.idx.msk [tilespmem:v43+s12+$0x0], $0xffff  }
0x1f2: {  	v47 =	vadd.s32 $0x3E80, v7;
	v15 =	vld.idx.msk [tilespmem:v45+s12+$0x0], $0xffff  }
0x1f3: {  	v48 =	vadd.s32 $0x5DC0, v7;
	_ =	sdelay $0x1  }
0x1f4: {  	[tilespmem:$0x13520] =	vst v11  }
0x1f5: {  	[tilespmem:$0x13920] =	vst v13;
	v11 =	vld.idx.msk [tilespmem:v46+s12+$0x0], $0xffff  }
0x1f6: {  	v49 =	vadd.s32 $0x1F40, v6;
	[tilespmem:$0x13D20] =	vst v15;
	v13 =	vld.idx.msk [tilespmem:v47+s12+$0x0], $0xffff  }
0x1f7: {  	v50 =	vadd.s32 $0x3E80, v6;
	v15 =	vld.idx.msk [tilespmem:v48+s12+$0x0], $0xffff  }
0x1f8: {  	v51 =	vadd.s32 $0x5DC0, v6;
	_ =	sdelay $0x1  }
0x1f9: {  	[tilespmem:$0x13530] =	vst v11  }
0x1fa: {  	[tilespmem:$0x13930] =	vst v13;
	v11 =	vld.idx.msk [tilespmem:v49+s12+$0x0], $0xffff  }
0x1fb: {  	v52 =	vadd.s32 $0x1F40, v5;
	[tilespmem:$0x13D30] =	vst v15;
	v13 =	vld.idx.msk [tilespmem:v50+s12+$0x0], $0xffff  }
0x1fc: {  	v53 =	vadd.s32 $0x3E80, v5;
	v15 =	vld.idx.msk [tilespmem:v51+s12+$0x0], $0xffff  }
0x1fd: {  	v54 =	vadd.s32 $0x5DC0, v5;
	_ =	sdelay $0x1  }
0x1fe: {  	[tilespmem:$0x13540] =	vst v11  }
0x1ff: {  	[tilespmem:$0x13940] =	vst v13;
	v11 =	vld.idx.msk [tilespmem:v52+s12+$0x0], $0xffff  }
0x200: {  	v55 =	vadd.s32 $0x1F40, v4;
	[tilespmem:$0x13D40] =	vst v15;
	v13 =	vld.idx.msk [tilespmem:v53+s12+$0x0], $0xffff  }
0x201: {  	v56 =	vadd.s32 $0x3E80, v4;
	v15 =	vld.idx.msk [tilespmem:v54+s12+$0x0], $0xffff  }
0x202: {  	v57 =	vadd.s32 $0x5DC0, v4;
	_ =	sdelay $0x1  }
0x203: {  	[tilespmem:$0x13550] =	vst v11  }
0x204: {  	[tilespmem:$0x13950] =	vst v13;
	v11 =	vld.idx.msk [tilespmem:v55+s12+$0x0], $0xffff  }
0x205: {  	v58 =	vadd.s32 $0x1F40, v3;
	[tilespmem:$0x13D50] =	vst v15;
	v13 =	vld.idx.msk [tilespmem:v56+s12+$0x0], $0xffff  }
0x206: {  	v59 =	vadd.s32 $0x3E80, v3;
	v15 =	vld.idx.msk [tilespmem:v57+s12+$0x0], $0xffff  }
0x207: {  	v60 =	vadd.s32 $0x5DC0, v3;
	_ =	sdelay $0x1  }
0x208: {  	v61 =	vld.idx.msk [tilespmem:v3+s12+$0x0], $0xffff;
	[tilespmem:$0x13560] =	vst v11  }
0x209: {  	v62 =	vadd.s32 $0x3E8, v10;
	[tilespmem:$0x13960] =	vst v13;
	v12 =	vld.idx.msk [tilespmem:v58+s12+$0x0], $0xffff  }
0x20a: {  	v63 =	vadd.s32 $0x2328, v10;
	[tilespmem:$0x13D60] =	vst v15;
	v14 =	vld.idx.msk [tilespmem:v59+s12+$0x0], $0xffff  }
0x20b: {  	v21 =	vadd.s32 $0x4268, v10;
	v16 =	vld.idx.msk [tilespmem:v60+s12+$0x0], $0xffff  }
0x20c: {  	v22 =	vadd.s32 $0x61A8, v10  }
0x20d: {  	[tilespmem:$0x13170] =	vst v61  }
0x20e: {  	v11 =	vld.idx.msk [tilespmem:v62+s12+$0x0], $0xffff;
	[tilespmem:$0x13570] =	vst v12  }
0x20f: {  	v23 =	vadd.s32 $0x3E8, v9;
	[tilespmem:$0x13970] =	vst v14;
	v13 =	vld.idx.msk [tilespmem:v63+s12+$0x0], $0xffff  }
0x210: {  	v24 =	vadd.s32 $0x2328, v9;
	[tilespmem:$0x13D70] =	vst v16;
	v15 =	vld.idx.msk [tilespmem:v21+s12+$0x0], $0xffff  }
0x211: {  	v25 =	vadd.s32 $0x4268, v9;
	v26 =	vld.idx.msk [tilespmem:v22+s12+$0x0], $0xffff  }
0x212: {  	v27 =	vadd.s32 $0x61A8, v9  }
0x213: {  	[tilespmem:$0x13180] =	vst v11  }
0x214: {  	v11 =	vld.idx.msk [tilespmem:v23+s12+$0x0], $0xffff;
	[tilespmem:$0x13580] =	vst v13  }
0x215: {  	v28 =	vadd.s32 $0x3E8, v8;
	[tilespmem:$0x13980] =	vst v15;
	v13 =	vld.idx.msk [tilespmem:v24+s12+$0x0], $0xffff  }
0x216: {  	v29 =	vadd.s32 $0x2328, v8;
	[tilespmem:$0x13D80] =	vst v26;
	v15 =	vld.idx.msk [tilespmem:v25+s12+$0x0], $0xffff  }
0x217: {  	v30 =	vadd.s32 $0x4268, v8;
	v17 =	vld.idx.msk [tilespmem:v27+s12+$0x0], $0xffff  }
0x218: {  	v31 =	vadd.s32 $0x61A8, v8  }
0x219: {  	[tilespmem:$0x13190] =	vst v11  }
0x21a: {  	v11 =	vld.idx.msk [tilespmem:v28+s12+$0x0], $0xffff;
	[tilespmem:$0x13590] =	vst v13  }
0x21b: {  	v32 =	vadd.s32 $0x3E8, v7;
	[tilespmem:$0x13990] =	vst v15;
	v13 =	vld.idx.msk [tilespmem:v29+s12+$0x0], $0xffff  }
0x21c: {  	v33 =	vadd.s32 $0x2328, v7;
	[tilespmem:$0x13D90] =	vst v17;
	v15 =	vld.idx.msk [tilespmem:v30+s12+$0x0], $0xffff  }
0x21d: {  	v34 =	vadd.s32 $0x4268, v7;
	v17 =	vld.idx.msk [tilespmem:v31+s12+$0x0], $0xffff  }
0x21e: {  	v35 =	vadd.s32 $0x61A8, v7  }
0x21f: {  	[tilespmem:$0x131A0] =	vst v11  }
0x220: {  	v11 =	vld.idx.msk [tilespmem:v32+s12+$0x0], $0xffff;
	[tilespmem:$0x135A0] =	vst v13  }
0x221: {  	v36 =	vadd.s32 $0x3E8, v6;
	[tilespmem:$0x139A0] =	vst v15;
	v13 =	vld.idx.msk [tilespmem:v33+s12+$0x0], $0xffff  }
0x222: {  	v37 =	vadd.s32 $0x2328, v6;
	[tilespmem:$0x13DA0] =	vst v17;
	v15 =	vld.idx.msk [tilespmem:v34+s12+$0x0], $0xffff  }
0x223: {  	v38 =	vadd.s32 $0x4268, v6;
	v17 =	vld.idx.msk [tilespmem:v35+s12+$0x0], $0xffff  }
0x224: {  	v39 =	vadd.s32 $0x61A8, v6  }
0x225: {  	[tilespmem:$0x131B0] =	vst v11  }
0x226: {  	v11 =	vld.idx.msk [tilespmem:v36+s12+$0x0], $0xffff;
	[tilespmem:$0x135B0] =	vst v13  }
0x227: {  	v40 =	vadd.s32 $0x3E8, v5;
	[tilespmem:$0x139B0] =	vst v15;
	v13 =	vld.idx.msk [tilespmem:v37+s12+$0x0], $0xffff  }
0x228: {  	v41 =	vadd.s32 $0x2328, v5;
	[tilespmem:$0x13DB0] =	vst v17;
	v15 =	vld.idx.msk [tilespmem:v38+s12+$0x0], $0xffff  }
0x229: {  	v42 =	vadd.s32 $0x4268, v5;
	v17 =	vld.idx.msk [tilespmem:v39+s12+$0x0], $0xffff  }
0x22a: {  	v43 =	vadd.s32 $0x61A8, v5  }
0x22b: {  	[tilespmem:$0x131C0] =	vst v11  }
0x22c: {  	v11 =	vld.idx.msk [tilespmem:v40+s12+$0x0], $0xffff;
	[tilespmem:$0x135C0] =	vst v13  }
0x22d: {  	v44 =	vadd.s32 $0x3E8, v4;
	[tilespmem:$0x139C0] =	vst v15;
	v13 =	vld.idx.msk [tilespmem:v41+s12+$0x0], $0xffff  }
0x22e: {  	v45 =	vadd.s32 $0x2328, v4;
	[tilespmem:$0x13DC0] =	vst v17;
	v15 =	vld.idx.msk [tilespmem:v42+s12+$0x0], $0xffff  }
0x22f: {  	v46 =	vadd.s32 $0x4268, v4;
	v17 =	vld.idx.msk [tilespmem:v43+s12+$0x0], $0xffff  }
0x230: {  	v47 =	vadd.s32 $0x61A8, v4  }
0x231: {  	[tilespmem:$0x131D0] =	vst v11  }
0x232: {  	v11 =	vld.idx.msk [tilespmem:v44+s12+$0x0], $0xffff;
	[tilespmem:$0x135D0] =	vst v13  }
0x233: {  	v48 =	vadd.s32 $0x3E8, v3;
	[tilespmem:$0x139D0] =	vst v15;
	v13 =	vld.idx.msk [tilespmem:v45+s12+$0x0], $0xffff  }
0x234: {  	v49 =	vadd.s32 $0x2328, v3;
	[tilespmem:$0x13DD0] =	vst v17;
	v15 =	vld.idx.msk [tilespmem:v46+s12+$0x0], $0xffff  }
0x235: {  	v50 =	vadd.s32 $0x4268, v3;
	v17 =	vld.idx.msk [tilespmem:v47+s12+$0x0], $0xffff  }
0x236: {  	v51 =	vadd.s32 $0x61A8, v3  }
0x237: {  	[tilespmem:$0x131E0] =	vst v11  }
0x238: {  	v11 =	vld.idx.msk [tilespmem:v48+s12+$0x0], $0xffff;
	[tilespmem:$0x135E0] =	vst v13  }
0x239: {  	v52 =	vadd.s32 $0x7D0, v10;
	[tilespmem:$0x139E0] =	vst v15;
	v13 =	vld.idx.msk [tilespmem:v49+s12+$0x0], $0xffff  }
0x23a: {  	v53 =	vadd.s32 $0x2710, v10;
	[tilespmem:$0x13DE0] =	vst v17;
	v15 =	vld.idx.msk [tilespmem:v50+s12+$0x0], $0xffff  }
0x23b: {  	v54 =	vadd.s32 $0x4650, v10;
	v17 =	vld.idx.msk [tilespmem:v51+s12+$0x0], $0xffff  }
0x23c: {  	v55 =	vadd.s32 $0x6590, v10  }
0x23d: {  	[tilespmem:$0x131F0] =	vst v11  }
0x23e: {  	v11 =	vld.idx.msk [tilespmem:v52+s12+$0x0], $0xffff;
	[tilespmem:$0x135F0] =	vst v13  }
0x23f: {  	v56 =	vadd.s32 $0x7D0, v9;
	[tilespmem:$0x139F0] =	vst v15;
	v13 =	vld.idx.msk [tilespmem:v53+s12+$0x0], $0xffff  }
0x240: {  	v57 =	vadd.s32 $0x2710, v9;
	[tilespmem:$0x13DF0] =	vst v17;
	v15 =	vld.idx.msk [tilespmem:v54+s12+$0x0], $0xffff  }
0x241: {  	v58 =	vadd.s32 $0x4650, v9;
	v17 =	vld.idx.msk [tilespmem:v55+s12+$0x0], $0xffff  }
0x242: {  	v59 =	vadd.s32 $0x6590, v9  }
0x243: {  	[tilespmem:$0x13200] =	vst v11  }
0x244: {  	v11 =	vld.idx.msk [tilespmem:v56+s12+$0x0], $0xffff;
	[tilespmem:$0x13600] =	vst v13  }
0x245: {  	v60 =	vadd.s32 $0x7D0, v8;
	[tilespmem:$0x13A00] =	vst v15;
	v13 =	vld.idx.msk [tilespmem:v57+s12+$0x0], $0xffff  }
0x246: {  	v61 =	vadd.s32 $0x2710, v8;
	[tilespmem:$0x13E00] =	vst v17;
	v15 =	vld.idx.msk [tilespmem:v58+s12+$0x0], $0xffff  }
0x247: {  	v62 =	vadd.s32 $0x4650, v8;
	v17 =	vld.idx.msk [tilespmem:v59+s12+$0x0], $0xffff  }
0x248: {  	v63 =	vadd.s32 $0x6590, v8  }
0x249: {  	[tilespmem:$0x13210] =	vst v11  }
0x24a: {  	v11 =	vld.idx.msk [tilespmem:v60+s12+$0x0], $0xffff;
	[tilespmem:$0x13610] =	vst v13  }
0x24b: {  	v21 =	vadd.s32 $0x7D0, v7;
	[tilespmem:$0x13A10] =	vst v15;
	v13 =	vld.idx.msk [tilespmem:v61+s12+$0x0], $0xffff  }
0x24c: {  	v22 =	vadd.s32 $0x2710, v7;
	[tilespmem:$0x13E10] =	vst v17;
	v15 =	vld.idx.msk [tilespmem:v62+s12+$0x0], $0xffff  }
0x24d: {  	v23 =	vadd.s32 $0x4650, v7;
	v17 =	vld.idx.msk [tilespmem:v63+s12+$0x0], $0xffff  }
0x24e: {  	v24 =	vadd.s32 $0x6590, v7  }
0x24f: {  	[tilespmem:$0x13220] =	vst v11  }
0x250: {  	v11 =	vld.idx.msk [tilespmem:v21+s12+$0x0], $0xffff;
	[tilespmem:$0x13620] =	vst v13  }
0x251: {  	v25 =	vadd.s32 $0x7D0, v6;
	[tilespmem:$0x13A20] =	vst v15;
	v13 =	vld.idx.msk [tilespmem:v22+s12+$0x0], $0xffff  }
0x252: {  	v26 =	vadd.s32 $0x2710, v6;
	[tilespmem:$0x13E20] =	vst v17;
	v15 =	vld.idx.msk [tilespmem:v23+s12+$0x0], $0xffff  }
0x253: {  	v27 =	vadd.s32 $0x4650, v6;
	v17 =	vld.idx.msk [tilespmem:v24+s12+$0x0], $0xffff  }
0x254: {  	v28 =	vadd.s32 $0x6590, v6  }
0x255: {  	[tilespmem:$0x13230] =	vst v11  }
0x256: {  	v11 =	vld.idx.msk [tilespmem:v25+s12+$0x0], $0xffff;
	[tilespmem:$0x13630] =	vst v13  }
0x257: {  	v29 =	vadd.s32 $0x7D0, v5;
	[tilespmem:$0x13A30] =	vst v15;
	v13 =	vld.idx.msk [tilespmem:v26+s12+$0x0], $0xffff  }
0x258: {  	v30 =	vadd.s32 $0x2710, v5;
	[tilespmem:$0x13E30] =	vst v17;
	v15 =	vld.idx.msk [tilespmem:v27+s12+$0x0], $0xffff  }
0x259: {  	v31 =	vadd.s32 $0x4650, v5;
	v17 =	vld.idx.msk [tilespmem:v28+s12+$0x0], $0xffff  }
0x25a: {  	v32 =	vadd.s32 $0x6590, v5  }
0x25b: {  	[tilespmem:$0x13240] =	vst v11  }
0x25c: {  	v11 =	vld.idx.msk [tilespmem:v29+s12+$0x0], $0xffff;
	[tilespmem:$0x13640] =	vst v13  }
0x25d: {  	v33 =	vadd.s32 $0x7D0, v4;
	[tilespmem:$0x13A40] =	vst v15;
	v13 =	vld.idx.msk [tilespmem:v30+s12+$0x0], $0xffff  }
0x25e: {  	v34 =	vadd.s32 $0x2710, v4;
	[tilespmem:$0x13E40] =	vst v17;
	v15 =	vld.idx.msk [tilespmem:v31+s12+$0x0], $0xffff  }
0x25f: {  	v35 =	vadd.s32 $0x4650, v4;
	v17 =	vld.idx.msk [tilespmem:v32+s12+$0x0], $0xffff  }
0x260: {  	v36 =	vadd.s32 $0x6590, v4  }
0x261: {  	[tilespmem:$0x13250] =	vst v11  }
0x262: {  	v11 =	vld.idx.msk [tilespmem:v33+s12+$0x0], $0xffff;
	[tilespmem:$0x13650] =	vst v13  }
0x263: {  	v37 =	vadd.s32 $0x7D0, v3;
	[tilespmem:$0x13A50] =	vst v15;
	v13 =	vld.idx.msk [tilespmem:v34+s12+$0x0], $0xffff  }
0x264: {  	v38 =	vadd.s32 $0x2710, v3;
	[tilespmem:$0x13E50] =	vst v17;
	v15 =	vld.idx.msk [tilespmem:v35+s12+$0x0], $0xffff  }
0x265: {  	v39 =	vadd.s32 $0x4650, v3;
	v17 =	vld.idx.msk [tilespmem:v36+s12+$0x0], $0xffff  }
0x266: {  	v40 =	vadd.s32 $0x6590, v3  }
0x267: {  	[tilespmem:$0x13260] =	vst v11  }
0x268: {  	v11 =	vld.idx.msk [tilespmem:v37+s12+$0x0], $0xffff;
	[tilespmem:$0x13660] =	vst v13  }
0x269: {  	v41 =	vadd.s32 $0xBB8, v10;
	[tilespmem:$0x13A60] =	vst v15;
	v13 =	vld.idx.msk [tilespmem:v38+s12+$0x0], $0xffff  }
0x26a: {  	v42 =	vadd.s32 $0x2AF8, v10;
	[tilespmem:$0x13E60] =	vst v17;
	v15 =	vld.idx.msk [tilespmem:v39+s12+$0x0], $0xffff  }
0x26b: {  	v43 =	vadd.s32 $0x4A38, v10;
	v17 =	vld.idx.msk [tilespmem:v40+s12+$0x0], $0xffff  }
0x26c: {  	v44 =	vadd.s32 $0x6978, v10  }
0x26d: {  	[tilespmem:$0x13270] =	vst v11  }
0x26e: {  	v11 =	vld.idx.msk [tilespmem:v41+s12+$0x0], $0xffff;
	[tilespmem:$0x13670] =	vst v13  }
0x26f: {  	v45 =	vadd.s32 $0xBB8, v9;
	[tilespmem:$0x13A70] =	vst v15;
	v13 =	vld.idx.msk [tilespmem:v42+s12+$0x0], $0xffff  }
0x270: {  	v46 =	vadd.s32 $0x2AF8, v9;
	[tilespmem:$0x13E70] =	vst v17;
	v15 =	vld.idx.msk [tilespmem:v43+s12+$0x0], $0xffff  }
0x271: {  	v47 =	vadd.s32 $0x4A38, v9;
	v17 =	vld.idx.msk [tilespmem:v44+s12+$0x0], $0xffff  }
0x272: {  	v48 =	vadd.s32 $0x6978, v9  }
0x273: {  	[tilespmem:$0x13280] =	vst v11  }
0x274: {  	v11 =	vld.idx.msk [tilespmem:v45+s12+$0x0], $0xffff;
	[tilespmem:$0x13680] =	vst v13  }
0x275: {  	v49 =	vadd.s32 $0xBB8, v8;
	[tilespmem:$0x13A80] =	vst v15;
	v13 =	vld.idx.msk [tilespmem:v46+s12+$0x0], $0xffff  }
0x276: {  	v50 =	vadd.s32 $0x2AF8, v8;
	[tilespmem:$0x13E80] =	vst v17;
	v15 =	vld.idx.msk [tilespmem:v47+s12+$0x0], $0xffff  }
0x277: {  	v51 =	vadd.s32 $0x4A38, v8;
	v17 =	vld.idx.msk [tilespmem:v48+s12+$0x0], $0xffff  }
0x278: {  	v52 =	vadd.s32 $0x6978, v8  }
0x279: {  	[tilespmem:$0x13290] =	vst v11  }
0x27a: {  	v11 =	vld.idx.msk [tilespmem:v49+s12+$0x0], $0xffff;
	[tilespmem:$0x13690] =	vst v13  }
0x27b: {  	v53 =	vadd.s32 $0xBB8, v7;
	[tilespmem:$0x13A90] =	vst v15;
	v13 =	vld.idx.msk [tilespmem:v50+s12+$0x0], $0xffff  }
0x27c: {  	v54 =	vadd.s32 $0x2AF8, v7;
	[tilespmem:$0x13E90] =	vst v17;
	v15 =	vld.idx.msk [tilespmem:v51+s12+$0x0], $0xffff  }
0x27d: {  	v55 =	vadd.s32 $0x4A38, v7;
	v17 =	vld.idx.msk [tilespmem:v52+s12+$0x0], $0xffff  }
0x27e: {  	v56 =	vadd.s32 $0x6978, v7  }
0x27f: {  	[tilespmem:$0x132A0] =	vst v11  }
0x280: {  	v11 =	vld.idx.msk [tilespmem:v53+s12+$0x0], $0xffff;
	[tilespmem:$0x136A0] =	vst v13  }
0x281: {  	v57 =	vadd.s32 $0xBB8, v6;
	[tilespmem:$0x13AA0] =	vst v15;
	v13 =	vld.idx.msk [tilespmem:v54+s12+$0x0], $0xffff  }
0x282: {  	v58 =	vadd.s32 $0x2AF8, v6;
	[tilespmem:$0x13EA0] =	vst v17;
	v15 =	vld.idx.msk [tilespmem:v55+s12+$0x0], $0xffff  }
0x283: {  	v59 =	vadd.s32 $0x4A38, v6;
	v17 =	vld.idx.msk [tilespmem:v56+s12+$0x0], $0xffff  }
0x284: {  	v60 =	vadd.s32 $0x6978, v6  }
0x285: {  	[tilespmem:$0x132B0] =	vst v11  }
0x286: {  	v11 =	vld.idx.msk [tilespmem:v57+s12+$0x0], $0xffff;
	[tilespmem:$0x136B0] =	vst v13  }
0x287: {  	v61 =	vadd.s32 $0xBB8, v5;
	[tilespmem:$0x13AB0] =	vst v15;
	v13 =	vld.idx.msk [tilespmem:v58+s12+$0x0], $0xffff  }
0x288: {  	v62 =	vadd.s32 $0x2AF8, v5;
	[tilespmem:$0x13EB0] =	vst v17;
	v15 =	vld.idx.msk [tilespmem:v59+s12+$0x0], $0xffff  }
0x289: {  	v63 =	vadd.s32 $0x4A38, v5;
	v17 =	vld.idx.msk [tilespmem:v60+s12+$0x0], $0xffff  }
0x28a: {  	v21 =	vadd.s32 $0x6978, v5  }
0x28b: {  	[tilespmem:$0x132C0] =	vst v11  }
0x28c: {  	v11 =	vld.idx.msk [tilespmem:v61+s12+$0x0], $0xffff;
	[tilespmem:$0x136C0] =	vst v13  }
0x28d: {  	v22 =	vadd.s32 $0xBB8, v4;
	[tilespmem:$0x13AC0] =	vst v15;
	v13 =	vld.idx.msk [tilespmem:v62+s12+$0x0], $0xffff  }
0x28e: {  	v23 =	vadd.s32 $0x2AF8, v4;
	[tilespmem:$0x13EC0] =	vst v17;
	v15 =	vld.idx.msk [tilespmem:v63+s12+$0x0], $0xffff  }
0x28f: {  	v24 =	vadd.s32 $0x4A38, v4;
	v17 =	vld.idx.msk [tilespmem:v21+s12+$0x0], $0xffff  }
0x290: {  	v25 =	vadd.s32 $0x6978, v4  }
0x291: {  	[tilespmem:$0x132D0] =	vst v11  }
0x292: {  	v11 =	vld.idx.msk [tilespmem:v22+s12+$0x0], $0xffff;
	[tilespmem:$0x136D0] =	vst v13  }
0x293: {  	v26 =	vadd.s32 $0xBB8, v3;
	[tilespmem:$0x13AD0] =	vst v15;
	v13 =	vld.idx.msk [tilespmem:v23+s12+$0x0], $0xffff  }
0x294: {  	v27 =	vadd.s32 $0x2AF8, v3;
	[tilespmem:$0x13ED0] =	vst v17;
	v15 =	vld.idx.msk [tilespmem:v24+s12+$0x0], $0xffff  }
0x295: {  	v28 =	vadd.s32 $0x4A38, v3;
	v17 =	vld.idx.msk [tilespmem:v25+s12+$0x0], $0xffff  }
0x296: {  	v29 =	vadd.s32 $0x6978, v3  }
0x297: {  	[tilespmem:$0x132E0] =	vst v11  }
0x298: {  	v11 =	vld.idx.msk [tilespmem:v26+s12+$0x0], $0xffff;
	[tilespmem:$0x136E0] =	vst v13  }
0x299: {  	v30 =	vadd.s32 $0xFA0, v10;
	[tilespmem:$0x13AE0] =	vst v15;
	v13 =	vld.idx.msk [tilespmem:v27+s12+$0x0], $0xffff  }
0x29a: {  	v31 =	vadd.s32 $0x2EE0, v10;
	[tilespmem:$0x13EE0] =	vst v17;
	v15 =	vld.idx.msk [tilespmem:v28+s12+$0x0], $0xffff  }
0x29b: {  	v32 =	vadd.s32 $0x4E20, v10;
	v17 =	vld.idx.msk [tilespmem:v29+s12+$0x0], $0xffff  }
0x29c: {  	v33 =	vadd.s32 $0x6D60, v10  }
0x29d: {  	[tilespmem:$0x132F0] =	vst v11  }
0x29e: {  	v11 =	vld.idx.msk [tilespmem:v30+s12+$0x0], $0xffff;
	[tilespmem:$0x136F0] =	vst v13  }
0x29f: {  	v34 =	vadd.s32 $0xFA0, v9;
	[tilespmem:$0x13AF0] =	vst v15;
	v13 =	vld.idx.msk [tilespmem:v31+s12+$0x0], $0xffff  }
0x2a0: {  	v35 =	vadd.s32 $0x2EE0, v9;
	[tilespmem:$0x13EF0] =	vst v17;
	v15 =	vld.idx.msk [tilespmem:v32+s12+$0x0], $0xffff  }
0x2a1: {  	v36 =	vadd.s32 $0x4E20, v9;
	v17 =	vld.idx.msk [tilespmem:v33+s12+$0x0], $0xffff  }
0x2a2: {  	v37 =	vadd.s32 $0x6D60, v9  }
0x2a3: {  	[tilespmem:$0x13300] =	vst v11  }
0x2a4: {  	v11 =	vld.idx.msk [tilespmem:v34+s12+$0x0], $0xffff;
	[tilespmem:$0x13700] =	vst v13  }
0x2a5: {  	v38 =	vadd.s32 $0xFA0, v8;
	[tilespmem:$0x13B00] =	vst v15;
	v13 =	vld.idx.msk [tilespmem:v35+s12+$0x0], $0xffff  }
0x2a6: {  	v39 =	vadd.s32 $0x2EE0, v8;
	[tilespmem:$0x13F00] =	vst v17;
	v15 =	vld.idx.msk [tilespmem:v36+s12+$0x0], $0xffff  }
0x2a7: {  	v40 =	vadd.s32 $0x4E20, v8;
	v17 =	vld.idx.msk [tilespmem:v37+s12+$0x0], $0xffff  }
0x2a8: {  	v41 =	vadd.s32 $0x6D60, v8  }
0x2a9: {  	[tilespmem:$0x13310] =	vst v11  }
0x2aa: {  	v11 =	vld.idx.msk [tilespmem:v38+s12+$0x0], $0xffff;
	[tilespmem:$0x13710] =	vst v13  }
0x2ab: {  	v42 =	vadd.s32 $0xFA0, v7;
	[tilespmem:$0x13B10] =	vst v15;
	v13 =	vld.idx.msk [tilespmem:v39+s12+$0x0], $0xffff  }
0x2ac: {  	v43 =	vadd.s32 $0x2EE0, v7;
	[tilespmem:$0x13F10] =	vst v17;
	v15 =	vld.idx.msk [tilespmem:v40+s12+$0x0], $0xffff  }
0x2ad: {  	v44 =	vadd.s32 $0x4E20, v7;
	v17 =	vld.idx.msk [tilespmem:v41+s12+$0x0], $0xffff  }
0x2ae: {  	v45 =	vadd.s32 $0x6D60, v7  }
0x2af: {  	[tilespmem:$0x13320] =	vst v11  }
0x2b0: {  	v11 =	vld.idx.msk [tilespmem:v42+s12+$0x0], $0xffff;
	[tilespmem:$0x13720] =	vst v13  }
0x2b1: {  	v46 =	vadd.s32 $0xFA0, v6;
	[tilespmem:$0x13B20] =	vst v15;
	v13 =	vld.idx.msk [tilespmem:v43+s12+$0x0], $0xffff  }
0x2b2: {  	v47 =	vadd.s32 $0x2EE0, v6;
	[tilespmem:$0x13F20] =	vst v17;
	v15 =	vld.idx.msk [tilespmem:v44+s12+$0x0], $0xffff  }
0x2b3: {  	v48 =	vadd.s32 $0x4E20, v6;
	v17 =	vld.idx.msk [tilespmem:v45+s12+$0x0], $0xffff  }
0x2b4: {  	v49 =	vadd.s32 $0x6D60, v6  }
0x2b5: {  	[tilespmem:$0x13330] =	vst v11  }
0x2b6: {  	v11 =	vld.idx.msk [tilespmem:v46+s12+$0x0], $0xffff;
	[tilespmem:$0x13730] =	vst v13  }
0x2b7: {  	v50 =	vadd.s32 $0xFA0, v5;
	[tilespmem:$0x13B30] =	vst v15;
	v13 =	vld.idx.msk [tilespmem:v47+s12+$0x0], $0xffff  }
0x2b8: {  	v51 =	vadd.s32 $0x2EE0, v5;
	[tilespmem:$0x13F30] =	vst v17;
	v15 =	vld.idx.msk [tilespmem:v48+s12+$0x0], $0xffff  }
0x2b9: {  	v52 =	vadd.s32 $0x4E20, v5;
	v17 =	vld.idx.msk [tilespmem:v49+s12+$0x0], $0xffff  }
0x2ba: {  	v53 =	vadd.s32 $0x6D60, v5  }
0x2bb: {  	[tilespmem:$0x13340] =	vst v11  }
0x2bc: {  	v11 =	vld.idx.msk [tilespmem:v50+s12+$0x0], $0xffff;
	[tilespmem:$0x13740] =	vst v13  }
0x2bd: {  	v54 =	vadd.s32 $0xFA0, v4;
	[tilespmem:$0x13B40] =	vst v15;
	v13 =	vld.idx.msk [tilespmem:v51+s12+$0x0], $0xffff  }
0x2be: {  	v55 =	vadd.s32 $0x2EE0, v4;
	[tilespmem:$0x13F40] =	vst v17;
	v15 =	vld.idx.msk [tilespmem:v52+s12+$0x0], $0xffff  }
0x2bf: {  	v56 =	vadd.s32 $0x4E20, v4;
	v17 =	vld.idx.msk [tilespmem:v53+s12+$0x0], $0xffff  }
0x2c0: {  	v57 =	vadd.s32 $0x6D60, v4  }
0x2c1: {  	[tilespmem:$0x13350] =	vst v11  }
0x2c2: {  	v11 =	vld.idx.msk [tilespmem:v54+s12+$0x0], $0xffff;
	[tilespmem:$0x13750] =	vst v13  }
0x2c3: {  	v58 =	vadd.s32 $0xFA0, v3;
	[tilespmem:$0x13B50] =	vst v15;
	v13 =	vld.idx.msk [tilespmem:v55+s12+$0x0], $0xffff  }
0x2c4: {  	v59 =	vadd.s32 $0x2EE0, v3;
	[tilespmem:$0x13F50] =	vst v17;
	v15 =	vld.idx.msk [tilespmem:v56+s12+$0x0], $0xffff  }
0x2c5: {  	v60 =	vadd.s32 $0x4E20, v3;
	v17 =	vld.idx.msk [tilespmem:v57+s12+$0x0], $0xffff  }
0x2c6: {  	v61 =	vadd.s32 $0x6D60, v3  }
0x2c7: {  	[tilespmem:$0x13360] =	vst v11  }
0x2c8: {  	v11 =	vld.idx.msk [tilespmem:v58+s12+$0x0], $0xffff;
	[tilespmem:$0x13760] =	vst v13  }
0x2c9: {  	v62 =	vadd.s32 $0x1388, v10;
	[tilespmem:$0x13B60] =	vst v15;
	v13 =	vld.idx.msk [tilespmem:v59+s12+$0x0], $0xffff  }
0x2ca: {  	v63 =	vadd.s32 $0x32C8, v10;
	[tilespmem:$0x13F60] =	vst v17;
	v15 =	vld.idx.msk [tilespmem:v60+s12+$0x0], $0xffff  }
0x2cb: {  	v21 =	vadd.s32 $0x5208, v10;
	v17 =	vld.idx.msk [tilespmem:v61+s12+$0x0], $0xffff  }
0x2cc: {  	v22 =	vadd.s32 $0x7148, v10  }
0x2cd: {  	[tilespmem:$0x13370] =	vst v11  }
0x2ce: {  	v11 =	vld.idx.msk [tilespmem:v62+s12+$0x0], $0xffff;
	[tilespmem:$0x13770] =	vst v13  }
0x2cf: {  	v23 =	vadd.s32 $0x1388, v9;
	[tilespmem:$0x13B70] =	vst v15;
	v13 =	vld.idx.msk [tilespmem:v63+s12+$0x0], $0xffff  }
0x2d0: {  	v24 =	vadd.s32 $0x32C8, v9;
	[tilespmem:$0x13F70] =	vst v17;
	v15 =	vld.idx.msk [tilespmem:v21+s12+$0x0], $0xffff  }
0x2d1: {  	v25 =	vadd.s32 $0x5208, v9;
	v17 =	vld.idx.msk [tilespmem:v22+s12+$0x0], $0xffff  }
0x2d2: {  	v26 =	vadd.s32 $0x7148, v9  }
0x2d3: {  	[tilespmem:$0x13380] =	vst v11  }
0x2d4: {  	v11 =	vld.idx.msk [tilespmem:v23+s12+$0x0], $0xffff;
	[tilespmem:$0x13780] =	vst v13  }
0x2d5: {  	v27 =	vadd.s32 $0x1388, v8;
	[tilespmem:$0x13B80] =	vst v15;
	v13 =	vld.idx.msk [tilespmem:v24+s12+$0x0], $0xffff  }
0x2d6: {  	v28 =	vadd.s32 $0x32C8, v8;
	[tilespmem:$0x13F80] =	vst v17;
	v15 =	vld.idx.msk [tilespmem:v25+s12+$0x0], $0xffff  }
0x2d7: {  	v29 =	vadd.s32 $0x5208, v8;
	v17 =	vld.idx.msk [tilespmem:v26+s12+$0x0], $0xffff  }
0x2d8: {  	v30 =	vadd.s32 $0x7148, v8  }
0x2d9: {  	[tilespmem:$0x13390] =	vst v11  }
0x2da: {  	v11 =	vld.idx.msk [tilespmem:v27+s12+$0x0], $0xffff;
	[tilespmem:$0x13790] =	vst v13  }
0x2db: {  	v31 =	vadd.s32 $0x1388, v7;
	[tilespmem:$0x13B90] =	vst v15;
	v13 =	vld.idx.msk [tilespmem:v28+s12+$0x0], $0xffff  }
0x2dc: {  	v32 =	vadd.s32 $0x32C8, v7;
	[tilespmem:$0x13F90] =	vst v17;
	v15 =	vld.idx.msk [tilespmem:v29+s12+$0x0], $0xffff  }
0x2dd: {  	v33 =	vadd.s32 $0x5208, v7;
	v17 =	vld.idx.msk [tilespmem:v30+s12+$0x0], $0xffff  }
0x2de: {  	v34 =	vadd.s32 $0x7148, v7  }
0x2df: {  	[tilespmem:$0x133A0] =	vst v11  }
0x2e0: {  	v11 =	vld.idx.msk [tilespmem:v31+s12+$0x0], $0xffff;
	[tilespmem:$0x137A0] =	vst v13  }
0x2e1: {  	v35 =	vadd.s32 $0x1388, v6;
	[tilespmem:$0x13BA0] =	vst v15;
	v13 =	vld.idx.msk [tilespmem:v32+s12+$0x0], $0xffff  }
0x2e2: {  	v36 =	vadd.s32 $0x32C8, v6;
	[tilespmem:$0x13FA0] =	vst v17;
	v15 =	vld.idx.msk [tilespmem:v33+s12+$0x0], $0xffff  }
0x2e3: {  	v37 =	vadd.s32 $0x5208, v6;
	v17 =	vld.idx.msk [tilespmem:v34+s12+$0x0], $0xffff  }
0x2e4: {  	v38 =	vadd.s32 $0x7148, v6  }
0x2e5: {  	[tilespmem:$0x133B0] =	vst v11  }
0x2e6: {  	v11 =	vld.idx.msk [tilespmem:v35+s12+$0x0], $0xffff;
	[tilespmem:$0x137B0] =	vst v13  }
0x2e7: {  	v39 =	vadd.s32 $0x1388, v5;
	[tilespmem:$0x13BB0] =	vst v15;
	v13 =	vld.idx.msk [tilespmem:v36+s12+$0x0], $0xffff  }
0x2e8: {  	v40 =	vadd.s32 $0x32C8, v5;
	[tilespmem:$0x13FB0] =	vst v17;
	v15 =	vld.idx.msk [tilespmem:v37+s12+$0x0], $0xffff  }
0x2e9: {  	v41 =	vadd.s32 $0x5208, v5;
	v17 =	vld.idx.msk [tilespmem:v38+s12+$0x0], $0xffff  }
0x2ea: {  	v42 =	vadd.s32 $0x7148, v5  }
0x2eb: {  	[tilespmem:$0x133C0] =	vst v11  }
0x2ec: {  	v11 =	vld.idx.msk [tilespmem:v39+s12+$0x0], $0xffff;
	[tilespmem:$0x137C0] =	vst v13  }
0x2ed: {  	v43 =	vadd.s32 $0x1388, v4;
	[tilespmem:$0x13BC0] =	vst v15;
	v13 =	vld.idx.msk [tilespmem:v40+s12+$0x0], $0xffff  }
0x2ee: {  	v44 =	vadd.s32 $0x32C8, v4;
	[tilespmem:$0x13FC0] =	vst v17;
	v15 =	vld.idx.msk [tilespmem:v41+s12+$0x0], $0xffff  }
0x2ef: {  	v45 =	vadd.s32 $0x5208, v4;
	v17 =	vld.idx.msk [tilespmem:v42+s12+$0x0], $0xffff  }
0x2f0: {  	v46 =	vadd.s32 $0x7148, v4  }
0x2f1: {  	[tilespmem:$0x133D0] =	vst v11  }
0x2f2: {  	v11 =	vld.idx.msk [tilespmem:v43+s12+$0x0], $0xffff;
	[tilespmem:$0x137D0] =	vst v13  }
0x2f3: {  	v47 =	vadd.s32 $0x1388, v3;
	[tilespmem:$0x13BD0] =	vst v15;
	v13 =	vld.idx.msk [tilespmem:v44+s12+$0x0], $0xffff  }
0x2f4: {  	v48 =	vadd.s32 $0x32C8, v3;
	[tilespmem:$0x13FD0] =	vst v17;
	v15 =	vld.idx.msk [tilespmem:v45+s12+$0x0], $0xffff  }
0x2f5: {  	v49 =	vadd.s32 $0x5208, v3;
	v17 =	vld.idx.msk [tilespmem:v46+s12+$0x0], $0xffff  }
0x2f6: {  	v50 =	vadd.s32 $0x7148, v3  }
0x2f7: {  	[tilespmem:$0x133E0] =	vst v11  }
0x2f8: {  	v11 =	vld.idx.msk [tilespmem:v47+s12+$0x0], $0xffff;
	[tilespmem:$0x137E0] =	vst v13  }
0x2f9: {  	v51 =	vadd.s32 $0x1770, v10;
	[tilespmem:$0x13BE0] =	vst v15;
	v13 =	vld.idx.msk [tilespmem:v48+s12+$0x0], $0xffff  }
0x2fa: {  	v52 =	vadd.s32 $0x36B0, v10;
	[tilespmem:$0x13FE0] =	vst v17;
	v15 =	vld.idx.msk [tilespmem:v49+s12+$0x0], $0xffff  }
0x2fb: {  	v53 =	vadd.s32 $0x55F0, v10;
	v17 =	vld.idx.msk [tilespmem:v50+s12+$0x0], $0xffff  }
0x2fc: {  	v54 =	vadd.s32 $0x7530, v10  }
0x2fd: {  	[tilespmem:$0x133F0] =	vst v11  }
0x2fe: {  	v11 =	vld.idx.msk [tilespmem:v51+s12+$0x0], $0xffff;
	[tilespmem:$0x137F0] =	vst v13  }
0x2ff: {  	v55 =	vadd.s32 $0x1770, v9;
	[tilespmem:$0x13BF0] =	vst v15;
	v13 =	vld.idx.msk [tilespmem:v52+s12+$0x0], $0xffff  }
0x300: {  	v56 =	vadd.s32 $0x36B0, v9;
	[tilespmem:$0x13FF0] =	vst v17;
	v15 =	vld.idx.msk [tilespmem:v53+s12+$0x0], $0xffff  }
0x301: {  	v57 =	vadd.s32 $0x55F0, v9;
	v17 =	vld.idx.msk [tilespmem:v54+s12+$0x0], $0xffff  }
0x302: {  	v58 =	vadd.s32 $0x7530, v9  }
0x303: {  	[tilespmem:$0x13400] =	vst v11  }
0x304: {  	v11 =	vld.idx.msk [tilespmem:v55+s12+$0x0], $0xffff;
	[tilespmem:$0x13800] =	vst v13  }
0x305: {  	v59 =	vadd.s32 $0x1770, v8;
	[tilespmem:$0x13C00] =	vst v15;
	v13 =	vld.idx.msk [tilespmem:v56+s12+$0x0], $0xffff  }
0x306: {  	v60 =	vadd.s32 $0x36B0, v8;
	[tilespmem:$0x14000] =	vst v17;
	v15 =	vld.idx.msk [tilespmem:v57+s12+$0x0], $0xffff  }
0x307: {  	v61 =	vadd.s32 $0x55F0, v8;
	v17 =	vld.idx.msk [tilespmem:v58+s12+$0x0], $0xffff  }
0x308: {  	v62 =	vadd.s32 $0x7530, v8  }
0x309: {  	[tilespmem:$0x13410] =	vst v11  }
0x30a: {  	v11 =	vld.idx.msk [tilespmem:v59+s12+$0x0], $0xffff;
	[tilespmem:$0x13810] =	vst v13  }
0x30b: {  	v63 =	vadd.s32 $0x1770, v7;
	[tilespmem:$0x13C10] =	vst v15;
	v13 =	vld.idx.msk [tilespmem:v60+s12+$0x0], $0xffff  }
0x30c: {  	v21 =	vadd.s32 $0x36B0, v7;
	[tilespmem:$0x14010] =	vst v17;
	v15 =	vld.idx.msk [tilespmem:v61+s12+$0x0], $0xffff  }
0x30d: {  	v22 =	vadd.s32 $0x55F0, v7;
	v17 =	vld.idx.msk [tilespmem:v62+s12+$0x0], $0xffff  }
0x30e: {  	v23 =	vadd.s32 $0x7530, v7  }
0x30f: {  	[tilespmem:$0x13420] =	vst v11  }
0x310: {  	v11 =	vld.idx.msk [tilespmem:v63+s12+$0x0], $0xffff;
	[tilespmem:$0x13820] =	vst v13  }
0x311: {  	v24 =	vadd.s32 $0x1770, v6;
	[tilespmem:$0x13C20] =	vst v15;
	v13 =	vld.idx.msk [tilespmem:v21+s12+$0x0], $0xffff  }
0x312: {  	v25 =	vadd.s32 $0x36B0, v6;
	[tilespmem:$0x14020] =	vst v17;
	v15 =	vld.idx.msk [tilespmem:v22+s12+$0x0], $0xffff  }
0x313: {  	v26 =	vadd.s32 $0x55F0, v6;
	v17 =	vld.idx.msk [tilespmem:v23+s12+$0x0], $0xffff  }
0x314: {  	v27 =	vadd.s32 $0x7530, v6  }
0x315: {  	[tilespmem:$0x13430] =	vst v11  }
0x316: {  	v11 =	vld.idx.msk [tilespmem:v24+s12+$0x0], $0xffff;
	[tilespmem:$0x13830] =	vst v13  }
0x317: {  	v28 =	vadd.s32 $0x1770, v5;
	[tilespmem:$0x13C30] =	vst v15;
	v13 =	vld.idx.msk [tilespmem:v25+s12+$0x0], $0xffff  }
0x318: {  	v29 =	vadd.s32 $0x36B0, v5;
	[tilespmem:$0x14030] =	vst v17;
	v15 =	vld.idx.msk [tilespmem:v26+s12+$0x0], $0xffff  }
0x319: {  	v30 =	vadd.s32 $0x55F0, v5;
	v17 =	vld.idx.msk [tilespmem:v27+s12+$0x0], $0xffff  }
0x31a: {  	v31 =	vadd.s32 $0x7530, v5  }
0x31b: {  	[tilespmem:$0x13440] =	vst v11  }
0x31c: {  	v11 =	vld.idx.msk [tilespmem:v28+s12+$0x0], $0xffff;
	[tilespmem:$0x13840] =	vst v13  }
0x31d: {  	v32 =	vadd.s32 $0x1770, v4;
	[tilespmem:$0x13C40] =	vst v15;
	v13 =	vld.idx.msk [tilespmem:v29+s12+$0x0], $0xffff  }
0x31e: {  	v33 =	vadd.s32 $0x36B0, v4;
	[tilespmem:$0x14040] =	vst v17;
	v15 =	vld.idx.msk [tilespmem:v30+s12+$0x0], $0xffff  }
0x31f: {  	v34 =	vadd.s32 $0x55F0, v4;
	v17 =	vld.idx.msk [tilespmem:v31+s12+$0x0], $0xffff  }
0x320: {  	v35 =	vadd.s32 $0x7530, v4  }
0x321: {  	[tilespmem:$0x13450] =	vst v11  }
0x322: {  	v11 =	vld.idx.msk [tilespmem:v32+s12+$0x0], $0xffff;
	[tilespmem:$0x13850] =	vst v13  }
0x323: {  	v36 =	vadd.s32 $0x1770, v3;
	[tilespmem:$0x13C50] =	vst v15;
	v13 =	vld.idx.msk [tilespmem:v33+s12+$0x0], $0xffff  }
0x324: {  	v37 =	vadd.s32 $0x36B0, v3;
	[tilespmem:$0x14050] =	vst v17;
	v15 =	vld.idx.msk [tilespmem:v34+s12+$0x0], $0xffff  }
0x325: {  	v38 =	vadd.s32 $0x55F0, v3;
	v17 =	vld.idx.msk [tilespmem:v35+s12+$0x0], $0xffff  }
0x326: {  	v39 =	vadd.s32 $0x7530, v3  }
0x327: {  	[tilespmem:$0x13460] =	vst v11  }
0x328: {  	v11 =	vld.idx.msk [tilespmem:v36+s12+$0x0], $0xffff;
	[tilespmem:$0x13860] =	vst v13  }
0x329: {  	v40 =	vadd.s32 $0x1B58, v10;
	[tilespmem:$0x13C60] =	vst v15;
	v13 =	vld.idx.msk [tilespmem:v37+s12+$0x0], $0xffff  }
0x32a: {  	v41 =	vadd.s32 $0x3A98, v10;
	[tilespmem:$0x14060] =	vst v17;
	v15 =	vld.idx.msk [tilespmem:v38+s12+$0x0], $0xffff  }
0x32b: {  	v42 =	vadd.s32 $0x59D8, v10;
	v17 =	vld.idx.msk [tilespmem:v39+s12+$0x0], $0xffff  }
0x32c: {  	v10 =	vadd.s32 $0x7918, v10  }
0x32d: {  	[tilespmem:$0x13470] =	vst v11  }
0x32e: {  	v11 =	vld.idx.msk [tilespmem:v40+s12+$0x0], $0xffff;
	[tilespmem:$0x13870] =	vst v13  }
0x32f: {  	v43 =	vadd.s32 $0x1B58, v9;
	[tilespmem:$0x13C70] =	vst v15;
	v13 =	vld.idx.msk [tilespmem:v41+s12+$0x0], $0xffff  }
0x330: {  	v44 =	vadd.s32 $0x3A98, v9;
	[tilespmem:$0x14070] =	vst v17;
	v15 =	vld.idx.msk [tilespmem:v42+s12+$0x0], $0xffff  }
0x331: {  	v45 =	vadd.s32 $0x59D8, v9;
	v10 =	vld.idx.msk [tilespmem:v10+s12+$0x0], $0xffff  }
0x332: {  	v9 =	vadd.s32 $0x7918, v9  }
0x333: {  	[tilespmem:$0x13480] =	vst v11  }
0x334: {  	v11 =	vld.idx.msk [tilespmem:v43+s12+$0x0], $0xffff;
	[tilespmem:$0x13880] =	vst v13  }
0x335: {  	v46 =	vadd.s32 $0x1B58, v8;
	[tilespmem:$0x13C80] =	vst v15;
	v13 =	vld.idx.msk [tilespmem:v44+s12+$0x0], $0xffff  }
0x336: {  	v47 =	vadd.s32 $0x3A98, v8;
	[tilespmem:$0x14080] =	vst v10;
	v15 =	vld.idx.msk [tilespmem:v45+s12+$0x0], $0xffff  }
0x337: {  	v48 =	vadd.s32 $0x59D8, v8;
	v9 =	vld.idx.msk [tilespmem:v9+s12+$0x0], $0xffff  }
0x338: {  	v8 =	vadd.s32 $0x7918, v8  }
0x339: {  	[tilespmem:$0x13490] =	vst v11  }
0x33a: {  	v11 =	vld.idx.msk [tilespmem:v46+s12+$0x0], $0xffff;
	[tilespmem:$0x13890] =	vst v13  }
0x33b: {  	v49 =	vadd.s32 $0x1B58, v7;
	[tilespmem:$0x13C90] =	vst v15;
	v13 =	vld.idx.msk [tilespmem:v47+s12+$0x0], $0xffff  }
0x33c: {  	v50 =	vadd.s32 $0x3A98, v7;
	[tilespmem:$0x14090] =	vst v9;
	v10 =	vld.idx.msk [tilespmem:v48+s12+$0x0], $0xffff  }
0x33d: {  	v51 =	vadd.s32 $0x59D8, v7;
	v8 =	vld.idx.msk [tilespmem:v8+s12+$0x0], $0xffff  }
0x33e: {  	v7 =	vadd.s32 $0x7918, v7  }
0x33f: {  	[tilespmem:$0x134A0] =	vst v11  }
0x340: {  	v11 =	vld.idx.msk [tilespmem:v49+s12+$0x0], $0xffff;
	[tilespmem:$0x138A0] =	vst v13  }
0x341: {  	v52 =	vadd.s32 $0x1B58, v6;
	[tilespmem:$0x13CA0] =	vst v10;
	v13 =	vld.idx.msk [tilespmem:v50+s12+$0x0], $0xffff  }
0x342: {  	v53 =	vadd.s32 $0x3A98, v6;
	[tilespmem:$0x140A0] =	vst v8;
	v9 =	vld.idx.msk [tilespmem:v51+s12+$0x0], $0xffff  }
0x343: {  	v54 =	vadd.s32 $0x59D8, v6;
	v7 =	vld.idx.msk [tilespmem:v7+s12+$0x0], $0xffff  }
0x344: {  	v6 =	vadd.s32 $0x7918, v6  }
0x345: {  	[tilespmem:$0x134B0] =	vst v11  }
0x346: {  	v11 =	vld.idx.msk [tilespmem:v52+s12+$0x0], $0xffff;
	[tilespmem:$0x138B0] =	vst v13  }
0x347: {  	v55 =	vadd.s32 $0x1B58, v5;
	[tilespmem:$0x13CB0] =	vst v9;
	v10 =	vld.idx.msk [tilespmem:v53+s12+$0x0], $0xffff  }
0x348: {  	v56 =	vadd.s32 $0x3A98, v5;
	[tilespmem:$0x140B0] =	vst v7;
	v8 =	vld.idx.msk [tilespmem:v54+s12+$0x0], $0xffff  }
0x349: {  	v57 =	vadd.s32 $0x59D8, v5;
	v6 =	vld.idx.msk [tilespmem:v6+s12+$0x0], $0xffff  }
0x34a: {  	v5 =	vadd.s32 $0x7918, v5  }
0x34b: {  	[tilespmem:$0x134C0] =	vst v11  }
0x34c: {  	v11 =	vld.idx.msk [tilespmem:v55+s12+$0x0], $0xffff;
	[tilespmem:$0x138C0] =	vst v10  }
0x34d: {  	v58 =	vadd.s32 $0x1B58, v4;
	[tilespmem:$0x13CC0] =	vst v8;
	v9 =	vld.idx.msk [tilespmem:v56+s12+$0x0], $0xffff  }
0x34e: {  	v59 =	vadd.s32 $0x3A98, v4;
	[tilespmem:$0x140C0] =	vst v6;
	v7 =	vld.idx.msk [tilespmem:v57+s12+$0x0], $0xffff  }
0x34f: {  	v60 =	vadd.s32 $0x59D8, v4;
	v5 =	vld.idx.msk [tilespmem:v5+s12+$0x0], $0xffff  }
0x350: {  	v4 =	vadd.s32 $0x7918, v4  }
0x351: {  	[tilespmem:$0x134D0] =	vst v11  }
0x352: {  	v10 =	vld.idx.msk [tilespmem:v58+s12+$0x0], $0xffff;
	[tilespmem:$0x138D0] =	vst v9  }
0x353: {  	v61 =	vadd.s32 $0x1B58, v3;
	[tilespmem:$0x13CD0] =	vst v7;
	v8 =	vld.idx.msk [tilespmem:v59+s12+$0x0], $0xffff  }
0x354: {  	v62 =	vadd.s32 $0x3A98, v3;
	[tilespmem:$0x140D0] =	vst v5;
	v6 =	vld.idx.msk [tilespmem:v60+s12+$0x0], $0xffff  }
0x355: {  	v63 =	vadd.s32 $0x59D8, v3;
	v4 =	vld.idx.msk [tilespmem:v4+s12+$0x0], $0xffff  }
0x356: {  	v3 =	vadd.s32 $0x7918, v3  }
0x357: {  	[tilespmem:$0x134E0] =	vst v10  }
0x358: {  	v9 =	vld.idx.msk [tilespmem:v61+s12+$0x0], $0xffff;
	[tilespmem:$0x138E0] =	vst v8  }
0x359: {  	[tilespmem:$0x13CE0] =	vst v6;
	v7 =	vld.idx.msk [tilespmem:v62+s12+$0x0], $0xffff  }
0x35a: {  	[tilespmem:$0x140E0] =	vst v4;
	v5 =	vld.idx.msk [tilespmem:v63+s12+$0x0], $0xffff  }
0x35b: {  	v3 =	vld.idx.msk [tilespmem:v3+s12+$0x0], $0xffff;
	_ =	sdelay $0x1  }
0x35c: {  	[tilespmem:$0x134F0] =	vst v9  }
0x35d: {  	[tilespmem:$0x138F0] =	vst v7  }
0x35e: {  	[tilespmem:$0x13CF0] =	vst v5  }
0x35f: {  	s24 =	simm.s32 $0xFFFFB100;
	s25 =	simm.s32 $0x1F0;
	[tilespmem:$0x140F0] =	vst v3  }
0x360: {  	[hbm4b:s8+s16] =	stream.strided.scatter [tilespmem:s19], [sflag:$0x2], $0x1000, s17, s16, $0x38;
	[tilespmem:$0x14110] =	vst v63  }
.LBB2_2:
0x361: {  	_ =	swait.ge [sflag:s20], $0x1000  }
0x362: {  	[sflag:s20] =	ssyncset.done $0x0  }
0x363: {  	[sflag:s20] =	ssyncadd.s32 $0xFFFFF000  }
0x364: {  	v10 =	vld [tilespmem:s25+$0xFFFFFF10];
	_ =	sdelay $0x5  }
0x365: {  	v9 =	vld [tilespmem:s25+$0xFFFFFF20]  }
0x366: {  	v8 =	vld [tilespmem:s25+$0xFFFFFF30]  }
0x367: {  	v11 =	vld.idx.msk [tilespmem:v10+s12+$0x0], $0xffff  }
0x368: {  	v7 =	vld [tilespmem:s25+$0xFFFFFF40]  }
0x369: {  	v6 =	vld [tilespmem:s25+$0xFFFFFF50]  }
0x36a: {  	v5 =	vld [tilespmem:s25+$0xFFFFFF60]  }
0x36b: {  	v4 =	vld [tilespmem:s25+$0xFFFFFF70]  }
0x36c: {  	v3 =	vld [tilespmem:s25+$0xFFFFFF80];
	[tilespmem:$0x12100] =	vst v11  }
0x36d: {  	v11 =	vld.idx.msk [tilespmem:v9+s12+$0x0], $0xffff;
	_ =	sdelay $0x4  }
0x36e: {  	[tilespmem:$0x12110] =	vst v11  }
0x36f: {  	v11 =	vld.idx.msk [tilespmem:v8+s12+$0x0], $0xffff;
	_ =	sdelay $0x4  }
0x370: {  	[tilespmem:$0x12120] =	vst v11  }
0x371: {  	v11 =	vld.idx.msk [tilespmem:v7+s12+$0x0], $0xffff;
	_ =	sdelay $0x4  }
0x372: {  	[tilespmem:$0x12130] =	vst v11  }
0x373: {  	v11 =	vld.idx.msk [tilespmem:v6+s12+$0x0], $0xffff;
	_ =	sdelay $0x4  }
0x374: {  	[tilespmem:$0x12140] =	vst v11  }
0x375: {  	v11 =	vld.idx.msk [tilespmem:v5+s12+$0x0], $0xffff;
	_ =	sdelay $0x4  }
0x376: {  	[tilespmem:$0x12150] =	vst v11  }
0x377: {  	v11 =	vld.idx.msk [tilespmem:v4+s12+$0x0], $0xffff;
	_ =	sdelay $0x4  }
0x378: {  	[tilespmem:$0x12160] =	vst v11  }
0x379: {  	v11 =	vld.idx.msk [tilespmem:v3+s12+$0x0], $0xffff  }
0x37a: {  	v12 =	vadd.s32 $0x3E8, v10;
	_ =	sdelay $0x3  }
0x37b: {  	[tilespmem:$0x12170] =	vst v11  }
0x37c: {  	v11 =	vld.idx.msk [tilespmem:v12+s12+$0x0], $0xffff  }
0x37d: {  	v20 =	vadd.s32 $0x3E8, v9;
	_ =	sdelay $0x3  }
0x37e: {  	[tilespmem:$0x12180] =	vst v11  }
0x37f: {  	v11 =	vld.idx.msk [tilespmem:v20+s12+$0x0], $0xffff  }
0x380: {  	v21 =	vadd.s32 $0x3E8, v8;
	_ =	sdelay $0x3  }
0x381: {  	[tilespmem:$0x12190] =	vst v11  }
0x382: {  	v11 =	vld.idx.msk [tilespmem:v21+s12+$0x0], $0xffff  }
0x383: {  	v22 =	vadd.s32 $0x3E8, v7;
	_ =	sdelay $0x3  }
0x384: {  	[tilespmem:$0x121A0] =	vst v11  }
0x385: {  	v11 =	vld.idx.msk [tilespmem:v22+s12+$0x0], $0xffff  }
0x386: {  	v23 =	vadd.s32 $0x3E8, v6;
	_ =	sdelay $0x3  }
0x387: {  	[tilespmem:$0x121B0] =	vst v11  }
0x388: {  	v11 =	vld.idx.msk [tilespmem:v23+s12+$0x0], $0xffff  }
0x389: {  	v24 =	vadd.s32 $0x3E8, v5;
	_ =	sdelay $0x3  }
0x38a: {  	[tilespmem:$0x121C0] =	vst v11  }
0x38b: {  	v11 =	vld.idx.msk [tilespmem:v24+s12+$0x0], $0xffff  }
0x38c: {  	v25 =	vadd.s32 $0x3E8, v4;
	_ =	sdelay $0x3  }
0x38d: {  	[tilespmem:$0x121D0] =	vst v11  }
0x38e: {  	v11 =	vld.idx.msk [tilespmem:v25+s12+$0x0], $0xffff  }
0x38f: {  	v26 =	vadd.s32 $0x3E8, v3;
	_ =	sdelay $0x3  }
0x390: {  	[tilespmem:$0x121E0] =	vst v11  }
0x391: {  	v11 =	vld.idx.msk [tilespmem:v26+s12+$0x0], $0xffff  }
0x392: {  	v27 =	vadd.s32 $0x7D0, v10;
	_ =	sdelay $0x3  }
0x393: {  	[tilespmem:$0x121F0] =	vst v11  }
0x394: {  	v11 =	vld.idx.msk [tilespmem:v27+s12+$0x0], $0xffff  }
0x395: {  	v28 =	vadd.s32 $0x7D0, v9;
	_ =	sdelay $0x3  }
0x396: {  	[tilespmem:$0x12200] =	vst v11  }
0x397: {  	v11 =	vld.idx.msk [tilespmem:v28+s12+$0x0], $0xffff  }
0x398: {  	v29 =	vadd.s32 $0x7D0, v8  }
0x399: {  	v13 =	vadd.s32 $0x1F40, v10  }
0x39a: {  	v14 =	vadd.s32 $0x3E80, v10  }
0x39b: {  	v15 =	vadd.s32 $0x5DC0, v10  }
0x39c: {  	[tilespmem:$0x12210] =	vst v11  }
0x39d: {  	v11 =	vld.idx.msk [tilespmem:v29+s12+$0x0], $0xffff  }
0x39e: {  	v12 =	vld.idx.msk [tilespmem:v13+s12+$0x0], $0xffff  }
0x39f: {  	v30 =	vadd.s32 $0x1F40, v9;
	v14 =	vld.idx.msk [tilespmem:v14+s12+$0x0], $0xffff  }
0x3a0: {  	v16 =	vadd.s32 $0x3E80, v9;
	v15 =	vld.idx.msk [tilespmem:v15+s12+$0x0], $0xffff  }
0x3a1: {  	v17 =	vadd.s32 $0x5DC0, v9;
	_ =	sdelay $0x1  }
0x3a2: {  	[tilespmem:$0x12500] =	vst v12  }
0x3a3: {  	[tilespmem:$0x12900] =	vst v14;
	v12 =	vld.idx.msk [tilespmem:v30+s12+$0x0], $0xffff  }
0x3a4: {  	v31 =	vadd.s32 $0x1F40, v8;
	[tilespmem:$0x12D00] =	vst v15;
	v14 =	vld.idx.msk [tilespmem:v16+s12+$0x0], $0xffff  }
0x3a5: {  	v32 =	vadd.s32 $0x3E80, v8;
	v33 =	vld.idx.msk [tilespmem:v17+s12+$0x0], $0xffff  }
0x3a6: {  	v34 =	vadd.s32 $0x5DC0, v8;
	_ =	sdelay $0x1  }
0x3a7: {  	[tilespmem:$0x12510] =	vst v12  }
0x3a8: {  	[tilespmem:$0x12910] =	vst v14;
	v12 =	vld.idx.msk [tilespmem:v31+s12+$0x0], $0xffff  }
0x3a9: {  	v35 =	vadd.s32 $0x1F40, v7;
	[tilespmem:$0x12D10] =	vst v33;
	v14 =	vld.idx.msk [tilespmem:v32+s12+$0x0], $0xffff  }
0x3aa: {  	v36 =	vadd.s32 $0x3E80, v7;
	v16 =	vld.idx.msk [tilespmem:v34+s12+$0x0], $0xffff  }
0x3ab: {  	v37 =	vadd.s32 $0x5DC0, v7;
	_ =	sdelay $0x1  }
0x3ac: {  	[tilespmem:$0x12520] =	vst v12  }
0x3ad: {  	[tilespmem:$0x12920] =	vst v14;
	v12 =	vld.idx.msk [tilespmem:v35+s12+$0x0], $0xffff  }
0x3ae: {  	v38 =	vadd.s32 $0x1F40, v6;
	[tilespmem:$0x12D20] =	vst v16;
	v14 =	vld.idx.msk [tilespmem:v36+s12+$0x0], $0xffff  }
0x3af: {  	v39 =	vadd.s32 $0x3E80, v6;
	v16 =	vld.idx.msk [tilespmem:v37+s12+$0x0], $0xffff  }
0x3b0: {  	v40 =	vadd.s32 $0x5DC0, v6;
	_ =	sdelay $0x1  }
0x3b1: {  	[tilespmem:$0x12530] =	vst v12  }
0x3b2: {  	[tilespmem:$0x12930] =	vst v14;
	v12 =	vld.idx.msk [tilespmem:v38+s12+$0x0], $0xffff  }
0x3b3: {  	v41 =	vadd.s32 $0x1F40, v5;
	[tilespmem:$0x12D30] =	vst v16;
	v14 =	vld.idx.msk [tilespmem:v39+s12+$0x0], $0xffff  }
0x3b4: {  	v42 =	vadd.s32 $0x3E80, v5;
	v16 =	vld.idx.msk [tilespmem:v40+s12+$0x0], $0xffff  }
0x3b5: {  	v43 =	vadd.s32 $0x5DC0, v5;
	_ =	sdelay $0x1  }
0x3b6: {  	[tilespmem:$0x12540] =	vst v12  }
0x3b7: {  	[tilespmem:$0x12940] =	vst v14;
	v12 =	vld.idx.msk [tilespmem:v41+s12+$0x0], $0xffff  }
0x3b8: {  	v44 =	vadd.s32 $0x1F40, v4;
	[tilespmem:$0x12D40] =	vst v16;
	v14 =	vld.idx.msk [tilespmem:v42+s12+$0x0], $0xffff  }
0x3b9: {  	v45 =	vadd.s32 $0x3E80, v4;
	v16 =	vld.idx.msk [tilespmem:v43+s12+$0x0], $0xffff  }
0x3ba: {  	v46 =	vadd.s32 $0x5DC0, v4;
	_ =	sdelay $0x1  }
0x3bb: {  	[tilespmem:$0x12550] =	vst v12  }
0x3bc: {  	[tilespmem:$0x12950] =	vst v14;
	v12 =	vld.idx.msk [tilespmem:v44+s12+$0x0], $0xffff  }
0x3bd: {  	v47 =	vadd.s32 $0x1F40, v3;
	[tilespmem:$0x12D50] =	vst v16;
	v14 =	vld.idx.msk [tilespmem:v45+s12+$0x0], $0xffff  }
0x3be: {  	v48 =	vadd.s32 $0x3E80, v3;
	v16 =	vld.idx.msk [tilespmem:v46+s12+$0x0], $0xffff  }
0x3bf: {  	v49 =	vadd.s32 $0x5DC0, v3;
	_ =	sdelay $0x1  }
0x3c0: {  	[tilespmem:$0x12560] =	vst v12  }
0x3c1: {  	[tilespmem:$0x12960] =	vst v14;
	v12 =	vld.idx.msk [tilespmem:v47+s12+$0x0], $0xffff  }
0x3c2: {  	v50 =	vadd.s32 $0x2328, v10;
	[tilespmem:$0x12D60] =	vst v16;
	v14 =	vld.idx.msk [tilespmem:v48+s12+$0x0], $0xffff  }
0x3c3: {  	v51 =	vadd.s32 $0x4268, v10;
	v16 =	vld.idx.msk [tilespmem:v49+s12+$0x0], $0xffff  }
0x3c4: {  	v52 =	vadd.s32 $0x61A8, v10;
	_ =	sdelay $0x1  }
0x3c5: {  	[tilespmem:$0x12570] =	vst v12  }
0x3c6: {  	[tilespmem:$0x12970] =	vst v14;
	v12 =	vld.idx.msk [tilespmem:v50+s12+$0x0], $0xffff  }
0x3c7: {  	v53 =	vadd.s32 $0x2328, v9;
	[tilespmem:$0x12D70] =	vst v16;
	v14 =	vld.idx.msk [tilespmem:v51+s12+$0x0], $0xffff  }
0x3c8: {  	v54 =	vadd.s32 $0x4268, v9;
	v16 =	vld.idx.msk [tilespmem:v52+s12+$0x0], $0xffff  }
0x3c9: {  	v55 =	vadd.s32 $0x61A8, v9;
	_ =	sdelay $0x1  }
0x3ca: {  	[tilespmem:$0x12580] =	vst v12  }
0x3cb: {  	[tilespmem:$0x12980] =	vst v14;
	v12 =	vld.idx.msk [tilespmem:v53+s12+$0x0], $0xffff  }
0x3cc: {  	v56 =	vadd.s32 $0x2328, v8;
	[tilespmem:$0x12D80] =	vst v16;
	v14 =	vld.idx.msk [tilespmem:v54+s12+$0x0], $0xffff  }
0x3cd: {  	v57 =	vadd.s32 $0x4268, v8;
	v16 =	vld.idx.msk [tilespmem:v55+s12+$0x0], $0xffff  }
0x3ce: {  	v58 =	vadd.s32 $0x61A8, v8;
	_ =	sdelay $0x1  }
0x3cf: {  	[tilespmem:$0x12590] =	vst v12  }
0x3d0: {  	[tilespmem:$0x12990] =	vst v14;
	v12 =	vld.idx.msk [tilespmem:v56+s12+$0x0], $0xffff  }
0x3d1: {  	v59 =	vadd.s32 $0x2328, v7;
	[tilespmem:$0x12D90] =	vst v16;
	v14 =	vld.idx.msk [tilespmem:v57+s12+$0x0], $0xffff  }
0x3d2: {  	v60 =	vadd.s32 $0x4268, v7;
	v16 =	vld.idx.msk [tilespmem:v58+s12+$0x0], $0xffff  }
0x3d3: {  	v61 =	vadd.s32 $0x61A8, v7;
	_ =	sdelay $0x1  }
0x3d4: {  	[tilespmem:$0x125A0] =	vst v12  }
0x3d5: {  	[tilespmem:$0x129A0] =	vst v14;
	v12 =	vld.idx.msk [tilespmem:v59+s12+$0x0], $0xffff  }
0x3d6: {  	v62 =	vadd.s32 $0x2328, v6;
	[tilespmem:$0x12DA0] =	vst v16;
	v14 =	vld.idx.msk [tilespmem:v60+s12+$0x0], $0xffff  }
0x3d7: {  	v63 =	vadd.s32 $0x4268, v6;
	v16 =	vld.idx.msk [tilespmem:v61+s12+$0x0], $0xffff  }
0x3d8: {  	v20 =	vadd.s32 $0x61A8, v6;
	_ =	sdelay $0x1  }
0x3d9: {  	[tilespmem:$0x125B0] =	vst v12  }
0x3da: {  	[tilespmem:$0x129B0] =	vst v14;
	v12 =	vld.idx.msk [tilespmem:v62+s12+$0x0], $0xffff  }
0x3db: {  	v21 =	vadd.s32 $0x2328, v5;
	[tilespmem:$0x12DB0] =	vst v16;
	v14 =	vld.idx.msk [tilespmem:v63+s12+$0x0], $0xffff  }
0x3dc: {  	v22 =	vadd.s32 $0x4268, v5;
	v16 =	vld.idx.msk [tilespmem:v20+s12+$0x0], $0xffff  }
0x3dd: {  	v23 =	vadd.s32 $0x61A8, v5;
	_ =	sdelay $0x1  }
0x3de: {  	[tilespmem:$0x125C0] =	vst v12  }
0x3df: {  	[tilespmem:$0x129C0] =	vst v14;
	v12 =	vld.idx.msk [tilespmem:v21+s12+$0x0], $0xffff  }
0x3e0: {  	v24 =	vadd.s32 $0x2328, v4;
	[tilespmem:$0x12DC0] =	vst v16;
	v14 =	vld.idx.msk [tilespmem:v22+s12+$0x0], $0xffff  }
0x3e1: {  	v25 =	vadd.s32 $0x4268, v4;
	v16 =	vld.idx.msk [tilespmem:v23+s12+$0x0], $0xffff  }
0x3e2: {  	v26 =	vadd.s32 $0x61A8, v4;
	_ =	sdelay $0x1  }
0x3e3: {  	[tilespmem:$0x125D0] =	vst v12  }
0x3e4: {  	[tilespmem:$0x129D0] =	vst v14;
	v12 =	vld.idx.msk [tilespmem:v24+s12+$0x0], $0xffff  }
0x3e5: {  	v27 =	vadd.s32 $0x2328, v3;
	[tilespmem:$0x12DD0] =	vst v16;
	v14 =	vld.idx.msk [tilespmem:v25+s12+$0x0], $0xffff  }
0x3e6: {  	v28 =	vadd.s32 $0x4268, v3;
	v16 =	vld.idx.msk [tilespmem:v26+s12+$0x0], $0xffff  }
0x3e7: {  	v29 =	vadd.s32 $0x61A8, v3;
	_ =	sdelay $0x1  }
0x3e8: {  	[tilespmem:$0x125E0] =	vst v12  }
0x3e9: {  	[tilespmem:$0x129E0] =	vst v14;
	v12 =	vld.idx.msk [tilespmem:v27+s12+$0x0], $0xffff  }
0x3ea: {  	v30 =	vadd.s32 $0x2710, v10;
	[tilespmem:$0x12DE0] =	vst v16;
	v14 =	vld.idx.msk [tilespmem:v28+s12+$0x0], $0xffff  }
0x3eb: {  	v31 =	vadd.s32 $0x4650, v10;
	v16 =	vld.idx.msk [tilespmem:v29+s12+$0x0], $0xffff  }
0x3ec: {  	v32 =	vadd.s32 $0x6590, v10;
	_ =	sdelay $0x1  }
0x3ed: {  	[tilespmem:$0x125F0] =	vst v12  }
0x3ee: {  	[tilespmem:$0x129F0] =	vst v14;
	v12 =	vld.idx.msk [tilespmem:v30+s12+$0x0], $0xffff  }
0x3ef: {  	v33 =	vadd.s32 $0x2710, v9;
	[tilespmem:$0x12DF0] =	vst v16;
	v14 =	vld.idx.msk [tilespmem:v31+s12+$0x0], $0xffff  }
0x3f0: {  	v34 =	vadd.s32 $0x4650, v9;
	v16 =	vld.idx.msk [tilespmem:v32+s12+$0x0], $0xffff  }
0x3f1: {  	v35 =	vadd.s32 $0x6590, v9;
	_ =	sdelay $0x1  }
0x3f2: {  	[tilespmem:$0x12600] =	vst v12  }
0x3f3: {  	[tilespmem:$0x12A00] =	vst v14;
	v12 =	vld.idx.msk [tilespmem:v33+s12+$0x0], $0xffff  }
0x3f4: {  	v36 =	vadd.s32 $0x2710, v8;
	[tilespmem:$0x12E00] =	vst v16;
	v14 =	vld.idx.msk [tilespmem:v34+s12+$0x0], $0xffff  }
0x3f5: {  	v37 =	vadd.s32 $0x4650, v8;
	v16 =	vld.idx.msk [tilespmem:v35+s12+$0x0], $0xffff  }
0x3f6: {  	v38 =	vadd.s32 $0x6590, v8;
	_ =	sdelay $0x1  }
0x3f7: {  	[tilespmem:$0x12610] =	vst v12  }
0x3f8: {  	v39 =	vadd.s32 $0x7D0, v7;
	[tilespmem:$0x12A10] =	vst v14;
	v13 =	vld.idx.msk [tilespmem:v36+s12+$0x0], $0xffff  }
0x3f9: {  	v40 =	vadd.s32 $0x2710, v7;
	[tilespmem:$0x12E10] =	vst v16;
	v15 =	vld.idx.msk [tilespmem:v37+s12+$0x0], $0xffff  }
0x3fa: {  	v41 =	vadd.s32 $0x4650, v7;
	v17 =	vld.idx.msk [tilespmem:v38+s12+$0x0], $0xffff  }
0x3fb: {  	v18 =	vadd.s32 $0x6590, v7  }
0x3fc: {  	[tilespmem:$0x12220] =	vst v11  }
0x3fd: {  	v11 =	vld.idx.msk [tilespmem:v39+s12+$0x0], $0xffff;
	[tilespmem:$0x12620] =	vst v13  }
0x3fe: {  	v42 =	vadd.s32 $0x7D0, v6;
	[tilespmem:$0x12A20] =	vst v15;
	v13 =	vld.idx.msk [tilespmem:v40+s12+$0x0], $0xffff  }
0x3ff: {  	v43 =	vadd.s32 $0x2710, v6;
	[tilespmem:$0x12E20] =	vst v17;
	v15 =	vld.idx.msk [tilespmem:v41+s12+$0x0], $0xffff  }
0x400: {  	v44 =	vadd.s32 $0x4650, v6;
	v17 =	vld.idx.msk [tilespmem:v18+s12+$0x0], $0xffff  }
0x401: {  	v45 =	vadd.s32 $0x6590, v6  }
0x402: {  	[tilespmem:$0x12230] =	vst v11  }
0x403: {  	v11 =	vld.idx.msk [tilespmem:v42+s12+$0x0], $0xffff;
	[tilespmem:$0x12630] =	vst v13  }
0x404: {  	v46 =	vadd.s32 $0x7D0, v5;
	[tilespmem:$0x12A30] =	vst v15;
	v13 =	vld.idx.msk [tilespmem:v43+s12+$0x0], $0xffff  }
0x405: {  	v47 =	vadd.s32 $0x2710, v5;
	[tilespmem:$0x12E30] =	vst v17;
	v15 =	vld.idx.msk [tilespmem:v44+s12+$0x0], $0xffff  }
0x406: {  	v48 =	vadd.s32 $0x4650, v5;
	v17 =	vld.idx.msk [tilespmem:v45+s12+$0x0], $0xffff  }
0x407: {  	v49 =	vadd.s32 $0x6590, v5  }
0x408: {  	[tilespmem:$0x12240] =	vst v11  }
0x409: {  	v11 =	vld.idx.msk [tilespmem:v46+s12+$0x0], $0xffff;
	[tilespmem:$0x12640] =	vst v13  }
0x40a: {  	v50 =	vadd.s32 $0x7D0, v4;
	[tilespmem:$0x12A40] =	vst v15;
	v13 =	vld.idx.msk [tilespmem:v47+s12+$0x0], $0xffff  }
0x40b: {  	v51 =	vadd.s32 $0x2710, v4;
	[tilespmem:$0x12E40] =	vst v17;
	v15 =	vld.idx.msk [tilespmem:v48+s12+$0x0], $0xffff  }
0x40c: {  	v52 =	vadd.s32 $0x4650, v4;
	v17 =	vld.idx.msk [tilespmem:v49+s12+$0x0], $0xffff  }
0x40d: {  	v53 =	vadd.s32 $0x6590, v4  }
0x40e: {  	[tilespmem:$0x12250] =	vst v11  }
0x40f: {  	v11 =	vld.idx.msk [tilespmem:v50+s12+$0x0], $0xffff;
	[tilespmem:$0x12650] =	vst v13  }
0x410: {  	v54 =	vadd.s32 $0x7D0, v3;
	[tilespmem:$0x12A50] =	vst v15;
	v13 =	vld.idx.msk [tilespmem:v51+s12+$0x0], $0xffff  }
0x411: {  	v55 =	vadd.s32 $0x2710, v3;
	[tilespmem:$0x12E50] =	vst v17;
	v15 =	vld.idx.msk [tilespmem:v52+s12+$0x0], $0xffff  }
0x412: {  	v56 =	vadd.s32 $0x4650, v3;
	v17 =	vld.idx.msk [tilespmem:v53+s12+$0x0], $0xffff  }
0x413: {  	v57 =	vadd.s32 $0x6590, v3  }
0x414: {  	[tilespmem:$0x12260] =	vst v11  }
0x415: {  	v11 =	vld.idx.msk [tilespmem:v54+s12+$0x0], $0xffff;
	[tilespmem:$0x12660] =	vst v13  }
0x416: {  	v58 =	vadd.s32 $0xBB8, v10;
	[tilespmem:$0x12A60] =	vst v15;
	v13 =	vld.idx.msk [tilespmem:v55+s12+$0x0], $0xffff  }
0x417: {  	v59 =	vadd.s32 $0x2AF8, v10;
	[tilespmem:$0x12E60] =	vst v17;
	v15 =	vld.idx.msk [tilespmem:v56+s12+$0x0], $0xffff  }
0x418: {  	v60 =	vadd.s32 $0x4A38, v10;
	v17 =	vld.idx.msk [tilespmem:v57+s12+$0x0], $0xffff  }
0x419: {  	v61 =	vadd.s32 $0x6978, v10  }
0x41a: {  	[tilespmem:$0x12270] =	vst v11  }
0x41b: {  	v11 =	vld.idx.msk [tilespmem:v58+s12+$0x0], $0xffff;
	[tilespmem:$0x12670] =	vst v13  }
0x41c: {  	v62 =	vadd.s32 $0xBB8, v9;
	[tilespmem:$0x12A70] =	vst v15;
	v13 =	vld.idx.msk [tilespmem:v59+s12+$0x0], $0xffff  }
0x41d: {  	v63 =	vadd.s32 $0x2AF8, v9;
	[tilespmem:$0x12E70] =	vst v17;
	v15 =	vld.idx.msk [tilespmem:v60+s12+$0x0], $0xffff  }
0x41e: {  	v21 =	vadd.s32 $0x4A38, v9;
	v17 =	vld.idx.msk [tilespmem:v61+s12+$0x0], $0xffff  }
0x41f: {  	v22 =	vadd.s32 $0x6978, v9  }
0x420: {  	[tilespmem:$0x12280] =	vst v11  }
0x421: {  	v11 =	vld.idx.msk [tilespmem:v62+s12+$0x0], $0xffff;
	[tilespmem:$0x12680] =	vst v13  }
0x422: {  	v23 =	vadd.s32 $0xBB8, v8;
	[tilespmem:$0x12A80] =	vst v15;
	v13 =	vld.idx.msk [tilespmem:v63+s12+$0x0], $0xffff  }
0x423: {  	v24 =	vadd.s32 $0x2AF8, v8;
	[tilespmem:$0x12E80] =	vst v17;
	v15 =	vld.idx.msk [tilespmem:v21+s12+$0x0], $0xffff  }
0x424: {  	v25 =	vadd.s32 $0x4A38, v8;
	v17 =	vld.idx.msk [tilespmem:v22+s12+$0x0], $0xffff  }
0x425: {  	v26 =	vadd.s32 $0x6978, v8  }
0x426: {  	[tilespmem:$0x12290] =	vst v11  }
0x427: {  	v11 =	vld.idx.msk [tilespmem:v23+s12+$0x0], $0xffff;
	[tilespmem:$0x12690] =	vst v13  }
0x428: {  	v27 =	vadd.s32 $0xBB8, v7;
	[tilespmem:$0x12A90] =	vst v15;
	v13 =	vld.idx.msk [tilespmem:v24+s12+$0x0], $0xffff  }
0x429: {  	v28 =	vadd.s32 $0x2AF8, v7;
	[tilespmem:$0x12E90] =	vst v17;
	v15 =	vld.idx.msk [tilespmem:v25+s12+$0x0], $0xffff  }
0x42a: {  	v29 =	vadd.s32 $0x4A38, v7;
	v17 =	vld.idx.msk [tilespmem:v26+s12+$0x0], $0xffff  }
0x42b: {  	v30 =	vadd.s32 $0x6978, v7  }
0x42c: {  	[tilespmem:$0x122A0] =	vst v11  }
0x42d: {  	v11 =	vld.idx.msk [tilespmem:v27+s12+$0x0], $0xffff;
	[tilespmem:$0x126A0] =	vst v13  }
0x42e: {  	v31 =	vadd.s32 $0xBB8, v6;
	[tilespmem:$0x12AA0] =	vst v15;
	v13 =	vld.idx.msk [tilespmem:v28+s12+$0x0], $0xffff  }
0x42f: {  	v32 =	vadd.s32 $0x2AF8, v6;
	[tilespmem:$0x12EA0] =	vst v17;
	v15 =	vld.idx.msk [tilespmem:v29+s12+$0x0], $0xffff  }
0x430: {  	v33 =	vadd.s32 $0x4A38, v6;
	v17 =	vld.idx.msk [tilespmem:v30+s12+$0x0], $0xffff  }
0x431: {  	v34 =	vadd.s32 $0x6978, v6  }
0x432: {  	[tilespmem:$0x122B0] =	vst v11  }
0x433: {  	v11 =	vld.idx.msk [tilespmem:v31+s12+$0x0], $0xffff;
	[tilespmem:$0x126B0] =	vst v13  }
0x434: {  	v35 =	vadd.s32 $0xBB8, v5;
	[tilespmem:$0x12AB0] =	vst v15;
	v13 =	vld.idx.msk [tilespmem:v32+s12+$0x0], $0xffff  }
0x435: {  	v36 =	vadd.s32 $0x2AF8, v5;
	[tilespmem:$0x12EB0] =	vst v17;
	v15 =	vld.idx.msk [tilespmem:v33+s12+$0x0], $0xffff  }
0x436: {  	v37 =	vadd.s32 $0x4A38, v5;
	v17 =	vld.idx.msk [tilespmem:v34+s12+$0x0], $0xffff  }
0x437: {  	v38 =	vadd.s32 $0x6978, v5  }
0x438: {  	[tilespmem:$0x122C0] =	vst v11  }
0x439: {  	v11 =	vld.idx.msk [tilespmem:v35+s12+$0x0], $0xffff;
	[tilespmem:$0x126C0] =	vst v13  }
0x43a: {  	v39 =	vadd.s32 $0xBB8, v4;
	[tilespmem:$0x12AC0] =	vst v15;
	v13 =	vld.idx.msk [tilespmem:v36+s12+$0x0], $0xffff  }
0x43b: {  	v40 =	vadd.s32 $0x2AF8, v4;
	[tilespmem:$0x12EC0] =	vst v17;
	v15 =	vld.idx.msk [tilespmem:v37+s12+$0x0], $0xffff  }
0x43c: {  	v41 =	vadd.s32 $0x4A38, v4;
	v17 =	vld.idx.msk [tilespmem:v38+s12+$0x0], $0xffff  }
0x43d: {  	v42 =	vadd.s32 $0x6978, v4  }
0x43e: {  	[tilespmem:$0x122D0] =	vst v11  }
0x43f: {  	v11 =	vld.idx.msk [tilespmem:v39+s12+$0x0], $0xffff;
	[tilespmem:$0x126D0] =	vst v13  }
0x440: {  	v43 =	vadd.s32 $0xBB8, v3;
	[tilespmem:$0x12AD0] =	vst v15;
	v13 =	vld.idx.msk [tilespmem:v40+s12+$0x0], $0xffff  }
0x441: {  	v44 =	vadd.s32 $0x2AF8, v3;
	[tilespmem:$0x12ED0] =	vst v17;
	v15 =	vld.idx.msk [tilespmem:v41+s12+$0x0], $0xffff  }
0x442: {  	v45 =	vadd.s32 $0x4A38, v3;
	v17 =	vld.idx.msk [tilespmem:v42+s12+$0x0], $0xffff  }
0x443: {  	v46 =	vadd.s32 $0x6978, v3  }
0x444: {  	[tilespmem:$0x122E0] =	vst v11  }
0x445: {  	v11 =	vld.idx.msk [tilespmem:v43+s12+$0x0], $0xffff;
	[tilespmem:$0x126E0] =	vst v13  }
0x446: {  	v47 =	vadd.s32 $0xFA0, v10;
	[tilespmem:$0x12AE0] =	vst v15;
	v13 =	vld.idx.msk [tilespmem:v44+s12+$0x0], $0xffff  }
0x447: {  	v48 =	vadd.s32 $0x2EE0, v10;
	[tilespmem:$0x12EE0] =	vst v17;
	v15 =	vld.idx.msk [tilespmem:v45+s12+$0x0], $0xffff  }
0x448: {  	v49 =	vadd.s32 $0x4E20, v10;
	v17 =	vld.idx.msk [tilespmem:v46+s12+$0x0], $0xffff  }
0x449: {  	v50 =	vadd.s32 $0x6D60, v10  }
0x44a: {  	[tilespmem:$0x122F0] =	vst v11  }
0x44b: {  	v11 =	vld.idx.msk [tilespmem:v47+s12+$0x0], $0xffff;
	[tilespmem:$0x126F0] =	vst v13  }
0x44c: {  	v51 =	vadd.s32 $0xFA0, v9;
	[tilespmem:$0x12AF0] =	vst v15;
	v13 =	vld.idx.msk [tilespmem:v48+s12+$0x0], $0xffff  }
0x44d: {  	v52 =	vadd.s32 $0x2EE0, v9;
	[tilespmem:$0x12EF0] =	vst v17;
	v15 =	vld.idx.msk [tilespmem:v49+s12+$0x0], $0xffff  }
0x44e: {  	v53 =	vadd.s32 $0x4E20, v9;
	v17 =	vld.idx.msk [tilespmem:v50+s12+$0x0], $0xffff  }
0x44f: {  	v54 =	vadd.s32 $0x6D60, v9  }
0x450: {  	[tilespmem:$0x12300] =	vst v11  }
0x451: {  	v11 =	vld.idx.msk [tilespmem:v51+s12+$0x0], $0xffff;
	[tilespmem:$0x12700] =	vst v13  }
0x452: {  	v55 =	vadd.s32 $0xFA0, v8;
	[tilespmem:$0x12B00] =	vst v15;
	v13 =	vld.idx.msk [tilespmem:v52+s12+$0x0], $0xffff  }
0x453: {  	v56 =	vadd.s32 $0x2EE0, v8;
	[tilespmem:$0x12F00] =	vst v17;
	v15 =	vld.idx.msk [tilespmem:v53+s12+$0x0], $0xffff  }
0x454: {  	v57 =	vadd.s32 $0x4E20, v8;
	v17 =	vld.idx.msk [tilespmem:v54+s12+$0x0], $0xffff  }
0x455: {  	v58 =	vadd.s32 $0x6D60, v8  }
0x456: {  	[tilespmem:$0x12310] =	vst v11  }
0x457: {  	v11 =	vld.idx.msk [tilespmem:v55+s12+$0x0], $0xffff;
	[tilespmem:$0x12710] =	vst v13  }
0x458: {  	v59 =	vadd.s32 $0xFA0, v7;
	[tilespmem:$0x12B10] =	vst v15;
	v13 =	vld.idx.msk [tilespmem:v56+s12+$0x0], $0xffff  }
0x459: {  	v60 =	vadd.s32 $0x2EE0, v7;
	[tilespmem:$0x12F10] =	vst v17;
	v15 =	vld.idx.msk [tilespmem:v57+s12+$0x0], $0xffff  }
0x45a: {  	v61 =	vadd.s32 $0x4E20, v7;
	v17 =	vld.idx.msk [tilespmem:v58+s12+$0x0], $0xffff  }
0x45b: {  	v62 =	vadd.s32 $0x6D60, v7  }
0x45c: {  	[tilespmem:$0x12320] =	vst v11  }
0x45d: {  	v11 =	vld.idx.msk [tilespmem:v59+s12+$0x0], $0xffff;
	[tilespmem:$0x12720] =	vst v13  }
0x45e: {  	v63 =	vadd.s32 $0xFA0, v6;
	[tilespmem:$0x12B20] =	vst v15;
	v13 =	vld.idx.msk [tilespmem:v60+s12+$0x0], $0xffff  }
0x45f: {  	v21 =	vadd.s32 $0x2EE0, v6;
	[tilespmem:$0x12F20] =	vst v17;
	v15 =	vld.idx.msk [tilespmem:v61+s12+$0x0], $0xffff  }
0x460: {  	v22 =	vadd.s32 $0x4E20, v6;
	v17 =	vld.idx.msk [tilespmem:v62+s12+$0x0], $0xffff  }
0x461: {  	v23 =	vadd.s32 $0x6D60, v6  }
0x462: {  	[tilespmem:$0x12330] =	vst v11  }
0x463: {  	v11 =	vld.idx.msk [tilespmem:v63+s12+$0x0], $0xffff;
	[tilespmem:$0x12730] =	vst v13  }
0x464: {  	v24 =	vadd.s32 $0xFA0, v5;
	[tilespmem:$0x12B30] =	vst v15;
	v13 =	vld.idx.msk [tilespmem:v21+s12+$0x0], $0xffff  }
0x465: {  	v25 =	vadd.s32 $0x2EE0, v5;
	[tilespmem:$0x12F30] =	vst v17;
	v15 =	vld.idx.msk [tilespmem:v22+s12+$0x0], $0xffff  }
0x466: {  	v26 =	vadd.s32 $0x4E20, v5;
	v17 =	vld.idx.msk [tilespmem:v23+s12+$0x0], $0xffff  }
0x467: {  	v27 =	vadd.s32 $0x6D60, v5  }
0x468: {  	[tilespmem:$0x12340] =	vst v11  }
0x469: {  	v11 =	vld.idx.msk [tilespmem:v24+s12+$0x0], $0xffff;
	[tilespmem:$0x12740] =	vst v13  }
0x46a: {  	v28 =	vadd.s32 $0xFA0, v4;
	[tilespmem:$0x12B40] =	vst v15;
	v13 =	vld.idx.msk [tilespmem:v25+s12+$0x0], $0xffff  }
0x46b: {  	v29 =	vadd.s32 $0x2EE0, v4;
	[tilespmem:$0x12F40] =	vst v17;
	v15 =	vld.idx.msk [tilespmem:v26+s12+$0x0], $0xffff  }
0x46c: {  	v30 =	vadd.s32 $0x4E20, v4;
	v17 =	vld.idx.msk [tilespmem:v27+s12+$0x0], $0xffff  }
0x46d: {  	v31 =	vadd.s32 $0x6D60, v4  }
0x46e: {  	[tilespmem:$0x12350] =	vst v11  }
0x46f: {  	v11 =	vld.idx.msk [tilespmem:v28+s12+$0x0], $0xffff;
	[tilespmem:$0x12750] =	vst v13  }
0x470: {  	v32 =	vadd.s32 $0xFA0, v3;
	[tilespmem:$0x12B50] =	vst v15;
	v13 =	vld.idx.msk [tilespmem:v29+s12+$0x0], $0xffff  }
0x471: {  	v33 =	vadd.s32 $0x2EE0, v3;
	[tilespmem:$0x12F50] =	vst v17;
	v15 =	vld.idx.msk [tilespmem:v30+s12+$0x0], $0xffff  }
0x472: {  	v34 =	vadd.s32 $0x4E20, v3;
	v17 =	vld.idx.msk [tilespmem:v31+s12+$0x0], $0xffff  }
0x473: {  	v35 =	vadd.s32 $0x6D60, v3  }
0x474: {  	[tilespmem:$0x12360] =	vst v11  }
0x475: {  	v11 =	vld.idx.msk [tilespmem:v32+s12+$0x0], $0xffff;
	[tilespmem:$0x12760] =	vst v13  }
0x476: {  	v36 =	vadd.s32 $0x1388, v10;
	[tilespmem:$0x12B60] =	vst v15;
	v13 =	vld.idx.msk [tilespmem:v33+s12+$0x0], $0xffff  }
0x477: {  	v37 =	vadd.s32 $0x32C8, v10;
	[tilespmem:$0x12F60] =	vst v17;
	v15 =	vld.idx.msk [tilespmem:v34+s12+$0x0], $0xffff  }
0x478: {  	v38 =	vadd.s32 $0x5208, v10;
	v17 =	vld.idx.msk [tilespmem:v35+s12+$0x0], $0xffff  }
0x479: {  	v39 =	vadd.s32 $0x7148, v10  }
0x47a: {  	[tilespmem:$0x12370] =	vst v11  }
0x47b: {  	v11 =	vld.idx.msk [tilespmem:v36+s12+$0x0], $0xffff;
	[tilespmem:$0x12770] =	vst v13  }
0x47c: {  	v40 =	vadd.s32 $0x1388, v9;
	[tilespmem:$0x12B70] =	vst v15;
	v13 =	vld.idx.msk [tilespmem:v37+s12+$0x0], $0xffff  }
0x47d: {  	v41 =	vadd.s32 $0x32C8, v9;
	[tilespmem:$0x12F70] =	vst v17;
	v15 =	vld.idx.msk [tilespmem:v38+s12+$0x0], $0xffff  }
0x47e: {  	v42 =	vadd.s32 $0x5208, v9;
	v17 =	vld.idx.msk [tilespmem:v39+s12+$0x0], $0xffff  }
0x47f: {  	v43 =	vadd.s32 $0x7148, v9  }
0x480: {  	[tilespmem:$0x12380] =	vst v11  }
0x481: {  	v11 =	vld.idx.msk [tilespmem:v40+s12+$0x0], $0xffff;
	[tilespmem:$0x12780] =	vst v13  }
0x482: {  	v44 =	vadd.s32 $0x1388, v8;
	[tilespmem:$0x12B80] =	vst v15;
	v13 =	vld.idx.msk [tilespmem:v41+s12+$0x0], $0xffff  }
0x483: {  	v45 =	vadd.s32 $0x32C8, v8;
	[tilespmem:$0x12F80] =	vst v17;
	v15 =	vld.idx.msk [tilespmem:v42+s12+$0x0], $0xffff  }
0x484: {  	v46 =	vadd.s32 $0x5208, v8;
	v17 =	vld.idx.msk [tilespmem:v43+s12+$0x0], $0xffff  }
0x485: {  	v47 =	vadd.s32 $0x7148, v8  }
0x486: {  	[tilespmem:$0x12390] =	vst v11  }
0x487: {  	v11 =	vld.idx.msk [tilespmem:v44+s12+$0x0], $0xffff;
	[tilespmem:$0x12790] =	vst v13  }
0x488: {  	v48 =	vadd.s32 $0x1388, v7;
	[tilespmem:$0x12B90] =	vst v15;
	v13 =	vld.idx.msk [tilespmem:v45+s12+$0x0], $0xffff  }
0x489: {  	v49 =	vadd.s32 $0x32C8, v7;
	[tilespmem:$0x12F90] =	vst v17;
	v15 =	vld.idx.msk [tilespmem:v46+s12+$0x0], $0xffff  }
0x48a: {  	v50 =	vadd.s32 $0x5208, v7;
	v17 =	vld.idx.msk [tilespmem:v47+s12+$0x0], $0xffff  }
0x48b: {  	v51 =	vadd.s32 $0x7148, v7  }
0x48c: {  	[tilespmem:$0x123A0] =	vst v11  }
0x48d: {  	v11 =	vld.idx.msk [tilespmem:v48+s12+$0x0], $0xffff;
	[tilespmem:$0x127A0] =	vst v13  }
0x48e: {  	v52 =	vadd.s32 $0x1388, v6;
	[tilespmem:$0x12BA0] =	vst v15;
	v13 =	vld.idx.msk [tilespmem:v49+s12+$0x0], $0xffff  }
0x48f: {  	v53 =	vadd.s32 $0x32C8, v6;
	[tilespmem:$0x12FA0] =	vst v17;
	v15 =	vld.idx.msk [tilespmem:v50+s12+$0x0], $0xffff  }
0x490: {  	v54 =	vadd.s32 $0x5208, v6;
	v17 =	vld.idx.msk [tilespmem:v51+s12+$0x0], $0xffff  }
0x491: {  	v55 =	vadd.s32 $0x7148, v6  }
0x492: {  	[tilespmem:$0x123B0] =	vst v11  }
0x493: {  	v11 =	vld.idx.msk [tilespmem:v52+s12+$0x0], $0xffff;
	[tilespmem:$0x127B0] =	vst v13  }
0x494: {  	v56 =	vadd.s32 $0x1388, v5;
	[tilespmem:$0x12BB0] =	vst v15;
	v13 =	vld.idx.msk [tilespmem:v53+s12+$0x0], $0xffff  }
0x495: {  	v57 =	vadd.s32 $0x32C8, v5;
	[tilespmem:$0x12FB0] =	vst v17;
	v15 =	vld.idx.msk [tilespmem:v54+s12+$0x0], $0xffff  }
0x496: {  	v58 =	vadd.s32 $0x5208, v5;
	v17 =	vld.idx.msk [tilespmem:v55+s12+$0x0], $0xffff  }
0x497: {  	v59 =	vadd.s32 $0x7148, v5  }
0x498: {  	[tilespmem:$0x123C0] =	vst v11  }
0x499: {  	v11 =	vld.idx.msk [tilespmem:v56+s12+$0x0], $0xffff;
	[tilespmem:$0x127C0] =	vst v13  }
0x49a: {  	v60 =	vadd.s32 $0x1388, v4;
	[tilespmem:$0x12BC0] =	vst v15;
	v13 =	vld.idx.msk [tilespmem:v57+s12+$0x0], $0xffff  }
0x49b: {  	v61 =	vadd.s32 $0x32C8, v4;
	[tilespmem:$0x12FC0] =	vst v17;
	v15 =	vld.idx.msk [tilespmem:v58+s12+$0x0], $0xffff  }
0x49c: {  	v62 =	vadd.s32 $0x5208, v4;
	v17 =	vld.idx.msk [tilespmem:v59+s12+$0x0], $0xffff  }
0x49d: {  	v63 =	vadd.s32 $0x7148, v4  }
0x49e: {  	[tilespmem:$0x123D0] =	vst v11  }
0x49f: {  	v11 =	vld.idx.msk [tilespmem:v60+s12+$0x0], $0xffff;
	[tilespmem:$0x127D0] =	vst v13  }
0x4a0: {  	v21 =	vadd.s32 $0x1388, v3;
	[tilespmem:$0x12BD0] =	vst v15;
	v13 =	vld.idx.msk [tilespmem:v61+s12+$0x0], $0xffff  }
0x4a1: {  	v22 =	vadd.s32 $0x32C8, v3;
	[tilespmem:$0x12FD0] =	vst v17;
	v15 =	vld.idx.msk [tilespmem:v62+s12+$0x0], $0xffff  }
0x4a2: {  	v23 =	vadd.s32 $0x5208, v3;
	v17 =	vld.idx.msk [tilespmem:v63+s12+$0x0], $0xffff  }
0x4a3: {  	v24 =	vadd.s32 $0x7148, v3  }
0x4a4: {  	[tilespmem:$0x123E0] =	vst v11  }
0x4a5: {  	v11 =	vld.idx.msk [tilespmem:v21+s12+$0x0], $0xffff;
	[tilespmem:$0x127E0] =	vst v13  }
0x4a6: {  	v25 =	vadd.s32 $0x1770, v10;
	[tilespmem:$0x12BE0] =	vst v15;
	v13 =	vld.idx.msk [tilespmem:v22+s12+$0x0], $0xffff  }
0x4a7: {  	v26 =	vadd.s32 $0x36B0, v10;
	[tilespmem:$0x12FE0] =	vst v17;
	v15 =	vld.idx.msk [tilespmem:v23+s12+$0x0], $0xffff  }
0x4a8: {  	v27 =	vadd.s32 $0x55F0, v10;
	v17 =	vld.idx.msk [tilespmem:v24+s12+$0x0], $0xffff  }
0x4a9: {  	v28 =	vadd.s32 $0x7530, v10  }
0x4aa: {  	[tilespmem:$0x123F0] =	vst v11  }
0x4ab: {  	v11 =	vld.idx.msk [tilespmem:v25+s12+$0x0], $0xffff;
	[tilespmem:$0x127F0] =	vst v13  }
0x4ac: {  	v29 =	vadd.s32 $0x1770, v9;
	[tilespmem:$0x12BF0] =	vst v15;
	v13 =	vld.idx.msk [tilespmem:v26+s12+$0x0], $0xffff  }
0x4ad: {  	v30 =	vadd.s32 $0x36B0, v9;
	[tilespmem:$0x12FF0] =	vst v17;
	v15 =	vld.idx.msk [tilespmem:v27+s12+$0x0], $0xffff  }
0x4ae: {  	v31 =	vadd.s32 $0x55F0, v9;
	v17 =	vld.idx.msk [tilespmem:v28+s12+$0x0], $0xffff  }
0x4af: {  	v32 =	vadd.s32 $0x7530, v9  }
0x4b0: {  	[tilespmem:$0x12400] =	vst v11  }
0x4b1: {  	v11 =	vld.idx.msk [tilespmem:v29+s12+$0x0], $0xffff;
	[tilespmem:$0x12800] =	vst v13  }
0x4b2: {  	v33 =	vadd.s32 $0x1770, v8;
	[tilespmem:$0x12C00] =	vst v15;
	v13 =	vld.idx.msk [tilespmem:v30+s12+$0x0], $0xffff  }
0x4b3: {  	v34 =	vadd.s32 $0x36B0, v8;
	[tilespmem:$0x13000] =	vst v17;
	v15 =	vld.idx.msk [tilespmem:v31+s12+$0x0], $0xffff  }
0x4b4: {  	v35 =	vadd.s32 $0x55F0, v8;
	v17 =	vld.idx.msk [tilespmem:v32+s12+$0x0], $0xffff  }
0x4b5: {  	v36 =	vadd.s32 $0x7530, v8  }
0x4b6: {  	[tilespmem:$0x12410] =	vst v11  }
0x4b7: {  	v11 =	vld.idx.msk [tilespmem:v33+s12+$0x0], $0xffff;
	[tilespmem:$0x12810] =	vst v13  }
0x4b8: {  	v37 =	vadd.s32 $0x1770, v7;
	[tilespmem:$0x12C10] =	vst v15;
	v13 =	vld.idx.msk [tilespmem:v34+s12+$0x0], $0xffff  }
0x4b9: {  	v38 =	vadd.s32 $0x36B0, v7;
	[tilespmem:$0x13010] =	vst v17;
	v15 =	vld.idx.msk [tilespmem:v35+s12+$0x0], $0xffff  }
0x4ba: {  	v39 =	vadd.s32 $0x55F0, v7;
	v17 =	vld.idx.msk [tilespmem:v36+s12+$0x0], $0xffff  }
0x4bb: {  	v40 =	vadd.s32 $0x7530, v7  }
0x4bc: {  	[tilespmem:$0x12420] =	vst v11  }
0x4bd: {  	v11 =	vld.idx.msk [tilespmem:v37+s12+$0x0], $0xffff;
	[tilespmem:$0x12820] =	vst v13  }
0x4be: {  	v41 =	vadd.s32 $0x1770, v6;
	[tilespmem:$0x12C20] =	vst v15;
	v13 =	vld.idx.msk [tilespmem:v38+s12+$0x0], $0xffff  }
0x4bf: {  	v42 =	vadd.s32 $0x36B0, v6;
	[tilespmem:$0x13020] =	vst v17;
	v15 =	vld.idx.msk [tilespmem:v39+s12+$0x0], $0xffff  }
0x4c0: {  	v43 =	vadd.s32 $0x55F0, v6;
	v17 =	vld.idx.msk [tilespmem:v40+s12+$0x0], $0xffff  }
0x4c1: {  	v44 =	vadd.s32 $0x7530, v6  }
0x4c2: {  	[tilespmem:$0x12430] =	vst v11  }
0x4c3: {  	v11 =	vld.idx.msk [tilespmem:v41+s12+$0x0], $0xffff;
	[tilespmem:$0x12830] =	vst v13  }
0x4c4: {  	v45 =	vadd.s32 $0x1770, v5;
	[tilespmem:$0x12C30] =	vst v15;
	v13 =	vld.idx.msk [tilespmem:v42+s12+$0x0], $0xffff  }
0x4c5: {  	v46 =	vadd.s32 $0x36B0, v5;
	[tilespmem:$0x13030] =	vst v17;
	v15 =	vld.idx.msk [tilespmem:v43+s12+$0x0], $0xffff  }
0x4c6: {  	v47 =	vadd.s32 $0x55F0, v5;
	v17 =	vld.idx.msk [tilespmem:v44+s12+$0x0], $0xffff  }
0x4c7: {  	v48 =	vadd.s32 $0x7530, v5  }
0x4c8: {  	[tilespmem:$0x12440] =	vst v11  }
0x4c9: {  	v11 =	vld.idx.msk [tilespmem:v45+s12+$0x0], $0xffff;
	[tilespmem:$0x12840] =	vst v13  }
0x4ca: {  	v49 =	vadd.s32 $0x1770, v4;
	[tilespmem:$0x12C40] =	vst v15;
	v13 =	vld.idx.msk [tilespmem:v46+s12+$0x0], $0xffff  }
0x4cb: {  	v50 =	vadd.s32 $0x36B0, v4;
	[tilespmem:$0x13040] =	vst v17;
	v15 =	vld.idx.msk [tilespmem:v47+s12+$0x0], $0xffff  }
0x4cc: {  	v51 =	vadd.s32 $0x55F0, v4;
	v17 =	vld.idx.msk [tilespmem:v48+s12+$0x0], $0xffff  }
0x4cd: {  	v52 =	vadd.s32 $0x7530, v4  }
0x4ce: {  	[tilespmem:$0x12450] =	vst v11  }
0x4cf: {  	v11 =	vld.idx.msk [tilespmem:v49+s12+$0x0], $0xffff;
	[tilespmem:$0x12850] =	vst v13  }
0x4d0: {  	v53 =	vadd.s32 $0x1770, v3;
	[tilespmem:$0x12C50] =	vst v15;
	v13 =	vld.idx.msk [tilespmem:v50+s12+$0x0], $0xffff  }
0x4d1: {  	v54 =	vadd.s32 $0x36B0, v3;
	[tilespmem:$0x13050] =	vst v17;
	v15 =	vld.idx.msk [tilespmem:v51+s12+$0x0], $0xffff  }
0x4d2: {  	v55 =	vadd.s32 $0x55F0, v3;
	v17 =	vld.idx.msk [tilespmem:v52+s12+$0x0], $0xffff  }
0x4d3: {  	v56 =	vadd.s32 $0x7530, v3  }
0x4d4: {  	[tilespmem:$0x12460] =	vst v11  }
0x4d5: {  	v11 =	vld.idx.msk [tilespmem:v53+s12+$0x0], $0xffff;
	[tilespmem:$0x12860] =	vst v13  }
0x4d6: {  	v57 =	vadd.s32 $0x1B58, v10;
	[tilespmem:$0x12C60] =	vst v15;
	v13 =	vld.idx.msk [tilespmem:v54+s12+$0x0], $0xffff  }
0x4d7: {  	v58 =	vadd.s32 $0x3A98, v10;
	[tilespmem:$0x13060] =	vst v17;
	v15 =	vld.idx.msk [tilespmem:v55+s12+$0x0], $0xffff  }
0x4d8: {  	v59 =	vadd.s32 $0x59D8, v10;
	v17 =	vld.idx.msk [tilespmem:v56+s12+$0x0], $0xffff  }
0x4d9: {  	v10 =	vadd.s32 $0x7918, v10  }
0x4da: {  	[tilespmem:$0x12470] =	vst v11  }
0x4db: {  	v11 =	vld.idx.msk [tilespmem:v57+s12+$0x0], $0xffff;
	[tilespmem:$0x12870] =	vst v13  }
0x4dc: {  	v60 =	vadd.s32 $0x1B58, v9;
	[tilespmem:$0x12C70] =	vst v15;
	v13 =	vld.idx.msk [tilespmem:v58+s12+$0x0], $0xffff  }
0x4dd: {  	v61 =	vadd.s32 $0x3A98, v9;
	[tilespmem:$0x13070] =	vst v17;
	v15 =	vld.idx.msk [tilespmem:v59+s12+$0x0], $0xffff  }
0x4de: {  	v62 =	vadd.s32 $0x59D8, v9;
	v10 =	vld.idx.msk [tilespmem:v10+s12+$0x0], $0xffff  }
0x4df: {  	v9 =	vadd.s32 $0x7918, v9  }
0x4e0: {  	[tilespmem:$0x12480] =	vst v11  }
0x4e1: {  	v11 =	vld.idx.msk [tilespmem:v60+s12+$0x0], $0xffff;
	[tilespmem:$0x12880] =	vst v13  }
0x4e2: {  	v63 =	vadd.s32 $0x1B58, v8;
	[tilespmem:$0x12C80] =	vst v15;
	v13 =	vld.idx.msk [tilespmem:v61+s12+$0x0], $0xffff  }
0x4e3: {  	v18 =	vadd.s32 $0x3A98, v8;
	[tilespmem:$0x13080] =	vst v10;
	v15 =	vld.idx.msk [tilespmem:v62+s12+$0x0], $0xffff  }
0x4e4: {  	v19 =	vadd.s32 $0x59D8, v8;
	v9 =	vld.idx.msk [tilespmem:v9+s12+$0x0], $0xffff  }
0x4e5: {  	v8 =	vadd.s32 $0x7918, v8  }
0x4e6: {  	[tilespmem:$0x12490] =	vst v11  }
0x4e7: {  	v11 =	vld.idx.msk [tilespmem:v63+s12+$0x0], $0xffff;
	[tilespmem:$0x12890] =	vst v13  }
0x4e8: {  	v20 =	vadd.s32 $0x1B58, v7;
	[tilespmem:$0x12C90] =	vst v15;
	v13 =	vld.idx.msk [tilespmem:v18+s12+$0x0], $0xffff  }
0x4e9: {  	v21 =	vadd.s32 $0x3A98, v7;
	[tilespmem:$0x13090] =	vst v9;
	v10 =	vld.idx.msk [tilespmem:v19+s12+$0x0], $0xffff  }
0x4ea: {  	v22 =	vadd.s32 $0x59D8, v7;
	v8 =	vld.idx.msk [tilespmem:v8+s12+$0x0], $0xffff  }
0x4eb: {  	v7 =	vadd.s32 $0x7918, v7  }
0x4ec: {  	[tilespmem:$0x124A0] =	vst v11  }
0x4ed: {  	v11 =	vld.idx.msk [tilespmem:v20+s12+$0x0], $0xffff;
	[tilespmem:$0x128A0] =	vst v13  }
0x4ee: {  	v23 =	vadd.s32 $0x1B58, v6;
	[tilespmem:$0x12CA0] =	vst v10;
	v13 =	vld.idx.msk [tilespmem:v21+s12+$0x0], $0xffff  }
0x4ef: {  	v24 =	vadd.s32 $0x3A98, v6;
	[tilespmem:$0x130A0] =	vst v8;
	v9 =	vld.idx.msk [tilespmem:v22+s12+$0x0], $0xffff  }
0x4f0: {  	v25 =	vadd.s32 $0x59D8, v6;
	v7 =	vld.idx.msk [tilespmem:v7+s12+$0x0], $0xffff  }
0x4f1: {  	v6 =	vadd.s32 $0x7918, v6  }
0x4f2: {  	[tilespmem:$0x124B0] =	vst v11  }
0x4f3: {  	v11 =	vld.idx.msk [tilespmem:v23+s12+$0x0], $0xffff;
	[tilespmem:$0x128B0] =	vst v13  }
0x4f4: {  	v26 =	vadd.s32 $0x1B58, v5;
	[tilespmem:$0x12CB0] =	vst v9;
	v10 =	vld.idx.msk [tilespmem:v24+s12+$0x0], $0xffff  }
0x4f5: {  	v27 =	vadd.s32 $0x3A98, v5;
	[tilespmem:$0x130B0] =	vst v7;
	v8 =	vld.idx.msk [tilespmem:v25+s12+$0x0], $0xffff  }
0x4f6: {  	v28 =	vadd.s32 $0x59D8, v5;
	v6 =	vld.idx.msk [tilespmem:v6+s12+$0x0], $0xffff  }
0x4f7: {  	v5 =	vadd.s32 $0x7918, v5  }
0x4f8: {  	[tilespmem:$0x124C0] =	vst v11  }
0x4f9: {  	v11 =	vld.idx.msk [tilespmem:v26+s12+$0x0], $0xffff;
	[tilespmem:$0x128C0] =	vst v10  }
0x4fa: {  	v29 =	vadd.s32 $0x1B58, v4;
	[tilespmem:$0x12CC0] =	vst v8;
	v9 =	vld.idx.msk [tilespmem:v27+s12+$0x0], $0xffff  }
0x4fb: {  	v30 =	vadd.s32 $0x3A98, v4;
	[tilespmem:$0x130C0] =	vst v6;
	v7 =	vld.idx.msk [tilespmem:v28+s12+$0x0], $0xffff  }
0x4fc: {  	v31 =	vadd.s32 $0x59D8, v4;
	v5 =	vld.idx.msk [tilespmem:v5+s12+$0x0], $0xffff  }
0x4fd: {  	v4 =	vadd.s32 $0x7918, v4  }
0x4fe: {  	[tilespmem:$0x124D0] =	vst v11  }
0x4ff: {  	v10 =	vld.idx.msk [tilespmem:v29+s12+$0x0], $0xffff;
	[tilespmem:$0x128D0] =	vst v9  }
0x500: {  	v32 =	vadd.s32 $0x1B58, v3;
	[tilespmem:$0x12CD0] =	vst v7;
	v8 =	vld.idx.msk [tilespmem:v30+s12+$0x0], $0xffff  }
0x501: {  	v33 =	vadd.s32 $0x3A98, v3;
	[tilespmem:$0x130D0] =	vst v5;
	v6 =	vld.idx.msk [tilespmem:v31+s12+$0x0], $0xffff  }
0x502: {  	v34 =	vadd.s32 $0x59D8, v3;
	v4 =	vld.idx.msk [tilespmem:v4+s12+$0x0], $0xffff  }
0x503: {  	v3 =	vadd.s32 $0x7918, v3  }
0x504: {  	[tilespmem:$0x124E0] =	vst v10  }
0x505: {  	v9 =	vld.idx.msk [tilespmem:v32+s12+$0x0], $0xffff;
	[tilespmem:$0x128E0] =	vst v8  }
0x506: {  	[tilespmem:$0x12CE0] =	vst v6;
	v7 =	vld.idx.msk [tilespmem:v33+s12+$0x0], $0xffff  }
0x507: {  	[tilespmem:$0x130E0] =	vst v4;
	v5 =	vld.idx.msk [tilespmem:v34+s12+$0x0], $0xffff  }
0x508: {  	v3 =	vld.idx.msk [tilespmem:v3+s12+$0x0], $0xffff;
	_ =	sdelay $0x1  }
0x509: {  	[tilespmem:$0x124F0] =	vst v9  }
0x50a: {  	[tilespmem:$0x128F0] =	vst v7  }
0x50b: {  	s26 =	sadd.s32 s24, s11;
	[tilespmem:$0x12CF0] =	vst v5  }
0x50c: {  	s28 =	sadd.s32 $0x5000, s26;
	[tilespmem:$0x130F0] =	vst v3  }
0x50d: {  	[hbm4b:s28+s16] =	stream.strided.scatter [tilespmem:s18], [sflag:$0x1], $0x1000, s17, s16, $0x38;
	[tilespmem:$0x14110] =	vst v63  }
0x50e: {  	_ =	swait.ge [sflag:s21], $0x1000  }
0x50f: {  	[sflag:s21] =	ssyncset.done $0x0  }
0x510: {  	[sflag:s21] =	ssyncadd.s32 $0xFFFFF000  }
0x511: {  	v10 =	vld [tilespmem:s25+$0xFFFFFF90];
	_ =	sdelay $0x5  }
0x512: {  	v9 =	vld [tilespmem:s25+$0xFFFFFFA0]  }
0x513: {  	v8 =	vld [tilespmem:s25+$0xFFFFFFB0]  }
0x514: {  	v35 =	vld.idx.msk [tilespmem:v10+s12+$0x0], $0xffff  }
0x515: {  	v7 =	vld [tilespmem:s25+$0xFFFFFFC0]  }
0x516: {  	v6 =	vld [tilespmem:s25+$0xFFFFFFD0]  }
0x517: {  	v5 =	vld [tilespmem:s25+$0xFFFFFFE0]  }
0x518: {  	v4 =	vld [tilespmem:s25+$0xFFFFFFF0]  }
0x519: {  	v3 =	vld [tilespmem:s25+$0x0];
	[tilespmem:$0x13100] =	vst v35  }
0x51a: {  	v11 =	vld.idx.msk [tilespmem:v9+s12+$0x0], $0xffff;
	_ =	sdelay $0x4  }
0x51b: {  	[tilespmem:$0x13110] =	vst v11  }
0x51c: {  	v11 =	vld.idx.msk [tilespmem:v8+s12+$0x0], $0xffff;
	_ =	sdelay $0x4  }
0x51d: {  	[tilespmem:$0x13120] =	vst v11  }
0x51e: {  	v11 =	vld.idx.msk [tilespmem:v7+s12+$0x0], $0xffff;
	_ =	sdelay $0x4  }
0x51f: {  	[tilespmem:$0x13130] =	vst v11  }
0x520: {  	v11 =	vld.idx.msk [tilespmem:v6+s12+$0x0], $0xffff;
	_ =	sdelay $0x4  }
0x521: {  	[tilespmem:$0x13140] =	vst v11  }
0x522: {  	v11 =	vld.idx.msk [tilespmem:v5+s12+$0x0], $0xffff;
	_ =	sdelay $0x4  }
0x523: {  	[tilespmem:$0x13150] =	vst v11  }
0x524: {  	v11 =	vld.idx.msk [tilespmem:v4+s12+$0x0], $0xffff  }
0x525: {  	v36 =	vadd.s32 $0x1F40, v10  }
0x526: {  	v37 =	vadd.s32 $0x3E80, v10  }
0x527: {  	v38 =	vadd.s32 $0x5DC0, v10;
	_ =	sdelay $0x1  }
0x528: {  	[tilespmem:$0x13160] =	vst v11  }
0x529: {  	v11 =	vld.idx.msk [tilespmem:v36+s12+$0x0], $0xffff  }
0x52a: {  	v39 =	vadd.s32 $0x1F40, v9;
	v13 =	vld.idx.msk [tilespmem:v37+s12+$0x0], $0xffff  }
0x52b: {  	v40 =	vadd.s32 $0x3E80, v9;
	v14 =	vld.idx.msk [tilespmem:v38+s12+$0x0], $0xffff  }
0x52c: {  	v41 =	vadd.s32 $0x5DC0, v9;
	_ =	sdelay $0x1  }
0x52d: {  	[tilespmem:$0x13500] =	vst v11  }
0x52e: {  	[tilespmem:$0x13900] =	vst v13;
	v11 =	vld.idx.msk [tilespmem:v39+s12+$0x0], $0xffff  }
0x52f: {  	v42 =	vadd.s32 $0x1F40, v8;
	[tilespmem:$0x13D00] =	vst v14;
	v13 =	vld.idx.msk [tilespmem:v40+s12+$0x0], $0xffff  }
0x530: {  	v43 =	vadd.s32 $0x3E80, v8;
	v44 =	vld.idx.msk [tilespmem:v41+s12+$0x0], $0xffff  }
0x531: {  	v45 =	vadd.s32 $0x5DC0, v8;
	_ =	sdelay $0x1  }
0x532: {  	[tilespmem:$0x13510] =	vst v11  }
0x533: {  	[tilespmem:$0x13910] =	vst v13;
	v11 =	vld.idx.msk [tilespmem:v42+s12+$0x0], $0xffff  }
0x534: {  	v46 =	vadd.s32 $0x1F40, v7;
	[tilespmem:$0x13D10] =	vst v44;
	v13 =	vld.idx.msk [tilespmem:v43+s12+$0x0], $0xffff  }
0x535: {  	v47 =	vadd.s32 $0x3E80, v7;
	v15 =	vld.idx.msk [tilespmem:v45+s12+$0x0], $0xffff  }
0x536: {  	v48 =	vadd.s32 $0x5DC0, v7;
	_ =	sdelay $0x1  }
0x537: {  	[tilespmem:$0x13520] =	vst v11  }
0x538: {  	[tilespmem:$0x13920] =	vst v13;
	v11 =	vld.idx.msk [tilespmem:v46+s12+$0x0], $0xffff  }
0x539: {  	v49 =	vadd.s32 $0x1F40, v6;
	[tilespmem:$0x13D20] =	vst v15;
	v13 =	vld.idx.msk [tilespmem:v47+s12+$0x0], $0xffff  }
0x53a: {  	v50 =	vadd.s32 $0x3E80, v6;
	v15 =	vld.idx.msk [tilespmem:v48+s12+$0x0], $0xffff  }
0x53b: {  	v51 =	vadd.s32 $0x5DC0, v6;
	_ =	sdelay $0x1  }
0x53c: {  	[tilespmem:$0x13530] =	vst v11  }
0x53d: {  	[tilespmem:$0x13930] =	vst v13;
	v11 =	vld.idx.msk [tilespmem:v49+s12+$0x0], $0xffff  }
0x53e: {  	v52 =	vadd.s32 $0x1F40, v5;
	[tilespmem:$0x13D30] =	vst v15;
	v13 =	vld.idx.msk [tilespmem:v50+s12+$0x0], $0xffff  }
0x53f: {  	v53 =	vadd.s32 $0x3E80, v5;
	v15 =	vld.idx.msk [tilespmem:v51+s12+$0x0], $0xffff  }
0x540: {  	v54 =	vadd.s32 $0x5DC0, v5;
	_ =	sdelay $0x1  }
0x541: {  	[tilespmem:$0x13540] =	vst v11  }
0x542: {  	[tilespmem:$0x13940] =	vst v13;
	v11 =	vld.idx.msk [tilespmem:v52+s12+$0x0], $0xffff  }
0x543: {  	v55 =	vadd.s32 $0x1F40, v4;
	[tilespmem:$0x13D40] =	vst v15;
	v13 =	vld.idx.msk [tilespmem:v53+s12+$0x0], $0xffff  }
0x544: {  	v56 =	vadd.s32 $0x3E80, v4;
	v15 =	vld.idx.msk [tilespmem:v54+s12+$0x0], $0xffff  }
0x545: {  	v57 =	vadd.s32 $0x5DC0, v4;
	_ =	sdelay $0x1  }
0x546: {  	[tilespmem:$0x13550] =	vst v11  }
0x547: {  	[tilespmem:$0x13950] =	vst v13;
	v11 =	vld.idx.msk [tilespmem:v55+s12+$0x0], $0xffff  }
0x548: {  	v58 =	vadd.s32 $0x1F40, v3;
	[tilespmem:$0x13D50] =	vst v15;
	v13 =	vld.idx.msk [tilespmem:v56+s12+$0x0], $0xffff  }
0x549: {  	v59 =	vadd.s32 $0x3E80, v3;
	v15 =	vld.idx.msk [tilespmem:v57+s12+$0x0], $0xffff  }
0x54a: {  	v60 =	vadd.s32 $0x5DC0, v3;
	_ =	sdelay $0x1  }
0x54b: {  	v61 =	vld.idx.msk [tilespmem:v3+s12+$0x0], $0xffff;
	[tilespmem:$0x13560] =	vst v11  }
0x54c: {  	v62 =	vadd.s32 $0x3E8, v10;
	[tilespmem:$0x13960] =	vst v13;
	v12 =	vld.idx.msk [tilespmem:v58+s12+$0x0], $0xffff  }
0x54d: {  	v63 =	vadd.s32 $0x2328, v10;
	[tilespmem:$0x13D60] =	vst v15;
	v14 =	vld.idx.msk [tilespmem:v59+s12+$0x0], $0xffff  }
0x54e: {  	v21 =	vadd.s32 $0x4268, v10;
	v16 =	vld.idx.msk [tilespmem:v60+s12+$0x0], $0xffff  }
0x54f: {  	v22 =	vadd.s32 $0x61A8, v10  }
0x550: {  	[tilespmem:$0x13170] =	vst v61  }
0x551: {  	v11 =	vld.idx.msk [tilespmem:v62+s12+$0x0], $0xffff;
	[tilespmem:$0x13570] =	vst v12  }
0x552: {  	v23 =	vadd.s32 $0x3E8, v9;
	[tilespmem:$0x13970] =	vst v14;
	v13 =	vld.idx.msk [tilespmem:v63+s12+$0x0], $0xffff  }
0x553: {  	v24 =	vadd.s32 $0x2328, v9;
	[tilespmem:$0x13D70] =	vst v16;
	v15 =	vld.idx.msk [tilespmem:v21+s12+$0x0], $0xffff  }
0x554: {  	v25 =	vadd.s32 $0x4268, v9;
	v26 =	vld.idx.msk [tilespmem:v22+s12+$0x0], $0xffff  }
0x555: {  	v27 =	vadd.s32 $0x61A8, v9  }
0x556: {  	[tilespmem:$0x13180] =	vst v11  }
0x557: {  	v11 =	vld.idx.msk [tilespmem:v23+s12+$0x0], $0xffff;
	[tilespmem:$0x13580] =	vst v13  }
0x558: {  	v28 =	vadd.s32 $0x3E8, v8;
	[tilespmem:$0x13980] =	vst v15;
	v13 =	vld.idx.msk [tilespmem:v24+s12+$0x0], $0xffff  }
0x559: {  	v29 =	vadd.s32 $0x2328, v8;
	[tilespmem:$0x13D80] =	vst v26;
	v15 =	vld.idx.msk [tilespmem:v25+s12+$0x0], $0xffff  }
0x55a: {  	v30 =	vadd.s32 $0x4268, v8;
	v17 =	vld.idx.msk [tilespmem:v27+s12+$0x0], $0xffff  }
0x55b: {  	v31 =	vadd.s32 $0x61A8, v8  }
0x55c: {  	[tilespmem:$0x13190] =	vst v11  }
0x55d: {  	v11 =	vld.idx.msk [tilespmem:v28+s12+$0x0], $0xffff;
	[tilespmem:$0x13590] =	vst v13  }
0x55e: {  	v32 =	vadd.s32 $0x3E8, v7;
	[tilespmem:$0x13990] =	vst v15;
	v13 =	vld.idx.msk [tilespmem:v29+s12+$0x0], $0xffff  }
0x55f: {  	v33 =	vadd.s32 $0x2328, v7;
	[tilespmem:$0x13D90] =	vst v17;
	v15 =	vld.idx.msk [tilespmem:v30+s12+$0x0], $0xffff  }
0x560: {  	v34 =	vadd.s32 $0x4268, v7;
	v17 =	vld.idx.msk [tilespmem:v31+s12+$0x0], $0xffff  }
0x561: {  	v35 =	vadd.s32 $0x61A8, v7  }
0x562: {  	[tilespmem:$0x131A0] =	vst v11  }
0x563: {  	v11 =	vld.idx.msk [tilespmem:v32+s12+$0x0], $0xffff;
	[tilespmem:$0x135A0] =	vst v13  }
0x564: {  	v36 =	vadd.s32 $0x3E8, v6;
	[tilespmem:$0x139A0] =	vst v15;
	v13 =	vld.idx.msk [tilespmem:v33+s12+$0x0], $0xffff  }
0x565: {  	v37 =	vadd.s32 $0x2328, v6;
	[tilespmem:$0x13DA0] =	vst v17;
	v15 =	vld.idx.msk [tilespmem:v34+s12+$0x0], $0xffff  }
0x566: {  	v38 =	vadd.s32 $0x4268, v6;
	v17 =	vld.idx.msk [tilespmem:v35+s12+$0x0], $0xffff  }
0x567: {  	v39 =	vadd.s32 $0x61A8, v6  }
0x568: {  	[tilespmem:$0x131B0] =	vst v11  }
0x569: {  	v11 =	vld.idx.msk [tilespmem:v36+s12+$0x0], $0xffff;
	[tilespmem:$0x135B0] =	vst v13  }
0x56a: {  	v40 =	vadd.s32 $0x3E8, v5;
	[tilespmem:$0x139B0] =	vst v15;
	v13 =	vld.idx.msk [tilespmem:v37+s12+$0x0], $0xffff  }
0x56b: {  	v41 =	vadd.s32 $0x2328, v5;
	[tilespmem:$0x13DB0] =	vst v17;
	v15 =	vld.idx.msk [tilespmem:v38+s12+$0x0], $0xffff  }
0x56c: {  	v42 =	vadd.s32 $0x4268, v5;
	v17 =	vld.idx.msk [tilespmem:v39+s12+$0x0], $0xffff  }
0x56d: {  	v43 =	vadd.s32 $0x61A8, v5  }
0x56e: {  	[tilespmem:$0x131C0] =	vst v11  }
0x56f: {  	v11 =	vld.idx.msk [tilespmem:v40+s12+$0x0], $0xffff;
	[tilespmem:$0x135C0] =	vst v13  }
0x570: {  	v44 =	vadd.s32 $0x3E8, v4;
	[tilespmem:$0x139C0] =	vst v15;
	v13 =	vld.idx.msk [tilespmem:v41+s12+$0x0], $0xffff  }
0x571: {  	v45 =	vadd.s32 $0x2328, v4;
	[tilespmem:$0x13DC0] =	vst v17;
	v15 =	vld.idx.msk [tilespmem:v42+s12+$0x0], $0xffff  }
0x572: {  	v46 =	vadd.s32 $0x4268, v4;
	v17 =	vld.idx.msk [tilespmem:v43+s12+$0x0], $0xffff  }
0x573: {  	v47 =	vadd.s32 $0x61A8, v4  }
0x574: {  	[tilespmem:$0x131D0] =	vst v11  }
0x575: {  	v11 =	vld.idx.msk [tilespmem:v44+s12+$0x0], $0xffff;
	[tilespmem:$0x135D0] =	vst v13  }
0x576: {  	v48 =	vadd.s32 $0x3E8, v3;
	[tilespmem:$0x139D0] =	vst v15;
	v13 =	vld.idx.msk [tilespmem:v45+s12+$0x0], $0xffff  }
0x577: {  	v49 =	vadd.s32 $0x2328, v3;
	[tilespmem:$0x13DD0] =	vst v17;
	v15 =	vld.idx.msk [tilespmem:v46+s12+$0x0], $0xffff  }
0x578: {  	v50 =	vadd.s32 $0x4268, v3;
	v17 =	vld.idx.msk [tilespmem:v47+s12+$0x0], $0xffff  }
0x579: {  	v51 =	vadd.s32 $0x61A8, v3  }
0x57a: {  	[tilespmem:$0x131E0] =	vst v11  }
0x57b: {  	v11 =	vld.idx.msk [tilespmem:v48+s12+$0x0], $0xffff;
	[tilespmem:$0x135E0] =	vst v13  }
0x57c: {  	v52 =	vadd.s32 $0x7D0, v10;
	[tilespmem:$0x139E0] =	vst v15;
	v13 =	vld.idx.msk [tilespmem:v49+s12+$0x0], $0xffff  }
0x57d: {  	v53 =	vadd.s32 $0x2710, v10;
	[tilespmem:$0x13DE0] =	vst v17;
	v15 =	vld.idx.msk [tilespmem:v50+s12+$0x0], $0xffff  }
0x57e: {  	v54 =	vadd.s32 $0x4650, v10;
	v17 =	vld.idx.msk [tilespmem:v51+s12+$0x0], $0xffff  }
0x57f: {  	v55 =	vadd.s32 $0x6590, v10  }
0x580: {  	[tilespmem:$0x131F0] =	vst v11  }
0x581: {  	v11 =	vld.idx.msk [tilespmem:v52+s12+$0x0], $0xffff;
	[tilespmem:$0x135F0] =	vst v13  }
0x582: {  	v56 =	vadd.s32 $0x7D0, v9;
	[tilespmem:$0x139F0] =	vst v15;
	v13 =	vld.idx.msk [tilespmem:v53+s12+$0x0], $0xffff  }
0x583: {  	v57 =	vadd.s32 $0x2710, v9;
	[tilespmem:$0x13DF0] =	vst v17;
	v15 =	vld.idx.msk [tilespmem:v54+s12+$0x0], $0xffff  }
0x584: {  	v58 =	vadd.s32 $0x4650, v9;
	v17 =	vld.idx.msk [tilespmem:v55+s12+$0x0], $0xffff  }
0x585: {  	v59 =	vadd.s32 $0x6590, v9  }
0x586: {  	[tilespmem:$0x13200] =	vst v11  }
0x587: {  	v11 =	vld.idx.msk [tilespmem:v56+s12+$0x0], $0xffff;
	[tilespmem:$0x13600] =	vst v13  }
0x588: {  	v60 =	vadd.s32 $0x7D0, v8;
	[tilespmem:$0x13A00] =	vst v15;
	v13 =	vld.idx.msk [tilespmem:v57+s12+$0x0], $0xffff  }
0x589: {  	v61 =	vadd.s32 $0x2710, v8;
	[tilespmem:$0x13E00] =	vst v17;
	v15 =	vld.idx.msk [tilespmem:v58+s12+$0x0], $0xffff  }
0x58a: {  	v62 =	vadd.s32 $0x4650, v8;
	v17 =	vld.idx.msk [tilespmem:v59+s12+$0x0], $0xffff  }
0x58b: {  	v63 =	vadd.s32 $0x6590, v8  }
0x58c: {  	[tilespmem:$0x13210] =	vst v11  }
0x58d: {  	v11 =	vld.idx.msk [tilespmem:v60+s12+$0x0], $0xffff;
	[tilespmem:$0x13610] =	vst v13  }
0x58e: {  	v21 =	vadd.s32 $0x7D0, v7;
	[tilespmem:$0x13A10] =	vst v15;
	v13 =	vld.idx.msk [tilespmem:v61+s12+$0x0], $0xffff  }
0x58f: {  	v22 =	vadd.s32 $0x2710, v7;
	[tilespmem:$0x13E10] =	vst v17;
	v15 =	vld.idx.msk [tilespmem:v62+s12+$0x0], $0xffff  }
0x590: {  	v23 =	vadd.s32 $0x4650, v7;
	v17 =	vld.idx.msk [tilespmem:v63+s12+$0x0], $0xffff  }
0x591: {  	v24 =	vadd.s32 $0x6590, v7  }
0x592: {  	[tilespmem:$0x13220] =	vst v11  }
0x593: {  	v11 =	vld.idx.msk [tilespmem:v21+s12+$0x0], $0xffff;
	[tilespmem:$0x13620] =	vst v13  }
0x594: {  	v25 =	vadd.s32 $0x7D0, v6;
	[tilespmem:$0x13A20] =	vst v15;
	v13 =	vld.idx.msk [tilespmem:v22+s12+$0x0], $0xffff  }
0x595: {  	v26 =	vadd.s32 $0x2710, v6;
	[tilespmem:$0x13E20] =	vst v17;
	v15 =	vld.idx.msk [tilespmem:v23+s12+$0x0], $0xffff  }
0x596: {  	v27 =	vadd.s32 $0x4650, v6;
	v17 =	vld.idx.msk [tilespmem:v24+s12+$0x0], $0xffff  }
0x597: {  	v28 =	vadd.s32 $0x6590, v6  }
0x598: {  	[tilespmem:$0x13230] =	vst v11  }
0x599: {  	v11 =	vld.idx.msk [tilespmem:v25+s12+$0x0], $0xffff;
	[tilespmem:$0x13630] =	vst v13  }
0x59a: {  	v29 =	vadd.s32 $0x7D0, v5;
	[tilespmem:$0x13A30] =	vst v15;
	v13 =	vld.idx.msk [tilespmem:v26+s12+$0x0], $0xffff  }
0x59b: {  	v30 =	vadd.s32 $0x2710, v5;
	[tilespmem:$0x13E30] =	vst v17;
	v15 =	vld.idx.msk [tilespmem:v27+s12+$0x0], $0xffff  }
0x59c: {  	v31 =	vadd.s32 $0x4650, v5;
	v17 =	vld.idx.msk [tilespmem:v28+s12+$0x0], $0xffff  }
0x59d: {  	v32 =	vadd.s32 $0x6590, v5  }
0x59e: {  	[tilespmem:$0x13240] =	vst v11  }
0x59f: {  	v11 =	vld.idx.msk [tilespmem:v29+s12+$0x0], $0xffff;
	[tilespmem:$0x13640] =	vst v13  }
0x5a0: {  	v33 =	vadd.s32 $0x7D0, v4;
	[tilespmem:$0x13A40] =	vst v15;
	v13 =	vld.idx.msk [tilespmem:v30+s12+$0x0], $0xffff  }
0x5a1: {  	v34 =	vadd.s32 $0x2710, v4;
	[tilespmem:$0x13E40] =	vst v17;
	v15 =	vld.idx.msk [tilespmem:v31+s12+$0x0], $0xffff  }
0x5a2: {  	v35 =	vadd.s32 $0x4650, v4;
	v17 =	vld.idx.msk [tilespmem:v32+s12+$0x0], $0xffff  }
0x5a3: {  	v36 =	vadd.s32 $0x6590, v4  }
0x5a4: {  	[tilespmem:$0x13250] =	vst v11  }
0x5a5: {  	v11 =	vld.idx.msk [tilespmem:v33+s12+$0x0], $0xffff;
	[tilespmem:$0x13650] =	vst v13  }
0x5a6: {  	v37 =	vadd.s32 $0x7D0, v3;
	[tilespmem:$0x13A50] =	vst v15;
	v13 =	vld.idx.msk [tilespmem:v34+s12+$0x0], $0xffff  }
0x5a7: {  	v38 =	vadd.s32 $0x2710, v3;
	[tilespmem:$0x13E50] =	vst v17;
	v15 =	vld.idx.msk [tilespmem:v35+s12+$0x0], $0xffff  }
0x5a8: {  	v39 =	vadd.s32 $0x4650, v3;
	v17 =	vld.idx.msk [tilespmem:v36+s12+$0x0], $0xffff  }
0x5a9: {  	v40 =	vadd.s32 $0x6590, v3  }
0x5aa: {  	[tilespmem:$0x13260] =	vst v11  }
0x5ab: {  	v11 =	vld.idx.msk [tilespmem:v37+s12+$0x0], $0xffff;
	[tilespmem:$0x13660] =	vst v13  }
0x5ac: {  	v41 =	vadd.s32 $0xBB8, v10;
	[tilespmem:$0x13A60] =	vst v15;
	v13 =	vld.idx.msk [tilespmem:v38+s12+$0x0], $0xffff  }
0x5ad: {  	v42 =	vadd.s32 $0x2AF8, v10;
	[tilespmem:$0x13E60] =	vst v17;
	v15 =	vld.idx.msk [tilespmem:v39+s12+$0x0], $0xffff  }
0x5ae: {  	v43 =	vadd.s32 $0x4A38, v10;
	v17 =	vld.idx.msk [tilespmem:v40+s12+$0x0], $0xffff  }
0x5af: {  	v44 =	vadd.s32 $0x6978, v10  }
0x5b0: {  	[tilespmem:$0x13270] =	vst v11  }
0x5b1: {  	v11 =	vld.idx.msk [tilespmem:v41+s12+$0x0], $0xffff;
	[tilespmem:$0x13670] =	vst v13  }
0x5b2: {  	v45 =	vadd.s32 $0xBB8, v9;
	[tilespmem:$0x13A70] =	vst v15;
	v13 =	vld.idx.msk [tilespmem:v42+s12+$0x0], $0xffff  }
0x5b3: {  	v46 =	vadd.s32 $0x2AF8, v9;
	[tilespmem:$0x13E70] =	vst v17;
	v15 =	vld.idx.msk [tilespmem:v43+s12+$0x0], $0xffff  }
0x5b4: {  	v47 =	vadd.s32 $0x4A38, v9;
	v17 =	vld.idx.msk [tilespmem:v44+s12+$0x0], $0xffff  }
0x5b5: {  	v48 =	vadd.s32 $0x6978, v9  }
0x5b6: {  	[tilespmem:$0x13280] =	vst v11  }
0x5b7: {  	v11 =	vld.idx.msk [tilespmem:v45+s12+$0x0], $0xffff;
	[tilespmem:$0x13680] =	vst v13  }
0x5b8: {  	v49 =	vadd.s32 $0xBB8, v8;
	[tilespmem:$0x13A80] =	vst v15;
	v13 =	vld.idx.msk [tilespmem:v46+s12+$0x0], $0xffff  }
0x5b9: {  	v50 =	vadd.s32 $0x2AF8, v8;
	[tilespmem:$0x13E80] =	vst v17;
	v15 =	vld.idx.msk [tilespmem:v47+s12+$0x0], $0xffff  }
0x5ba: {  	v51 =	vadd.s32 $0x4A38, v8;
	v17 =	vld.idx.msk [tilespmem:v48+s12+$0x0], $0xffff  }
0x5bb: {  	v52 =	vadd.s32 $0x6978, v8  }
0x5bc: {  	[tilespmem:$0x13290] =	vst v11  }
0x5bd: {  	v11 =	vld.idx.msk [tilespmem:v49+s12+$0x0], $0xffff;
	[tilespmem:$0x13690] =	vst v13  }
0x5be: {  	v53 =	vadd.s32 $0xBB8, v7;
	[tilespmem:$0x13A90] =	vst v15;
	v13 =	vld.idx.msk [tilespmem:v50+s12+$0x0], $0xffff  }
0x5bf: {  	v54 =	vadd.s32 $0x2AF8, v7;
	[tilespmem:$0x13E90] =	vst v17;
	v15 =	vld.idx.msk [tilespmem:v51+s12+$0x0], $0xffff  }
0x5c0: {  	v55 =	vadd.s32 $0x4A38, v7;
	v17 =	vld.idx.msk [tilespmem:v52+s12+$0x0], $0xffff  }
0x5c1: {  	v56 =	vadd.s32 $0x6978, v7  }
0x5c2: {  	[tilespmem:$0x132A0] =	vst v11  }
0x5c3: {  	v11 =	vld.idx.msk [tilespmem:v53+s12+$0x0], $0xffff;
	[tilespmem:$0x136A0] =	vst v13  }
0x5c4: {  	v57 =	vadd.s32 $0xBB8, v6;
	[tilespmem:$0x13AA0] =	vst v15;
	v13 =	vld.idx.msk [tilespmem:v54+s12+$0x0], $0xffff  }
0x5c5: {  	v58 =	vadd.s32 $0x2AF8, v6;
	[tilespmem:$0x13EA0] =	vst v17;
	v15 =	vld.idx.msk [tilespmem:v55+s12+$0x0], $0xffff  }
0x5c6: {  	v59 =	vadd.s32 $0x4A38, v6;
	v17 =	vld.idx.msk [tilespmem:v56+s12+$0x0], $0xffff  }
0x5c7: {  	v60 =	vadd.s32 $0x6978, v6  }
0x5c8: {  	[tilespmem:$0x132B0] =	vst v11  }
0x5c9: {  	v11 =	vld.idx.msk [tilespmem:v57+s12+$0x0], $0xffff;
	[tilespmem:$0x136B0] =	vst v13  }
0x5ca: {  	v61 =	vadd.s32 $0xBB8, v5;
	[tilespmem:$0x13AB0] =	vst v15;
	v13 =	vld.idx.msk [tilespmem:v58+s12+$0x0], $0xffff  }
0x5cb: {  	v62 =	vadd.s32 $0x2AF8, v5;
	[tilespmem:$0x13EB0] =	vst v17;
	v15 =	vld.idx.msk [tilespmem:v59+s12+$0x0], $0xffff  }
0x5cc: {  	v63 =	vadd.s32 $0x4A38, v5;
	v17 =	vld.idx.msk [tilespmem:v60+s12+$0x0], $0xffff  }
0x5cd: {  	v21 =	vadd.s32 $0x6978, v5  }
0x5ce: {  	[tilespmem:$0x132C0] =	vst v11  }
0x5cf: {  	v11 =	vld.idx.msk [tilespmem:v61+s12+$0x0], $0xffff;
	[tilespmem:$0x136C0] =	vst v13  }
0x5d0: {  	v22 =	vadd.s32 $0xBB8, v4;
	[tilespmem:$0x13AC0] =	vst v15;
	v13 =	vld.idx.msk [tilespmem:v62+s12+$0x0], $0xffff  }
0x5d1: {  	v23 =	vadd.s32 $0x2AF8, v4;
	[tilespmem:$0x13EC0] =	vst v17;
	v15 =	vld.idx.msk [tilespmem:v63+s12+$0x0], $0xffff  }
0x5d2: {  	v24 =	vadd.s32 $0x4A38, v4;
	v17 =	vld.idx.msk [tilespmem:v21+s12+$0x0], $0xffff  }
0x5d3: {  	v25 =	vadd.s32 $0x6978, v4  }
0x5d4: {  	[tilespmem:$0x132D0] =	vst v11  }
0x5d5: {  	v11 =	vld.idx.msk [tilespmem:v22+s12+$0x0], $0xffff;
	[tilespmem:$0x136D0] =	vst v13  }
0x5d6: {  	v26 =	vadd.s32 $0xBB8, v3;
	[tilespmem:$0x13AD0] =	vst v15;
	v13 =	vld.idx.msk [tilespmem:v23+s12+$0x0], $0xffff  }
0x5d7: {  	v27 =	vadd.s32 $0x2AF8, v3;
	[tilespmem:$0x13ED0] =	vst v17;
	v15 =	vld.idx.msk [tilespmem:v24+s12+$0x0], $0xffff  }
0x5d8: {  	v28 =	vadd.s32 $0x4A38, v3;
	v17 =	vld.idx.msk [tilespmem:v25+s12+$0x0], $0xffff  }
0x5d9: {  	v29 =	vadd.s32 $0x6978, v3  }
0x5da: {  	[tilespmem:$0x132E0] =	vst v11  }
0x5db: {  	v11 =	vld.idx.msk [tilespmem:v26+s12+$0x0], $0xffff;
	[tilespmem:$0x136E0] =	vst v13  }
0x5dc: {  	v30 =	vadd.s32 $0xFA0, v10;
	[tilespmem:$0x13AE0] =	vst v15;
	v13 =	vld.idx.msk [tilespmem:v27+s12+$0x0], $0xffff  }
0x5dd: {  	v31 =	vadd.s32 $0x2EE0, v10;
	[tilespmem:$0x13EE0] =	vst v17;
	v15 =	vld.idx.msk [tilespmem:v28+s12+$0x0], $0xffff  }
0x5de: {  	v32 =	vadd.s32 $0x4E20, v10;
	v17 =	vld.idx.msk [tilespmem:v29+s12+$0x0], $0xffff  }
0x5df: {  	v33 =	vadd.s32 $0x6D60, v10  }
0x5e0: {  	[tilespmem:$0x132F0] =	vst v11  }
0x5e1: {  	v11 =	vld.idx.msk [tilespmem:v30+s12+$0x0], $0xffff;
	[tilespmem:$0x136F0] =	vst v13  }
0x5e2: {  	v34 =	vadd.s32 $0xFA0, v9;
	[tilespmem:$0x13AF0] =	vst v15;
	v13 =	vld.idx.msk [tilespmem:v31+s12+$0x0], $0xffff  }
0x5e3: {  	v35 =	vadd.s32 $0x2EE0, v9;
	[tilespmem:$0x13EF0] =	vst v17;
	v15 =	vld.idx.msk [tilespmem:v32+s12+$0x0], $0xffff  }
0x5e4: {  	v36 =	vadd.s32 $0x4E20, v9;
	v17 =	vld.idx.msk [tilespmem:v33+s12+$0x0], $0xffff  }
0x5e5: {  	v37 =	vadd.s32 $0x6D60, v9  }
0x5e6: {  	[tilespmem:$0x13300] =	vst v11  }
0x5e7: {  	v11 =	vld.idx.msk [tilespmem:v34+s12+$0x0], $0xffff;
	[tilespmem:$0x13700] =	vst v13  }
0x5e8: {  	v38 =	vadd.s32 $0xFA0, v8;
	[tilespmem:$0x13B00] =	vst v15;
	v13 =	vld.idx.msk [tilespmem:v35+s12+$0x0], $0xffff  }
0x5e9: {  	v39 =	vadd.s32 $0x2EE0, v8;
	[tilespmem:$0x13F00] =	vst v17;
	v15 =	vld.idx.msk [tilespmem:v36+s12+$0x0], $0xffff  }
0x5ea: {  	v40 =	vadd.s32 $0x4E20, v8;
	v17 =	vld.idx.msk [tilespmem:v37+s12+$0x0], $0xffff  }
0x5eb: {  	v41 =	vadd.s32 $0x6D60, v8  }
0x5ec: {  	[tilespmem:$0x13310] =	vst v11  }
0x5ed: {  	v11 =	vld.idx.msk [tilespmem:v38+s12+$0x0], $0xffff;
	[tilespmem:$0x13710] =	vst v13  }
0x5ee: {  	v42 =	vadd.s32 $0xFA0, v7;
	[tilespmem:$0x13B10] =	vst v15;
	v13 =	vld.idx.msk [tilespmem:v39+s12+$0x0], $0xffff  }
0x5ef: {  	v43 =	vadd.s32 $0x2EE0, v7;
	[tilespmem:$0x13F10] =	vst v17;
	v15 =	vld.idx.msk [tilespmem:v40+s12+$0x0], $0xffff  }
0x5f0: {  	v44 =	vadd.s32 $0x4E20, v7;
	v17 =	vld.idx.msk [tilespmem:v41+s12+$0x0], $0xffff  }
0x5f1: {  	v45 =	vadd.s32 $0x6D60, v7  }
0x5f2: {  	[tilespmem:$0x13320] =	vst v11  }
0x5f3: {  	v11 =	vld.idx.msk [tilespmem:v42+s12+$0x0], $0xffff;
	[tilespmem:$0x13720] =	vst v13  }
0x5f4: {  	v46 =	vadd.s32 $0xFA0, v6;
	[tilespmem:$0x13B20] =	vst v15;
	v13 =	vld.idx.msk [tilespmem:v43+s12+$0x0], $0xffff  }
0x5f5: {  	v47 =	vadd.s32 $0x2EE0, v6;
	[tilespmem:$0x13F20] =	vst v17;
	v15 =	vld.idx.msk [tilespmem:v44+s12+$0x0], $0xffff  }
0x5f6: {  	v48 =	vadd.s32 $0x4E20, v6;
	v17 =	vld.idx.msk [tilespmem:v45+s12+$0x0], $0xffff  }
0x5f7: {  	v49 =	vadd.s32 $0x6D60, v6  }
0x5f8: {  	[tilespmem:$0x13330] =	vst v11  }
0x5f9: {  	v11 =	vld.idx.msk [tilespmem:v46+s12+$0x0], $0xffff;
	[tilespmem:$0x13730] =	vst v13  }
0x5fa: {  	v50 =	vadd.s32 $0xFA0, v5;
	[tilespmem:$0x13B30] =	vst v15;
	v13 =	vld.idx.msk [tilespmem:v47+s12+$0x0], $0xffff  }
0x5fb: {  	v51 =	vadd.s32 $0x2EE0, v5;
	[tilespmem:$0x13F30] =	vst v17;
	v15 =	vld.idx.msk [tilespmem:v48+s12+$0x0], $0xffff  }
0x5fc: {  	v52 =	vadd.s32 $0x4E20, v5;
	v17 =	vld.idx.msk [tilespmem:v49+s12+$0x0], $0xffff  }
0x5fd: {  	v53 =	vadd.s32 $0x6D60, v5  }
0x5fe: {  	[tilespmem:$0x13340] =	vst v11  }
0x5ff: {  	v11 =	vld.idx.msk [tilespmem:v50+s12+$0x0], $0xffff;
	[tilespmem:$0x13740] =	vst v13  }
0x600: {  	v54 =	vadd.s32 $0xFA0, v4;
	[tilespmem:$0x13B40] =	vst v15;
	v13 =	vld.idx.msk [tilespmem:v51+s12+$0x0], $0xffff  }
0x601: {  	v55 =	vadd.s32 $0x2EE0, v4;
	[tilespmem:$0x13F40] =	vst v17;
	v15 =	vld.idx.msk [tilespmem:v52+s12+$0x0], $0xffff  }
0x602: {  	v56 =	vadd.s32 $0x4E20, v4;
	v17 =	vld.idx.msk [tilespmem:v53+s12+$0x0], $0xffff  }
0x603: {  	v57 =	vadd.s32 $0x6D60, v4  }
0x604: {  	[tilespmem:$0x13350] =	vst v11  }
0x605: {  	v11 =	vld.idx.msk [tilespmem:v54+s12+$0x0], $0xffff;
	[tilespmem:$0x13750] =	vst v13  }
0x606: {  	v58 =	vadd.s32 $0xFA0, v3;
	[tilespmem:$0x13B50] =	vst v15;
	v13 =	vld.idx.msk [tilespmem:v55+s12+$0x0], $0xffff  }
0x607: {  	v59 =	vadd.s32 $0x2EE0, v3;
	[tilespmem:$0x13F50] =	vst v17;
	v15 =	vld.idx.msk [tilespmem:v56+s12+$0x0], $0xffff  }
0x608: {  	v60 =	vadd.s32 $0x4E20, v3;
	v17 =	vld.idx.msk [tilespmem:v57+s12+$0x0], $0xffff  }
0x609: {  	v61 =	vadd.s32 $0x6D60, v3  }
0x60a: {  	[tilespmem:$0x13360] =	vst v11  }
0x60b: {  	v11 =	vld.idx.msk [tilespmem:v58+s12+$0x0], $0xffff;
	[tilespmem:$0x13760] =	vst v13  }
0x60c: {  	v62 =	vadd.s32 $0x1388, v10;
	[tilespmem:$0x13B60] =	vst v15;
	v13 =	vld.idx.msk [tilespmem:v59+s12+$0x0], $0xffff  }
0x60d: {  	v63 =	vadd.s32 $0x32C8, v10;
	[tilespmem:$0x13F60] =	vst v17;
	v15 =	vld.idx.msk [tilespmem:v60+s12+$0x0], $0xffff  }
0x60e: {  	v21 =	vadd.s32 $0x5208, v10;
	v17 =	vld.idx.msk [tilespmem:v61+s12+$0x0], $0xffff  }
0x60f: {  	v22 =	vadd.s32 $0x7148, v10  }
0x610: {  	[tilespmem:$0x13370] =	vst v11  }
0x611: {  	v11 =	vld.idx.msk [tilespmem:v62+s12+$0x0], $0xffff;
	[tilespmem:$0x13770] =	vst v13  }
0x612: {  	v23 =	vadd.s32 $0x1388, v9;
	[tilespmem:$0x13B70] =	vst v15;
	v13 =	vld.idx.msk [tilespmem:v63+s12+$0x0], $0xffff  }
0x613: {  	v24 =	vadd.s32 $0x32C8, v9;
	[tilespmem:$0x13F70] =	vst v17;
	v15 =	vld.idx.msk [tilespmem:v21+s12+$0x0], $0xffff  }
0x614: {  	v25 =	vadd.s32 $0x5208, v9;
	v17 =	vld.idx.msk [tilespmem:v22+s12+$0x0], $0xffff  }
0x615: {  	v26 =	vadd.s32 $0x7148, v9  }
0x616: {  	[tilespmem:$0x13380] =	vst v11  }
0x617: {  	v11 =	vld.idx.msk [tilespmem:v23+s12+$0x0], $0xffff;
	[tilespmem:$0x13780] =	vst v13  }
0x618: {  	v27 =	vadd.s32 $0x1388, v8;
	[tilespmem:$0x13B80] =	vst v15;
	v13 =	vld.idx.msk [tilespmem:v24+s12+$0x0], $0xffff  }
0x619: {  	v28 =	vadd.s32 $0x32C8, v8;
	[tilespmem:$0x13F80] =	vst v17;
	v15 =	vld.idx.msk [tilespmem:v25+s12+$0x0], $0xffff  }
0x61a: {  	v29 =	vadd.s32 $0x5208, v8;
	v17 =	vld.idx.msk [tilespmem:v26+s12+$0x0], $0xffff  }
0x61b: {  	v30 =	vadd.s32 $0x7148, v8  }
0x61c: {  	[tilespmem:$0x13390] =	vst v11  }
0x61d: {  	v11 =	vld.idx.msk [tilespmem:v27+s12+$0x0], $0xffff;
	[tilespmem:$0x13790] =	vst v13  }
0x61e: {  	v31 =	vadd.s32 $0x1388, v7;
	[tilespmem:$0x13B90] =	vst v15;
	v13 =	vld.idx.msk [tilespmem:v28+s12+$0x0], $0xffff  }
0x61f: {  	v32 =	vadd.s32 $0x32C8, v7;
	[tilespmem:$0x13F90] =	vst v17;
	v15 =	vld.idx.msk [tilespmem:v29+s12+$0x0], $0xffff  }
0x620: {  	v33 =	vadd.s32 $0x5208, v7;
	v17 =	vld.idx.msk [tilespmem:v30+s12+$0x0], $0xffff  }
0x621: {  	v34 =	vadd.s32 $0x7148, v7  }
0x622: {  	[tilespmem:$0x133A0] =	vst v11  }
0x623: {  	v11 =	vld.idx.msk [tilespmem:v31+s12+$0x0], $0xffff;
	[tilespmem:$0x137A0] =	vst v13  }
0x624: {  	v35 =	vadd.s32 $0x1388, v6;
	[tilespmem:$0x13BA0] =	vst v15;
	v13 =	vld.idx.msk [tilespmem:v32+s12+$0x0], $0xffff  }
0x625: {  	v36 =	vadd.s32 $0x32C8, v6;
	[tilespmem:$0x13FA0] =	vst v17;
	v15 =	vld.idx.msk [tilespmem:v33+s12+$0x0], $0xffff  }
0x626: {  	v37 =	vadd.s32 $0x5208, v6;
	v17 =	vld.idx.msk [tilespmem:v34+s12+$0x0], $0xffff  }
0x627: {  	v38 =	vadd.s32 $0x7148, v6  }
0x628: {  	[tilespmem:$0x133B0] =	vst v11  }
0x629: {  	v11 =	vld.idx.msk [tilespmem:v35+s12+$0x0], $0xffff;
	[tilespmem:$0x137B0] =	vst v13  }
0x62a: {  	v39 =	vadd.s32 $0x1388, v5;
	[tilespmem:$0x13BB0] =	vst v15;
	v13 =	vld.idx.msk [tilespmem:v36+s12+$0x0], $0xffff  }
0x62b: {  	v40 =	vadd.s32 $0x32C8, v5;
	[tilespmem:$0x13FB0] =	vst v17;
	v15 =	vld.idx.msk [tilespmem:v37+s12+$0x0], $0xffff  }
0x62c: {  	v41 =	vadd.s32 $0x5208, v5;
	v17 =	vld.idx.msk [tilespmem:v38+s12+$0x0], $0xffff  }
0x62d: {  	v42 =	vadd.s32 $0x7148, v5  }
0x62e: {  	[tilespmem:$0x133C0] =	vst v11  }
0x62f: {  	v11 =	vld.idx.msk [tilespmem:v39+s12+$0x0], $0xffff;
	[tilespmem:$0x137C0] =	vst v13  }
0x630: {  	v43 =	vadd.s32 $0x1388, v4;
	[tilespmem:$0x13BC0] =	vst v15;
	v13 =	vld.idx.msk [tilespmem:v40+s12+$0x0], $0xffff  }
0x631: {  	v44 =	vadd.s32 $0x32C8, v4;
	[tilespmem:$0x13FC0] =	vst v17;
	v15 =	vld.idx.msk [tilespmem:v41+s12+$0x0], $0xffff  }
0x632: {  	v45 =	vadd.s32 $0x5208, v4;
	v17 =	vld.idx.msk [tilespmem:v42+s12+$0x0], $0xffff  }
0x633: {  	v46 =	vadd.s32 $0x7148, v4  }
0x634: {  	[tilespmem:$0x133D0] =	vst v11  }
0x635: {  	v11 =	vld.idx.msk [tilespmem:v43+s12+$0x0], $0xffff;
	[tilespmem:$0x137D0] =	vst v13  }
0x636: {  	v47 =	vadd.s32 $0x1388, v3;
	[tilespmem:$0x13BD0] =	vst v15;
	v13 =	vld.idx.msk [tilespmem:v44+s12+$0x0], $0xffff  }
0x637: {  	v48 =	vadd.s32 $0x32C8, v3;
	[tilespmem:$0x13FD0] =	vst v17;
	v15 =	vld.idx.msk [tilespmem:v45+s12+$0x0], $0xffff  }
0x638: {  	v49 =	vadd.s32 $0x5208, v3;
	v17 =	vld.idx.msk [tilespmem:v46+s12+$0x0], $0xffff  }
0x639: {  	v50 =	vadd.s32 $0x7148, v3  }
0x63a: {  	[tilespmem:$0x133E0] =	vst v11  }
0x63b: {  	v11 =	vld.idx.msk [tilespmem:v47+s12+$0x0], $0xffff;
	[tilespmem:$0x137E0] =	vst v13  }
0x63c: {  	v51 =	vadd.s32 $0x1770, v10;
	[tilespmem:$0x13BE0] =	vst v15;
	v13 =	vld.idx.msk [tilespmem:v48+s12+$0x0], $0xffff  }
0x63d: {  	v52 =	vadd.s32 $0x36B0, v10;
	[tilespmem:$0x13FE0] =	vst v17;
	v15 =	vld.idx.msk [tilespmem:v49+s12+$0x0], $0xffff  }
0x63e: {  	v53 =	vadd.s32 $0x55F0, v10;
	v17 =	vld.idx.msk [tilespmem:v50+s12+$0x0], $0xffff  }
0x63f: {  	v54 =	vadd.s32 $0x7530, v10  }
0x640: {  	[tilespmem:$0x133F0] =	vst v11  }
0x641: {  	v11 =	vld.idx.msk [tilespmem:v51+s12+$0x0], $0xffff;
	[tilespmem:$0x137F0] =	vst v13  }
0x642: {  	v55 =	vadd.s32 $0x1770, v9;
	[tilespmem:$0x13BF0] =	vst v15;
	v13 =	vld.idx.msk [tilespmem:v52+s12+$0x0], $0xffff  }
0x643: {  	v56 =	vadd.s32 $0x36B0, v9;
	[tilespmem:$0x13FF0] =	vst v17;
	v15 =	vld.idx.msk [tilespmem:v53+s12+$0x0], $0xffff  }
0x644: {  	v57 =	vadd.s32 $0x55F0, v9;
	v17 =	vld.idx.msk [tilespmem:v54+s12+$0x0], $0xffff  }
0x645: {  	v58 =	vadd.s32 $0x7530, v9  }
0x646: {  	[tilespmem:$0x13400] =	vst v11  }
0x647: {  	v11 =	vld.idx.msk [tilespmem:v55+s12+$0x0], $0xffff;
	[tilespmem:$0x13800] =	vst v13  }
0x648: {  	v59 =	vadd.s32 $0x1770, v8;
	[tilespmem:$0x13C00] =	vst v15;
	v13 =	vld.idx.msk [tilespmem:v56+s12+$0x0], $0xffff  }
0x649: {  	v60 =	vadd.s32 $0x36B0, v8;
	[tilespmem:$0x14000] =	vst v17;
	v15 =	vld.idx.msk [tilespmem:v57+s12+$0x0], $0xffff  }
0x64a: {  	v61 =	vadd.s32 $0x55F0, v8;
	v17 =	vld.idx.msk [tilespmem:v58+s12+$0x0], $0xffff  }
0x64b: {  	v62 =	vadd.s32 $0x7530, v8  }
0x64c: {  	[tilespmem:$0x13410] =	vst v11  }
0x64d: {  	v11 =	vld.idx.msk [tilespmem:v59+s12+$0x0], $0xffff;
	[tilespmem:$0x13810] =	vst v13  }
0x64e: {  	v63 =	vadd.s32 $0x1770, v7;
	[tilespmem:$0x13C10] =	vst v15;
	v13 =	vld.idx.msk [tilespmem:v60+s12+$0x0], $0xffff  }
0x64f: {  	v21 =	vadd.s32 $0x36B0, v7;
	[tilespmem:$0x14010] =	vst v17;
	v15 =	vld.idx.msk [tilespmem:v61+s12+$0x0], $0xffff  }
0x650: {  	v22 =	vadd.s32 $0x55F0, v7;
	v17 =	vld.idx.msk [tilespmem:v62+s12+$0x0], $0xffff  }
0x651: {  	v23 =	vadd.s32 $0x7530, v7  }
0x652: {  	[tilespmem:$0x13420] =	vst v11  }
0x653: {  	v11 =	vld.idx.msk [tilespmem:v63+s12+$0x0], $0xffff;
	[tilespmem:$0x13820] =	vst v13  }
0x654: {  	v24 =	vadd.s32 $0x1770, v6;
	[tilespmem:$0x13C20] =	vst v15;
	v13 =	vld.idx.msk [tilespmem:v21+s12+$0x0], $0xffff  }
0x655: {  	v25 =	vadd.s32 $0x36B0, v6;
	[tilespmem:$0x14020] =	vst v17;
	v15 =	vld.idx.msk [tilespmem:v22+s12+$0x0], $0xffff  }
0x656: {  	v26 =	vadd.s32 $0x55F0, v6;
	v17 =	vld.idx.msk [tilespmem:v23+s12+$0x0], $0xffff  }
0x657: {  	v27 =	vadd.s32 $0x7530, v6  }
0x658: {  	[tilespmem:$0x13430] =	vst v11  }
0x659: {  	v11 =	vld.idx.msk [tilespmem:v24+s12+$0x0], $0xffff;
	[tilespmem:$0x13830] =	vst v13  }
0x65a: {  	v28 =	vadd.s32 $0x1770, v5;
	[tilespmem:$0x13C30] =	vst v15;
	v13 =	vld.idx.msk [tilespmem:v25+s12+$0x0], $0xffff  }
0x65b: {  	v29 =	vadd.s32 $0x36B0, v5;
	[tilespmem:$0x14030] =	vst v17;
	v15 =	vld.idx.msk [tilespmem:v26+s12+$0x0], $0xffff  }
0x65c: {  	v30 =	vadd.s32 $0x55F0, v5;
	v17 =	vld.idx.msk [tilespmem:v27+s12+$0x0], $0xffff  }
0x65d: {  	v31 =	vadd.s32 $0x7530, v5  }
0x65e: {  	[tilespmem:$0x13440] =	vst v11  }
0x65f: {  	v11 =	vld.idx.msk [tilespmem:v28+s12+$0x0], $0xffff;
	[tilespmem:$0x13840] =	vst v13  }
0x660: {  	v32 =	vadd.s32 $0x1770, v4;
	[tilespmem:$0x13C40] =	vst v15;
	v13 =	vld.idx.msk [tilespmem:v29+s12+$0x0], $0xffff  }
0x661: {  	v33 =	vadd.s32 $0x36B0, v4;
	[tilespmem:$0x14040] =	vst v17;
	v15 =	vld.idx.msk [tilespmem:v30+s12+$0x0], $0xffff  }
0x662: {  	v34 =	vadd.s32 $0x55F0, v4;
	v17 =	vld.idx.msk [tilespmem:v31+s12+$0x0], $0xffff  }
0x663: {  	v35 =	vadd.s32 $0x7530, v4  }
0x664: {  	[tilespmem:$0x13450] =	vst v11  }
0x665: {  	v11 =	vld.idx.msk [tilespmem:v32+s12+$0x0], $0xffff;
	[tilespmem:$0x13850] =	vst v13  }
0x666: {  	v36 =	vadd.s32 $0x1770, v3;
	[tilespmem:$0x13C50] =	vst v15;
	v13 =	vld.idx.msk [tilespmem:v33+s12+$0x0], $0xffff  }
0x667: {  	v37 =	vadd.s32 $0x36B0, v3;
	[tilespmem:$0x14050] =	vst v17;
	v15 =	vld.idx.msk [tilespmem:v34+s12+$0x0], $0xffff  }
0x668: {  	v38 =	vadd.s32 $0x55F0, v3;
	v17 =	vld.idx.msk [tilespmem:v35+s12+$0x0], $0xffff  }
0x669: {  	v39 =	vadd.s32 $0x7530, v3  }
0x66a: {  	[tilespmem:$0x13460] =	vst v11  }
0x66b: {  	v11 =	vld.idx.msk [tilespmem:v36+s12+$0x0], $0xffff;
	[tilespmem:$0x13860] =	vst v13  }
0x66c: {  	v40 =	vadd.s32 $0x1B58, v10;
	[tilespmem:$0x13C60] =	vst v15;
	v13 =	vld.idx.msk [tilespmem:v37+s12+$0x0], $0xffff  }
0x66d: {  	v41 =	vadd.s32 $0x3A98, v10;
	[tilespmem:$0x14060] =	vst v17;
	v15 =	vld.idx.msk [tilespmem:v38+s12+$0x0], $0xffff  }
0x66e: {  	v42 =	vadd.s32 $0x59D8, v10;
	v17 =	vld.idx.msk [tilespmem:v39+s12+$0x0], $0xffff  }
0x66f: {  	v10 =	vadd.s32 $0x7918, v10  }
0x670: {  	[tilespmem:$0x13470] =	vst v11  }
0x671: {  	v11 =	vld.idx.msk [tilespmem:v40+s12+$0x0], $0xffff;
	[tilespmem:$0x13870] =	vst v13  }
0x672: {  	v43 =	vadd.s32 $0x1B58, v9;
	[tilespmem:$0x13C70] =	vst v15;
	v13 =	vld.idx.msk [tilespmem:v41+s12+$0x0], $0xffff  }
0x673: {  	v44 =	vadd.s32 $0x3A98, v9;
	[tilespmem:$0x14070] =	vst v17;
	v15 =	vld.idx.msk [tilespmem:v42+s12+$0x0], $0xffff  }
0x674: {  	v45 =	vadd.s32 $0x59D8, v9;
	v10 =	vld.idx.msk [tilespmem:v10+s12+$0x0], $0xffff  }
0x675: {  	v9 =	vadd.s32 $0x7918, v9  }
0x676: {  	[tilespmem:$0x13480] =	vst v11  }
0x677: {  	v11 =	vld.idx.msk [tilespmem:v43+s12+$0x0], $0xffff;
	[tilespmem:$0x13880] =	vst v13  }
0x678: {  	v46 =	vadd.s32 $0x1B58, v8;
	[tilespmem:$0x13C80] =	vst v15;
	v13 =	vld.idx.msk [tilespmem:v44+s12+$0x0], $0xffff  }
0x679: {  	v47 =	vadd.s32 $0x3A98, v8;
	[tilespmem:$0x14080] =	vst v10;
	v15 =	vld.idx.msk [tilespmem:v45+s12+$0x0], $0xffff  }
0x67a: {  	v48 =	vadd.s32 $0x59D8, v8;
	v9 =	vld.idx.msk [tilespmem:v9+s12+$0x0], $0xffff  }
0x67b: {  	v8 =	vadd.s32 $0x7918, v8  }
0x67c: {  	[tilespmem:$0x13490] =	vst v11  }
0x67d: {  	v11 =	vld.idx.msk [tilespmem:v46+s12+$0x0], $0xffff;
	[tilespmem:$0x13890] =	vst v13  }
0x67e: {  	v49 =	vadd.s32 $0x1B58, v7;
	[tilespmem:$0x13C90] =	vst v15;
	v13 =	vld.idx.msk [tilespmem:v47+s12+$0x0], $0xffff  }
0x67f: {  	v50 =	vadd.s32 $0x3A98, v7;
	[tilespmem:$0x14090] =	vst v9;
	v10 =	vld.idx.msk [tilespmem:v48+s12+$0x0], $0xffff  }
0x680: {  	v51 =	vadd.s32 $0x59D8, v7;
	v8 =	vld.idx.msk [tilespmem:v8+s12+$0x0], $0xffff  }
0x681: {  	v7 =	vadd.s32 $0x7918, v7  }
0x682: {  	[tilespmem:$0x134A0] =	vst v11  }
0x683: {  	v11 =	vld.idx.msk [tilespmem:v49+s12+$0x0], $0xffff;
	[tilespmem:$0x138A0] =	vst v13  }
0x684: {  	v52 =	vadd.s32 $0x1B58, v6;
	[tilespmem:$0x13CA0] =	vst v10;
	v13 =	vld.idx.msk [tilespmem:v50+s12+$0x0], $0xffff  }
0x685: {  	v53 =	vadd.s32 $0x3A98, v6;
	[tilespmem:$0x140A0] =	vst v8;
	v9 =	vld.idx.msk [tilespmem:v51+s12+$0x0], $0xffff  }
0x686: {  	v54 =	vadd.s32 $0x59D8, v6;
	v7 =	vld.idx.msk [tilespmem:v7+s12+$0x0], $0xffff  }
0x687: {  	v6 =	vadd.s32 $0x7918, v6  }
0x688: {  	[tilespmem:$0x134B0] =	vst v11  }
0x689: {  	v11 =	vld.idx.msk [tilespmem:v52+s12+$0x0], $0xffff;
	[tilespmem:$0x138B0] =	vst v13  }
0x68a: {  	v55 =	vadd.s32 $0x1B58, v5;
	[tilespmem:$0x13CB0] =	vst v9;
	v10 =	vld.idx.msk [tilespmem:v53+s12+$0x0], $0xffff  }
0x68b: {  	v56 =	vadd.s32 $0x3A98, v5;
	[tilespmem:$0x140B0] =	vst v7;
	v8 =	vld.idx.msk [tilespmem:v54+s12+$0x0], $0xffff  }
0x68c: {  	v57 =	vadd.s32 $0x59D8, v5;
	v6 =	vld.idx.msk [tilespmem:v6+s12+$0x0], $0xffff  }
0x68d: {  	v5 =	vadd.s32 $0x7918, v5  }
0x68e: {  	[tilespmem:$0x134C0] =	vst v11  }
0x68f: {  	v11 =	vld.idx.msk [tilespmem:v55+s12+$0x0], $0xffff;
	[tilespmem:$0x138C0] =	vst v10  }
0x690: {  	v58 =	vadd.s32 $0x1B58, v4;
	[tilespmem:$0x13CC0] =	vst v8;
	v9 =	vld.idx.msk [tilespmem:v56+s12+$0x0], $0xffff  }
0x691: {  	v59 =	vadd.s32 $0x3A98, v4;
	[tilespmem:$0x140C0] =	vst v6;
	v7 =	vld.idx.msk [tilespmem:v57+s12+$0x0], $0xffff  }
0x692: {  	v60 =	vadd.s32 $0x59D8, v4;
	v5 =	vld.idx.msk [tilespmem:v5+s12+$0x0], $0xffff  }
0x693: {  	v4 =	vadd.s32 $0x7918, v4  }
0x694: {  	[tilespmem:$0x134D0] =	vst v11  }
0x695: {  	v10 =	vld.idx.msk [tilespmem:v58+s12+$0x0], $0xffff;
	[tilespmem:$0x138D0] =	vst v9  }
0x696: {  	v61 =	vadd.s32 $0x1B58, v3;
	[tilespmem:$0x13CD0] =	vst v7;
	v8 =	vld.idx.msk [tilespmem:v59+s12+$0x0], $0xffff  }
0x697: {  	v62 =	vadd.s32 $0x3A98, v3;
	[tilespmem:$0x140D0] =	vst v5;
	v6 =	vld.idx.msk [tilespmem:v60+s12+$0x0], $0xffff  }
0x698: {  	v63 =	vadd.s32 $0x59D8, v3;
	v4 =	vld.idx.msk [tilespmem:v4+s12+$0x0], $0xffff  }
0x699: {  	v3 =	vadd.s32 $0x7918, v3  }
0x69a: {  	[tilespmem:$0x134E0] =	vst v10  }
0x69b: {  	v9 =	vld.idx.msk [tilespmem:v61+s12+$0x0], $0xffff;
	[tilespmem:$0x138E0] =	vst v8  }
0x69c: {  	[tilespmem:$0x13CE0] =	vst v6;
	v7 =	vld.idx.msk [tilespmem:v62+s12+$0x0], $0xffff  }
0x69d: {  	[tilespmem:$0x140E0] =	vst v4;
	v5 =	vld.idx.msk [tilespmem:v63+s12+$0x0], $0xffff  }
0x69e: {  	v3 =	vld.idx.msk [tilespmem:v3+s12+$0x0], $0xffff  }
0x69f: {  	p0 =	sne.s32 s24, $0xFFFFFF00  }
.Ltmp0:
0x6a0: {  	[tilespmem:$0x134F0] =	vst v9;
	(pc) =	sbr.rel @p0 .LBB2_2-.Ltmp0, $4  }
0x6a1: {  	[tilespmem:$0x138F0] =	vst v7  }
0x6a2: {  	[tilespmem:$0x13CF0] =	vst v5  }
0x6a3: {  	s24 =	sadd.s32 $0x100, s24;
	s26 =	sadd.s32 $0x5080, s26;
	s25 =	sadd.s32 $0x100, s25;
	[tilespmem:$0x140F0] =	vst v3  }
0x6a4: {  	[hbm4b:s26+s16] =	stream.strided.scatter [tilespmem:s19], [sflag:$0x2], $0x1000, s17, s16, $0x38;
	[tilespmem:$0x14110] =	vst v63  }
0x6a5: {  	_ =	sdelay $0x2  }
0x6a6: {  	s24 =	simm.s32 $0x0  }
0x6a7: {  	v3 =	vld.idx.msk [tilespmem:v2+s24+$0x0 ss:$0x1], $0xffff;
	_ =	sdelay $0x7  }
0x6a8: {  	v5 =	vimm.f32 $0.0e+00;
	s26 =	simm.s32 $0x10;
	s25 =	simm.s32 $0x80;
	v6 =	vld.idx.msk [tilespmem:v3+s15+$0x0], $0xffff  }
.LBB2_4:
0x6a9: {  	p0 =	sne.s32 s25, $0x9C0;
	v3 =	vld.idx.msk [tilespmem:v2+s26+$0x0 ss:$0x1], $0xffff;
	_ =	sdelay $0x3  }
.Ltmp1:
0x6aa: {  	(pc) =	sbr.rel @p0 .LBB2_4-.Ltmp1, $2  }
0x6ab: {  	v5 =	vadd.f32 v6, v5;
	_ =	sdelay $0x2  }
0x6ac: {  	s26 =	sshra.s32 s25, $0x2;
	s25 =	sadd.s32 $0x40, s25;
	v6 =	vld.idx.msk [tilespmem:v3+s15+$0x0], $0xffff  }
0x6ad: {  	_ =	sdelay $0x1  }
0x6ae: {  	v9 =	vld [tilespmem:s24+$0x5000];
	_ =	sdelay $0x1  }
0x6af: {  	v7 =	vld.idx.msk [tilespmem:v2+s26+$0x0 ss:$0x1], $0xffff;
	_ =	sdelay $0x1  }
0x6b0: {  	v8 =	vld [tilespmem:s24+$0x0];
	s30 =	simm.s32 $0x10  }
0x6b1: {  	v3 =	vld [tilespmem:s30+$0x5000];
	v4 =	vsub.s32 v9, v0  }
0x6b2: {  	vm0 =	vgt.s32 v4, $0x0  }
0x6b3: {  	v4 =	vnsel vm0, $0x0, v4  }
0x6b4: {  	v4 =	vmin.u32 v4, $0x1F  }
0x6b5: {  	v11 =	vld [tilespmem:s30+$0x0];
	v10 =	vmul.u32 $0x3E8, v4  }
0x6b6: {  	s25 =	simm.s32 $0x20;
	v12 =	vand.u32 $0xFFFFFFF8, v8;
	v13 =	vsub.s32 v3, v0;
	v7 =	vld.idx.msk [tilespmem:v7+s15+$0x0], $0xffff  }
0x6b7: {  	v8 =	vand.u32 $0x7, v8;
	vm0 =	vgt.s32 v13, $0x0;
	v4 =	vld [tilespmem:s25+$0x5000];
	v10 =	vadd.s32 v12, v10  }
0x6b8: {  	v8 =	vor.u32 v8, v10;
	v10 =	vnsel vm0, $0x0, v13  }
0x6b9: {  	v10 =	vmin.u32 v10, $0x1F  }
0x6ba: {  	v5 =	vadd.f32 v6, v5;
	v10 =	vmul.u32 $0x3E8, v10  }
0x6bb: {  	s31 =	simm.s32 $0x30;
	v6 =	vand.u32 $0xFFFFFFF8, v11;
	v11 =	vand.u32 $0x7, v11;
	v13 =	vld [tilespmem:s25+$0x0]  }
0x6bc: {  	v12 =	vsub.s32 v4, v0;
	v10 =	vadd.s32 v6, v10;
	v6 =	vadd.f32 v7, v5;
	v5 =	vld [tilespmem:s31+$0x5000]  }
0x6bd: {  	vm0 =	vgt.s32 v12, $0x0;
	v7 =	vld.idx.msk [tilespmem:v8+s12+$0x0], $0xffff;
	v8 =	vor.u32 v11, v10  }
0x6be: {  	v12 =	vnsel vm0, $0x0, v12  }
0x6bf: {  	v10 =	vmin.u32 v12, $0x1F  }
0x6c0: {  	vm1 =	vlt.s32 v9, v1;
	vm0 =	vge.s32 v9, v0;
	v10 =	vmul.u32 $0x3E8, v10  }
0x6c1: {  	s24 =	simm.s32 $0x100;
	v9 =	vld [tilespmem:s31+$0x0];
	v12 =	vand.u32 $0xFFFFFFF8, v13;
	v11 =	vand.u32 $0x7, v13;
	vm0 =	vmand vm0, vm1  }
.LBB2_6:
0x6c2: {  	s25 =	sshra.s32 s24, $0x2;
	p0 =	sne.s32 s24, $0x13FC0;
	s24 =	sadd.s32 $0x40, s24;
	v13 =	vsub.s32 v5, v0;
	v10 =	vadd.s32 v12, v10;
	v12 =	vnsel vm0, $0x0, v7;
	v7 =	vld.idx.msk [tilespmem:v8+s12+$0x0], $0xffff;
	v14 =	vmovc v5  }
.Ltmp2:
0x6c3: {  	v5 =	vld [tilespmem:s25+$0x5000];
	vm0 =	vgt.s32 v13, $0x0;
	v8 =	vor.u32 v11, v10;
	v6 =	vsub.f32 v6, v12;
	(pc) =	sbr.rel @p0 .LBB2_6-.Ltmp2, $4  }
0x6c4: {  	v10 =	vnsel vm0, $0x0, v13  }
0x6c5: {  	v10 =	vmin.u32 v10, $0x1F  }
0x6c6: {  	vm1 =	vlt.s32 v3, v1;
	vm0 =	vge.s32 v3, v0;
	v3 =	vmovc v4;
	v4 =	vmovc v14;
	v10 =	vmul.u32 $0x3E8, v10  }
0x6c7: {  	vm0 =	vmand vm0, vm1;
	v12 =	vand.u32 $0xFFFFFFF8, v9;
	v11 =	vand.u32 $0x7, v9;
	v9 =	vld [tilespmem:s25+$0x0]  }
0x6c8: {  	v13 =	vsub.s32 v5, v0  }
0x6c9: {  	vm1 =	vgt.s32 v13, $0x0  }
0x6ca: {  	v13 =	vnsel vm1, $0x0, v13  }
0x6cb: {  	v13 =	vmin.u32 v13, $0x1F  }
0x6cc: {  	v10 =	vadd.s32 v12, v10;
	v57 =	vmul.u32 $0x3E8, v13  }
0x6cd: {  	v10 =	vor.u32 v11, v10;
	v58 =	vand.u32 $0xFFFFFFF8, v9  }
0x6ce: {  	v59 =	vand.u32 $0x7, v9;
	v11 =	vadd.s32 v58, v57  }
0x6cf: {  	v9 =	vor.u32 v59, v11  }
0x6d0: {  	v8 =	vld.idx.msk [tilespmem:v8+s12+$0x0], $0xffff;
	_ =	sdelay $0x1  }
0x6d1: {  	v10 =	vld.idx.msk [tilespmem:v10+s12+$0x0], $0xffff  }
0x6d2: {  	v7 =	vnsel vm0, $0x0, v7;
	vm10 =	vge.s32 v3, v0;
	vm11 =	vlt.s32 v3, v1  }
0x6d3: {  	v3 =	vsub.f32 v6, v7;
	vm0 =	vmand vm10, vm11;
	v60 =	vld.idx.msk [tilespmem:v9+s12+$0x0], $0xffff  }
0x6d4: {  	vm12 =	vge.s32 v4, v0;
	vm13 =	vlt.s32 v4, v1;
	v61 =	vnsel vm0, $0x0, v8  }
0x6d5: {  	vm0 =	vmand vm12, vm13;
	v3 =	vsub.f32 v3, v61  }
0x6d6: {  	vm14 =	vge.s32 v5, v0;
	vm15 =	vlt.s32 v5, v1;
	v62 =	vnsel vm0, $0x0, v10  }
0x6d7: {  	vm0 =	vmand vm14, vm15;
	v3 =	vsub.f32 v3, v62;
	_ =	swait.ge [sflag:s20], $0x1000  }
0x6d8: {  	[sflag:s20] =	ssyncset.done $0x0;
	v63 =	vnsel vm0, $0x0, v60  }
0x6d9: {  	[sflag:s20] =	ssyncadd.s32 $0xFFFFF000;
	v3 =	vsub.f32 v3, v63  }
0x6da: {  	_ =	swait.ge [sflag:s21], $0x1000  }
0x6db: {  	s23 =	sadd.s32 $0x1, s23;
	[sflag:s21] =	ssyncset.done $0x0;
	v3 =	vmul.f32 $4.882812570e-05, v3  }
0x6dc: {  	p0 =	sne.s32 s23, s10;
	[sflag:s21] =	ssyncadd.s32 $0xFFFFF000  }
.Ltmp3:
0x6dd: {  	[tilespmem:$0x14100] =	vst v3;
	(pc) =	sbr.rel @p0 .LBB2_1-.Ltmp3, $4  }
0x6de: {  	[hbm4b:s9+s2] =	stream.linear.scatter [tilespmem:s22], [sflag:$0x3], $0x10, $0x38;
	[tilespmem:$0x14110] =	vst v63  }
0x6df: {  	_ =	swait.ge [sflag:s13], $0x10  }
0x6e0: {  	[sflag:s13] =	ssyncset.done $0x0  }
0x6e1: {  	[sflag:s13] =	ssyncadd.s32 $0xFFFFFFF0  }
0x6e2: {  	_ =	sfence.sel $0x180000  }
0x6e3: {  	[bflag:$0x0] =	sbarrier.arrive $0xFFFF  }
0x6e4: {  	p0 =	sne.s32 s0, $0x0;
	_ =	strace $0x90000047  }
0x6e5: {  	s0 =	sadd.s32 @!p0 $0x100000, s1;
	[bflag:$0x2] =	sbarrier.arrive $0xFFFF  }
0x6e6: {  	[sflag:s0] =	ssyncadd.tile.s32 @!p0 $0x1;
	_ =	shalt  }
.Lfunc_end2:
_tile_overlayer_lowered:
.L_overlay_start_2:
0x6e7: {  	(tag) =	ssettag $0x2  }
0x6e8: {  	s0 =	rddreg [dreg:$0x0];
	s2 =	stileid.u32  }
0x6e9: {  	s1 =	rddreg [dreg:$0x1];
	p0 =	sne.s32 s2, $0x0  }
0x6ea: {  	s3 =	rddreg [dreg:$0x2];
	[bflag:$0x3] =	sbarrier.arrive $0xFFFF;
	s2 =	simm.s32 @!p0 $0x1C03  }
0x6eb: {  	[timem:s3], [sflag:s2] =	dma.local @!p0 [hbm:s0], s1  }
0x6ec: {  	s0 =	simm.s32 @!p0 $0x3  }
0x6ed: {  	_ =	swait.ge @!p0 [sflag:s0], s1  }
0x6ee: {  	s1 =	ssub.s32 @!p0 $0x0, s1;
	[sflag:s0] =	ssyncset.done @!p0 $0x0  }
0x6ef: {  	[sflag:s0] =	ssyncadd.s32 @!p0 s1  }
0x6f0: {  	[bflag:$0x3] =	sbarrier.arrive $0xFFFF  }
0x6f1: {  	_ =	shalt  }

</sc_bundles>
